<compile_context>
chip_gen: v7x
topology: tpu7x:2x2x1
jax: 0.10.2.dev20260603
libtpu: 0.0.44.dev20260713+nightly
codegen_flags: <defaults>
</compile_context>

<pallas_src>
import functools

import jax
import jax.numpy as jnp
from jax import lax
from jax.experimental import pallas as pl
from jax.experimental.pallas import tpu as pltpu
from jax.experimental.pallas import tpu_sc as plsc

T = 2048
DIM = 768
E = 8
HIDDEN = 512
TILE = 256
STILE = 256
NT = (T * 2 + E * STILE) // STILE
PTOT = NT * STILE
NC, NS = 2, 16
NW = NC * NS
CT = T // NW
NEG = -float("inf")
HALF = DIM // 2
HIMASK = -65536


def _pack16(a, b):
    ai = lax.bitcast_convert_type(a.astype(jnp.bfloat16).astype(jnp.float32),
                                  jnp.int32)
    bi = lax.bitcast_convert_type(b.astype(jnp.bfloat16).astype(jnp.float32),
                                  jnp.int32)
    return lax.shift_right_logical(ai, 16) | (bi & HIMASK)


def _unpack16(pk):
    lo = lax.bitcast_convert_type(lax.shift_left(pk, 16), jnp.float32)
    hi = lax.bitcast_convert_type(pk & HIMASK, jnp.float32)
    return lo.astype(jnp.bfloat16), hi.astype(jnp.bfloat16)



def _gate_body(x_ref, emb_ref, bias_ref, wsg_ref, wsd_ref, wsu_ref,
               e0_ref, e1_ref, r0_ref, r1_ref,
               w0_ref, w1_ref, mt_ref, moff_ref, xpk_ref, sh_ref,
               hist_ref, tri_ref):
    j = pl.program_id(0)

    @pl.when(j == 0)
    def _():
        hist_ref[...] = jnp.zeros_like(hist_ref)
        r = lax.broadcasted_iota(jnp.int32, (TILE, TILE), 0)
        c = lax.broadcasted_iota(jnp.int32, (TILE, TILE), 1)
        tri_ref[...] = (c <= r).astype(jnp.float32)

    xb = x_ref[...]
    xpk_ref[...] = _pack16(xb[:, :HALF], xb[:, HALF:])
    sh_ref[...] = _swiglu(xb.astype(jnp.bfloat16), wsg_ref[...], wsd_ref[...],
                          wsu_ref[...])
    logits = lax.dot_general(xb, emb_ref[...], (((1,), (1,)), ((), ())),
                             preferred_element_type=jnp.float32)
    s = jax.nn.sigmoid(logits)
    b = s + bias_ref[...]
    lane = lax.broadcasted_iota(jnp.int32, (TILE, E), 1)
    key0 = (lax.bitcast_convert_type(b, jnp.int32) & -8) | (7 - lane)
    k0 = jnp.max(key0, axis=-1, keepdims=True)
    oh0i = key0 == k0
    oh0 = oh0i.astype(jnp.float32)
    i0 = 7 - (k0 & 7)
    key1 = jnp.where(oh0i, 0, key0)
    k1 = jnp.max(key1, axis=-1, keepdims=True)
    oh1 = (key1 == k1).astype(jnp.float32)
    i1 = 7 - (k1 & 7)
    w0 = lax.bitcast_convert_type(k0 & -8, jnp.float32)
    w1 = lax.bitcast_convert_type(k1 & -8, jnp.float32)
    nrm = w0 + w1
    w0_ref[...] = w0 / nrm
    w1_ref[...] = w1 / nrm
    e0_ref[...] = i0
    e1_ref[...] = i1

    ohb = oh0 + oh1
    cincl = lax.dot_general(tri_ref[...], ohb, (((1,), (0,)), ((), ())),
                            preferred_element_type=jnp.float32)
    cg = cincl + hist_ref[...]
    r0_ref[...] = (jnp.sum(cg * oh0, axis=-1, keepdims=True) - 1).astype(jnp.int32)
    r1_ref[...] = (jnp.sum(cg * oh1, axis=-1, keepdims=True) - 1).astype(jnp.int32)
    hist_ref[...] = hist_ref[...] + jnp.sum(ohb, axis=0, keepdims=True)

    @pl.when(j == pl.num_programs(0) - 1)
    def _():
        cnt = hist_ref[...]
        pc = jnp.ceil(cnt / STILE) * STILE
        eu = lax.broadcasted_iota(jnp.int32, (E, 2 * E), 0)
        ev = lax.broadcasted_iota(jnp.int32, (E, 2 * E), 1)
        upper = (eu < ev).astype(jnp.float32)
        off16 = lax.dot_general(pc, upper, (((1,), (0,)), ((), ())),
                                preferred_element_type=jnp.float32)
        off = off16[:, :E]
        moff_ref[...] = off16.astype(jnp.int32)
        ntv = jnp.sum(pc, axis=-1, keepdims=True) / STILE
        nt_i = ntv.astype(jnp.int32)
        endt = ((off + pc) / STILE).astype(jnp.int32)
        jv = lax.broadcasted_iota(jnp.int32, (NT, E), 0)
        jc = jnp.minimum(jv, nt_i - 1)
        wexp = jnp.sum((jnp.broadcast_to(endt, (NT, E)) <= jc).astype(jnp.int32),
                       axis=-1, keepdims=True)
        lane32 = lax.broadcasted_iota(jnp.int32, (NT, E), 1)
        mt = jnp.where(lane32 == 0, jc,
                       jnp.where(lane32 == 1, jnp.broadcast_to(wexp, (NT, E)),
                                 jnp.broadcast_to(nt_i, (NT, E))))
        mt_ref[...] = mt


def _gate(x, emb, bias, wsg, wsd, wsu):
    n = T // TILE
    out_shapes = (
        jax.ShapeDtypeStruct((T, 1), jnp.int32),
        jax.ShapeDtypeStruct((T, 1), jnp.int32),
        jax.ShapeDtypeStruct((T, 1), jnp.int32),
        jax.ShapeDtypeStruct((T, 1), jnp.int32),
        jax.ShapeDtypeStruct((T, 1), jnp.float32),
        jax.ShapeDtypeStruct((T, 1), jnp.float32),
        jax.ShapeDtypeStruct((NT, E), jnp.int32),
        jax.ShapeDtypeStruct((1, 2 * E), jnp.int32),
        jax.ShapeDtypeStruct((T, HALF), jnp.int32),
        jax.ShapeDtypeStruct((T, DIM), jnp.float32),
    )
    col = pl.BlockSpec((TILE, 1), lambda j: (j, 0))
    return pl.pallas_call(
        _gate_body,
        grid=(n,),
        in_specs=[
            pl.BlockSpec((TILE, DIM), lambda j: (j, 0)),
            pl.BlockSpec((E, DIM), lambda j: (0, 0)),
            pl.BlockSpec((1, E), lambda j: (0, 0)),
            pl.BlockSpec((HIDDEN, DIM), lambda j: (0, 0)),
            pl.BlockSpec((HIDDEN, DIM), lambda j: (0, 0)),
            pl.BlockSpec((DIM, HIDDEN), lambda j: (0, 0)),
        ],
        out_specs=(col, col, col, col, col, col,
                   pl.BlockSpec((NT, E), lambda j: (0, 0)),
                   pl.BlockSpec((1, 2 * E), lambda j: (0, 0)),
                   pl.BlockSpec((TILE, HALF), lambda j: (j, 0)),
                   pl.BlockSpec((TILE, DIM), lambda j: (j, 0))),
        out_shape=out_shapes,
        scratch_shapes=[pltpu.VMEM((1, E), jnp.float32),
                        pltpu.VMEM((TILE, TILE), jnp.float32)],
    )(x, emb, bias, wsg, wsd, wsu)



def _dispatch_body(e0_hbm, e1_hbm, r0_hbm, r1_hbm, off_hbm, x_hbm,
                   xs_hbm, p0_hbm, p1_hbm,
                   ev0, ev1, rv0, rv1, offv, pv0, pv1, xv, sem0, sem1):
    wid = lax.axis_index("s") * NC + lax.axis_index("c")
    base = wid * CT
    cx = pltpu.async_copy(x_hbm.at[pl.ds(base, CT)], xv, sem0)
    pltpu.sync_copy(e0_hbm.at[pl.ds(base, CT)], ev0)
    pltpu.sync_copy(e1_hbm.at[pl.ds(base, CT)], ev1)
    pltpu.sync_copy(r0_hbm.at[pl.ds(base, CT)], rv0)
    pltpu.sync_copy(r1_hbm.at[pl.ds(base, CT)], rv1)
    pltpu.sync_copy(off_hbm, offv)
    for g in range(CT // 16):
        sl = pl.ds(g * 16, 16)
        pv0[sl] = plsc.load_gather(offv, [ev0[sl]]) + rv0[sl]
        pv1[sl] = plsc.load_gather(offv, [ev1[sl]]) + rv1[sl]
    pltpu.sync_copy(pv0, p0_hbm.at[pl.ds(base, CT)])
    pltpu.sync_copy(pv1, p1_hbm.at[pl.ds(base, CT)])
    cx.wait()
    cp0 = pltpu.async_copy(xv, xs_hbm.at[pv0], sem0)
    cp1 = pltpu.async_copy(xv, xs_hbm.at[pv1], sem1)
    cp0.wait()
    cp1.wait()


def _dispatch(e0, e1, r0, r1, offp, x):
    mesh = plsc.VectorSubcoreMesh(core_axis_name="c", subcore_axis_name="s",
                                  num_cores=NC, num_subcores=NS)
    fn = pl.kernel(
        _dispatch_body,
        out_type=(
            jax.ShapeDtypeStruct((PTOT, HALF), jnp.int32),
            jax.ShapeDtypeStruct((T,), jnp.int32),
            jax.ShapeDtypeStruct((T,), jnp.int32),
        ),
        mesh=mesh,
        compiler_params=pltpu.CompilerParams(needs_layout_passes=False),
        scratch_types=[
            pltpu.VMEM((CT,), jnp.int32),
            pltpu.VMEM((CT,), jnp.int32),
            pltpu.VMEM((CT,), jnp.int32),
            pltpu.VMEM((CT,), jnp.int32),
            pltpu.VMEM((16,), jnp.int32),
            pltpu.VMEM((CT,), jnp.int32),
            pltpu.VMEM((CT,), jnp.int32),
            pltpu.VMEM((CT, HALF), jnp.int32),
            pltpu.SemaphoreType.DMA,
            pltpu.SemaphoreType.DMA,
        ],
    )
    return fn(e0, e1, r0, r1, offp, x)



def _swiglu(xb, wg, wd, wu):
    dims = (((1,), (1,)), ((), ()))
    g = lax.dot_general(xb, wg.astype(jnp.bfloat16), dims,
                        preferred_element_type=jnp.float32)
    d = lax.dot_general(xb, wd.astype(jnp.bfloat16), dims,
                        preferred_element_type=jnp.float32)
    h = (g * jax.nn.sigmoid(g) * d).astype(jnp.bfloat16)
    return lax.dot_general(h, wu.astype(jnp.bfloat16), dims,
                           preferred_element_type=jnp.float32)


def _swiglu_packed(pk, wg, wd, wu):
    lo, hi = _unpack16(pk)
    return _swiglu(jnp.concatenate([lo, hi], axis=1), wg, wd, wu)



def _experts_body(xsb_ref, we_ref, ntv_ref, xs_ref, wg_ref, wd_ref, wu_ref,
                  ys_ref):
    j = pl.program_id(0)

    @pl.when(j < ntv_ref[0])
    def _():
        y = _swiglu_packed(xs_ref[...], wg_ref[0], wd_ref[0], wu_ref[0])
        ys_ref[...] = _pack16(y[:, :HALF], y[:, HALF:])


def _experts(xs_blk, wexp, ntv, xs, Wg, Wd, Wu):
    grid_spec = pltpu.PrefetchScalarGridSpec(
        num_scalar_prefetch=3,
        grid=(NT,),
        in_specs=[
            pl.BlockSpec((STILE, HALF), lambda j, xsb, we, ntv: (xsb[j], 0)),
            pl.BlockSpec((1, HIDDEN, DIM), lambda j, xsb, we, ntv: (we[j], 0, 0)),
            pl.BlockSpec((1, HIDDEN, DIM), lambda j, xsb, we, ntv: (we[j], 0, 0)),
            pl.BlockSpec((1, DIM, HIDDEN), lambda j, xsb, we, ntv: (we[j], 0, 0)),
        ],
        out_specs=pl.BlockSpec((STILE, HALF), lambda j, xsb, we, ntv: (j, 0)),
    )
    return pl.pallas_call(
        _experts_body,
        grid_spec=grid_spec,
        out_shape=jax.ShapeDtypeStruct((PTOT, HALF), jnp.int32),
    )(xs_blk, wexp, ntv, xs, Wg, Wd, Wu)



SUB = 32


def _combine_body(ys_hbm, p0_hbm, p1_hbm, w0_hbm, w1_hbm, sh_hbm, out_hbm,
                  iv00, iv01, iv10, iv11, wv0, wv1,
                  acc_a, acc_b, b0_a, b0_b, b1_a, b1_b,
                  sg0a, sg0b, sg1a, sg1b, ssa, ssb):
    wid = lax.axis_index("s") * NC + lax.axis_index("c")
    base = wid * CT
    ivs0 = (iv00, iv01)
    ivs1 = (iv10, iv11)
    accs = (acc_a, acc_b)
    bs0 = (b0_a, b0_b)
    bs1 = (b1_a, b1_b)
    sg0 = (sg0a, sg0b)
    sg1 = (sg1a, sg1b)
    ssh = (ssa, ssb)

    pltpu.sync_copy(p0_hbm.at[pl.ds(base, SUB)], iv00)
    pltpu.sync_copy(p0_hbm.at[pl.ds(base + SUB, SUB)], iv01)
    pltpu.sync_copy(p1_hbm.at[pl.ds(base, SUB)], iv10)
    pltpu.sync_copy(p1_hbm.at[pl.ds(base + SUB, SUB)], iv11)
    pltpu.sync_copy(w0_hbm.at[pl.ds(base, CT)], wv0)
    pltpu.sync_copy(w1_hbm.at[pl.ds(base, CT)], wv1)
    cps = []
    for sub in range(CT // SUB):
        cps.append((
            pltpu.async_copy(ys_hbm.at[ivs0[sub]], bs0[sub], sg0[sub]),
            pltpu.async_copy(ys_hbm.at[ivs1[sub]], bs1[sub], sg1[sub]),
            pltpu.async_copy(sh_hbm.at[pl.ds(base + sub * SUB, SUB)],
                             accs[sub], ssh[sub]),
        ))

    for sub in range(CT // SUB):
        acc, b0, b1 = accs[sub], bs0[sub], bs1[sub]
        for cp in cps[sub]:
            cp.wait()

        @plsc.parallel_loop(0, SUB, 1, unroll=4)
        def _loop(r, acc=acc, b0=b0, b1=b1, sub=sub):
            widx = jnp.full((16,), r + sub * SUB, jnp.int32)
            wb0 = plsc.load_gather(wv0, [widx])
            wb1 = plsc.load_gather(wv1, [widx])
            for cc in range(HALF // 16):
                sl = pl.ds(cc * 16, 16)
                sh = pl.ds(cc * 16 + HALF, 16)
                pk0 = b0[r, sl]
                pk1 = b1[r, sl]
                lo0 = plsc.bitcast(lax.shift_left(pk0, 16), jnp.float32)
                lo1 = plsc.bitcast(lax.shift_left(pk1, 16), jnp.float32)
                hi0 = plsc.bitcast(pk0 & HIMASK, jnp.float32)
                hi1 = plsc.bitcast(pk1 & HIMASK, jnp.float32)
                acc[r, sl] = acc[r, sl] + wb0 * lo0 + wb1 * lo1
                acc[r, sh] = acc[r, sh] + wb0 * hi0 + wb1 * hi1
        pltpu.sync_copy(acc, out_hbm.at[pl.ds(base + sub * SUB, SUB)])


def _combine(ys, p0, p1, w0, w1, shared):
    mesh = plsc.VectorSubcoreMesh(core_axis_name="c", subcore_axis_name="s",
                                  num_cores=NC, num_subcores=NS)
    fn = pl.kernel(
        _combine_body,
        out_type=jax.ShapeDtypeStruct((T, DIM), jnp.float32),
        mesh=mesh,
        compiler_params=pltpu.CompilerParams(needs_layout_passes=False),
        scratch_types=[
            pltpu.VMEM((SUB,), jnp.int32),
            pltpu.VMEM((SUB,), jnp.int32),
            pltpu.VMEM((SUB,), jnp.int32),
            pltpu.VMEM((SUB,), jnp.int32),
            pltpu.VMEM((CT,), jnp.float32),
            pltpu.VMEM((CT,), jnp.float32),
            pltpu.VMEM((SUB, DIM), jnp.float32),
            pltpu.VMEM((SUB, DIM), jnp.float32),
            pltpu.VMEM((SUB, HALF), jnp.int32),
            pltpu.VMEM((SUB, HALF), jnp.int32),
            pltpu.VMEM((SUB, HALF), jnp.int32),
            pltpu.VMEM((SUB, HALF), jnp.int32),
            pltpu.SemaphoreType.DMA,
            pltpu.SemaphoreType.DMA,
            pltpu.SemaphoreType.DMA,
            pltpu.SemaphoreType.DMA,
            pltpu.SemaphoreType.DMA,
            pltpu.SemaphoreType.DMA,
        ],
    )
    return fn(ys, p0, p1, w0, w1, shared)



def kernel(x, expert_embeddings, gate_bias, Wg, Wd, Wu, Wsg, Wsd, Wsu):
    e0, e1, r0, r1, w0, w1, mt, moff, xpk, shared = _gate(
        x, expert_embeddings, gate_bias.reshape(1, E), Wsg, Wsd, Wsu)
    xs_blk = mt[:NT, 0]
    wexp = mt[:NT, 1]
    ntv = mt[:1, 2]
    offp = moff[0]
    xs, p0, p1 = _dispatch(e0.reshape(T), e1.reshape(T), r0.reshape(T),
                           r1.reshape(T), offp, xpk)
    ys = _experts(xs_blk, wexp, ntv, xs, Wg, Wd, Wu)
    return _combine(ys, p0, p1, w0.reshape(T), w1.reshape(T), shared)

# --- scband reference (transcript-rebuilt; emitter-appended) ---
"""Pipeline reference for scband-mo-e-60421599920825 (READ-ONLY COPY).

The authoritative reference and input builder live on the scoring server;
editing this copy changes nothing except your own understanding.
"""

import jax, jax.numpy as jnp
import numpy as np

T = 2048      # B*S tokens (batch=1, seq=2048)
DIM = 768     # d_model
E = 8         # n_routed_experts
TOPK = 2      # activate_experts
# hidden_dim per module math: int((2*4*768/3) * 1/(2+1)) = 682; 682 - 682 % 256 = 512
HIDDEN = 512
SCALE = 1.0   # routed_scaling_factor


def setup_inputs(seed: int = 0) -> dict:
    key = jax.random.key(seed)
    ks = jax.random.split(key, 9)
    x = jax.random.normal(ks[0], (T, DIM), dtype=jnp.float32)
    expert_embeddings = jax.random.normal(ks[1], (E, DIM), dtype=jnp.float32) * 0.02
    gate_bias = jnp.zeros((E,), dtype=jnp.float32)  # routing bias buffer (zero-init)
    # routed experts (SwiGLU): gate_proj/down_proj: dim->hidden (weight [H,D]); up_proj: hidden->dim (weight [D,H])
    Wg = jax.random.normal(ks[2], (E, HIDDEN, DIM), dtype=jnp.float32) * 0.02
    Wd = jax.random.normal(ks[3], (E, HIDDEN, DIM), dtype=jnp.float32) * 0.02
    Wu = jax.random.normal(ks[4], (E, DIM, HIDDEN), dtype=jnp.float32) * 0.02
    # single shared expert
    Wsg = jax.random.normal(ks[5], (HIDDEN, DIM), dtype=jnp.float32) * 0.02
    Wsd = jax.random.normal(ks[6], (HIDDEN, DIM), dtype=jnp.float32) * 0.02
    Wsu = jax.random.normal(ks[7], (DIM, HIDDEN), dtype=jnp.float32) * 0.02
    return {"x": x, "expert_embeddings": expert_embeddings, "gate_bias": gate_bias,
            "Wg": Wg, "Wd": Wd, "Wu": Wu, "Wsg": Wsg, "Wsd": Wsd, "Wsu": Wsu}


def reference(x, expert_embeddings, gate_bias, Wg, Wd, Wu, Wsg, Wsd, Wsu):
    # ---- Gate ----
    logits = x.astype(jnp.float32) @ expert_embeddings.astype(jnp.float32).T  # [T, E]
    scores = jax.nn.sigmoid(logits)
    biased_scores = scores + gate_bias[None, :]
    _, indices = jax.lax.top_k(biased_scores, TOPK)            # [T, K] int32
    weights = jnp.take_along_axis(scores, indices, axis=-1)    # gather unbiased scores
    weights = weights / weights.sum(axis=-1, keepdims=True)
    weights = weights * SCALE
    # ---- Routed experts (dense dispatch reference; equivalent math) ----
    out = jnp.zeros((T, DIM), dtype=jnp.float32)
    for e in range(E):
        w_e = jnp.where(indices == e, weights, 0.0).sum(axis=-1)  # [T]
        h = jax.nn.silu(x @ Wg[e].T) * (x @ Wd[e].T)               # [T, H]
        y = h @ Wu[e].T                                            # [T, D]
        out = out + w_e[:, None] * y
    # ---- Shared expert ----
    hs = jax.nn.silu(x @ Wsg.T) * (x @ Wsd.T)
    shared = hs @ Wsu.T
    return out + shared

if __name__ == "__main__":
    import jax
    _d = setup_inputs()
    print(jax.jit(kernel)(*tuple(_d.values())))

</pallas_src>

<mosaic_0001>
#map = affine_map<(d0, d1) -> (0, 0)>
#map1 = affine_map<(d0, d1) -> (0)>
module attributes {stable_mosaic.version = 14 : i64} {
  func.func @_combine_body(%arg0: i32, %arg1: i32, %arg2: memref<6144x384xi32, #tpu.memory_space<hbm>>, %arg3: memref<2048xi32, #tpu.memory_space<hbm>>, %arg4: memref<2048xi32, #tpu.memory_space<hbm>>, %arg5: memref<2048xf32, #tpu.memory_space<hbm>>, %arg6: memref<2048xf32, #tpu.memory_space<hbm>>, %arg7: memref<2048x768xf32, #tpu.memory_space<hbm>>, %arg8: memref<2048x768xf32, #tpu.memory_space<hbm>>, %arg9: memref<32xi32, #tpu.memory_space<vmem>>, %arg10: memref<32xi32, #tpu.memory_space<vmem>>, %arg11: memref<32xi32, #tpu.memory_space<vmem>>, %arg12: memref<32xi32, #tpu.memory_space<vmem>>, %arg13: memref<64xf32, #tpu.memory_space<vmem>>, %arg14: memref<64xf32, #tpu.memory_space<vmem>>, %arg15: memref<32x768xf32, #tpu.memory_space<vmem>>, %arg16: memref<32x768xf32, #tpu.memory_space<vmem>>, %arg17: memref<32x384xi32, #tpu.memory_space<vmem>>, %arg18: memref<32x384xi32, #tpu.memory_space<vmem>>, %arg19: memref<32x384xi32, #tpu.memory_space<vmem>>, %arg20: memref<32x384xi32, #tpu.memory_space<vmem>>, %arg21: memref<!tpu.dma_semaphore, #tpu.memory_space<semaphore_mem>>, %arg22: memref<!tpu.dma_semaphore, #tpu.memory_space<semaphore_mem>>, %arg23: memref<!tpu.dma_semaphore, #tpu.memory_space<semaphore_mem>>, %arg24: memref<!tpu.dma_semaphore, #tpu.memory_space<semaphore_mem>>, %arg25: memref<!tpu.dma_semaphore, #tpu.memory_space<semaphore_mem>>, %arg26: memref<!tpu.dma_semaphore, #tpu.memory_space<semaphore_mem>>) attributes {dimension_semantics = [#tpu.dimension_semantics<core_parallel>, #tpu.dimension_semantics<subcore_parallel>], iteration_bounds = array<i64: 2, 16>, scalar_prefetch = 0 : i64, scratch_operands = 18 : i64, tpu.core_type = #tpu.core_type<sc_vector_subcore>, window_params = [{transform_indices = #map}, {transform_indices = #map1}, {transform_indices = #map1}, {transform_indices = #map1}, {transform_indices = #map1}, {transform_indices = #map}, {transform_indices = #map}]} {
    %mul3A = arith.constant 2 : i32
    %mul3A_0 = arith.muli %arg1, %mul3A : i32
    %add3A = arith.addi %mul3A_0, %arg0 : i32
    %mul3A_1 = arith.constant 64 : i32
    %mul3A_2 = arith.muli %add3A, %mul3A_1 : i32
    "tpu.region"() ({
      %run_scoped3A = tpu.sem_alloc : memref<!tpu.dma_semaphore, #tpu.memory_space<semaphore_mem>>
      %dma_start3A_58 = tpu.memref_slice %arg3[%mul3A_2] : memref<2048xi32, #tpu.memory_space<hbm>> -> memref<32xi32, #tpu.memory_space<hbm>>
      %dma_start3A_59 = tpu.memref_slice %arg3[%mul3A_2] : memref<2048xi32, #tpu.memory_space<hbm>> -> memref<32xi32, #tpu.memory_space<hbm>>
      tpu.enqueue_dma source(%dma_start3A_59 : memref<32xi32, #tpu.memory_space<hbm>>) target(%arg9 : memref<32xi32, #tpu.memory_space<vmem>>) target_semaphore(%run_scoped3A : memref<!tpu.dma_semaphore, #tpu.memory_space<semaphore_mem>>)
      %dma_wait3A_60 = tpu.memref_slice %arg3[%mul3A_2] : memref<2048xi32, #tpu.memory_space<hbm>> -> memref<32xi32, #tpu.memory_space<hbm>>
      %dma_wait3A_61 = tpu.memref_slice %arg3[%mul3A_2] : memref<2048xi32, #tpu.memory_space<hbm>> -> memref<32xi32, #tpu.memory_space<hbm>>
      tpu.wait_dma2 semaphore(%run_scoped3A : memref<!tpu.dma_semaphore, #tpu.memory_space<semaphore_mem>>) src(%dma_wait3A_61 : memref<32xi32, #tpu.memory_space<hbm>>) dst(%arg9 : memref<32xi32, #tpu.memory_space<vmem>>)
      tpu.yield
    }) : () -> ()
    %add3A_3 = arith.constant 32 : i32
    %add3A_4 = arith.addi %mul3A_2, %add3A_3 : i32
    "tpu.region"() ({
      %run_scoped3A = tpu.sem_alloc : memref<!tpu.dma_semaphore, #tpu.memory_space<semaphore_mem>>
      %dma_start3A_58 = tpu.memref_slice %arg3[%add3A_4] : memref<2048xi32, #tpu.memory_space<hbm>> -> memref<32xi32, #tpu.memory_space<hbm>>
      %dma_start3A_59 = tpu.memref_slice %arg3[%add3A_4] : memref<2048xi32, #tpu.memory_space<hbm>> -> memref<32xi32, #tpu.memory_space<hbm>>
      tpu.enqueue_dma source(%dma_start3A_59 : memref<32xi32, #tpu.memory_space<hbm>>) target(%arg10 : memref<32xi32, #tpu.memory_space<vmem>>) target_semaphore(%run_scoped3A : memref<!tpu.dma_semaphore, #tpu.memory_space<semaphore_mem>>)
      %dma_wait3A_60 = tpu.memref_slice %arg3[%add3A_4] : memref<2048xi32, #tpu.memory_space<hbm>> -> memref<32xi32, #tpu.memory_space<hbm>>
      %dma_wait3A_61 = tpu.memref_slice %arg3[%add3A_4] : memref<2048xi32, #tpu.memory_space<hbm>> -> memref<32xi32, #tpu.memory_space<hbm>>
      tpu.wait_dma2 semaphore(%run_scoped3A : memref<!tpu.dma_semaphore, #tpu.memory_space<semaphore_mem>>) src(%dma_wait3A_61 : memref<32xi32, #tpu.memory_space<hbm>>) dst(%arg10 : memref<32xi32, #tpu.memory_space<vmem>>)
      tpu.yield
    }) : () -> ()
    "tpu.region"() ({
      %run_scoped3A = tpu.sem_alloc : memref<!tpu.dma_semaphore, #tpu.memory_space<semaphore_mem>>
      %dma_start3A_58 = tpu.memref_slice %arg4[%mul3A_2] : memref<2048xi32, #tpu.memory_space<hbm>> -> memref<32xi32, #tpu.memory_space<hbm>>
      %dma_start3A_59 = tpu.memref_slice %arg4[%mul3A_2] : memref<2048xi32, #tpu.memory_space<hbm>> -> memref<32xi32, #tpu.memory_space<hbm>>
      tpu.enqueue_dma source(%dma_start3A_59 : memref<32xi32, #tpu.memory_space<hbm>>) target(%arg11 : memref<32xi32, #tpu.memory_space<vmem>>) target_semaphore(%run_scoped3A : memref<!tpu.dma_semaphore, #tpu.memory_space<semaphore_mem>>)
      %dma_wait3A_60 = tpu.memref_slice %arg4[%mul3A_2] : memref<2048xi32, #tpu.memory_space<hbm>> -> memref<32xi32, #tpu.memory_space<hbm>>
      %dma_wait3A_61 = tpu.memref_slice %arg4[%mul3A_2] : memref<2048xi32, #tpu.memory_space<hbm>> -> memref<32xi32, #tpu.memory_space<hbm>>
      tpu.wait_dma2 semaphore(%run_scoped3A : memref<!tpu.dma_semaphore, #tpu.memory_space<semaphore_mem>>) src(%dma_wait3A_61 : memref<32xi32, #tpu.memory_space<hbm>>) dst(%arg11 : memref<32xi32, #tpu.memory_space<vmem>>)
      tpu.yield
    }) : () -> ()
    %add3A_5 = arith.constant 32 : i32
    %add3A_6 = arith.addi %mul3A_2, %add3A_5 : i32
    "tpu.region"() ({
      %run_scoped3A = tpu.sem_alloc : memref<!tpu.dma_semaphore, #tpu.memory_space<semaphore_mem>>
      %dma_start3A_58 = tpu.memref_slice %arg4[%add3A_6] : memref<2048xi32, #tpu.memory_space<hbm>> -> memref<32xi32, #tpu.memory_space<hbm>>
      %dma_start3A_59 = tpu.memref_slice %arg4[%add3A_6] : memref<2048xi32, #tpu.memory_space<hbm>> -> memref<32xi32, #tpu.memory_space<hbm>>
      tpu.enqueue_dma source(%dma_start3A_59 : memref<32xi32, #tpu.memory_space<hbm>>) target(%arg12 : memref<32xi32, #tpu.memory_space<vmem>>) target_semaphore(%run_scoped3A : memref<!tpu.dma_semaphore, #tpu.memory_space<semaphore_mem>>)
      %dma_wait3A_60 = tpu.memref_slice %arg4[%add3A_6] : memref<2048xi32, #tpu.memory_space<hbm>> -> memref<32xi32, #tpu.memory_space<hbm>>
      %dma_wait3A_61 = tpu.memref_slice %arg4[%add3A_6] : memref<2048xi32, #tpu.memory_space<hbm>> -> memref<32xi32, #tpu.memory_space<hbm>>
      tpu.wait_dma2 semaphore(%run_scoped3A : memref<!tpu.dma_semaphore, #tpu.memory_space<semaphore_mem>>) src(%dma_wait3A_61 : memref<32xi32, #tpu.memory_space<hbm>>) dst(%arg12 : memref<32xi32, #tpu.memory_space<vmem>>)
      tpu.yield
    }) : () -> ()
    "tpu.region"() ({
      %run_scoped3A = tpu.sem_alloc : memref<!tpu.dma_semaphore, #tpu.memory_space<semaphore_mem>>
      %dma_start3A_58 = tpu.memref_slice %arg5[%mul3A_2] : memref<2048xf32, #tpu.memory_space<hbm>> -> memref<64xf32, #tpu.memory_space<hbm>>
      %dma_start3A_59 = tpu.memref_slice %arg5[%mul3A_2] : memref<2048xf32, #tpu.memory_space<hbm>> -> memref<64xf32, #tpu.memory_space<hbm>>
      tpu.enqueue_dma source(%dma_start3A_59 : memref<64xf32, #tpu.memory_space<hbm>>) target(%arg13 : memref<64xf32, #tpu.memory_space<vmem>>) target_semaphore(%run_scoped3A : memref<!tpu.dma_semaphore, #tpu.memory_space<semaphore_mem>>)
      %dma_wait3A_60 = tpu.memref_slice %arg5[%mul3A_2] : memref<2048xf32, #tpu.memory_space<hbm>> -> memref<64xf32, #tpu.memory_space<hbm>>
      %dma_wait3A_61 = tpu.memref_slice %arg5[%mul3A_2] : memref<2048xf32, #tpu.memory_space<hbm>> -> memref<64xf32, #tpu.memory_space<hbm>>
      tpu.wait_dma2 semaphore(%run_scoped3A : memref<!tpu.dma_semaphore, #tpu.memory_space<semaphore_mem>>) src(%dma_wait3A_61 : memref<64xf32, #tpu.memory_space<hbm>>) dst(%arg13 : memref<64xf32, #tpu.memory_space<vmem>>)
      tpu.yield
    }) : () -> ()
    "tpu.region"() ({
      %run_scoped3A = tpu.sem_alloc : memref<!tpu.dma_semaphore, #tpu.memory_space<semaphore_mem>>
      %dma_start3A_58 = tpu.memref_slice %arg6[%mul3A_2] : memref<2048xf32, #tpu.memory_space<hbm>> -> memref<64xf32, #tpu.memory_space<hbm>>
      %dma_start3A_59 = tpu.memref_slice %arg6[%mul3A_2] : memref<2048xf32, #tpu.memory_space<hbm>> -> memref<64xf32, #tpu.memory_space<hbm>>
      tpu.enqueue_dma source(%dma_start3A_59 : memref<64xf32, #tpu.memory_space<hbm>>) target(%arg14 : memref<64xf32, #tpu.memory_space<vmem>>) target_semaphore(%run_scoped3A : memref<!tpu.dma_semaphore, #tpu.memory_space<semaphore_mem>>)
      %dma_wait3A_60 = tpu.memref_slice %arg6[%mul3A_2] : memref<2048xf32, #tpu.memory_space<hbm>> -> memref<64xf32, #tpu.memory_space<hbm>>
      %dma_wait3A_61 = tpu.memref_slice %arg6[%mul3A_2] : memref<2048xf32, #tpu.memory_space<hbm>> -> memref<64xf32, #tpu.memory_space<hbm>>
      tpu.wait_dma2 semaphore(%run_scoped3A : memref<!tpu.dma_semaphore, #tpu.memory_space<semaphore_mem>>) src(%dma_wait3A_61 : memref<64xf32, #tpu.memory_space<hbm>>) dst(%arg14 : memref<64xf32, #tpu.memory_space<vmem>>)
      tpu.yield
    }) : () -> ()
    %dma_start3A = arith.constant 0 : i32
    %dma_start3A_7 = arith.constant 0 : i32
    %dma_start3A_8 = tpu.memref_slice %arg2[%dma_start3A, %dma_start3A_7] : memref<6144x384xi32, #tpu.memory_space<hbm>> -> memref<6144x384xi32, #tpu.memory_space<hbm>>
    tpu.enqueue_indirect_dma source(%dma_start3A_8 : memref<6144x384xi32, #tpu.memory_space<hbm>>) target(%arg17 : memref<32x384xi32, #tpu.memory_space<vmem>>) offsets(%arg9 : memref<32xi32, #tpu.memory_space<vmem>>) semaphore(%arg21 : memref<!tpu.dma_semaphore, #tpu.memory_space<semaphore_mem>>)
    %dma_start3A_9 = arith.constant 0 : i32
    %dma_start3A_10 = arith.constant 0 : i32
    %dma_start3A_11 = tpu.memref_slice %arg2[%dma_start3A_9, %dma_start3A_10] : memref<6144x384xi32, #tpu.memory_space<hbm>> -> memref<6144x384xi32, #tpu.memory_space<hbm>>
    tpu.enqueue_indirect_dma source(%dma_start3A_11 : memref<6144x384xi32, #tpu.memory_space<hbm>>) target(%arg19 : memref<32x384xi32, #tpu.memory_space<vmem>>) offsets(%arg11 : memref<32xi32, #tpu.memory_space<vmem>>) semaphore(%arg23 : memref<!tpu.dma_semaphore, #tpu.memory_space<semaphore_mem>>)
    %add3A_12 = arith.constant 0 : i32
    %add3A_13 = arith.addi %mul3A_2, %add3A_12 : i32
    %dma_start3A_14 = arith.constant 0 : i32
    %dma_start3A_15 = tpu.memref_slice %arg7[%add3A_13, %dma_start3A_14] : memref<2048x768xf32, #tpu.memory_space<hbm>> -> memref<32x768xf32, #tpu.memory_space<hbm>>
    %dma_start3A_16 = arith.constant 0 : i32
    %dma_start3A_17 = tpu.memref_slice %arg7[%add3A_13, %dma_start3A_16] : memref<2048x768xf32, #tpu.memory_space<hbm>> -> memref<32x768xf32, #tpu.memory_space<hbm>>
    tpu.enqueue_dma source(%dma_start3A_17 : memref<32x768xf32, #tpu.memory_space<hbm>>) target(%arg15 : memref<32x768xf32, #tpu.memory_space<vmem>>) target_semaphore(%arg25 : memref<!tpu.dma_semaphore, #tpu.memory_space<semaphore_mem>>)
    %dma_start3A_18 = arith.constant 0 : i32
    %dma_start3A_19 = arith.constant 0 : i32
    %dma_start3A_20 = tpu.memref_slice %arg2[%dma_start3A_18, %dma_start3A_19] : memref<6144x384xi32, #tpu.memory_space<hbm>> -> memref<6144x384xi32, #tpu.memory_space<hbm>>
    tpu.enqueue_indirect_dma source(%dma_start3A_20 : memref<6144x384xi32, #tpu.memory_space<hbm>>) target(%arg18 : memref<32x384xi32, #tpu.memory_space<vmem>>) offsets(%arg10 : memref<32xi32, #tpu.memory_space<vmem>>) semaphore(%arg22 : memref<!tpu.dma_semaphore, #tpu.memory_space<semaphore_mem>>)
    %dma_start3A_21 = arith.constant 0 : i32
    %dma_start3A_22 = arith.constant 0 : i32
    %dma_start3A_23 = tpu.memref_slice %arg2[%dma_start3A_21, %dma_start3A_22] : memref<6144x384xi32, #tpu.memory_space<hbm>> -> memref<6144x384xi32, #tpu.memory_space<hbm>>
    tpu.enqueue_indirect_dma source(%dma_start3A_23 : memref<6144x384xi32, #tpu.memory_space<hbm>>) target(%arg20 : memref<32x384xi32, #tpu.memory_space<vmem>>) offsets(%arg12 : memref<32xi32, #tpu.memory_space<vmem>>) semaphore(%arg24 : memref<!tpu.dma_semaphore, #tpu.memory_space<semaphore_mem>>)
    %add3A_24 = arith.constant 32 : i32
    %add3A_25 = arith.addi %mul3A_2, %add3A_24 : i32
    %dma_start3A_26 = arith.constant 0 : i32
    %dma_start3A_27 = tpu.memref_slice %arg7[%add3A_25, %dma_start3A_26] : memref<2048x768xf32, #tpu.memory_space<hbm>> -> memref<32x768xf32, #tpu.memory_space<hbm>>
    %dma_start3A_28 = arith.constant 0 : i32
    %dma_start3A_29 = tpu.memref_slice %arg7[%add3A_25, %dma_start3A_28] : memref<2048x768xf32, #tpu.memory_space<hbm>> -> memref<32x768xf32, #tpu.memory_space<hbm>>
    tpu.enqueue_dma source(%dma_start3A_29 : memref<32x768xf32, #tpu.memory_space<hbm>>) target(%arg16 : memref<32x768xf32, #tpu.memory_space<vmem>>) target_semaphore(%arg26 : memref<!tpu.dma_semaphore, #tpu.memory_space<semaphore_mem>>)
    %dma_wait3A = arith.constant 0 : i32
    %dma_wait3A_30 = arith.constant 0 : i32
    %dma_wait3A_31 = tpu.memref_slice %arg2[%dma_wait3A, %dma_wait3A_30] : memref<6144x384xi32, #tpu.memory_space<hbm>> -> memref<6144x384xi32, #tpu.memory_space<hbm>>
    tpu.wait_indirect_dma semaphore(%arg21 : memref<!tpu.dma_semaphore, #tpu.memory_space<semaphore_mem>>) src(%dma_wait3A_31 : memref<6144x384xi32, #tpu.memory_space<hbm>>) dst(%arg17 : memref<32x384xi32, #tpu.memory_space<vmem>>)
    %dma_wait3A_32 = arith.constant 0 : i32
    %dma_wait3A_33 = arith.constant 0 : i32
    %dma_wait3A_34 = tpu.memref_slice %arg2[%dma_wait3A_32, %dma_wait3A_33] : memref<6144x384xi32, #tpu.memory_space<hbm>> -> memref<6144x384xi32, #tpu.memory_space<hbm>>
    tpu.wait_indirect_dma semaphore(%arg23 : memref<!tpu.dma_semaphore, #tpu.memory_space<semaphore_mem>>) src(%dma_wait3A_34 : memref<6144x384xi32, #tpu.memory_space<hbm>>) dst(%arg19 : memref<32x384xi32, #tpu.memory_space<vmem>>)
    %dma_wait3A_35 = arith.constant 0 : i32
    %dma_wait3A_36 = tpu.memref_slice %arg7[%add3A_13, %dma_wait3A_35] : memref<2048x768xf32, #tpu.memory_space<hbm>> -> memref<32x768xf32, #tpu.memory_space<hbm>>
    %dma_wait3A_37 = arith.constant 0 : i32
    %dma_wait3A_38 = tpu.memref_slice %arg7[%add3A_13, %dma_wait3A_37] : memref<2048x768xf32, #tpu.memory_space<hbm>> -> memref<32x768xf32, #tpu.memory_space<hbm>>
    tpu.wait_dma2 semaphore(%arg25 : memref<!tpu.dma_semaphore, #tpu.memory_space<semaphore_mem>>) src(%dma_wait3A_38 : memref<32x768xf32, #tpu.memory_space<hbm>>) dst(%arg15 : memref<32x768xf32, #tpu.memory_space<vmem>>)
    %parallel_loop3A = arith.constant 0 : i32
    %parallel_loop3A_39 = arith.constant 32 : i32
    %parallel_loop3A_40 = arith.constant 1 : i32
    scf.for %parallel_loop3A_58 = %parallel_loop3A to %parallel_loop3A_39 step %parallel_loop3A_40  : i32 {
      %parallel_loop3A_59 = arith.constant 0 : i32
      %parallel_loop3A_60 = arith.addi %parallel_loop3A_58, %parallel_loop3A_59 : i32
      %parallel_loop3A_61 = vector.broadcast %parallel_loop3A_60 : i32 to vector<16xi32>
      %parallel_loop3A_62 = tpu.vector_load_idx %arg13[%parallel_loop3A_61] : memref<64xf32, #tpu.memory_space<vmem>>[vector<16xi32>], vector<16xf32>,
      %parallel_loop3A_63 = tpu.vector_load_idx %arg14[%parallel_loop3A_61] : memref<64xf32, #tpu.memory_space<vmem>>[vector<16xi32>], vector<16xf32>,
      %parallel_loop3A_64 = arith.index_cast %parallel_loop3A_58 : i32 to index
      %parallel_loop3A_65 = arith.constant 0 : index
      %parallel_loop3A_66 = tpu.vector_load %arg17[%parallel_loop3A_64, %parallel_loop3A_65] {strides = array<i32>} : memref<32x384xi32, #tpu.memory_space<vmem>>, vector<16xi32>,
      %parallel_loop3A_67 = arith.index_cast %parallel_loop3A_58 : i32 to index
      %parallel_loop3A_68 = arith.constant 0 : index
      %parallel_loop3A_69 = tpu.vector_load %arg19[%parallel_loop3A_67, %parallel_loop3A_68] {strides = array<i32>} : memref<32x384xi32, #tpu.memory_space<vmem>>, vector<16xi32>,
      %parallel_loop3A_70 = arith.constant 16 : i32
      %parallel_loop3A_71 = vector.broadcast %parallel_loop3A_70 : i32 to vector<16xi32>
      %parallel_loop3A_72 = arith.shli %parallel_loop3A_66, %parallel_loop3A_71 : vector<16xi32>
      %parallel_loop3A_73 = vector.bitcast %parallel_loop3A_72 : vector<16xi32> to vector<16xf32>
      %parallel_loop3A_74 = arith.constant 16 : i32
      %parallel_loop3A_75 = vector.broadcast %parallel_loop3A_74 : i32 to vector<16xi32>
      %parallel_loop3A_76 = arith.shli %parallel_loop3A_69, %parallel_loop3A_75 : vector<16xi32>
      %parallel_loop3A_77 = vector.bitcast %parallel_loop3A_76 : vector<16xi32> to vector<16xf32>
      %parallel_loop3A_78 = arith.constant -65536 : i32
      %parallel_loop3A_79 = vector.broadcast %parallel_loop3A_78 : i32 to vector<16xi32>
      %parallel_loop3A_80 = arith.andi %parallel_loop3A_66, %parallel_loop3A_79 : vector<16xi32>
      %parallel_loop3A_81 = vector.bitcast %parallel_loop3A_80 : vector<16xi32> to vector<16xf32>
      %parallel_loop3A_82 = arith.constant -65536 : i32
      %parallel_loop3A_83 = vector.broadcast %parallel_loop3A_82 : i32 to vector<16xi32>
      %parallel_loop3A_84 = arith.andi %parallel_loop3A_69, %parallel_loop3A_83 : vector<16xi32>
      %parallel_loop3A_85 = vector.bitcast %parallel_loop3A_84 : vector<16xi32> to vector<16xf32>
      %parallel_loop3A_86 = arith.index_cast %parallel_loop3A_58 : i32 to index
      %parallel_loop3A_87 = arith.constant 0 : index
      %parallel_loop3A_88 = tpu.vector_load %arg15[%parallel_loop3A_86, %parallel_loop3A_87] {strides = array<i32>} : memref<32x768xf32, #tpu.memory_space<vmem>>, vector<16xf32>,
      %parallel_loop3A_89 = arith.mulf %parallel_loop3A_62, %parallel_loop3A_73 : vector<16xf32>
      %parallel_loop3A_90 = arith.addf %parallel_loop3A_88, %parallel_loop3A_89 : vector<16xf32>
      %parallel_loop3A_91 = arith.mulf %parallel_loop3A_63, %parallel_loop3A_77 : vector<16xf32>
      %parallel_loop3A_92 = arith.addf %parallel_loop3A_90, %parallel_loop3A_91 : vector<16xf32>
      %parallel_loop3A_93 = arith.index_cast %parallel_loop3A_58 : i32 to index
      %parallel_loop3A_94 = arith.constant 0 : index
      %parallel_loop3A_95 = tpu.vector_load %arg15[%parallel_loop3A_93, %parallel_loop3A_94] {strides = array<i32>} : memref<32x768xf32, #tpu.memory_space<vmem>>, vector<16xf32>,
      tpu.vector_store %arg15[%parallel_loop3A_93, %parallel_loop3A_94], %parallel_loop3A_92 {strides = array<i32>} : memref<32x768xf32, #tpu.memory_space<vmem>>, vector<16xf32>,
      %parallel_loop3A_96 = arith.index_cast %parallel_loop3A_58 : i32 to index
      %parallel_loop3A_97 = arith.constant 384 : index
      %parallel_loop3A_98 = tpu.vector_load %arg15[%parallel_loop3A_96, %parallel_loop3A_97] {strides = array<i32>} : memref<32x768xf32, #tpu.memory_space<vmem>>, vector<16xf32>,
      %parallel_loop3A_99 = arith.mulf %parallel_loop3A_62, %parallel_loop3A_81 : vector<16xf32>
      %parallel_loop3A_100 = arith.addf %parallel_loop3A_98, %parallel_loop3A_99 : vector<16xf32>
      %parallel_loop3A_101 = arith.mulf %parallel_loop3A_63, %parallel_loop3A_85 : vector<16xf32>
      %parallel_loop3A_102 = arith.addf %parallel_loop3A_100, %parallel_loop3A_101 : vector<16xf32>
      %parallel_loop3A_103 = arith.index_cast %parallel_loop3A_58 : i32 to index
      %parallel_loop3A_104 = arith.constant 384 : index
      %parallel_loop3A_105 = tpu.vector_load %arg15[%parallel_loop3A_103, %parallel_loop3A_104] {strides = array<i32>} : memref<32x768xf32, #tpu.memory_space<vmem>>, vector<16xf32>,
      tpu.vector_store %arg15[%parallel_loop3A_103, %parallel_loop3A_104], %parallel_loop3A_102 {strides = array<i32>} : memref<32x768xf32, #tpu.memory_space<vmem>>, vector<16xf32>,
      %parallel_loop3A_106 = arith.index_cast %parallel_loop3A_58 : i32 to index
      %parallel_loop3A_107 = arith.constant 16 : index
      %parallel_loop3A_108 = tpu.vector_load %arg17[%parallel_loop3A_106, %parallel_loop3A_107] {strides = array<i32>} : memref<32x384xi32, #tpu.memory_space<vmem>>, vector<16xi32>,
      %parallel_loop3A_109 = arith.index_cast %parallel_loop3A_58 : i32 to index
      %parallel_loop3A_110 = arith.constant 16 : index
      %parallel_loop3A_111 = tpu.vector_load %arg19[%parallel_loop3A_109, %parallel_loop3A_110] {strides = array<i32>} : memref<32x384xi32, #tpu.memory_space<vmem>>, vector<16xi32>,
      %parallel_loop3A_112 = arith.constant 16 : i32
      %parallel_loop3A_113 = vector.broadcast %parallel_loop3A_112 : i32 to vector<16xi32>
      %parallel_loop3A_114 = arith.shli %parallel_loop3A_108, %parallel_loop3A_113 : vector<16xi32>
      %parallel_loop3A_115 = vector.bitcast %parallel_loop3A_114 : vector<16xi32> to vector<16xf32>
      %parallel_loop3A_116 = arith.constant 16 : i32
      %parallel_loop3A_117 = vector.broadcast %parallel_loop3A_116 : i32 to vector<16xi32>
      %parallel_loop3A_118 = arith.shli %parallel_loop3A_111, %parallel_loop3A_117 : vector<16xi32>
      %parallel_loop3A_119 = vector.bitcast %parallel_loop3A_118 : vector<16xi32> to vector<16xf32>
      %parallel_loop3A_120 = arith.constant -65536 : i32
      %parallel_loop3A_121 = vector.broadcast %parallel_loop3A_120 : i32 to vector<16xi32>
      %parallel_loop3A_122 = arith.andi %parallel_loop3A_108, %parallel_loop3A_121 : vector<16xi32>
      %parallel_loop3A_123 = vector.bitcast %parallel_loop3A_122 : vector<16xi32> to vector<16xf32>
      %parallel_loop3A_124 = arith.constant -65536 : i32
      %parallel_loop3A_125 = vector.broadcast %parallel_loop3A_124 : i32 to vector<16xi32>
      %parallel_loop3A_126 = arith.andi %parallel_loop3A_111, %parallel_loop3A_125 : vector<16xi32>
      %parallel_loop3A_127 = vector.bitcast %parallel_loop3A_126 : vector<16xi32> to vector<16xf32>
      %parallel_loop3A_128 = arith.index_cast %parallel_loop3A_58 : i32 to index
      %parallel_loop3A_129 = arith.constant 16 : index
      %parallel_loop3A_130 = tpu.vector_load %arg15[%parallel_loop3A_128, %parallel_loop3A_129] {strides = array<i32>} : memref<32x768xf32, #tpu.memory_space<vmem>>, vector<16xf32>,
      %parallel_loop3A_131 = arith.mulf %parallel_loop3A_62, %parallel_loop3A_115 : vector<16xf32>
      %parallel_loop3A_132 = arith.addf %parallel_loop3A_130, %parallel_loop3A_131 : vector<16xf32>
      %parallel_loop3A_133 = arith.mulf %parallel_loop3A_63, %parallel_loop3A_119 : vector<16xf32>
      %parallel_loop3A_134 = arith.addf %parallel_loop3A_132, %parallel_loop3A_133 : vector<16xf32>
      %parallel_loop3A_135 = arith.index_cast %parallel_loop3A_58 : i32 to index
      %parallel_loop3A_136 = arith.constant 16 : index
      %parallel_loop3A_137 = tpu.vector_load %arg15[%parallel_loop3A_135, %parallel_loop3A_136] {strides = array<i32>} : memref<32x768xf32, #tpu.memory_space<vmem>>, vector<16xf32>,
      tpu.vector_store %arg15[%parallel_loop3A_135, %parallel_loop3A_136], %parallel_loop3A_134 {strides = array<i32>} : memref<32x768xf32, #tpu.memory_space<vmem>>, vector<16xf32>,
      %parallel_loop3A_138 = arith.index_cast %parallel_loop3A_58 : i32 to index
      %parallel_loop3A_139 = arith.constant 400 : index
      %parallel_loop3A_140 = tpu.vector_load %arg15[%parallel_loop3A_138, %parallel_loop3A_139] {strides = array<i32>} : memref<32x768xf32, #tpu.memory_space<vmem>>, vector<16xf32>,
      %parallel_loop3A_141 = arith.mulf %parallel_loop3A_62, %parallel_loop3A_123 : vector<16xf32>
      %parallel_loop3A_142 = arith.addf %parallel_loop3A_140, %parallel_loop3A_141 : vector<16xf32>
      %parallel_loop3A_143 = arith.mulf %parallel_loop3A_63, %parallel_loop3A_127 : vector<16xf32>
      %parallel_loop3A_144 = arith.addf %parallel_loop3A_142, %parallel_loop3A_143 : vector<16xf32>
      %parallel_loop3A_145 = arith.index_cast %parallel_loop3A_58 : i32 to index
      %parallel_loop3A_146 = arith.constant 400 : index
      %parallel_loop3A_147 = tpu.vector_load %arg15[%parallel_loop3A_145, %parallel_loop3A_146] {strides = array<i32>} : memref<32x768xf32, #tpu.memory_space<vmem>>, vector<16xf32>,
      tpu.vector_store %arg15[%parallel_loop3A_145, %parallel_loop3A_146], %parallel_loop3A_144 {strides = array<i32>} : memref<32x768xf32, #tpu.memory_space<vmem>>, vector<16xf32>,
      %parallel_loop3A_148 = arith.index_cast %parallel_loop3A_58 : i32 to index
      %parallel_loop3A_149 = arith.constant 32 : index
      %parallel_loop3A_150 = tpu.vector_load %arg17[%parallel_loop3A_148, %parallel_loop3A_149] {strides = array<i32>} : memref<32x384xi32, #tpu.memory_space<vmem>>, vector<16xi32>,
      %parallel_loop3A_151 = arith.index_cast %parallel_loop3A_58 : i32 to index
      %parallel_loop3A_152 = arith.constant 32 : index
      %parallel_loop3A_153 = tpu.vector_load %arg19[%parallel_loop3A_151, %parallel_loop3A_152] {strides = array<i32>} : memref<32x384xi32, #tpu.memory_space<vmem>>, vector<16xi32>,
      %parallel_loop3A_154 = arith.constant 16 : i32
      %parallel_loop3A_155 = vector.broadcast %parallel_loop3A_154 : i32 to vector<16xi32>
      %parallel_loop3A_156 = arith.shli %parallel_loop3A_150, %parallel_loop3A_155 : vector<16xi32>
      %parallel_loop3A_157 = vector.bitcast %parallel_loop3A_156 : vector<16xi32> to vector<16xf32>
      %parallel_loop3A_158 = arith.constant 16 : i32
      %parallel_loop3A_159 = vector.broadcast %parallel_loop3A_158 : i32 to vector<16xi32>
      %parallel_loop3A_160 = arith.shli %parallel_loop3A_153, %parallel_loop3A_159 : vector<16xi32>
      %parallel_loop3A_161 = vector.bitcast %parallel_loop3A_160 : vector<16xi32> to vector<16xf32>
      %parallel_loop3A_162 = arith.constant -65536 : i32
      %parallel_loop3A_163 = vector.broadcast %parallel_loop3A_162 : i32 to vector<16xi32>
      %parallel_loop3A_164 = arith.andi %parallel_loop3A_150, %parallel_loop3A_163 : vector<16xi32>
      %parallel_loop3A_165 = vector.bitcast %parallel_loop3A_164 : vector<16xi32> to vector<16xf32>
      %parallel_loop3A_166 = arith.constant -65536 : i32
      %parallel_loop3A_167 = vector.broadcast %parallel_loop3A_166 : i32 to vector<16xi32>
      %parallel_loop3A_168 = arith.andi %parallel_loop3A_153, %parallel_loop3A_167 : vector<16xi32>
      %parallel_loop3A_169 = vector.bitcast %parallel_loop3A_168 : vector<16xi32> to vector<16xf32>
      %parallel_loop3A_170 = arith.index_cast %parallel_loop3A_58 : i32 to index
      %parallel_loop3A_171 = arith.constant 32 : index
      %parallel_loop3A_172 = tpu.vector_load %arg15[%parallel_loop3A_170, %parallel_loop3A_171] {strides = array<i32>} : memref<32x768xf32, #tpu.memory_space<vmem>>, vector<16xf32>,
      %parallel_loop3A_173 = arith.mulf %parallel_loop3A_62, %parallel_loop3A_157 : vector<16xf32>
      %parallel_loop3A_174 = arith.addf %parallel_loop3A_172, %parallel_loop3A_173 : vector<16xf32>
      %parallel_loop3A_175 = arith.mulf %parallel_loop3A_63, %parallel_loop3A_161 : vector<16xf32>
      %parallel_loop3A_176 = arith.addf %parallel_loop3A_174, %parallel_loop3A_175 : vector<16xf32>
      %parallel_loop3A_177 = arith.index_cast %parallel_loop3A_58 : i32 to index
      %parallel_loop3A_178 = arith.constant 32 : index
      %parallel_loop3A_179 = tpu.vector_load %arg15[%parallel_loop3A_177, %parallel_loop3A_178] {strides = array<i32>} : memref<32x768xf32, #tpu.memory_space<vmem>>, vector<16xf32>,
      tpu.vector_store %arg15[%parallel_loop3A_177, %parallel_loop3A_178], %parallel_loop3A_176 {strides = array<i32>} : memref<32x768xf32, #tpu.memory_space<vmem>>, vector<16xf32>,
      %parallel_loop3A_180 = arith.index_cast %parallel_loop3A_58 : i32 to index
      %parallel_loop3A_181 = arith.constant 416 : index
      %parallel_loop3A_182 = tpu.vector_load %arg15[%parallel_loop3A_180, %parallel_loop3A_181] {strides = array<i32>} : memref<32x768xf32, #tpu.memory_space<vmem>>, vector<16xf32>,
      %parallel_loop3A_183 = arith.mulf %parallel_loop3A_62, %parallel_loop3A_165 : vector<16xf32>
      %parallel_loop3A_184 = arith.addf %parallel_loop3A_182, %parallel_loop3A_183 : vector<16xf32>
      %parallel_loop3A_185 = arith.mulf %parallel_loop3A_63, %parallel_loop3A_169 : vector<16xf32>
      %parallel_loop3A_186 = arith.addf %parallel_loop3A_184, %parallel_loop3A_185 : vector<16xf32>
      %parallel_loop3A_187 = arith.index_cast %parallel_loop3A_58 : i32 to index
      %parallel_loop3A_188 = arith.constant 416 : index
      %parallel_loop3A_189 = tpu.vector_load %arg15[%parallel_loop3A_187, %parallel_loop3A_188] {strides = array<i32>} : memref<32x768xf32, #tpu.memory_space<vmem>>, vector<16xf32>,
      tpu.vector_store %arg15[%parallel_loop3A_187, %parallel_loop3A_188], %parallel_loop3A_186 {strides = array<i32>} : memref<32x768xf32, #tpu.memory_space<vmem>>, vector<16xf32>,
      %parallel_loop3A_190 = arith.index_cast %parallel_loop3A_58 : i32 to index
      %parallel_loop3A_191 = arith.constant 48 : index
      %parallel_loop3A_192 = tpu.vector_load %arg17[%parallel_loop3A_190, %parallel_loop3A_191] {strides = array<i32>} : memref<32x384xi32, #tpu.memory_space<vmem>>, vector<16xi32>,
      %parallel_loop3A_193 = arith.index_cast %parallel_loop3A_58 : i32 to index
      %parallel_loop3A_194 = arith.constant 48 : index
      %parallel_loop3A_195 = tpu.vector_load %arg19[%parallel_loop3A_193, %parallel_loop3A_194] {strides = array<i32>} : memref<32x384xi32, #tpu.memory_space<vmem>>, vector<16xi32>,
      %parallel_loop3A_196 = arith.constant 16 : i32
      %parallel_loop3A_197 = vector.broadcast %parallel_loop3A_196 : i32 to vector<16xi32>
      %parallel_loop3A_198 = arith.shli %parallel_loop3A_192, %parallel_loop3A_197 : vector<16xi32>
      %parallel_loop3A_199 = vector.bitcast %parallel_loop3A_198 : vector<16xi32> to vector<16xf32>
      %parallel_loop3A_200 = arith.constant 16 : i32
      %parallel_loop3A_201 = vector.broadcast %parallel_loop3A_200 : i32 to vector<16xi32>
      %parallel_loop3A_202 = arith.shli %parallel_loop3A_195, %parallel_loop3A_201 : vector<16xi32>
      %parallel_loop3A_203 = vector.bitcast %parallel_loop3A_202 : vector<16xi32> to vector<16xf32>
      %parallel_loop3A_204 = arith.constant -65536 : i32
      %parallel_loop3A_205 = vector.broadcast %parallel_loop3A_204 : i32 to vector<16xi32>
      %parallel_loop3A_206 = arith.andi %parallel_loop3A_192, %parallel_loop3A_205 : vector<16xi32>
      %parallel_loop3A_207 = vector.bitcast %parallel_loop3A_206 : vector<16xi32> to vector<16xf32>
      %parallel_loop3A_208 = arith.constant -65536 : i32
      %parallel_loop3A_209 = vector.broadcast %parallel_loop3A_208 : i32 to vector<16xi32>
      %parallel_loop3A_210 = arith.andi %parallel_loop3A_195, %parallel_loop3A_209 : vector<16xi32>
      %parallel_loop3A_211 = vector.bitcast %parallel_loop3A_210 : vector<16xi32> to vector<16xf32>
      %parallel_loop3A_212 = arith.index_cast %parallel_loop3A_58 : i32 to index
      %parallel_loop3A_213 = arith.constant 48 : index
      %parallel_loop3A_214 = tpu.vector_load %arg15[%parallel_loop3A_212, %parallel_loop3A_213] {strides = array<i32>} : memref<32x768xf32, #tpu.memory_space<vmem>>, vector<16xf32>,
      %parallel_loop3A_215 = arith.mulf %parallel_loop3A_62, %parallel_loop3A_199 : vector<16xf32>
      %parallel_loop3A_216 = arith.addf %parallel_loop3A_214, %parallel_loop3A_215 : vector<16xf32>
      %parallel_loop3A_217 = arith.mulf %parallel_loop3A_63, %parallel_loop3A_203 : vector<16xf32>
      %parallel_loop3A_218 = arith.addf %parallel_loop3A_216, %parallel_loop3A_217 : vector<16xf32>
      %parallel_loop3A_219 = arith.index_cast %parallel_loop3A_58 : i32 to index
      %parallel_loop3A_220 = arith.constant 48 : index
      %parallel_loop3A_221 = tpu.vector_load %arg15[%parallel_loop3A_219, %parallel_loop3A_220] {strides = array<i32>} : memref<32x768xf32, #tpu.memory_space<vmem>>, vector<16xf32>,
      tpu.vector_store %arg15[%parallel_loop3A_219, %parallel_loop3A_220], %parallel_loop3A_218 {strides = array<i32>} : memref<32x768xf32, #tpu.memory_space<vmem>>, vector<16xf32>,
      %parallel_loop3A_222 = arith.index_cast %parallel_loop3A_58 : i32 to index
      %parallel_loop3A_223 = arith.constant 432 : index
      %parallel_loop3A_224 = tpu.vector_load %arg15[%parallel_loop3A_222, %parallel_loop3A_223] {strides = array<i32>} : memref<32x768xf32, #tpu.memory_space<vmem>>, vector<16xf32>,
      %parallel_loop3A_225 = arith.mulf %parallel_loop3A_62, %parallel_loop3A_207 : vector<16xf32>
      %parallel_loop3A_226 = arith.addf %parallel_loop3A_224, %parallel_loop3A_225 : vector<16xf32>
      %parallel_loop3A_227 = arith.mulf %parallel_loop3A_63, %parallel_loop3A_211 : vector<16xf32>
      %parallel_loop3A_228 = arith.addf %parallel_loop3A_226, %parallel_loop3A_227 : vector<16xf32>
      %parallel_loop3A_229 = arith.index_cast %parallel_loop3A_58 : i32 to index
      %parallel_loop3A_230 = arith.constant 432 : index
      %parallel_loop3A_231 = tpu.vector_load %arg15[%parallel_loop3A_229, %parallel_loop3A_230] {strides = array<i32>} : memref<32x768xf32, #tpu.memory_space<vmem>>, vector<16xf32>,
      tpu.vector_store %arg15[%parallel_loop3A_229, %parallel_loop3A_230], %parallel_loop3A_228 {strides = array<i32>} : memref<32x768xf32, #tpu.memory_space<vmem>>, vector<16xf32>,
      %parallel_loop3A_232 = arith.index_cast %parallel_loop3A_58 : i32 to index
      %parallel_loop3A_233 = arith.constant 64 : index
      %parallel_loop3A_234 = tpu.vector_load %arg17[%parallel_loop3A_232, %parallel_loop3A_233] {strides = array<i32>} : memref<32x384xi32, #tpu.memory_space<vmem>>, vector<16xi32>,
      %parallel_loop3A_235 = arith.index_cast %parallel_loop3A_58 : i32 to index
      %parallel_loop3A_236 = arith.constant 64 : index
      %parallel_loop3A_237 = tpu.vector_load %arg19[%parallel_loop3A_235, %parallel_loop3A_236] {strides = array<i32>} : memref<32x384xi32, #tpu.memory_space<vmem>>, vector<16xi32>,
      %parallel_loop3A_238 = arith.constant 16 : i32
      %parallel_loop3A_239 = vector.broadcast %parallel_loop3A_238 : i32 to vector<16xi32>
      %parallel_loop3A_240 = arith.shli %parallel_loop3A_234, %parallel_loop3A_239 : vector<16xi32>
      %parallel_loop3A_241 = vector.bitcast %parallel_loop3A_240 : vector<16xi32> to vector<16xf32>
      %parallel_loop3A_242 = arith.constant 16 : i32
      %parallel_loop3A_243 = vector.broadcast %parallel_loop3A_242 : i32 to vector<16xi32>
      %parallel_loop3A_244 = arith.shli %parallel_loop3A_237, %parallel_loop3A_243 : vector<16xi32>
      %parallel_loop3A_245 = vector.bitcast %parallel_loop3A_244 : vector<16xi32> to vector<16xf32>
      %parallel_loop3A_246 = arith.constant -65536 : i32
      %parallel_loop3A_247 = vector.broadcast %parallel_loop3A_246 : i32 to vector<16xi32>
      %parallel_loop3A_248 = arith.andi %parallel_loop3A_234, %parallel_loop3A_247 : vector<16xi32>
      %parallel_loop3A_249 = vector.bitcast %parallel_loop3A_248 : vector<16xi32> to vector<16xf32>
      %parallel_loop3A_250 = arith.constant -65536 : i32
      %parallel_loop3A_251 = vector.broadcast %parallel_loop3A_250 : i32 to vector<16xi32>
      %parallel_loop3A_252 = arith.andi %parallel_loop3A_237, %parallel_loop3A_251 : vector<16xi32>
      %parallel_loop3A_253 = vector.bitcast %parallel_loop3A_252 : vector<16xi32> to vector<16xf32>
      %parallel_loop3A_254 = arith.index_cast %parallel_loop3A_58 : i32 to index
      %parallel_loop3A_255 = arith.constant 64 : index
      %parallel_loop3A_256 = tpu.vector_load %arg15[%parallel_loop3A_254, %parallel_loop3A_255] {strides = array<i32>} : memref<32x768xf32, #tpu.memory_space<vmem>>, vector<16xf32>,
      %parallel_loop3A_257 = arith.mulf %parallel_loop3A_62, %parallel_loop3A_241 : vector<16xf32>
      %parallel_loop3A_258 = arith.addf %parallel_loop3A_256, %parallel_loop3A_257 : vector<16xf32>
      %parallel_loop3A_259 = arith.mulf %parallel_loop3A_63, %parallel_loop3A_245 : vector<16xf32>
      %parallel_loop3A_260 = arith.addf %parallel_loop3A_258, %parallel_loop3A_259 : vector<16xf32>
      %parallel_loop3A_261 = arith.index_cast %parallel_loop3A_58 : i32 to index
      %parallel_loop3A_262 = arith.constant 64 : index
      %parallel_loop3A_263 = tpu.vector_load %arg15[%parallel_loop3A_261, %parallel_loop3A_262] {strides = array<i32>} : memref<32x768xf32, #tpu.memory_space<vmem>>, vector<16xf32>,
      tpu.vector_store %arg15[%parallel_loop3A_261, %parallel_loop3A_262], %parallel_loop3A_260 {strides = array<i32>} : memref<32x768xf32, #tpu.memory_space<vmem>>, vector<16xf32>,
      %parallel_loop3A_264 = arith.index_cast %parallel_loop3A_58 : i32 to index
      %parallel_loop3A_265 = arith.constant 448 : index
      %parallel_loop3A_266 = tpu.vector_load %arg15[%parallel_loop3A_264, %parallel_loop3A_265] {strides = array<i32>} : memref<32x768xf32, #tpu.memory_space<vmem>>, vector<16xf32>,
      %parallel_loop3A_267 = arith.mulf %parallel_loop3A_62, %parallel_loop3A_249 : vector<16xf32>
      %parallel_loop3A_268 = arith.addf %parallel_loop3A_266, %parallel_loop3A_267 : vector<16xf32>
      %parallel_loop3A_269 = arith.mulf %parallel_loop3A_63, %parallel_loop3A_253 : vector<16xf32>
      %parallel_loop3A_270 = arith.addf %parallel_loop3A_268, %parallel_loop3A_269 : vector<16xf32>
      %parallel_loop3A_271 = arith.index_cast %parallel_loop3A_58 : i32 to index
      %parallel_loop3A_272 = arith.constant 448 : index
      %parallel_loop3A_273 = tpu.vector_load %arg15[%parallel_loop3A_271, %parallel_loop3A_272] {strides = array<i32>} : memref<32x768xf32, #tpu.memory_space<vmem>>, vector<16xf32>,
      tpu.vector_store %arg15[%parallel_loop3A_271, %parallel_loop3A_272], %parallel_loop3A_270 {strides = array<i32>} : memref<32x768xf32, #tpu.memory_space<vmem>>, vector<16xf32>,
      %parallel_loop3A_274 = arith.index_cast %parallel_loop3A_58 : i32 to index
      %parallel_loop3A_275 = arith.constant 80 : index
      %parallel_loop3A_276 = tpu.vector_load %arg17[%parallel_loop3A_274, %parallel_loop3A_275] {strides = array<i32>} : memref<32x384xi32, #tpu.memory_space<vmem>>, vector<16xi32>,
      %parallel_loop3A_277 = arith.index_cast %parallel_loop3A_58 : i32 to index
      %parallel_loop3A_278 = arith.constant 80 : index
      %parallel_loop3A_279 = tpu.vector_load %arg19[%parallel_loop3A_277, %parallel_loop3A_278] {strides = array<i32>} : memref<32x384xi32, #tpu.memory_space<vmem>>, vector<16xi32>,
      %parallel_loop3A_280 = arith.constant 16 : i32
      %parallel_loop3A_281 = vector.broadcast %parallel_loop3A_280 : i32 to vector<16xi32>
      %parallel_loop3A_282 = arith.shli %parallel_loop3A_276, %parallel_loop3A_281 : vector<16xi32>
      %parallel_loop3A_283 = vector.bitcast %parallel_loop3A_282 : vector<16xi32> to vector<16xf32>
      %parallel_loop3A_284 = arith.constant 16 : i32
      %parallel_loop3A_285 = vector.broadcast %parallel_loop3A_284 : i32 to vector<16xi32>
      %parallel_loop3A_286 = arith.shli %parallel_loop3A_279, %parallel_loop3A_285 : vector<16xi32>
      %parallel_loop3A_287 = vector.bitcast %parallel_loop3A_286 : vector<16xi32> to vector<16xf32>
      %parallel_loop3A_288 = arith.constant -65536 : i32
      %parallel_loop3A_289 = vector.broadcast %parallel_loop3A_288 : i32 to vector<16xi32>
      %parallel_loop3A_290 = arith.andi %parallel_loop3A_276, %parallel_loop3A_289 : vector<16xi32>
      %parallel_loop3A_291 = vector.bitcast %parallel_loop3A_290 : vector<16xi32> to vector<16xf32>
      %parallel_loop3A_292 = arith.constant -65536 : i32
      %parallel_loop3A_293 = vector.broadcast %parallel_loop3A_292 : i32 to vector<16xi32>
      %parallel_loop3A_294 = arith.andi %parallel_loop3A_279, %parallel_loop3A_293 : vector<16xi32>
      %parallel_loop3A_295 = vector.bitcast %parallel_loop3A_294 : vector<16xi32> to vector<16xf32>
      %parallel_loop3A_296 = arith.index_cast %parallel_loop3A_58 : i32 to index
      %parallel_loop3A_297 = arith.constant 80 : index
      %parallel_loop3A_298 = tpu.vector_load %arg15[%parallel_loop3A_296, %parallel_loop3A_297] {strides = array<i32>} : memref<32x768xf32, #tpu.memory_space<vmem>>, vector<16xf32>,
      %parallel_loop3A_299 = arith.mulf %parallel_loop3A_62, %parallel_loop3A_283 : vector<16xf32>
      %parallel_loop3A_300 = arith.addf %parallel_loop3A_298, %parallel_loop3A_299 : vector<16xf32>
      %parallel_loop3A_301 = arith.mulf %parallel_loop3A_63, %parallel_loop3A_287 : vector<16xf32>
      %parallel_loop3A_302 = arith.addf %parallel_loop3A_300, %parallel_loop3A_301 : vector<16xf32>
      %parallel_loop3A_303 = arith.index_cast %parallel_loop3A_58 : i32 to index
      %parallel_loop3A_304 = arith.constant 80 : index
      %parallel_loop3A_305 = tpu.vector_load %arg15[%parallel_loop3A_303, %parallel_loop3A_304] {strides = array<i32>} : memref<32x768xf32, #tpu.memory_space<vmem>>, vector<16xf32>,
      tpu.vector_store %arg15[%parallel_loop3A_303, %parallel_loop3A_304], %parallel_loop3A_302 {strides = array<i32>} : memref<32x768xf32, #tpu.memory_space<vmem>>, vector<16xf32>,
      %parallel_loop3A_306 = arith.index_cast %parallel_loop3A_58 : i32 to index
      %parallel_loop3A_307 = arith.constant 464 : index
      %parallel_loop3A_308 = tpu.vector_load %arg15[%parallel_loop3A_306, %parallel_loop3A_307] {strides = array<i32>} : memref<32x768xf32, #tpu.memory_space<vmem>>, vector<16xf32>,
      %parallel_loop3A_309 = arith.mulf %parallel_loop3A_62, %parallel_loop3A_291 : vector<16xf32>
      %parallel_loop3A_310 = arith.addf %parallel_loop3A_308, %parallel_loop3A_309 : vector<16xf32>
      %parallel_loop3A_311 = arith.mulf %parallel_loop3A_63, %parallel_loop3A_295 : vector<16xf32>
      %parallel_loop3A_312 = arith.addf %parallel_loop3A_310, %parallel_loop3A_311 : vector<16xf32>
      %parallel_loop3A_313 = arith.index_cast %parallel_loop3A_58 : i32 to index
      %parallel_loop3A_314 = arith.constant 464 : index
      %parallel_loop3A_315 = tpu.vector_load %arg15[%parallel_loop3A_313, %parallel_loop3A_314] {strides = array<i32>} : memref<32x768xf32, #tpu.memory_space<vmem>>, vector<16xf32>,
      tpu.vector_store %arg15[%parallel_loop3A_313, %parallel_loop3A_314], %parallel_loop3A_312 {strides = array<i32>} : memref<32x768xf32, #tpu.memory_space<vmem>>, vector<16xf32>,
      %parallel_loop3A_316 = arith.index_cast %parallel_loop3A_58 : i32 to index
      %parallel_loop3A_317 = arith.constant 96 : index
      %parallel_loop3A_318 = tpu.vector_load %arg17[%parallel_loop3A_316, %parallel_loop3A_317] {strides = array<i32>} : memref<32x384xi32, #tpu.memory_space<vmem>>, vector<16xi32>,
      %parallel_loop3A_319 = arith.index_cast %parallel_loop3A_58 : i32 to index
      %parallel_loop3A_320 = arith.constant 96 : index
      %parallel_loop3A_321 = tpu.vector_load %arg19[%parallel_loop3A_319, %parallel_loop3A_320] {strides = array<i32>} : memref<32x384xi32, #tpu.memory_space<vmem>>, vector<16xi32>,
      %parallel_loop3A_322 = arith.constant 16 : i32
      %parallel_loop3A_323 = vector.broadcast %parallel_loop3A_322 : i32 to vector<16xi32>
      %parallel_loop3A_324 = arith.shli %parallel_loop3A_318, %parallel_loop3A_323 : vector<16xi32>
      %parallel_loop3A_325 = vector.bitcast %parallel_loop3A_324 : vector<16xi32> to vector<16xf32>
      %parallel_loop3A_326 = arith.constant 16 : i32
      %parallel_loop3A_327 = vector.broadcast %parallel_loop3A_326 : i32 to vector<16xi32>
      %parallel_loop3A_328 = arith.shli %parallel_loop3A_321, %parallel_loop3A_327 : vector<16xi32>
      %parallel_loop3A_329 = vector.bitcast %parallel_loop3A_328 : vector<16xi32> to vector<16xf32>
      %parallel_loop3A_330 = arith.constant -65536 : i32
      %parallel_loop3A_331 = vector.broadcast %parallel_loop3A_330 : i32 to vector<16xi32>
      %parallel_loop3A_332 = arith.andi %parallel_loop3A_318, %parallel_loop3A_331 : vector<16xi32>
      %parallel_loop3A_333 = vector.bitcast %parallel_loop3A_332 : vector<16xi32> to vector<16xf32>
      %parallel_loop3A_334 = arith.constant -65536 : i32
      %parallel_loop3A_335 = vector.broadcast %parallel_loop3A_334 : i32 to vector<16xi32>
      %parallel_loop3A_336 = arith.andi %parallel_loop3A_321, %parallel_loop3A_335 : vector<16xi32>
      %parallel_loop3A_337 = vector.bitcast %parallel_loop3A_336 : vector<16xi32> to vector<16xf32>
      %parallel_loop3A_338 = arith.index_cast %parallel_loop3A_58 : i32 to index
      %parallel_loop3A_339 = arith.constant 96 : index
      %parallel_loop3A_340 = tpu.vector_load %arg15[%parallel_loop3A_338, %parallel_loop3A_339] {strides = array<i32>} : memref<32x768xf32, #tpu.memory_space<vmem>>, vector<16xf32>,
      %parallel_loop3A_341 = arith.mulf %parallel_loop3A_62, %parallel_loop3A_325 : vector<16xf32>
      %parallel_loop3A_342 = arith.addf %parallel_loop3A_340, %parallel_loop3A_341 : vector<16xf32>
      %parallel_loop3A_343 = arith.mulf %parallel_loop3A_63, %parallel_loop3A_329 : vector<16xf32>
      %parallel_loop3A_344 = arith.addf %parallel_loop3A_342, %parallel_loop3A_343 : vector<16xf32>
      %parallel_loop3A_345 = arith.index_cast %parallel_loop3A_58 : i32 to index
      %parallel_loop3A_346 = arith.constant 96 : index
      %parallel_loop3A_347 = tpu.vector_load %arg15[%parallel_loop3A_345, %parallel_loop3A_346] {strides = array<i32>} : memref<32x768xf32, #tpu.memory_space<vmem>>, vector<16xf32>,
      tpu.vector_store %arg15[%parallel_loop3A_345, %parallel_loop3A_346], %parallel_loop3A_344 {strides = array<i32>} : memref<32x768xf32, #tpu.memory_space<vmem>>, vector<16xf32>,
      %parallel_loop3A_348 = arith.index_cast %parallel_loop3A_58 : i32 to index
      %parallel_loop3A_349 = arith.constant 480 : index
      %parallel_loop3A_350 = tpu.vector_load %arg15[%parallel_loop3A_348, %parallel_loop3A_349] {strides = array<i32>} : memref<32x768xf32, #tpu.memory_space<vmem>>, vector<16xf32>,
      %parallel_loop3A_351 = arith.mulf %parallel_loop3A_62, %parallel_loop3A_333 : vector<16xf32>
      %parallel_loop3A_352 = arith.addf %parallel_loop3A_350, %parallel_loop3A_351 : vector<16xf32>
      %parallel_loop3A_353 = arith.mulf %parallel_loop3A_63, %parallel_loop3A_337 : vector<16xf32>
      %parallel_loop3A_354 = arith.addf %parallel_loop3A_352, %parallel_loop3A_353 : vector<16xf32>
      %parallel_loop3A_355 = arith.index_cast %parallel_loop3A_58 : i32 to index
      %parallel_loop3A_356 = arith.constant 480 : index
      %parallel_loop3A_357 = tpu.vector_load %arg15[%parallel_loop3A_355, %parallel_loop3A_356] {strides = array<i32>} : memref<32x768xf32, #tpu.memory_space<vmem>>, vector<16xf32>,
      tpu.vector_store %arg15[%parallel_loop3A_355, %parallel_loop3A_356], %parallel_loop3A_354 {strides = array<i32>} : memref<32x768xf32, #tpu.memory_space<vmem>>, vector<16xf32>,
      %parallel_loop3A_358 = arith.index_cast %parallel_loop3A_58 : i32 to index
      %parallel_loop3A_359 = arith.constant 112 : index
      %parallel_loop3A_360 = tpu.vector_load %arg17[%parallel_loop3A_358, %parallel_loop3A_359] {strides = array<i32>} : memref<32x384xi32, #tpu.memory_space<vmem>>, vector<16xi32>,
      %parallel_loop3A_361 = arith.index_cast %parallel_loop3A_58 : i32 to index
      %parallel_loop3A_362 = arith.constant 112 : index
      %parallel_loop3A_363 = tpu.vector_load %arg19[%parallel_loop3A_361, %parallel_loop3A_362] {strides = array<i32>} : memref<32x384xi32, #tpu.memory_space<vmem>>, vector<16xi32>,
      %parallel_loop3A_364 = arith.constant 16 : i32
      %parallel_loop3A_365 = vector.broadcast %parallel_loop3A_364 : i32 to vector<16xi32>
      %parallel_loop3A_366 = arith.shli %parallel_loop3A_360, %parallel_loop3A_365 : vector<16xi32>
      %parallel_loop3A_367 = vector.bitcast %parallel_loop3A_366 : vector<16xi32> to vector<16xf32>
      %parallel_loop3A_368 = arith.constant 16 : i32
      %parallel_loop3A_369 = vector.broadcast %parallel_loop3A_368 : i32 to vector<16xi32>
      %parallel_loop3A_370 = arith.shli %parallel_loop3A_363, %parallel_loop3A_369 : vector<16xi32>
      %parallel_loop3A_371 = vector.bitcast %parallel_loop3A_370 : vector<16xi32> to vector<16xf32>
      %parallel_loop3A_372 = arith.constant -65536 : i32
      %parallel_loop3A_373 = vector.broadcast %parallel_loop3A_372 : i32 to vector<16xi32>
      %parallel_loop3A_374 = arith.andi %parallel_loop3A_360, %parallel_loop3A_373 : vector<16xi32>
      %parallel_loop3A_375 = vector.bitcast %parallel_loop3A_374 : vector<16xi32> to vector<16xf32>
      %parallel_loop3A_376 = arith.constant -65536 : i32
      %parallel_loop3A_377 = vector.broadcast %parallel_loop3A_376 : i32 to vector<16xi32>
      %parallel_loop3A_378 = arith.andi %parallel_loop3A_363, %parallel_loop3A_377 : vector<16xi32>
      %parallel_loop3A_379 = vector.bitcast %parallel_loop3A_378 : vector<16xi32> to vector<16xf32>
      %parallel_loop3A_380 = arith.index_cast %parallel_loop3A_58 : i32 to index
      %parallel_loop3A_381 = arith.constant 112 : index
      %parallel_loop3A_382 = tpu.vector_load %arg15[%parallel_loop3A_380, %parallel_loop3A_381] {strides = array<i32>} : memref<32x768xf32, #tpu.memory_space<vmem>>, vector<16xf32>,
      %parallel_loop3A_383 = arith.mulf %parallel_loop3A_62, %parallel_loop3A_367 : vector<16xf32>
      %parallel_loop3A_384 = arith.addf %parallel_loop3A_382, %parallel_loop3A_383 : vector<16xf32>
      %parallel_loop3A_385 = arith.mulf %parallel_loop3A_63, %parallel_loop3A_371 : vector<16xf32>
      %parallel_loop3A_386 = arith.addf %parallel_loop3A_384, %parallel_loop3A_385 : vector<16xf32>
      %parallel_loop3A_387 = arith.index_cast %parallel_loop3A_58 : i32 to index
      %parallel_loop3A_388 = arith.constant 112 : index
      %parallel_loop3A_389 = tpu.vector_load %arg15[%parallel_loop3A_387, %parallel_loop3A_388] {strides = array<i32>} : memref<32x768xf32, #tpu.memory_space<vmem>>, vector<16xf32>,
      tpu.vector_store %arg15[%parallel_loop3A_387, %parallel_loop3A_388], %parallel_loop3A_386 {strides = array<i32>} : memref<32x768xf32, #tpu.memory_space<vmem>>, vector<16xf32>,
      %parallel_loop3A_390 = arith.index_cast %parallel_loop3A_58 : i32 to index
      %parallel_loop3A_391 = arith.constant 496 : index
      %parallel_loop3A_392 = tpu.vector_load %arg15[%parallel_loop3A_390, %parallel_loop3A_391] {strides = array<i32>} : memref<32x768xf32, #tpu.memory_space<vmem>>, vector<16xf32>,
      %parallel_loop3A_393 = arith.mulf %parallel_loop3A_62, %parallel_loop3A_375 : vector<16xf32>
      %parallel_loop3A_394 = arith.addf %parallel_loop3A_392, %parallel_loop3A_393 : vector<16xf32>
      %parallel_loop3A_395 = arith.mulf %parallel_loop3A_63, %parallel_loop3A_379 : vector<16xf32>
      %parallel_loop3A_396 = arith.addf %parallel_loop3A_394, %parallel_loop3A_395 : vector<16xf32>
      %parallel_loop3A_397 = arith.index_cast %parallel_loop3A_58 : i32 to index
      %parallel_loop3A_398 = arith.constant 496 : index
      %parallel_loop3A_399 = tpu.vector_load %arg15[%parallel_loop3A_397, %parallel_loop3A_398] {strides = array<i32>} : memref<32x768xf32, #tpu.memory_space<vmem>>, vector<16xf32>,
      tpu.vector_store %arg15[%parallel_loop3A_397, %parallel_loop3A_398], %parallel_loop3A_396 {strides = array<i32>} : memref<32x768xf32, #tpu.memory_space<vmem>>, vector<16xf32>,
      %parallel_loop3A_400 = arith.index_cast %parallel_loop3A_58 : i32 to index
      %parallel_loop3A_401 = arith.constant 128 : index
      %parallel_loop3A_402 = tpu.vector_load %arg17[%parallel_loop3A_400, %parallel_loop3A_401] {strides = array<i32>} : memref<32x384xi32, #tpu.memory_space<vmem>>, vector<16xi32>,
      %parallel_loop3A_403 = arith.index_cast %parallel_loop3A_58 : i32 to index
      %parallel_loop3A_404 = arith.constant 128 : index
      %parallel_loop3A_405 = tpu.vector_load %arg19[%parallel_loop3A_403, %parallel_loop3A_404] {strides = array<i32>} : memref<32x384xi32, #tpu.memory_space<vmem>>, vector<16xi32>,
      %parallel_loop3A_406 = arith.constant 16 : i32
      %parallel_loop3A_407 = vector.broadcast %parallel_loop3A_406 : i32 to vector<16xi32>
      %parallel_loop3A_408 = arith.shli %parallel_loop3A_402, %parallel_loop3A_407 : vector<16xi32>
      %parallel_loop3A_409 = vector.bitcast %parallel_loop3A_408 : vector<16xi32> to vector<16xf32>
      %parallel_loop3A_410 = arith.constant 16 : i32
      %parallel_loop3A_411 = vector.broadcast %parallel_loop3A_410 : i32 to vector<16xi32>
      %parallel_loop3A_412 = arith.shli %parallel_loop3A_405, %parallel_loop3A_411 : vector<16xi32>
      %parallel_loop3A_413 = vector.bitcast %parallel_loop3A_412 : vector<16xi32> to vector<16xf32>
      %parallel_loop3A_414 = arith.constant -65536 : i32
      %parallel_loop3A_415 = vector.broadcast %parallel_loop3A_414 : i32 to vector<16xi32>
      %parallel_loop3A_416 = arith.andi %parallel_loop3A_402, %parallel_loop3A_415 : vector<16xi32>
      %parallel_loop3A_417 = vector.bitcast %parallel_loop3A_416 : vector<16xi32> to vector<16xf32>
      %parallel_loop3A_418 = arith.constant -65536 : i32
      %parallel_loop3A_419 = vector.broadcast %parallel_loop3A_418 : i32 to vector<16xi32>
      %parallel_loop3A_420 = arith.andi %parallel_loop3A_405, %parallel_loop3A_419 : vector<16xi32>
      %parallel_loop3A_421 = vector.bitcast %parallel_loop3A_420 : vector<16xi32> to vector<16xf32>
      %parallel_loop3A_422 = arith.index_cast %parallel_loop3A_58 : i32 to index
      %parallel_loop3A_423 = arith.constant 128 : index
      %parallel_loop3A_424 = tpu.vector_load %arg15[%parallel_loop3A_422, %parallel_loop3A_423] {strides = array<i32>} : memref<32x768xf32, #tpu.memory_space<vmem>>, vector<16xf32>,
      %parallel_loop3A_425 = arith.mulf %parallel_loop3A_62, %parallel_loop3A_409 : vector<16xf32>
      %parallel_loop3A_426 = arith.addf %parallel_loop3A_424, %parallel_loop3A_425 : vector<16xf32>
      %parallel_loop3A_427 = arith.mulf %parallel_loop3A_63, %parallel_loop3A_413 : vector<16xf32>
      %parallel_loop3A_428 = arith.addf %parallel_loop3A_426, %parallel_loop3A_427 : vector<16xf32>
      %parallel_loop3A_429 = arith.index_cast %parallel_loop3A_58 : i32 to index
      %parallel_loop3A_430 = arith.constant 128 : index
      %parallel_loop3A_431 = tpu.vector_load %arg15[%parallel_loop3A_429, %parallel_loop3A_430] {strides = array<i32>} : memref<32x768xf32, #tpu.memory_space<vmem>>, vector<16xf32>,
      tpu.vector_store %arg15[%parallel_loop3A_429, %parallel_loop3A_430], %parallel_loop3A_428 {strides = array<i32>} : memref<32x768xf32, #tpu.memory_space<vmem>>, vector<16xf32>,
      %parallel_loop3A_432 = arith.index_cast %parallel_loop3A_58 : i32 to index
      %parallel_loop3A_433 = arith.constant 512 : index
      %parallel_loop3A_434 = tpu.vector_load %arg15[%parallel_loop3A_432, %parallel_loop3A_433] {strides = array<i32>} : memref<32x768xf32, #tpu.memory_space<vmem>>, vector<16xf32>,
      %parallel_loop3A_435 = arith.mulf %parallel_loop3A_62, %parallel_loop3A_417 : vector<16xf32>
      %parallel_loop3A_436 = arith.addf %parallel_loop3A_434, %parallel_loop3A_435 : vector<16xf32>
      %parallel_loop3A_437 = arith.mulf %parallel_loop3A_63, %parallel_loop3A_421 : vector<16xf32>
      %parallel_loop3A_438 = arith.addf %parallel_loop3A_436, %parallel_loop3A_437 : vector<16xf32>
      %parallel_loop3A_439 = arith.index_cast %parallel_loop3A_58 : i32 to index
      %parallel_loop3A_440 = arith.constant 512 : index
      %parallel_loop3A_441 = tpu.vector_load %arg15[%parallel_loop3A_439, %parallel_loop3A_440] {strides = array<i32>} : memref<32x768xf32, #tpu.memory_space<vmem>>, vector<16xf32>,
      tpu.vector_store %arg15[%parallel_loop3A_439, %parallel_loop3A_440], %parallel_loop3A_438 {strides = array<i32>} : memref<32x768xf32, #tpu.memory_space<vmem>>, vector<16xf32>,
      %parallel_loop3A_442 = arith.index_cast %parallel_loop3A_58 : i32 to index
      %parallel_loop3A_443 = arith.constant 144 : index
      %parallel_loop3A_444 = tpu.vector_load %arg17[%parallel_loop3A_442, %parallel_loop3A_443] {strides = array<i32>} : memref<32x384xi32, #tpu.memory_space<vmem>>, vector<16xi32>,
      %parallel_loop3A_445 = arith.index_cast %parallel_loop3A_58 : i32 to index
      %parallel_loop3A_446 = arith.constant 144 : index
      %parallel_loop3A_447 = tpu.vector_load %arg19[%parallel_loop3A_445, %parallel_loop3A_446] {strides = array<i32>} : memref<32x384xi32, #tpu.memory_space<vmem>>, vector<16xi32>,
      %parallel_loop3A_448 = arith.constant 16 : i32
      %parallel_loop3A_449 = vector.broadcast %parallel_loop3A_448 : i32 to vector<16xi32>
      %parallel_loop3A_450 = arith.shli %parallel_loop3A_444, %parallel_loop3A_449 : vector<16xi32>
      %parallel_loop3A_451 = vector.bitcast %parallel_loop3A_450 : vector<16xi32> to vector<16xf32>
      %parallel_loop3A_452 = arith.constant 16 : i32
      %parallel_loop3A_453 = vector.broadcast %parallel_loop3A_452 : i32 to vector<16xi32>
      %parallel_loop3A_454 = arith.shli %parallel_loop3A_447, %parallel_loop3A_453 : vector<16xi32>
      %parallel_loop3A_455 = vector.bitcast %parallel_loop3A_454 : vector<16xi32> to vector<16xf32>
      %parallel_loop3A_456 = arith.constant -65536 : i32
      %parallel_loop3A_457 = vector.broadcast %parallel_loop3A_456 : i32 to vector<16xi32>
      %parallel_loop3A_458 = arith.andi %parallel_loop3A_444, %parallel_loop3A_457 : vector<16xi32>
      %parallel_loop3A_459 = vector.bitcast %parallel_loop3A_458 : vector<16xi32> to vector<16xf32>
      %parallel_loop3A_460 = arith.constant -65536 : i32
      %parallel_loop3A_461 = vector.broadcast %parallel_loop3A_460 : i32 to vector<16xi32>
      %parallel_loop3A_462 = arith.andi %parallel_loop3A_447, %parallel_loop3A_461 : vector<16xi32>
      %parallel_loop3A_463 = vector.bitcast %parallel_loop3A_462 : vector<16xi32> to vector<16xf32>
      %parallel_loop3A_464 = arith.index_cast %parallel_loop3A_58 : i32 to index
      %parallel_loop3A_465 = arith.constant 144 : index
      %parallel_loop3A_466 = tpu.vector_load %arg15[%parallel_loop3A_464, %parallel_loop3A_465] {strides = array<i32>} : memref<32x768xf32, #tpu.memory_space<vmem>>, vector<16xf32>,
      %parallel_loop3A_467 = arith.mulf %parallel_loop3A_62, %parallel_loop3A_451 : vector<16xf32>
      %parallel_loop3A_468 = arith.addf %parallel_loop3A_466, %parallel_loop3A_467 : vector<16xf32>
      %parallel_loop3A_469 = arith.mulf %parallel_loop3A_63, %parallel_loop3A_455 : vector<16xf32>
      %parallel_loop3A_470 = arith.addf %parallel_loop3A_468, %parallel_loop3A_469 : vector<16xf32>
      %parallel_loop3A_471 = arith.index_cast %parallel_loop3A_58 : i32 to index
      %parallel_loop3A_472 = arith.constant 144 : index
      %parallel_loop3A_473 = tpu.vector_load %arg15[%parallel_loop3A_471, %parallel_loop3A_472] {strides = array<i32>} : memref<32x768xf32, #tpu.memory_space<vmem>>, vector<16xf32>,
      tpu.vector_store %arg15[%parallel_loop3A_471, %parallel_loop3A_472], %parallel_loop3A_470 {strides = array<i32>} : memref<32x768xf32, #tpu.memory_space<vmem>>, vector<16xf32>,
      %parallel_loop3A_474 = arith.index_cast %parallel_loop3A_58 : i32 to index
      %parallel_loop3A_475 = arith.constant 528 : index
      %parallel_loop3A_476 = tpu.vector_load %arg15[%parallel_loop3A_474, %parallel_loop3A_475] {strides = array<i32>} : memref<32x768xf32, #tpu.memory_space<vmem>>, vector<16xf32>,
      %parallel_loop3A_477 = arith.mulf %parallel_loop3A_62, %parallel_loop3A_459 : vector<16xf32>
      %parallel_loop3A_478 = arith.addf %parallel_loop3A_476, %parallel_loop3A_477 : vector<16xf32>
      %parallel_loop3A_479 = arith.mulf %parallel_loop3A_63, %parallel_loop3A_463 : vector<16xf32>
      %parallel_loop3A_480 = arith.addf %parallel_loop3A_478, %parallel_loop3A_479 : vector<16xf32>
      %parallel_loop3A_481 = arith.index_cast %parallel_loop3A_58 : i32 to index
      %parallel_loop3A_482 = arith.constant 528 : index
      %parallel_loop3A_483 = tpu.vector_load %arg15[%parallel_loop3A_481, %parallel_loop3A_482] {strides = array<i32>} : memref<32x768xf32, #tpu.memory_space<vmem>>, vector<16xf32>,
      tpu.vector_store %arg15[%parallel_loop3A_481, %parallel_loop3A_482], %parallel_loop3A_480 {strides = array<i32>} : memref<32x768xf32, #tpu.memory_space<vmem>>, vector<16xf32>,
      %parallel_loop3A_484 = arith.index_cast %parallel_loop3A_58 : i32 to index
      %parallel_loop3A_485 = arith.constant 160 : index
      %parallel_loop3A_486 = tpu.vector_load %arg17[%parallel_loop3A_484, %parallel_loop3A_485] {strides = array<i32>} : memref<32x384xi32, #tpu.memory_space<vmem>>, vector<16xi32>,
      %parallel_loop3A_487 = arith.index_cast %parallel_loop3A_58 : i32 to index
      %parallel_loop3A_488 = arith.constant 160 : index
      %parallel_loop3A_489 = tpu.vector_load %arg19[%parallel_loop3A_487, %parallel_loop3A_488] {strides = array<i32>} : memref<32x384xi32, #tpu.memory_space<vmem>>, vector<16xi32>,
      %parallel_loop3A_490 = arith.constant 16 : i32
      %parallel_loop3A_491 = vector.broadcast %parallel_loop3A_490 : i32 to vector<16xi32>
      %parallel_loop3A_492 = arith.shli %parallel_loop3A_486, %parallel_loop3A_491 : vector<16xi32>
      %parallel_loop3A_493 = vector.bitcast %parallel_loop3A_492 : vector<16xi32> to vector<16xf32>
      %parallel_loop3A_494 = arith.constant 16 : i32
      %parallel_loop3A_495 = vector.broadcast %parallel_loop3A_494 : i32 to vector<16xi32>
      %parallel_loop3A_496 = arith.shli %parallel_loop3A_489, %parallel_loop3A_495 : vector<16xi32>
      %parallel_loop3A_497 = vector.bitcast %parallel_loop3A_496 : vector<16xi32> to vector<16xf32>
      %parallel_loop3A_498 = arith.constant -65536 : i32
      %parallel_loop3A_499 = vector.broadcast %parallel_loop3A_498 : i32 to vector<16xi32>
      %parallel_loop3A_500 = arith.andi %parallel_loop3A_486, %parallel_loop3A_499 : vector<16xi32>
      %parallel_loop3A_501 = vector.bitcast %parallel_loop3A_500 : vector<16xi32> to vector<16xf32>
      %parallel_loop3A_502 = arith.constant -65536 : i32
      %parallel_loop3A_503 = vector.broadcast %parallel_loop3A_502 : i32 to vector<16xi32>
      %parallel_loop3A_504 = arith.andi %parallel_loop3A_489, %parallel_loop3A_503 : vector<16xi32>
      %parallel_loop3A_505 = vector.bitcast %parallel_loop3A_504 : vector<16xi32> to vector<16xf32>
      %parallel_loop3A_506 = arith.index_cast %parallel_loop3A_58 : i32 to index
      %parallel_loop3A_507 = arith.constant 160 : index
      %parallel_loop3A_508 = tpu.vector_load %arg15[%parallel_loop3A_506, %parallel_loop3A_507] {strides = array<i32>} : memref<32x768xf32, #tpu.memory_space<vmem>>, vector<16xf32>,
      %parallel_loop3A_509 = arith.mulf %parallel_loop3A_62, %parallel_loop3A_493 : vector<16xf32>
      %parallel_loop3A_510 = arith.addf %parallel_loop3A_508, %parallel_loop3A_509 : vector<16xf32>
      %parallel_loop3A_511 = arith.mulf %parallel_loop3A_63, %parallel_loop3A_497 : vector<16xf32>
      %parallel_loop3A_512 = arith.addf %parallel_loop3A_510, %parallel_loop3A_511 : vector<16xf32>
      %parallel_loop3A_513 = arith.index_cast %parallel_loop3A_58 : i32 to index
      %parallel_loop3A_514 = arith.constant 160 : index
      %parallel_loop3A_515 = tpu.vector_load %arg15[%parallel_loop3A_513, %parallel_loop3A_514] {strides = array<i32>} : memref<32x768xf32, #tpu.memory_space<vmem>>, vector<16xf32>,
      tpu.vector_store %arg15[%parallel_loop3A_513, %parallel_loop3A_514], %parallel_loop3A_512 {strides = array<i32>} : memref<32x768xf32, #tpu.memory_space<vmem>>, vector<16xf32>,
      %parallel_loop3A_516 = arith.index_cast %parallel_loop3A_58 : i32 to index
      %parallel_loop3A_517 = arith.constant 544 : index
      %parallel_loop3A_518 = tpu.vector_load %arg15[%parallel_loop3A_516, %parallel_loop3A_517] {strides = array<i32>} : memref<32x768xf32, #tpu.memory_space<vmem>>, vector<16xf32>,
      %parallel_loop3A_519 = arith.mulf %parallel_loop3A_62, %parallel_loop3A_501 : vector<16xf32>
      %parallel_loop3A_520 = arith.addf %parallel_loop3A_518, %parallel_loop3A_519 : vector<16xf32>
      %parallel_loop3A_521 = arith.mulf %parallel_loop3A_63, %parallel_loop3A_505 : vector<16xf32>
      %parallel_loop3A_522 = arith.addf %parallel_loop3A_520, %parallel_loop3A_521 : vector<16xf32>
      %parallel_loop3A_523 = arith.index_cast %parallel_loop3A_58 : i32 to index
      %parallel_loop3A_524 = arith.constant 544 : index
      %parallel_loop3A_525 = tpu.vector_load %arg15[%parallel_loop3A_523, %parallel_loop3A_524] {strides = array<i32>} : memref<32x768xf32, #tpu.memory_space<vmem>>, vector<16xf32>,
      tpu.vector_store %arg15[%parallel_loop3A_523, %parallel_loop3A_524], %parallel_loop3A_522 {strides = array<i32>} : memref<32x768xf32, #tpu.memory_space<vmem>>, vector<16xf32>,
      %parallel_loop3A_526 = arith.index_cast %parallel_loop3A_58 : i32 to index
      %parallel_loop3A_527 = arith.constant 176 : index
      %parallel_loop3A_528 = tpu.vector_load %arg17[%parallel_loop3A_526, %parallel_loop3A_527] {strides = array<i32>} : memref<32x384xi32, #tpu.memory_space<vmem>>, vector<16xi32>,
      %parallel_loop3A_529 = arith.index_cast %parallel_loop3A_58 : i32 to index
      %parallel_loop3A_530 = arith.constant 176 : index
      %parallel_loop3A_531 = tpu.vector_load %arg19[%parallel_loop3A_529, %parallel_loop3A_530] {strides = array<i32>} : memref<32x384xi32, #tpu.memory_space<vmem>>, vector<16xi32>,
      %parallel_loop3A_532 = arith.constant 16 : i32
      %parallel_loop3A_533 = vector.broadcast %parallel_loop3A_532 : i32 to vector<16xi32>
      %parallel_loop3A_534 = arith.shli %parallel_loop3A_528, %parallel_loop3A_533 : vector<16xi32>
      %parallel_loop3A_535 = vector.bitcast %parallel_loop3A_534 : vector<16xi32> to vector<16xf32>
      %parallel_loop3A_536 = arith.constant 16 : i32
      %parallel_loop3A_537 = vector.broadcast %parallel_loop3A_536 : i32 to vector<16xi32>
      %parallel_loop3A_538 = arith.shli %parallel_loop3A_531, %parallel_loop3A_537 : vector<16xi32>
      %parallel_loop3A_539 = vector.bitcast %parallel_loop3A_538 : vector<16xi32> to vector<16xf32>
      %parallel_loop3A_540 = arith.constant -65536 : i32
      %parallel_loop3A_541 = vector.broadcast %parallel_loop3A_540 : i32 to vector<16xi32>
      %parallel_loop3A_542 = arith.andi %parallel_loop3A_528, %parallel_loop3A_541 : vector<16xi32>
      %parallel_loop3A_543 = vector.bitcast %parallel_loop3A_542 : vector<16xi32> to vector<16xf32>
      %parallel_loop3A_544 = arith.constant -65536 : i32
      %parallel_loop3A_545 = vector.broadcast %parallel_loop3A_544 : i32 to vector<16xi32>
      %parallel_loop3A_546 = arith.andi %parallel_loop3A_531, %parallel_loop3A_545 : vector<16xi32>
      %parallel_loop3A_547 = vector.bitcast %parallel_loop3A_546 : vector<16xi32> to vector<16xf32>
      %parallel_loop3A_548 = arith.index_cast %parallel_loop3A_58 : i32 to index
      %parallel_loop3A_549 = arith.constant 176 : index
      %parallel_loop3A_550 = tpu.vector_load %arg15[%parallel_loop3A_548, %parallel_loop3A_549] {strides = array<i32>} : memref<32x768xf32, #tpu.memory_space<vmem>>, vector<16xf32>,
      %parallel_loop3A_551 = arith.mulf %parallel_loop3A_62, %parallel_loop3A_535 : vector<16xf32>
      %parallel_loop3A_552 = arith.addf %parallel_loop3A_550, %parallel_loop3A_551 : vector<16xf32>
      %parallel_loop3A_553 = arith.mulf %parallel_loop3A_63, %parallel_loop3A_539 : vector<16xf32>
      %parallel_loop3A_554 = arith.addf %parallel_loop3A_552, %parallel_loop3A_553 : vector<16xf32>
      %parallel_loop3A_555 = arith.index_cast %parallel_loop3A_58 : i32 to index
      %parallel_loop3A_556 = arith.constant 176 : index
      %parallel_loop3A_557 = tpu.vector_load %arg15[%parallel_loop3A_555, %parallel_loop3A_556] {strides = array<i32>} : memref<32x768xf32, #tpu.memory_space<vmem>>, vector<16xf32>,
      tpu.vector_store %arg15[%parallel_loop3A_555, %parallel_loop3A_556], %parallel_loop3A_554 {strides = array<i32>} : memref<32x768xf32, #tpu.memory_space<vmem>>, vector<16xf32>,
      %parallel_loop3A_558 = arith.index_cast %parallel_loop3A_58 : i32 to index
      %parallel_loop3A_559 = arith.constant 560 : index
      %parallel_loop3A_560 = tpu.vector_load %arg15[%parallel_loop3A_558, %parallel_loop3A_559] {strides = array<i32>} : memref<32x768xf32, #tpu.memory_space<vmem>>, vector<16xf32>,
      %parallel_loop3A_561 = arith.mulf %parallel_loop3A_62, %parallel_loop3A_543 : vector<16xf32>
      %parallel_loop3A_562 = arith.addf %parallel_loop3A_560, %parallel_loop3A_561 : vector<16xf32>
      %parallel_loop3A_563 = arith.mulf %parallel_loop3A_63, %parallel_loop3A_547 : vector<16xf32>
      %parallel_loop3A_564 = arith.addf %parallel_loop3A_562, %parallel_loop3A_563 : vector<16xf32>
      %parallel_loop3A_565 = arith.index_cast %parallel_loop3A_58 : i32 to index
      %parallel_loop3A_566 = arith.constant 560 : index
      %parallel_loop3A_567 = tpu.vector_load %arg15[%parallel_loop3A_565, %parallel_loop3A_566] {strides = array<i32>} : memref<32x768xf32, #tpu.memory_space<vmem>>, vector<16xf32>,
      tpu.vector_store %arg15[%parallel_loop3A_565, %parallel_loop3A_566], %parallel_loop3A_564 {strides = array<i32>} : memref<32x768xf32, #tpu.memory_space<vmem>>, vector<16xf32>,
      %parallel_loop3A_568 = arith.index_cast %parallel_loop3A_58 : i32 to index
      %parallel_loop3A_569 = arith.constant 192 : index
      %parallel_loop3A_570 = tpu.vector_load %arg17[%parallel_loop3A_568, %parallel_loop3A_569] {strides = array<i32>} : memref<32x384xi32, #tpu.memory_space<vmem>>, vector<16xi32>,
      %parallel_loop3A_571 = arith.index_cast %parallel_loop3A_58 : i32 to index
      %parallel_loop3A_572 = arith.constant 192 : index
      %parallel_loop3A_573 = tpu.vector_load %arg19[%parallel_loop3A_571, %parallel_loop3A_572] {strides = array<i32>} : memref<32x384xi32, #tpu.memory_space<vmem>>, vector<16xi32>,
      %parallel_loop3A_574 = arith.constant 16 : i32
      %parallel_loop3A_575 = vector.broadcast %parallel_loop3A_574 : i32 to vector<16xi32>
      %parallel_loop3A_576 = arith.shli %parallel_loop3A_570, %parallel_loop3A_575 : vector<16xi32>
      %parallel_loop3A_577 = vector.bitcast %parallel_loop3A_576 : vector<16xi32> to vector<16xf32>
      %parallel_loop3A_578 = arith.constant 16 : i32
      %parallel_loop3A_579 = vector.broadcast %parallel_loop3A_578 : i32 to vector<16xi32>
      %parallel_loop3A_580 = arith.shli %parallel_loop3A_573, %parallel_loop3A_579 : vector<16xi32>
      %parallel_loop3A_581 = vector.bitcast %parallel_loop3A_580 : vector<16xi32> to vector<16xf32>
      %parallel_loop3A_582 = arith.constant -65536 : i32
      %parallel_loop3A_583 = vector.broadcast %parallel_loop3A_582 : i32 to vector<16xi32>
      %parallel_loop3A_584 = arith.andi %parallel_loop3A_570, %parallel_loop3A_583 : vector<16xi32>
      %parallel_loop3A_585 = vector.bitcast %parallel_loop3A_584 : vector<16xi32> to vector<16xf32>
      %parallel_loop3A_586 = arith.constant -65536 : i32
      %parallel_loop3A_587 = vector.broadcast %parallel_loop3A_586 : i32 to vector<16xi32>
      %parallel_loop3A_588 = arith.andi %parallel_loop3A_573, %parallel_loop3A_587 : vector<16xi32>
      %parallel_loop3A_589 = vector.bitcast %parallel_loop3A_588 : vector<16xi32> to vector<16xf32>
      %parallel_loop3A_590 = arith.index_cast %parallel_loop3A_58 : i32 to index
      %parallel_loop3A_591 = arith.constant 192 : index
      %parallel_loop3A_592 = tpu.vector_load %arg15[%parallel_loop3A_590, %parallel_loop3A_591] {strides = array<i32>} : memref<32x768xf32, #tpu.memory_space<vmem>>, vector<16xf32>,
      %parallel_loop3A_593 = arith.mulf %parallel_loop3A_62, %parallel_loop3A_577 : vector<16xf32>
      %parallel_loop3A_594 = arith.addf %parallel_loop3A_592, %parallel_loop3A_593 : vector<16xf32>
      %parallel_loop3A_595 = arith.mulf %parallel_loop3A_63, %parallel_loop3A_581 : vector<16xf32>
      %parallel_loop3A_596 = arith.addf %parallel_loop3A_594, %parallel_loop3A_595 : vector<16xf32>
      %parallel_loop3A_597 = arith.index_cast %parallel_loop3A_58 : i32 to index
      %parallel_loop3A_598 = arith.constant 192 : index
      %parallel_loop3A_599 = tpu.vector_load %arg15[%parallel_loop3A_597, %parallel_loop3A_598] {strides = array<i32>} : memref<32x768xf32, #tpu.memory_space<vmem>>, vector<16xf32>,
      tpu.vector_store %arg15[%parallel_loop3A_597, %parallel_loop3A_598], %parallel_loop3A_596 {strides = array<i32>} : memref<32x768xf32, #tpu.memory_space<vmem>>, vector<16xf32>,
      %parallel_loop3A_600 = arith.index_cast %parallel_loop3A_58 : i32 to index
      %parallel_loop3A_601 = arith.constant 576 : index
      %parallel_loop3A_602 = tpu.vector_load %arg15[%parallel_loop3A_600, %parallel_loop3A_601] {strides = array<i32>} : memref<32x768xf32, #tpu.memory_space<vmem>>, vector<16xf32>,
      %parallel_loop3A_603 = arith.mulf %parallel_loop3A_62, %parallel_loop3A_585 : vector<16xf32>
      %parallel_loop3A_604 = arith.addf %parallel_loop3A_602, %parallel_loop3A_603 : vector<16xf32>
      %parallel_loop3A_605 = arith.mulf %parallel_loop3A_63, %parallel_loop3A_589 : vector<16xf32>
      %parallel_loop3A_606 = arith.addf %parallel_loop3A_604, %parallel_loop3A_605 : vector<16xf32>
      %parallel_loop3A_607 = arith.index_cast %parallel_loop3A_58 : i32 to index
      %parallel_loop3A_608 = arith.constant 576 : index
      %parallel_loop3A_609 = tpu.vector_load %arg15[%parallel_loop3A_607, %parallel_loop3A_608] {strides = array<i32>} : memref<32x768xf32, #tpu.memory_space<vmem>>, vector<16xf32>,
      tpu.vector_store %arg15[%parallel_loop3A_607, %parallel_loop3A_608], %parallel_loop3A_606 {strides = array<i32>} : memref<32x768xf32, #tpu.memory_space<vmem>>, vector<16xf32>,
      %parallel_loop3A_610 = arith.index_cast %parallel_loop3A_58 : i32 to index
      %parallel_loop3A_611 = arith.constant 208 : index
      %parallel_loop3A_612 = tpu.vector_load %arg17[%parallel_loop3A_610, %parallel_loop3A_611] {strides = array<i32>} : memref<32x384xi32, #tpu.memory_space<vmem>>, vector<16xi32>,
      %parallel_loop3A_613 = arith.index_cast %parallel_loop3A_58 : i32 to index
      %parallel_loop3A_614 = arith.constant 208 : index
      %parallel_loop3A_615 = tpu.vector_load %arg19[%parallel_loop3A_613, %parallel_loop3A_614] {strides = array<i32>} : memref<32x384xi32, #tpu.memory_space<vmem>>, vector<16xi32>,
      %parallel_loop3A_616 = arith.constant 16 : i32
      %parallel_loop3A_617 = vector.broadcast %parallel_loop3A_616 : i32 to vector<16xi32>
      %parallel_loop3A_618 = arith.shli %parallel_loop3A_612, %parallel_loop3A_617 : vector<16xi32>
      %parallel_loop3A_619 = vector.bitcast %parallel_loop3A_618 : vector<16xi32> to vector<16xf32>
      %parallel_loop3A_620 = arith.constant 16 : i32
      %parallel_loop3A_621 = vector.broadcast %parallel_loop3A_620 : i32 to vector<16xi32>
      %parallel_loop3A_622 = arith.shli %parallel_loop3A_615, %parallel_loop3A_621 : vector<16xi32>
      %parallel_loop3A_623 = vector.bitcast %parallel_loop3A_622 : vector<16xi32> to vector<16xf32>
      %parallel_loop3A_624 = arith.constant -65536 : i32
      %parallel_loop3A_625 = vector.broadcast %parallel_loop3A_624 : i32 to vector<16xi32>
      %parallel_loop3A_626 = arith.andi %parallel_loop3A_612, %parallel_loop3A_625 : vector<16xi32>
      %parallel_loop3A_627 = vector.bitcast %parallel_loop3A_626 : vector<16xi32> to vector<16xf32>
      %parallel_loop3A_628 = arith.constant -65536 : i32
      %parallel_loop3A_629 = vector.broadcast %parallel_loop3A_628 : i32 to vector<16xi32>
      %parallel_loop3A_630 = arith.andi %parallel_loop3A_615, %parallel_loop3A_629 : vector<16xi32>
      %parallel_loop3A_631 = vector.bitcast %parallel_loop3A_630 : vector<16xi32> to vector<16xf32>
      %parallel_loop3A_632 = arith.index_cast %parallel_loop3A_58 : i32 to index
      %parallel_loop3A_633 = arith.constant 208 : index
      %parallel_loop3A_634 = tpu.vector_load %arg15[%parallel_loop3A_632, %parallel_loop3A_633] {strides = array<i32>} : memref<32x768xf32, #tpu.memory_space<vmem>>, vector<16xf32>,
      %parallel_loop3A_635 = arith.mulf %parallel_loop3A_62, %parallel_loop3A_619 : vector<16xf32>
      %parallel_loop3A_636 = arith.addf %parallel_loop3A_634, %parallel_loop3A_635 : vector<16xf32>
      %parallel_loop3A_637 = arith.mulf %parallel_loop3A_63, %parallel_loop3A_623 : vector<16xf32>
      %parallel_loop3A_638 = arith.addf %parallel_loop3A_636, %parallel_loop3A_637 : vector<16xf32>
      %parallel_loop3A_639 = arith.index_cast %parallel_loop3A_58 : i32 to index
      %parallel_loop3A_640 = arith.constant 208 : index
      %parallel_loop3A_641 = tpu.vector_load %arg15[%parallel_loop3A_639, %parallel_loop3A_640] {strides = array<i32>} : memref<32x768xf32, #tpu.memory_space<vmem>>, vector<16xf32>,
      tpu.vector_store %arg15[%parallel_loop3A_639, %parallel_loop3A_640], %parallel_loop3A_638 {strides = array<i32>} : memref<32x768xf32, #tpu.memory_space<vmem>>, vector<16xf32>,
      %parallel_loop3A_642 = arith.index_cast %parallel_loop3A_58 : i32 to index
      %parallel_loop3A_643 = arith.constant 592 : index
      %parallel_loop3A_644 = tpu.vector_load %arg15[%parallel_loop3A_642, %parallel_loop3A_643] {strides = array<i32>} : memref<32x768xf32, #tpu.memory_space<vmem>>, vector<16xf32>,
      %parallel_loop3A_645 = arith.mulf %parallel_loop3A_62, %parallel_loop3A_627 : vector<16xf32>
      %parallel_loop3A_646 = arith.addf %parallel_loop3A_644, %parallel_loop3A_645 : vector<16xf32>
      %parallel_loop3A_647 = arith.mulf %parallel_loop3A_63, %parallel_loop3A_631 : vector<16xf32>
      %parallel_loop3A_648 = arith.addf %parallel_loop3A_646, %parallel_loop3A_647 : vector<16xf32>
      %parallel_loop3A_649 = arith.index_cast %parallel_loop3A_58 : i32 to index
      %parallel_loop3A_650 = arith.constant 592 : index
      %parallel_loop3A_651 = tpu.vector_load %arg15[%parallel_loop3A_649, %parallel_loop3A_650] {strides = array<i32>} : memref<32x768xf32, #tpu.memory_space<vmem>>, vector<16xf32>,
      tpu.vector_store %arg15[%parallel_loop3A_649, %parallel_loop3A_650], %parallel_loop3A_648 {strides = array<i32>} : memref<32x768xf32, #tpu.memory_space<vmem>>, vector<16xf32>,
      %parallel_loop3A_652 = arith.index_cast %parallel_loop3A_58 : i32 to index
      %parallel_loop3A_653 = arith.constant 224 : index
      %parallel_loop3A_654 = tpu.vector_load %arg17[%parallel_loop3A_652, %parallel_loop3A_653] {strides = array<i32>} : memref<32x384xi32, #tpu.memory_space<vmem>>, vector<16xi32>,
      %parallel_loop3A_655 = arith.index_cast %parallel_loop3A_58 : i32 to index
      %parallel_loop3A_656 = arith.constant 224 : index
      %parallel_loop3A_657 = tpu.vector_load %arg19[%parallel_loop3A_655, %parallel_loop3A_656] {strides = array<i32>} : memref<32x384xi32, #tpu.memory_space<vmem>>, vector<16xi32>,
      %parallel_loop3A_658 = arith.constant 16 : i32
      %parallel_loop3A_659 = vector.broadcast %parallel_loop3A_658 : i32 to vector<16xi32>
      %parallel_loop3A_660 = arith.shli %parallel_loop3A_654, %parallel_loop3A_659 : vector<16xi32>
      %parallel_loop3A_661 = vector.bitcast %parallel_loop3A_660 : vector<16xi32> to vector<16xf32>
      %parallel_loop3A_662 = arith.constant 16 : i32
      %parallel_loop3A_663 = vector.broadcast %parallel_loop3A_662 : i32 to vector<16xi32>
      %parallel_loop3A_664 = arith.shli %parallel_loop3A_657, %parallel_loop3A_663 : vector<16xi32>
      %parallel_loop3A_665 = vector.bitcast %parallel_loop3A_664 : vector<16xi32> to vector<16xf32>
      %parallel_loop3A_666 = arith.constant -65536 : i32
      %parallel_loop3A_667 = vector.broadcast %parallel_loop3A_666 : i32 to vector<16xi32>
      %parallel_loop3A_668 = arith.andi %parallel_loop3A_654, %parallel_loop3A_667 : vector<16xi32>
      %parallel_loop3A_669 = vector.bitcast %parallel_loop3A_668 : vector<16xi32> to vector<16xf32>
      %parallel_loop3A_670 = arith.constant -65536 : i32
      %parallel_loop3A_671 = vector.broadcast %parallel_loop3A_670 : i32 to vector<16xi32>
      %parallel_loop3A_672 = arith.andi %parallel_loop3A_657, %parallel_loop3A_671 : vector<16xi32>
      %parallel_loop3A_673 = vector.bitcast %parallel_loop3A_672 : vector<16xi32> to vector<16xf32>
      %parallel_loop3A_674 = arith.index_cast %parallel_loop3A_58 : i32 to index
      %parallel_loop3A_675 = arith.constant 224 : index
      %parallel_loop3A_676 = tpu.vector_load %arg15[%parallel_loop3A_674, %parallel_loop3A_675] {strides = array<i32>} : memref<32x768xf32, #tpu.memory_space<vmem>>, vector<16xf32>,
      %parallel_loop3A_677 = arith.mulf %parallel_loop3A_62, %parallel_loop3A_661 : vector<16xf32>
      %parallel_loop3A_678 = arith.addf %parallel_loop3A_676, %parallel_loop3A_677 : vector<16xf32>
      %parallel_loop3A_679 = arith.mulf %parallel_loop3A_63, %parallel_loop3A_665 : vector<16xf32>
      %parallel_loop3A_680 = arith.addf %parallel_loop3A_678, %parallel_loop3A_679 : vector<16xf32>
      %parallel_loop3A_681 = arith.index_cast %parallel_loop3A_58 : i32 to index
      %parallel_loop3A_682 = arith.constant 224 : index
      %parallel_loop3A_683 = tpu.vector_load %arg15[%parallel_loop3A_681, %parallel_loop3A_682] {strides = array<i32>} : memref<32x768xf32, #tpu.memory_space<vmem>>, vector<16xf32>,
      tpu.vector_store %arg15[%parallel_loop3A_681, %parallel_loop3A_682], %parallel_loop3A_680 {strides = array<i32>} : memref<32x768xf32, #tpu.memory_space<vmem>>, vector<16xf32>,
      %parallel_loop3A_684 = arith.index_cast %parallel_loop3A_58 : i32 to index
      %parallel_loop3A_685 = arith.constant 608 : index
      %parallel_loop3A_686 = tpu.vector_load %arg15[%parallel_loop3A_684, %parallel_loop3A_685] {strides = array<i32>} : memref<32x768xf32, #tpu.memory_space<vmem>>, vector<16xf32>,
      %parallel_loop3A_687 = arith.mulf %parallel_loop3A_62, %parallel_loop3A_669 : vector<16xf32>
      %parallel_loop3A_688 = arith.addf %parallel_loop3A_686, %parallel_loop3A_687 : vector<16xf32>
      %parallel_loop3A_689 = arith.mulf %parallel_loop3A_63, %parallel_loop3A_673 : vector<16xf32>
      %parallel_loop3A_690 = arith.addf %parallel_loop3A_688, %parallel_loop3A_689 : vector<16xf32>
      %parallel_loop3A_691 = arith.index_cast %parallel_loop3A_58 : i32 to index
      %parallel_loop3A_692 = arith.constant 608 : index
      %parallel_loop3A_693 = tpu.vector_load %arg15[%parallel_loop3A_691, %parallel_loop3A_692] {strides = array<i32>} : memref<32x768xf32, #tpu.memory_space<vmem>>, vector<16xf32>,
      tpu.vector_store %arg15[%parallel_loop3A_691, %parallel_loop3A_692], %parallel_loop3A_690 {strides = array<i32>} : memref<32x768xf32, #tpu.memory_space<vmem>>, vector<16xf32>,
      %parallel_loop3A_694 = arith.index_cast %parallel_loop3A_58 : i32 to index
      %parallel_loop3A_695 = arith.constant 240 : index
      %parallel_loop3A_696 = tpu.vector_load %arg17[%parallel_loop3A_694, %parallel_loop3A_695] {strides = array<i32>} : memref<32x384xi32, #tpu.memory_space<vmem>>, vector<16xi32>,
      %parallel_loop3A_697 = arith.index_cast %parallel_loop3A_58 : i32 to index
      %parallel_loop3A_698 = arith.constant 240 : index
      %parallel_loop3A_699 = tpu.vector_load %arg19[%parallel_loop3A_697, %parallel_loop3A_698] {strides = array<i32>} : memref<32x384xi32, #tpu.memory_space<vmem>>, vector<16xi32>,
      %parallel_loop3A_700 = arith.constant 16 : i32
      %parallel_loop3A_701 = vector.broadcast %parallel_loop3A_700 : i32 to vector<16xi32>
      %parallel_loop3A_702 = arith.shli %parallel_loop3A_696, %parallel_loop3A_701 : vector<16xi32>
      %parallel_loop3A_703 = vector.bitcast %parallel_loop3A_702 : vector<16xi32> to vector<16xf32>
      %parallel_loop3A_704 = arith.constant 16 : i32
      %parallel_loop3A_705 = vector.broadcast %parallel_loop3A_704 : i32 to vector<16xi32>
      %parallel_loop3A_706 = arith.shli %parallel_loop3A_699, %parallel_loop3A_705 : vector<16xi32>
      %parallel_loop3A_707 = vector.bitcast %parallel_loop3A_706 : vector<16xi32> to vector<16xf32>
      %parallel_loop3A_708 = arith.constant -65536 : i32
      %parallel_loop3A_709 = vector.broadcast %parallel_loop3A_708 : i32 to vector<16xi32>
      %parallel_loop3A_710 = arith.andi %parallel_loop3A_696, %parallel_loop3A_709 : vector<16xi32>
      %parallel_loop3A_711 = vector.bitcast %parallel_loop3A_710 : vector<16xi32> to vector<16xf32>
      %parallel_loop3A_712 = arith.constant -65536 : i32
      %parallel_loop3A_713 = vector.broadcast %parallel_loop3A_712 : i32 to vector<16xi32>
      %parallel_loop3A_714 = arith.andi %parallel_loop3A_699, %parallel_loop3A_713 : vector<16xi32>
      %parallel_loop3A_715 = vector.bitcast %parallel_loop3A_714 : vector<16xi32> to vector<16xf32>
      %parallel_loop3A_716 = arith.index_cast %parallel_loop3A_58 : i32 to index
      %parallel_loop3A_717 = arith.constant 240 : index
      %parallel_loop3A_718 = tpu.vector_load %arg15[%parallel_loop3A_716, %parallel_loop3A_717] {strides = array<i32>} : memref<32x768xf32, #tpu.memory_space<vmem>>, vector<16xf32>,
      %parallel_loop3A_719 = arith.mulf %parallel_loop3A_62, %parallel_loop3A_703 : vector<16xf32>
      %parallel_loop3A_720 = arith.addf %parallel_loop3A_718, %parallel_loop3A_719 : vector<16xf32>
      %parallel_loop3A_721 = arith.mulf %parallel_loop3A_63, %parallel_loop3A_707 : vector<16xf32>
      %parallel_loop3A_722 = arith.addf %parallel_loop3A_720, %parallel_loop3A_721 : vector<16xf32>
      %parallel_loop3A_723 = arith.index_cast %parallel_loop3A_58 : i32 to index
      %parallel_loop3A_724 = arith.constant 240 : index
      %parallel_loop3A_725 = tpu.vector_load %arg15[%parallel_loop3A_723, %parallel_loop3A_724] {strides = array<i32>} : memref<32x768xf32, #tpu.memory_space<vmem>>, vector<16xf32>,
      tpu.vector_store %arg15[%parallel_loop3A_723, %parallel_loop3A_724], %parallel_loop3A_722 {strides = array<i32>} : memref<32x768xf32, #tpu.memory_space<vmem>>, vector<16xf32>,
      %parallel_loop3A_726 = arith.index_cast %parallel_loop3A_58 : i32 to index
      %parallel_loop3A_727 = arith.constant 624 : index
      %parallel_loop3A_728 = tpu.vector_load %arg15[%parallel_loop3A_726, %parallel_loop3A_727] {strides = array<i32>} : memref<32x768xf32, #tpu.memory_space<vmem>>, vector<16xf32>,
      %parallel_loop3A_729 = arith.mulf %parallel_loop3A_62, %parallel_loop3A_711 : vector<16xf32>
      %parallel_loop3A_730 = arith.addf %parallel_loop3A_728, %parallel_loop3A_729 : vector<16xf32>
      %parallel_loop3A_731 = arith.mulf %parallel_loop3A_63, %parallel_loop3A_715 : vector<16xf32>
      %parallel_loop3A_732 = arith.addf %parallel_loop3A_730, %parallel_loop3A_731 : vector<16xf32>
      %parallel_loop3A_733 = arith.index_cast %parallel_loop3A_58 : i32 to index
      %parallel_loop3A_734 = arith.constant 624 : index
      %parallel_loop3A_735 = tpu.vector_load %arg15[%parallel_loop3A_733, %parallel_loop3A_734] {strides = array<i32>} : memref<32x768xf32, #tpu.memory_space<vmem>>, vector<16xf32>,
      tpu.vector_store %arg15[%parallel_loop3A_733, %parallel_loop3A_734], %parallel_loop3A_732 {strides = array<i32>} : memref<32x768xf32, #tpu.memory_space<vmem>>, vector<16xf32>,
      %parallel_loop3A_736 = arith.index_cast %parallel_loop3A_58 : i32 to index
      %parallel_loop3A_737 = arith.constant 256 : index
      %parallel_loop3A_738 = tpu.vector_load %arg17[%parallel_loop3A_736, %parallel_loop3A_737] {strides = array<i32>} : memref<32x384xi32, #tpu.memory_space<vmem>>, vector<16xi32>,
      %parallel_loop3A_739 = arith.index_cast %parallel_loop3A_58 : i32 to index
      %parallel_loop3A_740 = arith.constant 256 : index
      %parallel_loop3A_741 = tpu.vector_load %arg19[%parallel_loop3A_739, %parallel_loop3A_740] {strides = array<i32>} : memref<32x384xi32, #tpu.memory_space<vmem>>, vector<16xi32>,
      %parallel_loop3A_742 = arith.constant 16 : i32
      %parallel_loop3A_743 = vector.broadcast %parallel_loop3A_742 : i32 to vector<16xi32>
      %parallel_loop3A_744 = arith.shli %parallel_loop3A_738, %parallel_loop3A_743 : vector<16xi32>
      %parallel_loop3A_745 = vector.bitcast %parallel_loop3A_744 : vector<16xi32> to vector<16xf32>
      %parallel_loop3A_746 = arith.constant 16 : i32
      %parallel_loop3A_747 = vector.broadcast %parallel_loop3A_746 : i32 to vector<16xi32>
      %parallel_loop3A_748 = arith.shli %parallel_loop3A_741, %parallel_loop3A_747 : vector<16xi32>
      %parallel_loop3A_749 = vector.bitcast %parallel_loop3A_748 : vector<16xi32> to vector<16xf32>
      %parallel_loop3A_750 = arith.constant -65536 : i32
      %parallel_loop3A_751 = vector.broadcast %parallel_loop3A_750 : i32 to vector<16xi32>
      %parallel_loop3A_752 = arith.andi %parallel_loop3A_738, %parallel_loop3A_751 : vector<16xi32>
      %parallel_loop3A_753 = vector.bitcast %parallel_loop3A_752 : vector<16xi32> to vector<16xf32>
      %parallel_loop3A_754 = arith.constant -65536 : i32
      %parallel_loop3A_755 = vector.broadcast %parallel_loop3A_754 : i32 to vector<16xi32>
      %parallel_loop3A_756 = arith.andi %parallel_loop3A_741, %parallel_loop3A_755 : vector<16xi32>
      %parallel_loop3A_757 = vector.bitcast %parallel_loop3A_756 : vector<16xi32> to vector<16xf32>
      %parallel_loop3A_758 = arith.index_cast %parallel_loop3A_58 : i32 to index
      %parallel_loop3A_759 = arith.constant 256 : index
      %parallel_loop3A_760 = tpu.vector_load %arg15[%parallel_loop3A_758, %parallel_loop3A_759] {strides = array<i32>} : memref<32x768xf32, #tpu.memory_space<vmem>>, vector<16xf32>,
      %parallel_loop3A_761 = arith.mulf %parallel_loop3A_62, %parallel_loop3A_745 : vector<16xf32>
      %parallel_loop3A_762 = arith.addf %parallel_loop3A_760, %parallel_loop3A_761 : vector<16xf32>
      %parallel_loop3A_763 = arith.mulf %parallel_loop3A_63, %parallel_loop3A_749 : vector<16xf32>
      %parallel_loop3A_764 = arith.addf %parallel_loop3A_762, %parallel_loop3A_763 : vector<16xf32>
      %parallel_loop3A_765 = arith.index_cast %parallel_loop3A_58 : i32 to index
      %parallel_loop3A_766 = arith.constant 256 : index
      %parallel_loop3A_767 = tpu.vector_load %arg15[%parallel_loop3A_765, %parallel_loop3A_766] {strides = array<i32>} : memref<32x768xf32, #tpu.memory_space<vmem>>, vector<16xf32>,
      tpu.vector_store %arg15[%parallel_loop3A_765, %parallel_loop3A_766], %parallel_loop3A_764 {strides = array<i32>} : memref<32x768xf32, #tpu.memory_space<vmem>>, vector<16xf32>,
      %parallel_loop3A_768 = arith.index_cast %parallel_loop3A_58 : i32 to index
      %parallel_loop3A_769 = arith.constant 640 : index
      %parallel_loop3A_770 = tpu.vector_load %arg15[%parallel_loop3A_768, %parallel_loop3A_769] {strides = array<i32>} : memref<32x768xf32, #tpu.memory_space<vmem>>, vector<16xf32>,
      %parallel_loop3A_771 = arith.mulf %parallel_loop3A_62, %parallel_loop3A_753 : vector<16xf32>
      %parallel_loop3A_772 = arith.addf %parallel_loop3A_770, %parallel_loop3A_771 : vector<16xf32>
      %parallel_loop3A_773 = arith.mulf %parallel_loop3A_63, %parallel_loop3A_757 : vector<16xf32>
      %parallel_loop3A_774 = arith.addf %parallel_loop3A_772, %parallel_loop3A_773 : vector<16xf32>
      %parallel_loop3A_775 = arith.index_cast %parallel_loop3A_58 : i32 to index
      %parallel_loop3A_776 = arith.constant 640 : index
      %parallel_loop3A_777 = tpu.vector_load %arg15[%parallel_loop3A_775, %parallel_loop3A_776] {strides = array<i32>} : memref<32x768xf32, #tpu.memory_space<vmem>>, vector<16xf32>,
      tpu.vector_store %arg15[%parallel_loop3A_775, %parallel_loop3A_776], %parallel_loop3A_774 {strides = array<i32>} : memref<32x768xf32, #tpu.memory_space<vmem>>, vector<16xf32>,
      %parallel_loop3A_778 = arith.index_cast %parallel_loop3A_58 : i32 to index
      %parallel_loop3A_779 = arith.constant 272 : index
      %parallel_loop3A_780 = tpu.vector_load %arg17[%parallel_loop3A_778, %parallel_loop3A_779] {strides = array<i32>} : memref<32x384xi32, #tpu.memory_space<vmem>>, vector<16xi32>,
      %parallel_loop3A_781 = arith.index_cast %parallel_loop3A_58 : i32 to index
      %parallel_loop3A_782 = arith.constant 272 : index
      %parallel_loop3A_783 = tpu.vector_load %arg19[%parallel_loop3A_781, %parallel_loop3A_782] {strides = array<i32>} : memref<32x384xi32, #tpu.memory_space<vmem>>, vector<16xi32>,
      %parallel_loop3A_784 = arith.constant 16 : i32
      %parallel_loop3A_785 = vector.broadcast %parallel_loop3A_784 : i32 to vector<16xi32>
      %parallel_loop3A_786 = arith.shli %parallel_loop3A_780, %parallel_loop3A_785 : vector<16xi32>
      %parallel_loop3A_787 = vector.bitcast %parallel_loop3A_786 : vector<16xi32> to vector<16xf32>
      %parallel_loop3A_788 = arith.constant 16 : i32
      %parallel_loop3A_789 = vector.broadcast %parallel_loop3A_788 : i32 to vector<16xi32>
      %parallel_loop3A_790 = arith.shli %parallel_loop3A_783, %parallel_loop3A_789 : vector<16xi32>
      %parallel_loop3A_791 = vector.bitcast %parallel_loop3A_790 : vector<16xi32> to vector<16xf32>
      %parallel_loop3A_792 = arith.constant -65536 : i32
      %parallel_loop3A_793 = vector.broadcast %parallel_loop3A_792 : i32 to vector<16xi32>
      %parallel_loop3A_794 = arith.andi %parallel_loop3A_780, %parallel_loop3A_793 : vector<16xi32>
      %parallel_loop3A_795 = vector.bitcast %parallel_loop3A_794 : vector<16xi32> to vector<16xf32>
      %parallel_loop3A_796 = arith.constant -65536 : i32
      %parallel_loop3A_797 = vector.broadcast %parallel_loop3A_796 : i32 to vector<16xi32>
      %parallel_loop3A_798 = arith.andi %parallel_loop3A_783, %parallel_loop3A_797 : vector<16xi32>
      %parallel_loop3A_799 = vector.bitcast %parallel_loop3A_798 : vector<16xi32> to vector<16xf32>
      %parallel_loop3A_800 = arith.index_cast %parallel_loop3A_58 : i32 to index
      %parallel_loop3A_801 = arith.constant 272 : index
      %parallel_loop3A_802 = tpu.vector_load %arg15[%parallel_loop3A_800, %parallel_loop3A_801] {strides = array<i32>} : memref<32x768xf32, #tpu.memory_space<vmem>>, vector<16xf32>,
      %parallel_loop3A_803 = arith.mulf %parallel_loop3A_62, %parallel_loop3A_787 : vector<16xf32>
      %parallel_loop3A_804 = arith.addf %parallel_loop3A_802, %parallel_loop3A_803 : vector<16xf32>
      %parallel_loop3A_805 = arith.mulf %parallel_loop3A_63, %parallel_loop3A_791 : vector<16xf32>
      %parallel_loop3A_806 = arith.addf %parallel_loop3A_804, %parallel_loop3A_805 : vector<16xf32>
      %parallel_loop3A_807 = arith.index_cast %parallel_loop3A_58 : i32 to index
      %parallel_loop3A_808 = arith.constant 272 : index
      %parallel_loop3A_809 = tpu.vector_load %arg15[%parallel_loop3A_807, %parallel_loop3A_808] {strides = array<i32>} : memref<32x768xf32, #tpu.memory_space<vmem>>, vector<16xf32>,
      tpu.vector_store %arg15[%parallel_loop3A_807, %parallel_loop3A_808], %parallel_loop3A_806 {strides = array<i32>} : memref<32x768xf32, #tpu.memory_space<vmem>>, vector<16xf32>,
      %parallel_loop3A_810 = arith.index_cast %parallel_loop3A_58 : i32 to index
      %parallel_loop3A_811 = arith.constant 656 : index
      %parallel_loop3A_812 = tpu.vector_load %arg15[%parallel_loop3A_810, %parallel_loop3A_811] {strides = array<i32>} : memref<32x768xf32, #tpu.memory_space<vmem>>, vector<16xf32>,
      %parallel_loop3A_813 = arith.mulf %parallel_loop3A_62, %parallel_loop3A_795 : vector<16xf32>
      %parallel_loop3A_814 = arith.addf %parallel_loop3A_812, %parallel_loop3A_813 : vector<16xf32>
      %parallel_loop3A_815 = arith.mulf %parallel_loop3A_63, %parallel_loop3A_799 : vector<16xf32>
      %parallel_loop3A_816 = arith.addf %parallel_loop3A_814, %parallel_loop3A_815 : vector<16xf32>
      %parallel_loop3A_817 = arith.index_cast %parallel_loop3A_58 : i32 to index
      %parallel_loop3A_818 = arith.constant 656 : index
      %parallel_loop3A_819 = tpu.vector_load %arg15[%parallel_loop3A_817, %parallel_loop3A_818] {strides = array<i32>} : memref<32x768xf32, #tpu.memory_space<vmem>>, vector<16xf32>,
      tpu.vector_store %arg15[%parallel_loop3A_817, %parallel_loop3A_818], %parallel_loop3A_816 {strides = array<i32>} : memref<32x768xf32, #tpu.memory_space<vmem>>, vector<16xf32>,
      %parallel_loop3A_820 = arith.index_cast %parallel_loop3A_58 : i32 to index
      %parallel_loop3A_821 = arith.constant 288 : index
      %parallel_loop3A_822 = tpu.vector_load %arg17[%parallel_loop3A_820, %parallel_loop3A_821] {strides = array<i32>} : memref<32x384xi32, #tpu.memory_space<vmem>>, vector<16xi32>,
      %parallel_loop3A_823 = arith.index_cast %parallel_loop3A_58 : i32 to index
      %parallel_loop3A_824 = arith.constant 288 : index
      %parallel_loop3A_825 = tpu.vector_load %arg19[%parallel_loop3A_823, %parallel_loop3A_824] {strides = array<i32>} : memref<32x384xi32, #tpu.memory_space<vmem>>, vector<16xi32>,
      %parallel_loop3A_826 = arith.constant 16 : i32
      %parallel_loop3A_827 = vector.broadcast %parallel_loop3A_826 : i32 to vector<16xi32>
      %parallel_loop3A_828 = arith.shli %parallel_loop3A_822, %parallel_loop3A_827 : vector<16xi32>
      %parallel_loop3A_829 = vector.bitcast %parallel_loop3A_828 : vector<16xi32> to vector<16xf32>
      %parallel_loop3A_830 = arith.constant 16 : i32
      %parallel_loop3A_831 = vector.broadcast %parallel_loop3A_830 : i32 to vector<16xi32>
      %parallel_loop3A_832 = arith.shli %parallel_loop3A_825, %parallel_loop3A_831 : vector<16xi32>
      %parallel_loop3A_833 = vector.bitcast %parallel_loop3A_832 : vector<16xi32> to vector<16xf32>
      %parallel_loop3A_834 = arith.constant -65536 : i32
      %parallel_loop3A_835 = vector.broadcast %parallel_loop3A_834 : i32 to vector<16xi32>
      %parallel_loop3A_836 = arith.andi %parallel_loop3A_822, %parallel_loop3A_835 : vector<16xi32>
      %parallel_loop3A_837 = vector.bitcast %parallel_loop3A_836 : vector<16xi32> to vector<16xf32>
      %parallel_loop3A_838 = arith.constant -65536 : i32
      %parallel_loop3A_839 = vector.broadcast %parallel_loop3A_838 : i32 to vector<16xi32>
      %parallel_loop3A_840 = arith.andi %parallel_loop3A_825, %parallel_loop3A_839 : vector<16xi32>
      %parallel_loop3A_841 = vector.bitcast %parallel_loop3A_840 : vector<16xi32> to vector<16xf32>
      %parallel_loop3A_842 = arith.index_cast %parallel_loop3A_58 : i32 to index
      %parallel_loop3A_843 = arith.constant 288 : index
      %parallel_loop3A_844 = tpu.vector_load %arg15[%parallel_loop3A_842, %parallel_loop3A_843] {strides = array<i32>} : memref<32x768xf32, #tpu.memory_space<vmem>>, vector<16xf32>,
      %parallel_loop3A_845 = arith.mulf %parallel_loop3A_62, %parallel_loop3A_829 : vector<16xf32>
      %parallel_loop3A_846 = arith.addf %parallel_loop3A_844, %parallel_loop3A_845 : vector<16xf32>
      %parallel_loop3A_847 = arith.mulf %parallel_loop3A_63, %parallel_loop3A_833 : vector<16xf32>
      %parallel_loop3A_848 = arith.addf %parallel_loop3A_846, %parallel_loop3A_847 : vector<16xf32>
      %parallel_loop3A_849 = arith.index_cast %parallel_loop3A_58 : i32 to index
      %parallel_loop3A_850 = arith.constant 288 : index
      %parallel_loop3A_851 = tpu.vector_load %arg15[%parallel_loop3A_849, %parallel_loop3A_850] {strides = array<i32>} : memref<32x768xf32, #tpu.memory_space<vmem>>, vector<16xf32>,
      tpu.vector_store %arg15[%parallel_loop3A_849, %parallel_loop3A_850], %parallel_loop3A_848 {strides = array<i32>} : memref<32x768xf32, #tpu.memory_space<vmem>>, vector<16xf32>,
      %parallel_loop3A_852 = arith.index_cast %parallel_loop3A_58 : i32 to index
      %parallel_loop3A_853 = arith.constant 672 : index
      %parallel_loop3A_854 = tpu.vector_load %arg15[%parallel_loop3A_852, %parallel_loop3A_853] {strides = array<i32>} : memref<32x768xf32, #tpu.memory_space<vmem>>, vector<16xf32>,
      %parallel_loop3A_855 = arith.mulf %parallel_loop3A_62, %parallel_loop3A_837 : vector<16xf32>
      %parallel_loop3A_856 = arith.addf %parallel_loop3A_854, %parallel_loop3A_855 : vector<16xf32>
      %parallel_loop3A_857 = arith.mulf %parallel_loop3A_63, %parallel_loop3A_841 : vector<16xf32>
      %parallel_loop3A_858 = arith.addf %parallel_loop3A_856, %parallel_loop3A_857 : vector<16xf32>
      %parallel_loop3A_859 = arith.index_cast %parallel_loop3A_58 : i32 to index
      %parallel_loop3A_860 = arith.constant 672 : index
      %parallel_loop3A_861 = tpu.vector_load %arg15[%parallel_loop3A_859, %parallel_loop3A_860] {strides = array<i32>} : memref<32x768xf32, #tpu.memory_space<vmem>>, vector<16xf32>,
      tpu.vector_store %arg15[%parallel_loop3A_859, %parallel_loop3A_860], %parallel_loop3A_858 {strides = array<i32>} : memref<32x768xf32, #tpu.memory_space<vmem>>, vector<16xf32>,
      %parallel_loop3A_862 = arith.index_cast %parallel_loop3A_58 : i32 to index
      %parallel_loop3A_863 = arith.constant 304 : index
      %parallel_loop3A_864 = tpu.vector_load %arg17[%parallel_loop3A_862, %parallel_loop3A_863] {strides = array<i32>} : memref<32x384xi32, #tpu.memory_space<vmem>>, vector<16xi32>,
      %parallel_loop3A_865 = arith.index_cast %parallel_loop3A_58 : i32 to index
      %parallel_loop3A_866 = arith.constant 304 : index
      %parallel_loop3A_867 = tpu.vector_load %arg19[%parallel_loop3A_865, %parallel_loop3A_866] {strides = array<i32>} : memref<32x384xi32, #tpu.memory_space<vmem>>, vector<16xi32>,
      %parallel_loop3A_868 = arith.constant 16 : i32
      %parallel_loop3A_869 = vector.broadcast %parallel_loop3A_868 : i32 to vector<16xi32>
      %parallel_loop3A_870 = arith.shli %parallel_loop3A_864, %parallel_loop3A_869 : vector<16xi32>
      %parallel_loop3A_871 = vector.bitcast %parallel_loop3A_870 : vector<16xi32> to vector<16xf32>
      %parallel_loop3A_872 = arith.constant 16 : i32
      %parallel_loop3A_873 = vector.broadcast %parallel_loop3A_872 : i32 to vector<16xi32>
      %parallel_loop3A_874 = arith.shli %parallel_loop3A_867, %parallel_loop3A_873 : vector<16xi32>
      %parallel_loop3A_875 = vector.bitcast %parallel_loop3A_874 : vector<16xi32> to vector<16xf32>
      %parallel_loop3A_876 = arith.constant -65536 : i32
      %parallel_loop3A_877 = vector.broadcast %parallel_loop3A_876 : i32 to vector<16xi32>
      %parallel_loop3A_878 = arith.andi %parallel_loop3A_864, %parallel_loop3A_877 : vector<16xi32>
      %parallel_loop3A_879 = vector.bitcast %parallel_loop3A_878 : vector<16xi32> to vector<16xf32>
      %parallel_loop3A_880 = arith.constant -65536 : i32
      %parallel_loop3A_881 = vector.broadcast %parallel_loop3A_880 : i32 to vector<16xi32>
      %parallel_loop3A_882 = arith.andi %parallel_loop3A_867, %parallel_loop3A_881 : vector<16xi32>
      %parallel_loop3A_883 = vector.bitcast %parallel_loop3A_882 : vector<16xi32> to vector<16xf32>
      %parallel_loop3A_884 = arith.index_cast %parallel_loop3A_58 : i32 to index
      %parallel_loop3A_885 = arith.constant 304 : index
      %parallel_loop3A_886 = tpu.vector_load %arg15[%parallel_loop3A_884, %parallel_loop3A_885] {strides = array<i32>} : memref<32x768xf32, #tpu.memory_space<vmem>>, vector<16xf32>,
      %parallel_loop3A_887 = arith.mulf %parallel_loop3A_62, %parallel_loop3A_871 : vector<16xf32>
      %parallel_loop3A_888 = arith.addf %parallel_loop3A_886, %parallel_loop3A_887 : vector<16xf32>
      %parallel_loop3A_889 = arith.mulf %parallel_loop3A_63, %parallel_loop3A_875 : vector<16xf32>
      %parallel_loop3A_890 = arith.addf %parallel_loop3A_888, %parallel_loop3A_889 : vector<16xf32>
      %parallel_loop3A_891 = arith.index_cast %parallel_loop3A_58 : i32 to index
      %parallel_loop3A_892 = arith.constant 304 : index
      %parallel_loop3A_893 = tpu.vector_load %arg15[%parallel_loop3A_891, %parallel_loop3A_892] {strides = array<i32>} : memref<32x768xf32, #tpu.memory_space<vmem>>, vector<16xf32>,
      tpu.vector_store %arg15[%parallel_loop3A_891, %parallel_loop3A_892], %parallel_loop3A_890 {strides = array<i32>} : memref<32x768xf32, #tpu.memory_space<vmem>>, vector<16xf32>,
      %parallel_loop3A_894 = arith.index_cast %parallel_loop3A_58 : i32 to index
      %parallel_loop3A_895 = arith.constant 688 : index
      %parallel_loop3A_896 = tpu.vector_load %arg15[%parallel_loop3A_894, %parallel_loop3A_895] {strides = array<i32>} : memref<32x768xf32, #tpu.memory_space<vmem>>, vector<16xf32>,
      %parallel_loop3A_897 = arith.mulf %parallel_loop3A_62, %parallel_loop3A_879 : vector<16xf32>
      %parallel_loop3A_898 = arith.addf %parallel_loop3A_896, %parallel_loop3A_897 : vector<16xf32>
      %parallel_loop3A_899 = arith.mulf %parallel_loop3A_63, %parallel_loop3A_883 : vector<16xf32>
      %parallel_loop3A_900 = arith.addf %parallel_loop3A_898, %parallel_loop3A_899 : vector<16xf32>
      %parallel_loop3A_901 = arith.index_cast %parallel_loop3A_58 : i32 to index
      %parallel_loop3A_902 = arith.constant 688 : index
      %parallel_loop3A_903 = tpu.vector_load %arg15[%parallel_loop3A_901, %parallel_loop3A_902] {strides = array<i32>} : memref<32x768xf32, #tpu.memory_space<vmem>>, vector<16xf32>,
      tpu.vector_store %arg15[%parallel_loop3A_901, %parallel_loop3A_902], %parallel_loop3A_900 {strides = array<i32>} : memref<32x768xf32, #tpu.memory_space<vmem>>, vector<16xf32>,
      %parallel_loop3A_904 = arith.index_cast %parallel_loop3A_58 : i32 to index
      %parallel_loop3A_905 = arith.constant 320 : index
      %parallel_loop3A_906 = tpu.vector_load %arg17[%parallel_loop3A_904, %parallel_loop3A_905] {strides = array<i32>} : memref<32x384xi32, #tpu.memory_space<vmem>>, vector<16xi32>,
      %parallel_loop3A_907 = arith.index_cast %parallel_loop3A_58 : i32 to index
      %parallel_loop3A_908 = arith.constant 320 : index
      %parallel_loop3A_909 = tpu.vector_load %arg19[%parallel_loop3A_907, %parallel_loop3A_908] {strides = array<i32>} : memref<32x384xi32, #tpu.memory_space<vmem>>, vector<16xi32>,
      %parallel_loop3A_910 = arith.constant 16 : i32
      %parallel_loop3A_911 = vector.broadcast %parallel_loop3A_910 : i32 to vector<16xi32>
      %parallel_loop3A_912 = arith.shli %parallel_loop3A_906, %parallel_loop3A_911 : vector<16xi32>
      %parallel_loop3A_913 = vector.bitcast %parallel_loop3A_912 : vector<16xi32> to vector<16xf32>
      %parallel_loop3A_914 = arith.constant 16 : i32
      %parallel_loop3A_915 = vector.broadcast %parallel_loop3A_914 : i32 to vector<16xi32>
      %parallel_loop3A_916 = arith.shli %parallel_loop3A_909, %parallel_loop3A_915 : vector<16xi32>
      %parallel_loop3A_917 = vector.bitcast %parallel_loop3A_916 : vector<16xi32> to vector<16xf32>
      %parallel_loop3A_918 = arith.constant -65536 : i32
      %parallel_loop3A_919 = vector.broadcast %parallel_loop3A_918 : i32 to vector<16xi32>
      %parallel_loop3A_920 = arith.andi %parallel_loop3A_906, %parallel_loop3A_919 : vector<16xi32>
      %parallel_loop3A_921 = vector.bitcast %parallel_loop3A_920 : vector<16xi32> to vector<16xf32>
      %parallel_loop3A_922 = arith.constant -65536 : i32
      %parallel_loop3A_923 = vector.broadcast %parallel_loop3A_922 : i32 to vector<16xi32>
      %parallel_loop3A_924 = arith.andi %parallel_loop3A_909, %parallel_loop3A_923 : vector<16xi32>
      %parallel_loop3A_925 = vector.bitcast %parallel_loop3A_924 : vector<16xi32> to vector<16xf32>
      %parallel_loop3A_926 = arith.index_cast %parallel_loop3A_58 : i32 to index
      %parallel_loop3A_927 = arith.constant 320 : index
      %parallel_loop3A_928 = tpu.vector_load %arg15[%parallel_loop3A_926, %parallel_loop3A_927] {strides = array<i32>} : memref<32x768xf32, #tpu.memory_space<vmem>>, vector<16xf32>,
      %parallel_loop3A_929 = arith.mulf %parallel_loop3A_62, %parallel_loop3A_913 : vector<16xf32>
      %parallel_loop3A_930 = arith.addf %parallel_loop3A_928, %parallel_loop3A_929 : vector<16xf32>
      %parallel_loop3A_931 = arith.mulf %parallel_loop3A_63, %parallel_loop3A_917 : vector<16xf32>
      %parallel_loop3A_932 = arith.addf %parallel_loop3A_930, %parallel_loop3A_931 : vector<16xf32>
      %parallel_loop3A_933 = arith.index_cast %parallel_loop3A_58 : i32 to index
      %parallel_loop3A_934 = arith.constant 320 : index
      %parallel_loop3A_935 = tpu.vector_load %arg15[%parallel_loop3A_933, %parallel_loop3A_934] {strides = array<i32>} : memref<32x768xf32, #tpu.memory_space<vmem>>, vector<16xf32>,
      tpu.vector_store %arg15[%parallel_loop3A_933, %parallel_loop3A_934], %parallel_loop3A_932 {strides = array<i32>} : memref<32x768xf32, #tpu.memory_space<vmem>>, vector<16xf32>,
      %parallel_loop3A_936 = arith.index_cast %parallel_loop3A_58 : i32 to index
      %parallel_loop3A_937 = arith.constant 704 : index
      %parallel_loop3A_938 = tpu.vector_load %arg15[%parallel_loop3A_936, %parallel_loop3A_937] {strides = array<i32>} : memref<32x768xf32, #tpu.memory_space<vmem>>, vector<16xf32>,
      %parallel_loop3A_939 = arith.mulf %parallel_loop3A_62, %parallel_loop3A_921 : vector<16xf32>
      %parallel_loop3A_940 = arith.addf %parallel_loop3A_938, %parallel_loop3A_939 : vector<16xf32>
      %parallel_loop3A_941 = arith.mulf %parallel_loop3A_63, %parallel_loop3A_925 : vector<16xf32>
      %parallel_loop3A_942 = arith.addf %parallel_loop3A_940, %parallel_loop3A_941 : vector<16xf32>
      %parallel_loop3A_943 = arith.index_cast %parallel_loop3A_58 : i32 to index
      %parallel_loop3A_944 = arith.constant 704 : index
      %parallel_loop3A_945 = tpu.vector_load %arg15[%parallel_loop3A_943, %parallel_loop3A_944] {strides = array<i32>} : memref<32x768xf32, #tpu.memory_space<vmem>>, vector<16xf32>,
      tpu.vector_store %arg15[%parallel_loop3A_943, %parallel_loop3A_944], %parallel_loop3A_942 {strides = array<i32>} : memref<32x768xf32, #tpu.memory_space<vmem>>, vector<16xf32>,
      %parallel_loop3A_946 = arith.index_cast %parallel_loop3A_58 : i32 to index
      %parallel_loop3A_947 = arith.constant 336 : index
      %parallel_loop3A_948 = tpu.vector_load %arg17[%parallel_loop3A_946, %parallel_loop3A_947] {strides = array<i32>} : memref<32x384xi32, #tpu.memory_space<vmem>>, vector<16xi32>,
      %parallel_loop3A_949 = arith.index_cast %parallel_loop3A_58 : i32 to index
      %parallel_loop3A_950 = arith.constant 336 : index
      %parallel_loop3A_951 = tpu.vector_load %arg19[%parallel_loop3A_949, %parallel_loop3A_950] {strides = array<i32>} : memref<32x384xi32, #tpu.memory_space<vmem>>, vector<16xi32>,
      %parallel_loop3A_952 = arith.constant 16 : i32
      %parallel_loop3A_953 = vector.broadcast %parallel_loop3A_952 : i32 to vector<16xi32>
      %parallel_loop3A_954 = arith.shli %parallel_loop3A_948, %parallel_loop3A_953 : vector<16xi32>
      %parallel_loop3A_955 = vector.bitcast %parallel_loop3A_954 : vector<16xi32> to vector<16xf32>
      %parallel_loop3A_956 = arith.constant 16 : i32
      %parallel_loop3A_957 = vector.broadcast %parallel_loop3A_956 : i32 to vector<16xi32>
      %parallel_loop3A_958 = arith.shli %parallel_loop3A_951, %parallel_loop3A_957 : vector<16xi32>
      %parallel_loop3A_959 = vector.bitcast %parallel_loop3A_958 : vector<16xi32> to vector<16xf32>
      %parallel_loop3A_960 = arith.constant -65536 : i32
      %parallel_loop3A_961 = vector.broadcast %parallel_loop3A_960 : i32 to vector<16xi32>
      %parallel_loop3A_962 = arith.andi %parallel_loop3A_948, %parallel_loop3A_961 : vector<16xi32>
      %parallel_loop3A_963 = vector.bitcast %parallel_loop3A_962 : vector<16xi32> to vector<16xf32>
      %parallel_loop3A_964 = arith.constant -65536 : i32
      %parallel_loop3A_965 = vector.broadcast %parallel_loop3A_964 : i32 to vector<16xi32>
      %parallel_loop3A_966 = arith.andi %parallel_loop3A_951, %parallel_loop3A_965 : vector<16xi32>
      %parallel_loop3A_967 = vector.bitcast %parallel_loop3A_966 : vector<16xi32> to vector<16xf32>
      %parallel_loop3A_968 = arith.index_cast %parallel_loop3A_58 : i32 to index
      %parallel_loop3A_969 = arith.constant 336 : index
      %parallel_loop3A_970 = tpu.vector_load %arg15[%parallel_loop3A_968, %parallel_loop3A_969] {strides = array<i32>} : memref<32x768xf32, #tpu.memory_space<vmem>>, vector<16xf32>,
      %parallel_loop3A_971 = arith.mulf %parallel_loop3A_62, %parallel_loop3A_955 : vector<16xf32>
      %parallel_loop3A_972 = arith.addf %parallel_loop3A_970, %parallel_loop3A_971 : vector<16xf32>
      %parallel_loop3A_973 = arith.mulf %parallel_loop3A_63, %parallel_loop3A_959 : vector<16xf32>
      %parallel_loop3A_974 = arith.addf %parallel_loop3A_972, %parallel_loop3A_973 : vector<16xf32>
      %parallel_loop3A_975 = arith.index_cast %parallel_loop3A_58 : i32 to index
      %parallel_loop3A_976 = arith.constant 336 : index
      %parallel_loop3A_977 = tpu.vector_load %arg15[%parallel_loop3A_975, %parallel_loop3A_976] {strides = array<i32>} : memref<32x768xf32, #tpu.memory_space<vmem>>, vector<16xf32>,
      tpu.vector_store %arg15[%parallel_loop3A_975, %parallel_loop3A_976], %parallel_loop3A_974 {strides = array<i32>} : memref<32x768xf32, #tpu.memory_space<vmem>>, vector<16xf32>,
      %parallel_loop3A_978 = arith.index_cast %parallel_loop3A_58 : i32 to index
      %parallel_loop3A_979 = arith.constant 720 : index
      %parallel_loop3A_980 = tpu.vector_load %arg15[%parallel_loop3A_978, %parallel_loop3A_979] {strides = array<i32>} : memref<32x768xf32, #tpu.memory_space<vmem>>, vector<16xf32>,
      %parallel_loop3A_981 = arith.mulf %parallel_loop3A_62, %parallel_loop3A_963 : vector<16xf32>
      %parallel_loop3A_982 = arith.addf %parallel_loop3A_980, %parallel_loop3A_981 : vector<16xf32>
      %parallel_loop3A_983 = arith.mulf %parallel_loop3A_63, %parallel_loop3A_967 : vector<16xf32>
      %parallel_loop3A_984 = arith.addf %parallel_loop3A_982, %parallel_loop3A_983 : vector<16xf32>
      %parallel_loop3A_985 = arith.index_cast %parallel_loop3A_58 : i32 to index
      %parallel_loop3A_986 = arith.constant 720 : index
      %parallel_loop3A_987 = tpu.vector_load %arg15[%parallel_loop3A_985, %parallel_loop3A_986] {strides = array<i32>} : memref<32x768xf32, #tpu.memory_space<vmem>>, vector<16xf32>,
      tpu.vector_store %arg15[%parallel_loop3A_985, %parallel_loop3A_986], %parallel_loop3A_984 {strides = array<i32>} : memref<32x768xf32, #tpu.memory_space<vmem>>, vector<16xf32>,
      %parallel_loop3A_988 = arith.index_cast %parallel_loop3A_58 : i32 to index
      %parallel_loop3A_989 = arith.constant 352 : index
      %parallel_loop3A_990 = tpu.vector_load %arg17[%parallel_loop3A_988, %parallel_loop3A_989] {strides = array<i32>} : memref<32x384xi32, #tpu.memory_space<vmem>>, vector<16xi32>,
      %parallel_loop3A_991 = arith.index_cast %parallel_loop3A_58 : i32 to index
      %parallel_loop3A_992 = arith.constant 352 : index
      %parallel_loop3A_993 = tpu.vector_load %arg19[%parallel_loop3A_991, %parallel_loop3A_992] {strides = array<i32>} : memref<32x384xi32, #tpu.memory_space<vmem>>, vector<16xi32>,
      %parallel_loop3A_994 = arith.constant 16 : i32
      %parallel_loop3A_995 = vector.broadcast %parallel_loop3A_994 : i32 to vector<16xi32>
      %parallel_loop3A_996 = arith.shli %parallel_loop3A_990, %parallel_loop3A_995 : vector<16xi32>
      %parallel_loop3A_997 = vector.bitcast %parallel_loop3A_996 : vector<16xi32> to vector<16xf32>
      %parallel_loop3A_998 = arith.constant 16 : i32
      %parallel_loop3A_999 = vector.broadcast %parallel_loop3A_998 : i32 to vector<16xi32>
      %parallel_loop3A_1000 = arith.shli %parallel_loop3A_993, %parallel_loop3A_999 : vector<16xi32>
      %parallel_loop3A_1001 = vector.bitcast %parallel_loop3A_1000 : vector<16xi32> to vector<16xf32>
      %parallel_loop3A_1002 = arith.constant -65536 : i32
      %parallel_loop3A_1003 = vector.broadcast %parallel_loop3A_1002 : i32 to vector<16xi32>
      %parallel_loop3A_1004 = arith.andi %parallel_loop3A_990, %parallel_loop3A_1003 : vector<16xi32>
      %parallel_loop3A_1005 = vector.bitcast %parallel_loop3A_1004 : vector<16xi32> to vector<16xf32>
      %parallel_loop3A_1006 = arith.constant -65536 : i32
      %parallel_loop3A_1007 = vector.broadcast %parallel_loop3A_1006 : i32 to vector<16xi32>
      %parallel_loop3A_1008 = arith.andi %parallel_loop3A_993, %parallel_loop3A_1007 : vector<16xi32>
      %parallel_loop3A_1009 = vector.bitcast %parallel_loop3A_1008 : vector<16xi32> to vector<16xf32>
      %parallel_loop3A_1010 = arith.index_cast %parallel_loop3A_58 : i32 to index
      %parallel_loop3A_1011 = arith.constant 352 : index
      %parallel_loop3A_1012 = tpu.vector_load %arg15[%parallel_loop3A_1010, %parallel_loop3A_1011] {strides = array<i32>} : memref<32x768xf32, #tpu.memory_space<vmem>>, vector<16xf32>,
      %parallel_loop3A_1013 = arith.mulf %parallel_loop3A_62, %parallel_loop3A_997 : vector<16xf32>
      %parallel_loop3A_1014 = arith.addf %parallel_loop3A_1012, %parallel_loop3A_1013 : vector<16xf32>
      %parallel_loop3A_1015 = arith.mulf %parallel_loop3A_63, %parallel_loop3A_1001 : vector<16xf32>
      %parallel_loop3A_1016 = arith.addf %parallel_loop3A_1014, %parallel_loop3A_1015 : vector<16xf32>
      %parallel_loop3A_1017 = arith.index_cast %parallel_loop3A_58 : i32 to index
      %parallel_loop3A_1018 = arith.constant 352 : index
      %parallel_loop3A_1019 = tpu.vector_load %arg15[%parallel_loop3A_1017, %parallel_loop3A_1018] {strides = array<i32>} : memref<32x768xf32, #tpu.memory_space<vmem>>, vector<16xf32>,
      tpu.vector_store %arg15[%parallel_loop3A_1017, %parallel_loop3A_1018], %parallel_loop3A_1016 {strides = array<i32>} : memref<32x768xf32, #tpu.memory_space<vmem>>, vector<16xf32>,
      %parallel_loop3A_1020 = arith.index_cast %parallel_loop3A_58 : i32 to index
      %parallel_loop3A_1021 = arith.constant 736 : index
      %parallel_loop3A_1022 = tpu.vector_load %arg15[%parallel_loop3A_1020, %parallel_loop3A_1021] {strides = array<i32>} : memref<32x768xf32, #tpu.memory_space<vmem>>, vector<16xf32>,
      %parallel_loop3A_1023 = arith.mulf %parallel_loop3A_62, %parallel_loop3A_1005 : vector<16xf32>
      %parallel_loop3A_1024 = arith.addf %parallel_loop3A_1022, %parallel_loop3A_1023 : vector<16xf32>
      %parallel_loop3A_1025 = arith.mulf %parallel_loop3A_63, %parallel_loop3A_1009 : vector<16xf32>
      %parallel_loop3A_1026 = arith.addf %parallel_loop3A_1024, %parallel_loop3A_1025 : vector<16xf32>
      %parallel_loop3A_1027 = arith.index_cast %parallel_loop3A_58 : i32 to index
      %parallel_loop3A_1028 = arith.constant 736 : index
      %parallel_loop3A_1029 = tpu.vector_load %arg15[%parallel_loop3A_1027, %parallel_loop3A_1028] {strides = array<i32>} : memref<32x768xf32, #tpu.memory_space<vmem>>, vector<16xf32>,
      tpu.vector_store %arg15[%parallel_loop3A_1027, %parallel_loop3A_1028], %parallel_loop3A_1026 {strides = array<i32>} : memref<32x768xf32, #tpu.memory_space<vmem>>, vector<16xf32>,
      %parallel_loop3A_1030 = arith.index_cast %parallel_loop3A_58 : i32 to index
      %parallel_loop3A_1031 = arith.constant 368 : index
      %parallel_loop3A_1032 = tpu.vector_load %arg17[%parallel_loop3A_1030, %parallel_loop3A_1031] {strides = array<i32>} : memref<32x384xi32, #tpu.memory_space<vmem>>, vector<16xi32>,
      %parallel_loop3A_1033 = arith.index_cast %parallel_loop3A_58 : i32 to index
      %parallel_loop3A_1034 = arith.constant 368 : index
      %parallel_loop3A_1035 = tpu.vector_load %arg19[%parallel_loop3A_1033, %parallel_loop3A_1034] {strides = array<i32>} : memref<32x384xi32, #tpu.memory_space<vmem>>, vector<16xi32>,
      %parallel_loop3A_1036 = arith.constant 16 : i32
      %parallel_loop3A_1037 = vector.broadcast %parallel_loop3A_1036 : i32 to vector<16xi32>
      %parallel_loop3A_1038 = arith.shli %parallel_loop3A_1032, %parallel_loop3A_1037 : vector<16xi32>
      %parallel_loop3A_1039 = vector.bitcast %parallel_loop3A_1038 : vector<16xi32> to vector<16xf32>
      %parallel_loop3A_1040 = arith.constant 16 : i32
      %parallel_loop3A_1041 = vector.broadcast %parallel_loop3A_1040 : i32 to vector<16xi32>
      %parallel_loop3A_1042 = arith.shli %parallel_loop3A_1035, %parallel_loop3A_1041 : vector<16xi32>
      %parallel_loop3A_1043 = vector.bitcast %parallel_loop3A_1042 : vector<16xi32> to vector<16xf32>
      %parallel_loop3A_1044 = arith.constant -65536 : i32
      %parallel_loop3A_1045 = vector.broadcast %parallel_loop3A_1044 : i32 to vector<16xi32>
      %parallel_loop3A_1046 = arith.andi %parallel_loop3A_1032, %parallel_loop3A_1045 : vector<16xi32>
      %parallel_loop3A_1047 = vector.bitcast %parallel_loop3A_1046 : vector<16xi32> to vector<16xf32>
      %parallel_loop3A_1048 = arith.constant -65536 : i32
      %parallel_loop3A_1049 = vector.broadcast %parallel_loop3A_1048 : i32 to vector<16xi32>
      %parallel_loop3A_1050 = arith.andi %parallel_loop3A_1035, %parallel_loop3A_1049 : vector<16xi32>
      %parallel_loop3A_1051 = vector.bitcast %parallel_loop3A_1050 : vector<16xi32> to vector<16xf32>
      %parallel_loop3A_1052 = arith.index_cast %parallel_loop3A_58 : i32 to index
      %parallel_loop3A_1053 = arith.constant 368 : index
      %parallel_loop3A_1054 = tpu.vector_load %arg15[%parallel_loop3A_1052, %parallel_loop3A_1053] {strides = array<i32>} : memref<32x768xf32, #tpu.memory_space<vmem>>, vector<16xf32>,
      %parallel_loop3A_1055 = arith.mulf %parallel_loop3A_62, %parallel_loop3A_1039 : vector<16xf32>
      %parallel_loop3A_1056 = arith.addf %parallel_loop3A_1054, %parallel_loop3A_1055 : vector<16xf32>
      %parallel_loop3A_1057 = arith.mulf %parallel_loop3A_63, %parallel_loop3A_1043 : vector<16xf32>
      %parallel_loop3A_1058 = arith.addf %parallel_loop3A_1056, %parallel_loop3A_1057 : vector<16xf32>
      %parallel_loop3A_1059 = arith.index_cast %parallel_loop3A_58 : i32 to index
      %parallel_loop3A_1060 = arith.constant 368 : index
      %parallel_loop3A_1061 = tpu.vector_load %arg15[%parallel_loop3A_1059, %parallel_loop3A_1060] {strides = array<i32>} : memref<32x768xf32, #tpu.memory_space<vmem>>, vector<16xf32>,
      tpu.vector_store %arg15[%parallel_loop3A_1059, %parallel_loop3A_1060], %parallel_loop3A_1058 {strides = array<i32>} : memref<32x768xf32, #tpu.memory_space<vmem>>, vector<16xf32>,
      %parallel_loop3A_1062 = arith.index_cast %parallel_loop3A_58 : i32 to index
      %parallel_loop3A_1063 = arith.constant 752 : index
      %parallel_loop3A_1064 = tpu.vector_load %arg15[%parallel_loop3A_1062, %parallel_loop3A_1063] {strides = array<i32>} : memref<32x768xf32, #tpu.memory_space<vmem>>, vector<16xf32>,
      %parallel_loop3A_1065 = arith.mulf %parallel_loop3A_62, %parallel_loop3A_1047 : vector<16xf32>
      %parallel_loop3A_1066 = arith.addf %parallel_loop3A_1064, %parallel_loop3A_1065 : vector<16xf32>
      %parallel_loop3A_1067 = arith.mulf %parallel_loop3A_63, %parallel_loop3A_1051 : vector<16xf32>
      %parallel_loop3A_1068 = arith.addf %parallel_loop3A_1066, %parallel_loop3A_1067 : vector<16xf32>
      %parallel_loop3A_1069 = arith.index_cast %parallel_loop3A_58 : i32 to index
      %parallel_loop3A_1070 = arith.constant 752 : index
      %parallel_loop3A_1071 = tpu.vector_load %arg15[%parallel_loop3A_1069, %parallel_loop3A_1070] {strides = array<i32>} : memref<32x768xf32, #tpu.memory_space<vmem>>, vector<16xf32>,
      tpu.vector_store %arg15[%parallel_loop3A_1069, %parallel_loop3A_1070], %parallel_loop3A_1068 {strides = array<i32>} : memref<32x768xf32, #tpu.memory_space<vmem>>, vector<16xf32>,
    } {sc.loop_unroll_factor = 4 : i64, sc.parallel_access}
    %add3A_41 = arith.constant 0 : i32
    %add3A_42 = arith.addi %mul3A_2, %add3A_41 : i32
    "tpu.region"() ({
      %run_scoped3A = tpu.sem_alloc : memref<!tpu.dma_semaphore, #tpu.memory_space<semaphore_mem>>
      %dma_start3A_58 = arith.constant 0 : i32
      %dma_start3A_59 = tpu.memref_slice %arg8[%add3A_42, %dma_start3A_58] : memref<2048x768xf32, #tpu.memory_space<hbm>> -> memref<32x768xf32, #tpu.memory_space<hbm>>
      %dma_start3A_60 = arith.constant 0 : i32
      %dma_start3A_61 = tpu.memref_slice %arg8[%add3A_42, %dma_start3A_60] : memref<2048x768xf32, #tpu.memory_space<hbm>> -> memref<32x768xf32, #tpu.memory_space<hbm>>
      tpu.enqueue_dma source(%arg15 : memref<32x768xf32, #tpu.memory_space<vmem>>) target(%dma_start3A_61 : memref<32x768xf32, #tpu.memory_space<hbm>>) target_semaphore(%run_scoped3A : memref<!tpu.dma_semaphore, #tpu.memory_space<semaphore_mem>>)
      %dma_wait3A_62 = arith.constant 0 : i32
      %dma_wait3A_63 = tpu.memref_slice %arg8[%add3A_42, %dma_wait3A_62] : memref<2048x768xf32, #tpu.memory_space<hbm>> -> memref<32x768xf32, #tpu.memory_space<hbm>>
      %dma_wait3A_64 = arith.constant 0 : i32
      %dma_wait3A_65 = tpu.memref_slice %arg8[%add3A_42, %dma_wait3A_64] : memref<2048x768xf32, #tpu.memory_space<hbm>> -> memref<32x768xf32, #tpu.memory_space<hbm>>
      tpu.wait_dma2 semaphore(%run_scoped3A : memref<!tpu.dma_semaphore, #tpu.memory_space<semaphore_mem>>) src(%arg15 : memref<32x768xf32, #tpu.memory_space<vmem>>) dst(%dma_wait3A_65 : memref<32x768xf32, #tpu.memory_space<hbm>>)
      tpu.yield
    }) : () -> ()
    %dma_wait3A_43 = arith.constant 0 : i32
    %dma_wait3A_44 = arith.constant 0 : i32
    %dma_wait3A_45 = tpu.memref_slice %arg2[%dma_wait3A_43, %dma_wait3A_44] : memref<6144x384xi32, #tpu.memory_space<hbm>> -> memref<6144x384xi32, #tpu.memory_space<hbm>>
    tpu.wait_indirect_dma semaphore(%arg22 : memref<!tpu.dma_semaphore, #tpu.memory_space<semaphore_mem>>) src(%dma_wait3A_45 : memref<6144x384xi32, #tpu.memory_space<hbm>>) dst(%arg18 : memref<32x384xi32, #tpu.memory_space<vmem>>)
    %dma_wait3A_46 = arith.constant 0 : i32
    %dma_wait3A_47 = arith.constant 0 : i32
    %dma_wait3A_48 = tpu.memref_slice %arg2[%dma_wait3A_46, %dma_wait3A_47] : memref<6144x384xi32, #tpu.memory_space<hbm>> -> memref<6144x384xi32, #tpu.memory_space<hbm>>
    tpu.wait_indirect_dma semaphore(%arg24 : memref<!tpu.dma_semaphore, #tpu.memory_space<semaphore_mem>>) src(%dma_wait3A_48 : memref<6144x384xi32, #tpu.memory_space<hbm>>) dst(%arg20 : memref<32x384xi32, #tpu.memory_space<vmem>>)
    %dma_wait3A_49 = arith.constant 0 : i32
    %dma_wait3A_50 = tpu.memref_slice %arg7[%add3A_25, %dma_wait3A_49] : memref<2048x768xf32, #tpu.memory_space<hbm>> -> memref<32x768xf32, #tpu.memory_space<hbm>>
    %dma_wait3A_51 = arith.constant 0 : i32
    %dma_wait3A_52 = tpu.memref_slice %arg7[%add3A_25, %dma_wait3A_51] : memref<2048x768xf32, #tpu.memory_space<hbm>> -> memref<32x768xf32, #tpu.memory_space<hbm>>
    tpu.wait_dma2 semaphore(%arg26 : memref<!tpu.dma_semaphore, #tpu.memory_space<semaphore_mem>>) src(%dma_wait3A_52 : memref<32x768xf32, #tpu.memory_space<hbm>>) dst(%arg16 : memref<32x768xf32, #tpu.memory_space<vmem>>)
    %parallel_loop3A_53 = arith.constant 0 : i32
    %parallel_loop3A_54 = arith.constant 32 : i32
    %parallel_loop3A_55 = arith.constant 1 : i32
    scf.for %parallel_loop3A_58 = %parallel_loop3A_53 to %parallel_loop3A_54 step %parallel_loop3A_55  : i32 {
      %parallel_loop3A_59 = arith.constant 32 : i32
      %parallel_loop3A_60 = arith.addi %parallel_loop3A_58, %parallel_loop3A_59 : i32
      %parallel_loop3A_61 = vector.broadcast %parallel_loop3A_60 : i32 to vector<16xi32>
      %parallel_loop3A_62 = tpu.vector_load_idx %arg13[%parallel_loop3A_61] : memref<64xf32, #tpu.memory_space<vmem>>[vector<16xi32>], vector<16xf32>,
      %parallel_loop3A_63 = tpu.vector_load_idx %arg14[%parallel_loop3A_61] : memref<64xf32, #tpu.memory_space<vmem>>[vector<16xi32>], vector<16xf32>,
      %parallel_loop3A_64 = arith.index_cast %parallel_loop3A_58 : i32 to index
      %parallel_loop3A_65 = arith.constant 0 : index
      %parallel_loop3A_66 = tpu.vector_load %arg18[%parallel_loop3A_64, %parallel_loop3A_65] {strides = array<i32>} : memref<32x384xi32, #tpu.memory_space<vmem>>, vector<16xi32>,
      %parallel_loop3A_67 = arith.index_cast %parallel_loop3A_58 : i32 to index
      %parallel_loop3A_68 = arith.constant 0 : index
      %parallel_loop3A_69 = tpu.vector_load %arg20[%parallel_loop3A_67, %parallel_loop3A_68] {strides = array<i32>} : memref<32x384xi32, #tpu.memory_space<vmem>>, vector<16xi32>,
      %parallel_loop3A_70 = arith.constant 16 : i32
      %parallel_loop3A_71 = vector.broadcast %parallel_loop3A_70 : i32 to vector<16xi32>
      %parallel_loop3A_72 = arith.shli %parallel_loop3A_66, %parallel_loop3A_71 : vector<16xi32>
      %parallel_loop3A_73 = vector.bitcast %parallel_loop3A_72 : vector<16xi32> to vector<16xf32>
      %parallel_loop3A_74 = arith.constant 16 : i32
      %parallel_loop3A_75 = vector.broadcast %parallel_loop3A_74 : i32 to vector<16xi32>
      %parallel_loop3A_76 = arith.shli %parallel_loop3A_69, %parallel_loop3A_75 : vector<16xi32>
      %parallel_loop3A_77 = vector.bitcast %parallel_loop3A_76 : vector<16xi32> to vector<16xf32>
      %parallel_loop3A_78 = arith.constant -65536 : i32
      %parallel_loop3A_79 = vector.broadcast %parallel_loop3A_78 : i32 to vector<16xi32>
      %parallel_loop3A_80 = arith.andi %parallel_loop3A_66, %parallel_loop3A_79 : vector<16xi32>
      %parallel_loop3A_81 = vector.bitcast %parallel_loop3A_80 : vector<16xi32> to vector<16xf32>
      %parallel_loop3A_82 = arith.constant -65536 : i32
      %parallel_loop3A_83 = vector.broadcast %parallel_loop3A_82 : i32 to vector<16xi32>
      %parallel_loop3A_84 = arith.andi %parallel_loop3A_69, %parallel_loop3A_83 : vector<16xi32>
      %parallel_loop3A_85 = vector.bitcast %parallel_loop3A_84 : vector<16xi32> to vector<16xf32>
      %parallel_loop3A_86 = arith.index_cast %parallel_loop3A_58 : i32 to index
      %parallel_loop3A_87 = arith.constant 0 : index
      %parallel_loop3A_88 = tpu.vector_load %arg16[%parallel_loop3A_86, %parallel_loop3A_87] {strides = array<i32>} : memref<32x768xf32, #tpu.memory_space<vmem>>, vector<16xf32>,
      %parallel_loop3A_89 = arith.mulf %parallel_loop3A_62, %parallel_loop3A_73 : vector<16xf32>
      %parallel_loop3A_90 = arith.addf %parallel_loop3A_88, %parallel_loop3A_89 : vector<16xf32>
      %parallel_loop3A_91 = arith.mulf %parallel_loop3A_63, %parallel_loop3A_77 : vector<16xf32>
      %parallel_loop3A_92 = arith.addf %parallel_loop3A_90, %parallel_loop3A_91 : vector<16xf32>
      %parallel_loop3A_93 = arith.index_cast %parallel_loop3A_58 : i32 to index
      %parallel_loop3A_94 = arith.constant 0 : index
      %parallel_loop3A_95 = tpu.vector_load %arg16[%parallel_loop3A_93, %parallel_loop3A_94] {strides = array<i32>} : memref<32x768xf32, #tpu.memory_space<vmem>>, vector<16xf32>,
      tpu.vector_store %arg16[%parallel_loop3A_93, %parallel_loop3A_94], %parallel_loop3A_92 {strides = array<i32>} : memref<32x768xf32, #tpu.memory_space<vmem>>, vector<16xf32>,
      %parallel_loop3A_96 = arith.index_cast %parallel_loop3A_58 : i32 to index
      %parallel_loop3A_97 = arith.constant 384 : index
      %parallel_loop3A_98 = tpu.vector_load %arg16[%parallel_loop3A_96, %parallel_loop3A_97] {strides = array<i32>} : memref<32x768xf32, #tpu.memory_space<vmem>>, vector<16xf32>,
      %parallel_loop3A_99 = arith.mulf %parallel_loop3A_62, %parallel_loop3A_81 : vector<16xf32>
      %parallel_loop3A_100 = arith.addf %parallel_loop3A_98, %parallel_loop3A_99 : vector<16xf32>
      %parallel_loop3A_101 = arith.mulf %parallel_loop3A_63, %parallel_loop3A_85 : vector<16xf32>
      %parallel_loop3A_102 = arith.addf %parallel_loop3A_100, %parallel_loop3A_101 : vector<16xf32>
      %parallel_loop3A_103 = arith.index_cast %parallel_loop3A_58 : i32 to index
      %parallel_loop3A_104 = arith.constant 384 : index
      %parallel_loop3A_105 = tpu.vector_load %arg16[%parallel_loop3A_103, %parallel_loop3A_104] {strides = array<i32>} : memref<32x768xf32, #tpu.memory_space<vmem>>, vector<16xf32>,
      tpu.vector_store %arg16[%parallel_loop3A_103, %parallel_loop3A_104], %parallel_loop3A_102 {strides = array<i32>} : memref<32x768xf32, #tpu.memory_space<vmem>>, vector<16xf32>,
      %parallel_loop3A_106 = arith.index_cast %parallel_loop3A_58 : i32 to index
      %parallel_loop3A_107 = arith.constant 16 : index
      %parallel_loop3A_108 = tpu.vector_load %arg18[%parallel_loop3A_106, %parallel_loop3A_107] {strides = array<i32>} : memref<32x384xi32, #tpu.memory_space<vmem>>, vector<16xi32>,
      %parallel_loop3A_109 = arith.index_cast %parallel_loop3A_58 : i32 to index
      %parallel_loop3A_110 = arith.constant 16 : index
      %parallel_loop3A_111 = tpu.vector_load %arg20[%parallel_loop3A_109, %parallel_loop3A_110] {strides = array<i32>} : memref<32x384xi32, #tpu.memory_space<vmem>>, vector<16xi32>,
      %parallel_loop3A_112 = arith.constant 16 : i32
      %parallel_loop3A_113 = vector.broadcast %parallel_loop3A_112 : i32 to vector<16xi32>
      %parallel_loop3A_114 = arith.shli %parallel_loop3A_108, %parallel_loop3A_113 : vector<16xi32>
      %parallel_loop3A_115 = vector.bitcast %parallel_loop3A_114 : vector<16xi32> to vector<16xf32>
      %parallel_loop3A_116 = arith.constant 16 : i32
      %parallel_loop3A_117 = vector.broadcast %parallel_loop3A_116 : i32 to vector<16xi32>
      %parallel_loop3A_118 = arith.shli %parallel_loop3A_111, %parallel_loop3A_117 : vector<16xi32>
      %parallel_loop3A_119 = vector.bitcast %parallel_loop3A_118 : vector<16xi32> to vector<16xf32>
      %parallel_loop3A_120 = arith.constant -65536 : i32
      %parallel_loop3A_121 = vector.broadcast %parallel_loop3A_120 : i32 to vector<16xi32>
      %parallel_loop3A_122 = arith.andi %parallel_loop3A_108, %parallel_loop3A_121 : vector<16xi32>
      %parallel_loop3A_123 = vector.bitcast %parallel_loop3A_122 : vector<16xi32> to vector<16xf32>
      %parallel_loop3A_124 = arith.constant -65536 : i32
      %parallel_loop3A_125 = vector.broadcast %parallel_loop3A_124 : i32 to vector<16xi32>
      %parallel_loop3A_126 = arith.andi %parallel_loop3A_111, %parallel_loop3A_125 : vector<16xi32>
      %parallel_loop3A_127 = vector.bitcast %parallel_loop3A_126 : vector<16xi32> to vector<16xf32>
      %parallel_loop3A_128 = arith.index_cast %parallel_loop3A_58 : i32 to index
      %parallel_loop3A_129 = arith.constant 16 : index
      %parallel_loop3A_130 = tpu.vector_load %arg16[%parallel_loop3A_128, %parallel_loop3A_129] {strides = array<i32>} : memref<32x768xf32, #tpu.memory_space<vmem>>, vector<16xf32>,
      %parallel_loop3A_131 = arith.mulf %parallel_loop3A_62, %parallel_loop3A_115 : vector<16xf32>
      %parallel_loop3A_132 = arith.addf %parallel_loop3A_130, %parallel_loop3A_131 : vector<16xf32>
      %parallel_loop3A_133 = arith.mulf %parallel_loop3A_63, %parallel_loop3A_119 : vector<16xf32>
      %parallel_loop3A_134 = arith.addf %parallel_loop3A_132, %parallel_loop3A_133 : vector<16xf32>
      %parallel_loop3A_135 = arith.index_cast %parallel_loop3A_58 : i32 to index
      %parallel_loop3A_136 = arith.constant 16 : index
      %parallel_loop3A_137 = tpu.vector_load %arg16[%parallel_loop3A_135, %parallel_loop3A_136] {strides = array<i32>} : memref<32x768xf32, #tpu.memory_space<vmem>>, vector<16xf32>,
      tpu.vector_store %arg16[%parallel_loop3A_135, %parallel_loop3A_136], %parallel_loop3A_134 {strides = array<i32>} : memref<32x768xf32, #tpu.memory_space<vmem>>, vector<16xf32>,
      %parallel_loop3A_138 = arith.index_cast %parallel_loop3A_58 : i32 to index
      %parallel_loop3A_139 = arith.constant 400 : index
      %parallel_loop3A_140 = tpu.vector_load %arg16[%parallel_loop3A_138, %parallel_loop3A_139] {strides = array<i32>} : memref<32x768xf32, #tpu.memory_space<vmem>>, vector<16xf32>,
      %parallel_loop3A_141 = arith.mulf %parallel_loop3A_62, %parallel_loop3A_123 : vector<16xf32>
      %parallel_loop3A_142 = arith.addf %parallel_loop3A_140, %parallel_loop3A_141 : vector<16xf32>
      %parallel_loop3A_143 = arith.mulf %parallel_loop3A_63, %parallel_loop3A_127 : vector<16xf32>
      %parallel_loop3A_144 = arith.addf %parallel_loop3A_142, %parallel_loop3A_143 : vector<16xf32>
      %parallel_loop3A_145 = arith.index_cast %parallel_loop3A_58 : i32 to index
      %parallel_loop3A_146 = arith.constant 400 : index
      %parallel_loop3A_147 = tpu.vector_load %arg16[%parallel_loop3A_145, %parallel_loop3A_146] {strides = array<i32>} : memref<32x768xf32, #tpu.memory_space<vmem>>, vector<16xf32>,
      tpu.vector_store %arg16[%parallel_loop3A_145, %parallel_loop3A_146], %parallel_loop3A_144 {strides = array<i32>} : memref<32x768xf32, #tpu.memory_space<vmem>>, vector<16xf32>,
      %parallel_loop3A_148 = arith.index_cast %parallel_loop3A_58 : i32 to index
      %parallel_loop3A_149 = arith.constant 32 : index
      %parallel_loop3A_150 = tpu.vector_load %arg18[%parallel_loop3A_148, %parallel_loop3A_149] {strides = array<i32>} : memref<32x384xi32, #tpu.memory_space<vmem>>, vector<16xi32>,
      %parallel_loop3A_151 = arith.index_cast %parallel_loop3A_58 : i32 to index
      %parallel_loop3A_152 = arith.constant 32 : index
      %parallel_loop3A_153 = tpu.vector_load %arg20[%parallel_loop3A_151, %parallel_loop3A_152] {strides = array<i32>} : memref<32x384xi32, #tpu.memory_space<vmem>>, vector<16xi32>,
      %parallel_loop3A_154 = arith.constant 16 : i32
      %parallel_loop3A_155 = vector.broadcast %parallel_loop3A_154 : i32 to vector<16xi32>
      %parallel_loop3A_156 = arith.shli %parallel_loop3A_150, %parallel_loop3A_155 : vector<16xi32>
      %parallel_loop3A_157 = vector.bitcast %parallel_loop3A_156 : vector<16xi32> to vector<16xf32>
      %parallel_loop3A_158 = arith.constant 16 : i32
      %parallel_loop3A_159 = vector.broadcast %parallel_loop3A_158 : i32 to vector<16xi32>
      %parallel_loop3A_160 = arith.shli %parallel_loop3A_153, %parallel_loop3A_159 : vector<16xi32>
      %parallel_loop3A_161 = vector.bitcast %parallel_loop3A_160 : vector<16xi32> to vector<16xf32>
      %parallel_loop3A_162 = arith.constant -65536 : i32
      %parallel_loop3A_163 = vector.broadcast %parallel_loop3A_162 : i32 to vector<16xi32>
      %parallel_loop3A_164 = arith.andi %parallel_loop3A_150, %parallel_loop3A_163 : vector<16xi32>
      %parallel_loop3A_165 = vector.bitcast %parallel_loop3A_164 : vector<16xi32> to vector<16xf32>
      %parallel_loop3A_166 = arith.constant -65536 : i32
      %parallel_loop3A_167 = vector.broadcast %parallel_loop3A_166 : i32 to vector<16xi32>
      %parallel_loop3A_168 = arith.andi %parallel_loop3A_153, %parallel_loop3A_167 : vector<16xi32>
      %parallel_loop3A_169 = vector.bitcast %parallel_loop3A_168 : vector<16xi32> to vector<16xf32>
      %parallel_loop3A_170 = arith.index_cast %parallel_loop3A_58 : i32 to index
      %parallel_loop3A_171 = arith.constant 32 : index
      %parallel_loop3A_172 = tpu.vector_load %arg16[%parallel_loop3A_170, %parallel_loop3A_171] {strides = array<i32>} : memref<32x768xf32, #tpu.memory_space<vmem>>, vector<16xf32>,
      %parallel_loop3A_173 = arith.mulf %parallel_loop3A_62, %parallel_loop3A_157 : vector<16xf32>
      %parallel_loop3A_174 = arith.addf %parallel_loop3A_172, %parallel_loop3A_173 : vector<16xf32>
      %parallel_loop3A_175 = arith.mulf %parallel_loop3A_63, %parallel_loop3A_161 : vector<16xf32>
      %parallel_loop3A_176 = arith.addf %parallel_loop3A_174, %parallel_loop3A_175 : vector<16xf32>
      %parallel_loop3A_177 = arith.index_cast %parallel_loop3A_58 : i32 to index
      %parallel_loop3A_178 = arith.constant 32 : index
      %parallel_loop3A_179 = tpu.vector_load %arg16[%parallel_loop3A_177, %parallel_loop3A_178] {strides = array<i32>} : memref<32x768xf32, #tpu.memory_space<vmem>>, vector<16xf32>,
      tpu.vector_store %arg16[%parallel_loop3A_177, %parallel_loop3A_178], %parallel_loop3A_176 {strides = array<i32>} : memref<32x768xf32, #tpu.memory_space<vmem>>, vector<16xf32>,
      %parallel_loop3A_180 = arith.index_cast %parallel_loop3A_58 : i32 to index
      %parallel_loop3A_181 = arith.constant 416 : index
      %parallel_loop3A_182 = tpu.vector_load %arg16[%parallel_loop3A_180, %parallel_loop3A_181] {strides = array<i32>} : memref<32x768xf32, #tpu.memory_space<vmem>>, vector<16xf32>,
      %parallel_loop3A_183 = arith.mulf %parallel_loop3A_62, %parallel_loop3A_165 : vector<16xf32>
      %parallel_loop3A_184 = arith.addf %parallel_loop3A_182, %parallel_loop3A_183 : vector<16xf32>
      %parallel_loop3A_185 = arith.mulf %parallel_loop3A_63, %parallel_loop3A_169 : vector<16xf32>
      %parallel_loop3A_186 = arith.addf %parallel_loop3A_184, %parallel_loop3A_185 : vector<16xf32>
      %parallel_loop3A_187 = arith.index_cast %parallel_loop3A_58 : i32 to index
      %parallel_loop3A_188 = arith.constant 416 : index
      %parallel_loop3A_189 = tpu.vector_load %arg16[%parallel_loop3A_187, %parallel_loop3A_188] {strides = array<i32>} : memref<32x768xf32, #tpu.memory_space<vmem>>, vector<16xf32>,
      tpu.vector_store %arg16[%parallel_loop3A_187, %parallel_loop3A_188], %parallel_loop3A_186 {strides = array<i32>} : memref<32x768xf32, #tpu.memory_space<vmem>>, vector<16xf32>,
      %parallel_loop3A_190 = arith.index_cast %parallel_loop3A_58 : i32 to index
      %parallel_loop3A_191 = arith.constant 48 : index
      %parallel_loop3A_192 = tpu.vector_load %arg18[%parallel_loop3A_190, %parallel_loop3A_191] {strides = array<i32>} : memref<32x384xi32, #tpu.memory_space<vmem>>, vector<16xi32>,
      %parallel_loop3A_193 = arith.index_cast %parallel_loop3A_58 : i32 to index
      %parallel_loop3A_194 = arith.constant 48 : index
      %parallel_loop3A_195 = tpu.vector_load %arg20[%parallel_loop3A_193, %parallel_loop3A_194] {strides = array<i32>} : memref<32x384xi32, #tpu.memory_space<vmem>>, vector<16xi32>,
      %parallel_loop3A_196 = arith.constant 16 : i32
      %parallel_loop3A_197 = vector.broadcast %parallel_loop3A_196 : i32 to vector<16xi32>
      %parallel_loop3A_198 = arith.shli %parallel_loop3A_192, %parallel_loop3A_197 : vector<16xi32>
      %parallel_loop3A_199 = vector.bitcast %parallel_loop3A_198 : vector<16xi32> to vector<16xf32>
      %parallel_loop3A_200 = arith.constant 16 : i32
      %parallel_loop3A_201 = vector.broadcast %parallel_loop3A_200 : i32 to vector<16xi32>
      %parallel_loop3A_202 = arith.shli %parallel_loop3A_195, %parallel_loop3A_201 : vector<16xi32>
      %parallel_loop3A_203 = vector.bitcast %parallel_loop3A_202 : vector<16xi32> to vector<16xf32>
      %parallel_loop3A_204 = arith.constant -65536 : i32
      %parallel_loop3A_205 = vector.broadcast %parallel_loop3A_204 : i32 to vector<16xi32>
      %parallel_loop3A_206 = arith.andi %parallel_loop3A_192, %parallel_loop3A_205 : vector<16xi32>
      %parallel_loop3A_207 = vector.bitcast %parallel_loop3A_206 : vector<16xi32> to vector<16xf32>
      %parallel_loop3A_208 = arith.constant -65536 : i32
      %parallel_loop3A_209 = vector.broadcast %parallel_loop3A_208 : i32 to vector<16xi32>
      %parallel_loop3A_210 = arith.andi %parallel_loop3A_195, %parallel_loop3A_209 : vector<16xi32>
      %parallel_loop3A_211 = vector.bitcast %parallel_loop3A_210 : vector<16xi32> to vector<16xf32>
      %parallel_loop3A_212 = arith.index_cast %parallel_loop3A_58 : i32 to index
      %parallel_loop3A_213 = arith.constant 48 : index
      %parallel_loop3A_214 = tpu.vector_load %arg16[%parallel_loop3A_212, %parallel_loop3A_213] {strides = array<i32>} : memref<32x768xf32, #tpu.memory_space<vmem>>, vector<16xf32>,
      %parallel_loop3A_215 = arith.mulf %parallel_loop3A_62, %parallel_loop3A_199 : vector<16xf32>
      %parallel_loop3A_216 = arith.addf %parallel_loop3A_214, %parallel_loop3A_215 : vector<16xf32>
      %parallel_loop3A_217 = arith.mulf %parallel_loop3A_63, %parallel_loop3A_203 : vector<16xf32>
      %parallel_loop3A_218 = arith.addf %parallel_loop3A_216, %parallel_loop3A_217 : vector<16xf32>
      %parallel_loop3A_219 = arith.index_cast %parallel_loop3A_58 : i32 to index
      %parallel_loop3A_220 = arith.constant 48 : index
      %parallel_loop3A_221 = tpu.vector_load %arg16[%parallel_loop3A_219, %parallel_loop3A_220] {strides = array<i32>} : memref<32x768xf32, #tpu.memory_space<vmem>>, vector<16xf32>,
      tpu.vector_store %arg16[%parallel_loop3A_219, %parallel_loop3A_220], %parallel_loop3A_218 {strides = array<i32>} : memref<32x768xf32, #tpu.memory_space<vmem>>, vector<16xf32>,
      %parallel_loop3A_222 = arith.index_cast %parallel_loop3A_58 : i32 to index
      %parallel_loop3A_223 = arith.constant 432 : index
      %parallel_loop3A_224 = tpu.vector_load %arg16[%parallel_loop3A_222, %parallel_loop3A_223] {strides = array<i32>} : memref<32x768xf32, #tpu.memory_space<vmem>>, vector<16xf32>,
      %parallel_loop3A_225 = arith.mulf %parallel_loop3A_62, %parallel_loop3A_207 : vector<16xf32>
      %parallel_loop3A_226 = arith.addf %parallel_loop3A_224, %parallel_loop3A_225 : vector<16xf32>
      %parallel_loop3A_227 = arith.mulf %parallel_loop3A_63, %parallel_loop3A_211 : vector<16xf32>
      %parallel_loop3A_228 = arith.addf %parallel_loop3A_226, %parallel_loop3A_227 : vector<16xf32>
      %parallel_loop3A_229 = arith.index_cast %parallel_loop3A_58 : i32 to index
      %parallel_loop3A_230 = arith.constant 432 : index
      %parallel_loop3A_231 = tpu.vector_load %arg16[%parallel_loop3A_229, %parallel_loop3A_230] {strides = array<i32>} : memref<32x768xf32, #tpu.memory_space<vmem>>, vector<16xf32>,
      tpu.vector_store %arg16[%parallel_loop3A_229, %parallel_loop3A_230], %parallel_loop3A_228 {strides = array<i32>} : memref<32x768xf32, #tpu.memory_space<vmem>>, vector<16xf32>,
      %parallel_loop3A_232 = arith.index_cast %parallel_loop3A_58 : i32 to index
      %parallel_loop3A_233 = arith.constant 64 : index
      %parallel_loop3A_234 = tpu.vector_load %arg18[%parallel_loop3A_232, %parallel_loop3A_233] {strides = array<i32>} : memref<32x384xi32, #tpu.memory_space<vmem>>, vector<16xi32>,
      %parallel_loop3A_235 = arith.index_cast %parallel_loop3A_58 : i32 to index
      %parallel_loop3A_236 = arith.constant 64 : index
      %parallel_loop3A_237 = tpu.vector_load %arg20[%parallel_loop3A_235, %parallel_loop3A_236] {strides = array<i32>} : memref<32x384xi32, #tpu.memory_space<vmem>>, vector<16xi32>,
      %parallel_loop3A_238 = arith.constant 16 : i32
      %parallel_loop3A_239 = vector.broadcast %parallel_loop3A_238 : i32 to vector<16xi32>
      %parallel_loop3A_240 = arith.shli %parallel_loop3A_234, %parallel_loop3A_239 : vector<16xi32>
      %parallel_loop3A_241 = vector.bitcast %parallel_loop3A_240 : vector<16xi32> to vector<16xf32>
      %parallel_loop3A_242 = arith.constant 16 : i32
      %parallel_loop3A_243 = vector.broadcast %parallel_loop3A_242 : i32 to vector<16xi32>
      %parallel_loop3A_244 = arith.shli %parallel_loop3A_237, %parallel_loop3A_243 : vector<16xi32>
      %parallel_loop3A_245 = vector.bitcast %parallel_loop3A_244 : vector<16xi32> to vector<16xf32>
      %parallel_loop3A_246 = arith.constant -65536 : i32
      %parallel_loop3A_247 = vector.broadcast %parallel_loop3A_246 : i32 to vector<16xi32>
      %parallel_loop3A_248 = arith.andi %parallel_loop3A_234, %parallel_loop3A_247 : vector<16xi32>
      %parallel_loop3A_249 = vector.bitcast %parallel_loop3A_248 : vector<16xi32> to vector<16xf32>
      %parallel_loop3A_250 = arith.constant -65536 : i32
      %parallel_loop3A_251 = vector.broadcast %parallel_loop3A_250 : i32 to vector<16xi32>
      %parallel_loop3A_252 = arith.andi %parallel_loop3A_237, %parallel_loop3A_251 : vector<16xi32>
      %parallel_loop3A_253 = vector.bitcast %parallel_loop3A_252 : vector<16xi32> to vector<16xf32>
      %parallel_loop3A_254 = arith.index_cast %parallel_loop3A_58 : i32 to index
      %parallel_loop3A_255 = arith.constant 64 : index
      %parallel_loop3A_256 = tpu.vector_load %arg16[%parallel_loop3A_254, %parallel_loop3A_255] {strides = array<i32>} : memref<32x768xf32, #tpu.memory_space<vmem>>, vector<16xf32>,
      %parallel_loop3A_257 = arith.mulf %parallel_loop3A_62, %parallel_loop3A_241 : vector<16xf32>
      %parallel_loop3A_258 = arith.addf %parallel_loop3A_256, %parallel_loop3A_257 : vector<16xf32>
      %parallel_loop3A_259 = arith.mulf %parallel_loop3A_63, %parallel_loop3A_245 : vector<16xf32>
      %parallel_loop3A_260 = arith.addf %parallel_loop3A_258, %parallel_loop3A_259 : vector<16xf32>
      %parallel_loop3A_261 = arith.index_cast %parallel_loop3A_58 : i32 to index
      %parallel_loop3A_262 = arith.constant 64 : index
      %parallel_loop3A_263 = tpu.vector_load %arg16[%parallel_loop3A_261, %parallel_loop3A_262] {strides = array<i32>} : memref<32x768xf32, #tpu.memory_space<vmem>>, vector<16xf32>,
      tpu.vector_store %arg16[%parallel_loop3A_261, %parallel_loop3A_262], %parallel_loop3A_260 {strides = array<i32>} : memref<32x768xf32, #tpu.memory_space<vmem>>, vector<16xf32>,
      %parallel_loop3A_264 = arith.index_cast %parallel_loop3A_58 : i32 to index
      %parallel_loop3A_265 = arith.constant 448 : index
      %parallel_loop3A_266 = tpu.vector_load %arg16[%parallel_loop3A_264, %parallel_loop3A_265] {strides = array<i32>} : memref<32x768xf32, #tpu.memory_space<vmem>>, vector<16xf32>,
      %parallel_loop3A_267 = arith.mulf %parallel_loop3A_62, %parallel_loop3A_249 : vector<16xf32>
      %parallel_loop3A_268 = arith.addf %parallel_loop3A_266, %parallel_loop3A_267 : vector<16xf32>
      %parallel_loop3A_269 = arith.mulf %parallel_loop3A_63, %parallel_loop3A_253 : vector<16xf32>
      %parallel_loop3A_270 = arith.addf %parallel_loop3A_268, %parallel_loop3A_269 : vector<16xf32>
      %parallel_loop3A_271 = arith.index_cast %parallel_loop3A_58 : i32 to index
      %parallel_loop3A_272 = arith.constant 448 : index
      %parallel_loop3A_273 = tpu.vector_load %arg16[%parallel_loop3A_271, %parallel_loop3A_272] {strides = array<i32>} : memref<32x768xf32, #tpu.memory_space<vmem>>, vector<16xf32>,
      tpu.vector_store %arg16[%parallel_loop3A_271, %parallel_loop3A_272], %parallel_loop3A_270 {strides = array<i32>} : memref<32x768xf32, #tpu.memory_space<vmem>>, vector<16xf32>,
      %parallel_loop3A_274 = arith.index_cast %parallel_loop3A_58 : i32 to index
      %parallel_loop3A_275 = arith.constant 80 : index
      %parallel_loop3A_276 = tpu.vector_load %arg18[%parallel_loop3A_274, %parallel_loop3A_275] {strides = array<i32>} : memref<32x384xi32, #tpu.memory_space<vmem>>, vector<16xi32>,
      %parallel_loop3A_277 = arith.index_cast %parallel_loop3A_58 : i32 to index
      %parallel_loop3A_278 = arith.constant 80 : index
      %parallel_loop3A_279 = tpu.vector_load %arg20[%parallel_loop3A_277, %parallel_loop3A_278] {strides = array<i32>} : memref<32x384xi32, #tpu.memory_space<vmem>>, vector<16xi32>,
      %parallel_loop3A_280 = arith.constant 16 : i32
      %parallel_loop3A_281 = vector.broadcast %parallel_loop3A_280 : i32 to vector<16xi32>
      %parallel_loop3A_282 = arith.shli %parallel_loop3A_276, %parallel_loop3A_281 : vector<16xi32>
      %parallel_loop3A_283 = vector.bitcast %parallel_loop3A_282 : vector<16xi32> to vector<16xf32>
      %parallel_loop3A_284 = arith.constant 16 : i32
      %parallel_loop3A_285 = vector.broadcast %parallel_loop3A_284 : i32 to vector<16xi32>
      %parallel_loop3A_286 = arith.shli %parallel_loop3A_279, %parallel_loop3A_285 : vector<16xi32>
      %parallel_loop3A_287 = vector.bitcast %parallel_loop3A_286 : vector<16xi32> to vector<16xf32>
      %parallel_loop3A_288 = arith.constant -65536 : i32
      %parallel_loop3A_289 = vector.broadcast %parallel_loop3A_288 : i32 to vector<16xi32>
      %parallel_loop3A_290 = arith.andi %parallel_loop3A_276, %parallel_loop3A_289 : vector<16xi32>
      %parallel_loop3A_291 = vector.bitcast %parallel_loop3A_290 : vector<16xi32> to vector<16xf32>
      %parallel_loop3A_292 = arith.constant -65536 : i32
      %parallel_loop3A_293 = vector.broadcast %parallel_loop3A_292 : i32 to vector<16xi32>
      %parallel_loop3A_294 = arith.andi %parallel_loop3A_279, %parallel_loop3A_293 : vector<16xi32>
      %parallel_loop3A_295 = vector.bitcast %parallel_loop3A_294 : vector<16xi32> to vector<16xf32>
      %parallel_loop3A_296 = arith.index_cast %parallel_loop3A_58 : i32 to index
      %parallel_loop3A_297 = arith.constant 80 : index
      %parallel_loop3A_298 = tpu.vector_load %arg16[%parallel_loop3A_296, %parallel_loop3A_297] {strides = array<i32>} : memref<32x768xf32, #tpu.memory_space<vmem>>, vector<16xf32>,
      %parallel_loop3A_299 = arith.mulf %parallel_loop3A_62, %parallel_loop3A_283 : vector<16xf32>
      %parallel_loop3A_300 = arith.addf %parallel_loop3A_298, %parallel_loop3A_299 : vector<16xf32>
      %parallel_loop3A_301 = arith.mulf %parallel_loop3A_63, %parallel_loop3A_287 : vector<16xf32>
      %parallel_loop3A_302 = arith.addf %parallel_loop3A_300, %parallel_loop3A_301 : vector<16xf32>
      %parallel_loop3A_303 = arith.index_cast %parallel_loop3A_58 : i32 to index
      %parallel_loop3A_304 = arith.constant 80 : index
      %parallel_loop3A_305 = tpu.vector_load %arg16[%parallel_loop3A_303, %parallel_loop3A_304] {strides = array<i32>} : memref<32x768xf32, #tpu.memory_space<vmem>>, vector<16xf32>,
      tpu.vector_store %arg16[%parallel_loop3A_303, %parallel_loop3A_304], %parallel_loop3A_302 {strides = array<i32>} : memref<32x768xf32, #tpu.memory_space<vmem>>, vector<16xf32>,
      %parallel_loop3A_306 = arith.index_cast %parallel_loop3A_58 : i32 to index
      %parallel_loop3A_307 = arith.constant 464 : index
      %parallel_loop3A_308 = tpu.vector_load %arg16[%parallel_loop3A_306, %parallel_loop3A_307] {strides = array<i32>} : memref<32x768xf32, #tpu.memory_space<vmem>>, vector<16xf32>,
      %parallel_loop3A_309 = arith.mulf %parallel_loop3A_62, %parallel_loop3A_291 : vector<16xf32>
      %parallel_loop3A_310 = arith.addf %parallel_loop3A_308, %parallel_loop3A_309 : vector<16xf32>
      %parallel_loop3A_311 = arith.mulf %parallel_loop3A_63, %parallel_loop3A_295 : vector<16xf32>
      %parallel_loop3A_312 = arith.addf %parallel_loop3A_310, %parallel_loop3A_311 : vector<16xf32>
      %parallel_loop3A_313 = arith.index_cast %parallel_loop3A_58 : i32 to index
      %parallel_loop3A_314 = arith.constant 464 : index
      %parallel_loop3A_315 = tpu.vector_load %arg16[%parallel_loop3A_313, %parallel_loop3A_314] {strides = array<i32>} : memref<32x768xf32, #tpu.memory_space<vmem>>, vector<16xf32>,
      tpu.vector_store %arg16[%parallel_loop3A_313, %parallel_loop3A_314], %parallel_loop3A_312 {strides = array<i32>} : memref<32x768xf32, #tpu.memory_space<vmem>>, vector<16xf32>,
      %parallel_loop3A_316 = arith.index_cast %parallel_loop3A_58 : i32 to index
      %parallel_loop3A_317 = arith.constant 96 : index
      %parallel_loop3A_318 = tpu.vector_load %arg18[%parallel_loop3A_316, %parallel_loop3A_317] {strides = array<i32>} : memref<32x384xi32, #tpu.memory_space<vmem>>, vector<16xi32>,
      %parallel_loop3A_319 = arith.index_cast %parallel_loop3A_58 : i32 to index
      %parallel_loop3A_320 = arith.constant 96 : index
      %parallel_loop3A_321 = tpu.vector_load %arg20[%parallel_loop3A_319, %parallel_loop3A_320] {strides = array<i32>} : memref<32x384xi32, #tpu.memory_space<vmem>>, vector<16xi32>,
      %parallel_loop3A_322 = arith.constant 16 : i32
      %parallel_loop3A_323 = vector.broadcast %parallel_loop3A_322 : i32 to vector<16xi32>
      %parallel_loop3A_324 = arith.shli %parallel_loop3A_318, %parallel_loop3A_323 : vector<16xi32>
      %parallel_loop3A_325 = vector.bitcast %parallel_loop3A_324 : vector<16xi32> to vector<16xf32>
      %parallel_loop3A_326 = arith.constant 16 : i32
      %parallel_loop3A_327 = vector.broadcast %parallel_loop3A_326 : i32 to vector<16xi32>
      %parallel_loop3A_328 = arith.shli %parallel_loop3A_321, %parallel_loop3A_327 : vector<16xi32>
      %parallel_loop3A_329 = vector.bitcast %parallel_loop3A_328 : vector<16xi32> to vector<16xf32>
      %parallel_loop3A_330 = arith.constant -65536 : i32
      %parallel_loop3A_331 = vector.broadcast %parallel_loop3A_330 : i32 to vector<16xi32>
      %parallel_loop3A_332 = arith.andi %parallel_loop3A_318, %parallel_loop3A_331 : vector<16xi32>
      %parallel_loop3A_333 = vector.bitcast %parallel_loop3A_332 : vector<16xi32> to vector<16xf32>
      %parallel_loop3A_334 = arith.constant -65536 : i32
      %parallel_loop3A_335 = vector.broadcast %parallel_loop3A_334 : i32 to vector<16xi32>
      %parallel_loop3A_336 = arith.andi %parallel_loop3A_321, %parallel_loop3A_335 : vector<16xi32>
      %parallel_loop3A_337 = vector.bitcast %parallel_loop3A_336 : vector<16xi32> to vector<16xf32>
      %parallel_loop3A_338 = arith.index_cast %parallel_loop3A_58 : i32 to index
      %parallel_loop3A_339 = arith.constant 96 : index
      %parallel_loop3A_340 = tpu.vector_load %arg16[%parallel_loop3A_338, %parallel_loop3A_339] {strides = array<i32>} : memref<32x768xf32, #tpu.memory_space<vmem>>, vector<16xf32>,
      %parallel_loop3A_341 = arith.mulf %parallel_loop3A_62, %parallel_loop3A_325 : vector<16xf32>
      %parallel_loop3A_342 = arith.addf %parallel_loop3A_340, %parallel_loop3A_341 : vector<16xf32>
      %parallel_loop3A_343 = arith.mulf %parallel_loop3A_63, %parallel_loop3A_329 : vector<16xf32>
      %parallel_loop3A_344 = arith.addf %parallel_loop3A_342, %parallel_loop3A_343 : vector<16xf32>
      %parallel_loop3A_345 = arith.index_cast %parallel_loop3A_58 : i32 to index
      %parallel_loop3A_346 = arith.constant 96 : index
      %parallel_loop3A_347 = tpu.vector_load %arg16[%parallel_loop3A_345, %parallel_loop3A_346] {strides = array<i32>} : memref<32x768xf32, #tpu.memory_space<vmem>>, vector<16xf32>,
      tpu.vector_store %arg16[%parallel_loop3A_345, %parallel_loop3A_346], %parallel_loop3A_344 {strides = array<i32>} : memref<32x768xf32, #tpu.memory_space<vmem>>, vector<16xf32>,
      %parallel_loop3A_348 = arith.index_cast %parallel_loop3A_58 : i32 to index
      %parallel_loop3A_349 = arith.constant 480 : index
      %parallel_loop3A_350 = tpu.vector_load %arg16[%parallel_loop3A_348, %parallel_loop3A_349] {strides = array<i32>} : memref<32x768xf32, #tpu.memory_space<vmem>>, vector<16xf32>,
      %parallel_loop3A_351 = arith.mulf %parallel_loop3A_62, %parallel_loop3A_333 : vector<16xf32>
      %parallel_loop3A_352 = arith.addf %parallel_loop3A_350, %parallel_loop3A_351 : vector<16xf32>
      %parallel_loop3A_353 = arith.mulf %parallel_loop3A_63, %parallel_loop3A_337 : vector<16xf32>
      %parallel_loop3A_354 = arith.addf %parallel_loop3A_352, %parallel_loop3A_353 : vector<16xf32>
      %parallel_loop3A_355 = arith.index_cast %parallel_loop3A_58 : i32 to index
      %parallel_loop3A_356 = arith.constant 480 : index
      %parallel_loop3A_357 = tpu.vector_load %arg16[%parallel_loop3A_355, %parallel_loop3A_356] {strides = array<i32>} : memref<32x768xf32, #tpu.memory_space<vmem>>, vector<16xf32>,
      tpu.vector_store %arg16[%parallel_loop3A_355, %parallel_loop3A_356], %parallel_loop3A_354 {strides = array<i32>} : memref<32x768xf32, #tpu.memory_space<vmem>>, vector<16xf32>,
      %parallel_loop3A_358 = arith.index_cast %parallel_loop3A_58 : i32 to index
      %parallel_loop3A_359 = arith.constant 112 : index
      %parallel_loop3A_360 = tpu.vector_load %arg18[%parallel_loop3A_358, %parallel_loop3A_359] {strides = array<i32>} : memref<32x384xi32, #tpu.memory_space<vmem>>, vector<16xi32>,
      %parallel_loop3A_361 = arith.index_cast %parallel_loop3A_58 : i32 to index
      %parallel_loop3A_362 = arith.constant 112 : index
      %parallel_loop3A_363 = tpu.vector_load %arg20[%parallel_loop3A_361, %parallel_loop3A_362] {strides = array<i32>} : memref<32x384xi32, #tpu.memory_space<vmem>>, vector<16xi32>,
      %parallel_loop3A_364 = arith.constant 16 : i32
      %parallel_loop3A_365 = vector.broadcast %parallel_loop3A_364 : i32 to vector<16xi32>
      %parallel_loop3A_366 = arith.shli %parallel_loop3A_360, %parallel_loop3A_365 : vector<16xi32>
      %parallel_loop3A_367 = vector.bitcast %parallel_loop3A_366 : vector<16xi32> to vector<16xf32>
      %parallel_loop3A_368 = arith.constant 16 : i32
      %parallel_loop3A_369 = vector.broadcast %parallel_loop3A_368 : i32 to vector<16xi32>
      %parallel_loop3A_370 = arith.shli %parallel_loop3A_363, %parallel_loop3A_369 : vector<16xi32>
      %parallel_loop3A_371 = vector.bitcast %parallel_loop3A_370 : vector<16xi32> to vector<16xf32>
      %parallel_loop3A_372 = arith.constant -65536 : i32
      %parallel_loop3A_373 = vector.broadcast %parallel_loop3A_372 : i32 to vector<16xi32>
      %parallel_loop3A_374 = arith.andi %parallel_loop3A_360, %parallel_loop3A_373 : vector<16xi32>
      %parallel_loop3A_375 = vector.bitcast %parallel_loop3A_374 : vector<16xi32> to vector<16xf32>
      %parallel_loop3A_376 = arith.constant -65536 : i32
      %parallel_loop3A_377 = vector.broadcast %parallel_loop3A_376 : i32 to vector<16xi32>
      %parallel_loop3A_378 = arith.andi %parallel_loop3A_363, %parallel_loop3A_377 : vector<16xi32>
      %parallel_loop3A_379 = vector.bitcast %parallel_loop3A_378 : vector<16xi32> to vector<16xf32>
      %parallel_loop3A_380 = arith.index_cast %parallel_loop3A_58 : i32 to index
      %parallel_loop3A_381 = arith.constant 112 : index
      %parallel_loop3A_382 = tpu.vector_load %arg16[%parallel_loop3A_380, %parallel_loop3A_381] {strides = array<i32>} : memref<32x768xf32, #tpu.memory_space<vmem>>, vector<16xf32>,
      %parallel_loop3A_383 = arith.mulf %parallel_loop3A_62, %parallel_loop3A_367 : vector<16xf32>
      %parallel_loop3A_384 = arith.addf %parallel_loop3A_382, %parallel_loop3A_383 : vector<16xf32>
      %parallel_loop3A_385 = arith.mulf %parallel_loop3A_63, %parallel_loop3A_371 : vector<16xf32>
      %parallel_loop3A_386 = arith.addf %parallel_loop3A_384, %parallel_loop3A_385 : vector<16xf32>
      %parallel_loop3A_387 = arith.index_cast %parallel_loop3A_58 : i32 to index
      %parallel_loop3A_388 = arith.constant 112 : index
      %parallel_loop3A_389 = tpu.vector_load %arg16[%parallel_loop3A_387, %parallel_loop3A_388] {strides = array<i32>} : memref<32x768xf32, #tpu.memory_space<vmem>>, vector<16xf32>,
      tpu.vector_store %arg16[%parallel_loop3A_387, %parallel_loop3A_388], %parallel_loop3A_386 {strides = array<i32>} : memref<32x768xf32, #tpu.memory_space<vmem>>, vector<16xf32>,
      %parallel_loop3A_390 = arith.index_cast %parallel_loop3A_58 : i32 to index
      %parallel_loop3A_391 = arith.constant 496 : index
      %parallel_loop3A_392 = tpu.vector_load %arg16[%parallel_loop3A_390, %parallel_loop3A_391] {strides = array<i32>} : memref<32x768xf32, #tpu.memory_space<vmem>>, vector<16xf32>,
      %parallel_loop3A_393 = arith.mulf %parallel_loop3A_62, %parallel_loop3A_375 : vector<16xf32>
      %parallel_loop3A_394 = arith.addf %parallel_loop3A_392, %parallel_loop3A_393 : vector<16xf32>
      %parallel_loop3A_395 = arith.mulf %parallel_loop3A_63, %parallel_loop3A_379 : vector<16xf32>
      %parallel_loop3A_396 = arith.addf %parallel_loop3A_394, %parallel_loop3A_395 : vector<16xf32>
      %parallel_loop3A_397 = arith.index_cast %parallel_loop3A_58 : i32 to index
      %parallel_loop3A_398 = arith.constant 496 : index
      %parallel_loop3A_399 = tpu.vector_load %arg16[%parallel_loop3A_397, %parallel_loop3A_398] {strides = array<i32>} : memref<32x768xf32, #tpu.memory_space<vmem>>, vector<16xf32>,
      tpu.vector_store %arg16[%parallel_loop3A_397, %parallel_loop3A_398], %parallel_loop3A_396 {strides = array<i32>} : memref<32x768xf32, #tpu.memory_space<vmem>>, vector<16xf32>,
      %parallel_loop3A_400 = arith.index_cast %parallel_loop3A_58 : i32 to index
      %parallel_loop3A_401 = arith.constant 128 : index
      %parallel_loop3A_402 = tpu.vector_load %arg18[%parallel_loop3A_400, %parallel_loop3A_401] {strides = array<i32>} : memref<32x384xi32, #tpu.memory_space<vmem>>, vector<16xi32>,
      %parallel_loop3A_403 = arith.index_cast %parallel_loop3A_58 : i32 to index
      %parallel_loop3A_404 = arith.constant 128 : index
      %parallel_loop3A_405 = tpu.vector_load %arg20[%parallel_loop3A_403, %parallel_loop3A_404] {strides = array<i32>} : memref<32x384xi32, #tpu.memory_space<vmem>>, vector<16xi32>,
      %parallel_loop3A_406 = arith.constant 16 : i32
      %parallel_loop3A_407 = vector.broadcast %parallel_loop3A_406 : i32 to vector<16xi32>
      %parallel_loop3A_408 = arith.shli %parallel_loop3A_402, %parallel_loop3A_407 : vector<16xi32>
      %parallel_loop3A_409 = vector.bitcast %parallel_loop3A_408 : vector<16xi32> to vector<16xf32>
      %parallel_loop3A_410 = arith.constant 16 : i32
      %parallel_loop3A_411 = vector.broadcast %parallel_loop3A_410 : i32 to vector<16xi32>
      %parallel_loop3A_412 = arith.shli %parallel_loop3A_405, %parallel_loop3A_411 : vector<16xi32>
      %parallel_loop3A_413 = vector.bitcast %parallel_loop3A_412 : vector<16xi32> to vector<16xf32>
      %parallel_loop3A_414 = arith.constant -65536 : i32
      %parallel_loop3A_415 = vector.broadcast %parallel_loop3A_414 : i32 to vector<16xi32>
      %parallel_loop3A_416 = arith.andi %parallel_loop3A_402, %parallel_loop3A_415 : vector<16xi32>
      %parallel_loop3A_417 = vector.bitcast %parallel_loop3A_416 : vector<16xi32> to vector<16xf32>
      %parallel_loop3A_418 = arith.constant -65536 : i32
      %parallel_loop3A_419 = vector.broadcast %parallel_loop3A_418 : i32 to vector<16xi32>
      %parallel_loop3A_420 = arith.andi %parallel_loop3A_405, %parallel_loop3A_419 : vector<16xi32>
      %parallel_loop3A_421 = vector.bitcast %parallel_loop3A_420 : vector<16xi32> to vector<16xf32>
      %parallel_loop3A_422 = arith.index_cast %parallel_loop3A_58 : i32 to index
      %parallel_loop3A_423 = arith.constant 128 : index
      %parallel_loop3A_424 = tpu.vector_load %arg16[%parallel_loop3A_422, %parallel_loop3A_423] {strides = array<i32>} : memref<32x768xf32, #tpu.memory_space<vmem>>, vector<16xf32>,
      %parallel_loop3A_425 = arith.mulf %parallel_loop3A_62, %parallel_loop3A_409 : vector<16xf32>
      %parallel_loop3A_426 = arith.addf %parallel_loop3A_424, %parallel_loop3A_425 : vector<16xf32>
      %parallel_loop3A_427 = arith.mulf %parallel_loop3A_63, %parallel_loop3A_413 : vector<16xf32>
      %parallel_loop3A_428 = arith.addf %parallel_loop3A_426, %parallel_loop3A_427 : vector<16xf32>
      %parallel_loop3A_429 = arith.index_cast %parallel_loop3A_58 : i32 to index
      %parallel_loop3A_430 = arith.constant 128 : index
      %parallel_loop3A_431 = tpu.vector_load %arg16[%parallel_loop3A_429, %parallel_loop3A_430] {strides = array<i32>} : memref<32x768xf32, #tpu.memory_space<vmem>>, vector<16xf32>,
      tpu.vector_store %arg16[%parallel_loop3A_429, %parallel_loop3A_430], %parallel_loop3A_428 {strides = array<i32>} : memref<32x768xf32, #tpu.memory_space<vmem>>, vector<16xf32>,
      %parallel_loop3A_432 = arith.index_cast %parallel_loop3A_58 : i32 to index
      %parallel_loop3A_433 = arith.constant 512 : index
      %parallel_loop3A_434 = tpu.vector_load %arg16[%parallel_loop3A_432, %parallel_loop3A_433] {strides = array<i32>} : memref<32x768xf32, #tpu.memory_space<vmem>>, vector<16xf32>,
      %parallel_loop3A_435 = arith.mulf %parallel_loop3A_62, %parallel_loop3A_417 : vector<16xf32>
      %parallel_loop3A_436 = arith.addf %parallel_loop3A_434, %parallel_loop3A_435 : vector<16xf32>
      %parallel_loop3A_437 = arith.mulf %parallel_loop3A_63, %parallel_loop3A_421 : vector<16xf32>
      %parallel_loop3A_438 = arith.addf %parallel_loop3A_436, %parallel_loop3A_437 : vector<16xf32>
      %parallel_loop3A_439 = arith.index_cast %parallel_loop3A_58 : i32 to index
      %parallel_loop3A_440 = arith.constant 512 : index
      %parallel_loop3A_441 = tpu.vector_load %arg16[%parallel_loop3A_439, %parallel_loop3A_440] {strides = array<i32>} : memref<32x768xf32, #tpu.memory_space<vmem>>, vector<16xf32>,
      tpu.vector_store %arg16[%parallel_loop3A_439, %parallel_loop3A_440], %parallel_loop3A_438 {strides = array<i32>} : memref<32x768xf32, #tpu.memory_space<vmem>>, vector<16xf32>,
      %parallel_loop3A_442 = arith.index_cast %parallel_loop3A_58 : i32 to index
      %parallel_loop3A_443 = arith.constant 144 : index
      %parallel_loop3A_444 = tpu.vector_load %arg18[%parallel_loop3A_442, %parallel_loop3A_443] {strides = array<i32>} : memref<32x384xi32, #tpu.memory_space<vmem>>, vector<16xi32>,
      %parallel_loop3A_445 = arith.index_cast %parallel_loop3A_58 : i32 to index
      %parallel_loop3A_446 = arith.constant 144 : index
      %parallel_loop3A_447 = tpu.vector_load %arg20[%parallel_loop3A_445, %parallel_loop3A_446] {strides = array<i32>} : memref<32x384xi32, #tpu.memory_space<vmem>>, vector<16xi32>,
      %parallel_loop3A_448 = arith.constant 16 : i32
      %parallel_loop3A_449 = vector.broadcast %parallel_loop3A_448 : i32 to vector<16xi32>
      %parallel_loop3A_450 = arith.shli %parallel_loop3A_444, %parallel_loop3A_449 : vector<16xi32>
      %parallel_loop3A_451 = vector.bitcast %parallel_loop3A_450 : vector<16xi32> to vector<16xf32>
      %parallel_loop3A_452 = arith.constant 16 : i32
      %parallel_loop3A_453 = vector.broadcast %parallel_loop3A_452 : i32 to vector<16xi32>
      %parallel_loop3A_454 = arith.shli %parallel_loop3A_447, %parallel_loop3A_453 : vector<16xi32>
      %parallel_loop3A_455 = vector.bitcast %parallel_loop3A_454 : vector<16xi32> to vector<16xf32>
      %parallel_loop3A_456 = arith.constant -65536 : i32
      %parallel_loop3A_457 = vector.broadcast %parallel_loop3A_456 : i32 to vector<16xi32>
      %parallel_loop3A_458 = arith.andi %parallel_loop3A_444, %parallel_loop3A_457 : vector<16xi32>
      %parallel_loop3A_459 = vector.bitcast %parallel_loop3A_458 : vector<16xi32> to vector<16xf32>
      %parallel_loop3A_460 = arith.constant -65536 : i32
      %parallel_loop3A_461 = vector.broadcast %parallel_loop3A_460 : i32 to vector<16xi32>
      %parallel_loop3A_462 = arith.andi %parallel_loop3A_447, %parallel_loop3A_461 : vector<16xi32>
      %parallel_loop3A_463 = vector.bitcast %parallel_loop3A_462 : vector<16xi32> to vector<16xf32>
      %parallel_loop3A_464 = arith.index_cast %parallel_loop3A_58 : i32 to index
      %parallel_loop3A_465 = arith.constant 144 : index
      %parallel_loop3A_466 = tpu.vector_load %arg16[%parallel_loop3A_464, %parallel_loop3A_465] {strides = array<i32>} : memref<32x768xf32, #tpu.memory_space<vmem>>, vector<16xf32>,
      %parallel_loop3A_467 = arith.mulf %parallel_loop3A_62, %parallel_loop3A_451 : vector<16xf32>
      %parallel_loop3A_468 = arith.addf %parallel_loop3A_466, %parallel_loop3A_467 : vector<16xf32>
      %parallel_loop3A_469 = arith.mulf %parallel_loop3A_63, %parallel_loop3A_455 : vector<16xf32>
      %parallel_loop3A_470 = arith.addf %parallel_loop3A_468, %parallel_loop3A_469 : vector<16xf32>
      %parallel_loop3A_471 = arith.index_cast %parallel_loop3A_58 : i32 to index
      %parallel_loop3A_472 = arith.constant 144 : index
      %parallel_loop3A_473 = tpu.vector_load %arg16[%parallel_loop3A_471, %parallel_loop3A_472] {strides = array<i32>} : memref<32x768xf32, #tpu.memory_space<vmem>>, vector<16xf32>,
      tpu.vector_store %arg16[%parallel_loop3A_471, %parallel_loop3A_472], %parallel_loop3A_470 {strides = array<i32>} : memref<32x768xf32, #tpu.memory_space<vmem>>, vector<16xf32>,
      %parallel_loop3A_474 = arith.index_cast %parallel_loop3A_58 : i32 to index
      %parallel_loop3A_475 = arith.constant 528 : index
      %parallel_loop3A_476 = tpu.vector_load %arg16[%parallel_loop3A_474, %parallel_loop3A_475] {strides = array<i32>} : memref<32x768xf32, #tpu.memory_space<vmem>>, vector<16xf32>,
      %parallel_loop3A_477 = arith.mulf %parallel_loop3A_62, %parallel_loop3A_459 : vector<16xf32>
      %parallel_loop3A_478 = arith.addf %parallel_loop3A_476, %parallel_loop3A_477 : vector<16xf32>
      %parallel_loop3A_479 = arith.mulf %parallel_loop3A_63, %parallel_loop3A_463 : vector<16xf32>
      %parallel_loop3A_480 = arith.addf %parallel_loop3A_478, %parallel_loop3A_479 : vector<16xf32>
      %parallel_loop3A_481 = arith.index_cast %parallel_loop3A_58 : i32 to index
      %parallel_loop3A_482 = arith.constant 528 : index
      %parallel_loop3A_483 = tpu.vector_load %arg16[%parallel_loop3A_481, %parallel_loop3A_482] {strides = array<i32>} : memref<32x768xf32, #tpu.memory_space<vmem>>, vector<16xf32>,
      tpu.vector_store %arg16[%parallel_loop3A_481, %parallel_loop3A_482], %parallel_loop3A_480 {strides = array<i32>} : memref<32x768xf32, #tpu.memory_space<vmem>>, vector<16xf32>,
      %parallel_loop3A_484 = arith.index_cast %parallel_loop3A_58 : i32 to index
      %parallel_loop3A_485 = arith.constant 160 : index
      %parallel_loop3A_486 = tpu.vector_load %arg18[%parallel_loop3A_484, %parallel_loop3A_485] {strides = array<i32>} : memref<32x384xi32, #tpu.memory_space<vmem>>, vector<16xi32>,
      %parallel_loop3A_487 = arith.index_cast %parallel_loop3A_58 : i32 to index
      %parallel_loop3A_488 = arith.constant 160 : index
      %parallel_loop3A_489 = tpu.vector_load %arg20[%parallel_loop3A_487, %parallel_loop3A_488] {strides = array<i32>} : memref<32x384xi32, #tpu.memory_space<vmem>>, vector<16xi32>,
      %parallel_loop3A_490 = arith.constant 16 : i32
      %parallel_loop3A_491 = vector.broadcast %parallel_loop3A_490 : i32 to vector<16xi32>
      %parallel_loop3A_492 = arith.shli %parallel_loop3A_486, %parallel_loop3A_491 : vector<16xi32>
      %parallel_loop3A_493 = vector.bitcast %parallel_loop3A_492 : vector<16xi32> to vector<16xf32>
      %parallel_loop3A_494 = arith.constant 16 : i32
      %parallel_loop3A_495 = vector.broadcast %parallel_loop3A_494 : i32 to vector<16xi32>
      %parallel_loop3A_496 = arith.shli %parallel_loop3A_489, %parallel_loop3A_495 : vector<16xi32>
      %parallel_loop3A_497 = vector.bitcast %parallel_loop3A_496 : vector<16xi32> to vector<16xf32>
      %parallel_loop3A_498 = arith.constant -65536 : i32
      %parallel_loop3A_499 = vector.broadcast %parallel_loop3A_498 : i32 to vector<16xi32>
      %parallel_loop3A_500 = arith.andi %parallel_loop3A_486, %parallel_loop3A_499 : vector<16xi32>
      %parallel_loop3A_501 = vector.bitcast %parallel_loop3A_500 : vector<16xi32> to vector<16xf32>
      %parallel_loop3A_502 = arith.constant -65536 : i32
      %parallel_loop3A_503 = vector.broadcast %parallel_loop3A_502 : i32 to vector<16xi32>
      %parallel_loop3A_504 = arith.andi %parallel_loop3A_489, %parallel_loop3A_503 : vector<16xi32>
      %parallel_loop3A_505 = vector.bitcast %parallel_loop3A_504 : vector<16xi32> to vector<16xf32>
      %parallel_loop3A_506 = arith.index_cast %parallel_loop3A_58 : i32 to index
      %parallel_loop3A_507 = arith.constant 160 : index
      %parallel_loop3A_508 = tpu.vector_load %arg16[%parallel_loop3A_506, %parallel_loop3A_507] {strides = array<i32>} : memref<32x768xf32, #tpu.memory_space<vmem>>, vector<16xf32>,
      %parallel_loop3A_509 = arith.mulf %parallel_loop3A_62, %parallel_loop3A_493 : vector<16xf32>
      %parallel_loop3A_510 = arith.addf %parallel_loop3A_508, %parallel_loop3A_509 : vector<16xf32>
      %parallel_loop3A_511 = arith.mulf %parallel_loop3A_63, %parallel_loop3A_497 : vector<16xf32>
      %parallel_loop3A_512 = arith.addf %parallel_loop3A_510, %parallel_loop3A_511 : vector<16xf32>
      %parallel_loop3A_513 = arith.index_cast %parallel_loop3A_58 : i32 to index
      %parallel_loop3A_514 = arith.constant 160 : index
      %parallel_loop3A_515 = tpu.vector_load %arg16[%parallel_loop3A_513, %parallel_loop3A_514] {strides = array<i32>} : memref<32x768xf32, #tpu.memory_space<vmem>>, vector<16xf32>,
      tpu.vector_store %arg16[%parallel_loop3A_513, %parallel_loop3A_514], %parallel_loop3A_512 {strides = array<i32>} : memref<32x768xf32, #tpu.memory_space<vmem>>, vector<16xf32>,
      %parallel_loop3A_516 = arith.index_cast %parallel_loop3A_58 : i32 to index
      %parallel_loop3A_517 = arith.constant 544 : index
      %parallel_loop3A_518 = tpu.vector_load %arg16[%parallel_loop3A_516, %parallel_loop3A_517] {strides = array<i32>} : memref<32x768xf32, #tpu.memory_space<vmem>>, vector<16xf32>,
      %parallel_loop3A_519 = arith.mulf %parallel_loop3A_62, %parallel_loop3A_501 : vector<16xf32>
      %parallel_loop3A_520 = arith.addf %parallel_loop3A_518, %parallel_loop3A_519 : vector<16xf32>
      %parallel_loop3A_521 = arith.mulf %parallel_loop3A_63, %parallel_loop3A_505 : vector<16xf32>
      %parallel_loop3A_522 = arith.addf %parallel_loop3A_520, %parallel_loop3A_521 : vector<16xf32>
      %parallel_loop3A_523 = arith.index_cast %parallel_loop3A_58 : i32 to index
      %parallel_loop3A_524 = arith.constant 544 : index
      %parallel_loop3A_525 = tpu.vector_load %arg16[%parallel_loop3A_523, %parallel_loop3A_524] {strides = array<i32>} : memref<32x768xf32, #tpu.memory_space<vmem>>, vector<16xf32>,
      tpu.vector_store %arg16[%parallel_loop3A_523, %parallel_loop3A_524], %parallel_loop3A_522 {strides = array<i32>} : memref<32x768xf32, #tpu.memory_space<vmem>>, vector<16xf32>,
      %parallel_loop3A_526 = arith.index_cast %parallel_loop3A_58 : i32 to index
      %parallel_loop3A_527 = arith.constant 176 : index
      %parallel_loop3A_528 = tpu.vector_load %arg18[%parallel_loop3A_526, %parallel_loop3A_527] {strides = array<i32>} : memref<32x384xi32, #tpu.memory_space<vmem>>, vector<16xi32>,
      %parallel_loop3A_529 = arith.index_cast %parallel_loop3A_58 : i32 to index
      %parallel_loop3A_530 = arith.constant 176 : index
      %parallel_loop3A_531 = tpu.vector_load %arg20[%parallel_loop3A_529, %parallel_loop3A_530] {strides = array<i32>} : memref<32x384xi32, #tpu.memory_space<vmem>>, vector<16xi32>,
      %parallel_loop3A_532 = arith.constant 16 : i32
      %parallel_loop3A_533 = vector.broadcast %parallel_loop3A_532 : i32 to vector<16xi32>
      %parallel_loop3A_534 = arith.shli %parallel_loop3A_528, %parallel_loop3A_533 : vector<16xi32>
      %parallel_loop3A_535 = vector.bitcast %parallel_loop3A_534 : vector<16xi32> to vector<16xf32>
      %parallel_loop3A_536 = arith.constant 16 : i32
      %parallel_loop3A_537 = vector.broadcast %parallel_loop3A_536 : i32 to vector<16xi32>
      %parallel_loop3A_538 = arith.shli %parallel_loop3A_531, %parallel_loop3A_537 : vector<16xi32>
      %parallel_loop3A_539 = vector.bitcast %parallel_loop3A_538 : vector<16xi32> to vector<16xf32>
      %parallel_loop3A_540 = arith.constant -65536 : i32
      %parallel_loop3A_541 = vector.broadcast %parallel_loop3A_540 : i32 to vector<16xi32>
      %parallel_loop3A_542 = arith.andi %parallel_loop3A_528, %parallel_loop3A_541 : vector<16xi32>
      %parallel_loop3A_543 = vector.bitcast %parallel_loop3A_542 : vector<16xi32> to vector<16xf32>
      %parallel_loop3A_544 = arith.constant -65536 : i32
      %parallel_loop3A_545 = vector.broadcast %parallel_loop3A_544 : i32 to vector<16xi32>
      %parallel_loop3A_546 = arith.andi %parallel_loop3A_531, %parallel_loop3A_545 : vector<16xi32>
      %parallel_loop3A_547 = vector.bitcast %parallel_loop3A_546 : vector<16xi32> to vector<16xf32>
      %parallel_loop3A_548 = arith.index_cast %parallel_loop3A_58 : i32 to index
      %parallel_loop3A_549 = arith.constant 176 : index
      %parallel_loop3A_550 = tpu.vector_load %arg16[%parallel_loop3A_548, %parallel_loop3A_549] {strides = array<i32>} : memref<32x768xf32, #tpu.memory_space<vmem>>, vector<16xf32>,
      %parallel_loop3A_551 = arith.mulf %parallel_loop3A_62, %parallel_loop3A_535 : vector<16xf32>
      %parallel_loop3A_552 = arith.addf %parallel_loop3A_550, %parallel_loop3A_551 : vector<16xf32>
      %parallel_loop3A_553 = arith.mulf %parallel_loop3A_63, %parallel_loop3A_539 : vector<16xf32>
      %parallel_loop3A_554 = arith.addf %parallel_loop3A_552, %parallel_loop3A_553 : vector<16xf32>
      %parallel_loop3A_555 = arith.index_cast %parallel_loop3A_58 : i32 to index
      %parallel_loop3A_556 = arith.constant 176 : index
      %parallel_loop3A_557 = tpu.vector_load %arg16[%parallel_loop3A_555, %parallel_loop3A_556] {strides = array<i32>} : memref<32x768xf32, #tpu.memory_space<vmem>>, vector<16xf32>,
      tpu.vector_store %arg16[%parallel_loop3A_555, %parallel_loop3A_556], %parallel_loop3A_554 {strides = array<i32>} : memref<32x768xf32, #tpu.memory_space<vmem>>, vector<16xf32>,
      %parallel_loop3A_558 = arith.index_cast %parallel_loop3A_58 : i32 to index
      %parallel_loop3A_559 = arith.constant 560 : index
      %parallel_loop3A_560 = tpu.vector_load %arg16[%parallel_loop3A_558, %parallel_loop3A_559] {strides = array<i32>} : memref<32x768xf32, #tpu.memory_space<vmem>>, vector<16xf32>,
      %parallel_loop3A_561 = arith.mulf %parallel_loop3A_62, %parallel_loop3A_543 : vector<16xf32>
      %parallel_loop3A_562 = arith.addf %parallel_loop3A_560, %parallel_loop3A_561 : vector<16xf32>
      %parallel_loop3A_563 = arith.mulf %parallel_loop3A_63, %parallel_loop3A_547 : vector<16xf32>
      %parallel_loop3A_564 = arith.addf %parallel_loop3A_562, %parallel_loop3A_563 : vector<16xf32>
      %parallel_loop3A_565 = arith.index_cast %parallel_loop3A_58 : i32 to index
      %parallel_loop3A_566 = arith.constant 560 : index
      %parallel_loop3A_567 = tpu.vector_load %arg16[%parallel_loop3A_565, %parallel_loop3A_566] {strides = array<i32>} : memref<32x768xf32, #tpu.memory_space<vmem>>, vector<16xf32>,
      tpu.vector_store %arg16[%parallel_loop3A_565, %parallel_loop3A_566], %parallel_loop3A_564 {strides = array<i32>} : memref<32x768xf32, #tpu.memory_space<vmem>>, vector<16xf32>,
      %parallel_loop3A_568 = arith.index_cast %parallel_loop3A_58 : i32 to index
      %parallel_loop3A_569 = arith.constant 192 : index
      %parallel_loop3A_570 = tpu.vector_load %arg18[%parallel_loop3A_568, %parallel_loop3A_569] {strides = array<i32>} : memref<32x384xi32, #tpu.memory_space<vmem>>, vector<16xi32>,
      %parallel_loop3A_571 = arith.index_cast %parallel_loop3A_58 : i32 to index
      %parallel_loop3A_572 = arith.constant 192 : index
      %parallel_loop3A_573 = tpu.vector_load %arg20[%parallel_loop3A_571, %parallel_loop3A_572] {strides = array<i32>} : memref<32x384xi32, #tpu.memory_space<vmem>>, vector<16xi32>,
      %parallel_loop3A_574 = arith.constant 16 : i32
      %parallel_loop3A_575 = vector.broadcast %parallel_loop3A_574 : i32 to vector<16xi32>
      %parallel_loop3A_576 = arith.shli %parallel_loop3A_570, %parallel_loop3A_575 : vector<16xi32>
      %parallel_loop3A_577 = vector.bitcast %parallel_loop3A_576 : vector<16xi32> to vector<16xf32>
      %parallel_loop3A_578 = arith.constant 16 : i32
      %parallel_loop3A_579 = vector.broadcast %parallel_loop3A_578 : i32 to vector<16xi32>
      %parallel_loop3A_580 = arith.shli %parallel_loop3A_573, %parallel_loop3A_579 : vector<16xi32>
      %parallel_loop3A_581 = vector.bitcast %parallel_loop3A_580 : vector<16xi32> to vector<16xf32>
      %parallel_loop3A_582 = arith.constant -65536 : i32
      %parallel_loop3A_583 = vector.broadcast %parallel_loop3A_582 : i32 to vector<16xi32>
      %parallel_loop3A_584 = arith.andi %parallel_loop3A_570, %parallel_loop3A_583 : vector<16xi32>
      %parallel_loop3A_585 = vector.bitcast %parallel_loop3A_584 : vector<16xi32> to vector<16xf32>
      %parallel_loop3A_586 = arith.constant -65536 : i32
      %parallel_loop3A_587 = vector.broadcast %parallel_loop3A_586 : i32 to vector<16xi32>
      %parallel_loop3A_588 = arith.andi %parallel_loop3A_573, %parallel_loop3A_587 : vector<16xi32>
      %parallel_loop3A_589 = vector.bitcast %parallel_loop3A_588 : vector<16xi32> to vector<16xf32>
      %parallel_loop3A_590 = arith.index_cast %parallel_loop3A_58 : i32 to index
      %parallel_loop3A_591 = arith.constant 192 : index
      %parallel_loop3A_592 = tpu.vector_load %arg16[%parallel_loop3A_590, %parallel_loop3A_591] {strides = array<i32>} : memref<32x768xf32, #tpu.memory_space<vmem>>, vector<16xf32>,
      %parallel_loop3A_593 = arith.mulf %parallel_loop3A_62, %parallel_loop3A_577 : vector<16xf32>
      %parallel_loop3A_594 = arith.addf %parallel_loop3A_592, %parallel_loop3A_593 : vector<16xf32>
      %parallel_loop3A_595 = arith.mulf %parallel_loop3A_63, %parallel_loop3A_581 : vector<16xf32>
      %parallel_loop3A_596 = arith.addf %parallel_loop3A_594, %parallel_loop3A_595 : vector<16xf32>
      %parallel_loop3A_597 = arith.index_cast %parallel_loop3A_58 : i32 to index
      %parallel_loop3A_598 = arith.constant 192 : index
      %parallel_loop3A_599 = tpu.vector_load %arg16[%parallel_loop3A_597, %parallel_loop3A_598] {strides = array<i32>} : memref<32x768xf32, #tpu.memory_space<vmem>>, vector<16xf32>,
      tpu.vector_store %arg16[%parallel_loop3A_597, %parallel_loop3A_598], %parallel_loop3A_596 {strides = array<i32>} : memref<32x768xf32, #tpu.memory_space<vmem>>, vector<16xf32>,
      %parallel_loop3A_600 = arith.index_cast %parallel_loop3A_58 : i32 to index
      %parallel_loop3A_601 = arith.constant 576 : index
      %parallel_loop3A_602 = tpu.vector_load %arg16[%parallel_loop3A_600, %parallel_loop3A_601] {strides = array<i32>} : memref<32x768xf32, #tpu.memory_space<vmem>>, vector<16xf32>,
      %parallel_loop3A_603 = arith.mulf %parallel_loop3A_62, %parallel_loop3A_585 : vector<16xf32>
      %parallel_loop3A_604 = arith.addf %parallel_loop3A_602, %parallel_loop3A_603 : vector<16xf32>
      %parallel_loop3A_605 = arith.mulf %parallel_loop3A_63, %parallel_loop3A_589 : vector<16xf32>
      %parallel_loop3A_606 = arith.addf %parallel_loop3A_604, %parallel_loop3A_605 : vector<16xf32>
      %parallel_loop3A_607 = arith.index_cast %parallel_loop3A_58 : i32 to index
      %parallel_loop3A_608 = arith.constant 576 : index
      %parallel_loop3A_609 = tpu.vector_load %arg16[%parallel_loop3A_607, %parallel_loop3A_608] {strides = array<i32>} : memref<32x768xf32, #tpu.memory_space<vmem>>, vector<16xf32>,
      tpu.vector_store %arg16[%parallel_loop3A_607, %parallel_loop3A_608], %parallel_loop3A_606 {strides = array<i32>} : memref<32x768xf32, #tpu.memory_space<vmem>>, vector<16xf32>,
      %parallel_loop3A_610 = arith.index_cast %parallel_loop3A_58 : i32 to index
      %parallel_loop3A_611 = arith.constant 208 : index
      %parallel_loop3A_612 = tpu.vector_load %arg18[%parallel_loop3A_610, %parallel_loop3A_611] {strides = array<i32>} : memref<32x384xi32, #tpu.memory_space<vmem>>, vector<16xi32>,
      %parallel_loop3A_613 = arith.index_cast %parallel_loop3A_58 : i32 to index
      %parallel_loop3A_614 = arith.constant 208 : index
      %parallel_loop3A_615 = tpu.vector_load %arg20[%parallel_loop3A_613, %parallel_loop3A_614] {strides = array<i32>} : memref<32x384xi32, #tpu.memory_space<vmem>>, vector<16xi32>,
      %parallel_loop3A_616 = arith.constant 16 : i32
      %parallel_loop3A_617 = vector.broadcast %parallel_loop3A_616 : i32 to vector<16xi32>
      %parallel_loop3A_618 = arith.shli %parallel_loop3A_612, %parallel_loop3A_617 : vector<16xi32>
      %parallel_loop3A_619 = vector.bitcast %parallel_loop3A_618 : vector<16xi32> to vector<16xf32>
      %parallel_loop3A_620 = arith.constant 16 : i32
      %parallel_loop3A_621 = vector.broadcast %parallel_loop3A_620 : i32 to vector<16xi32>
      %parallel_loop3A_622 = arith.shli %parallel_loop3A_615, %parallel_loop3A_621 : vector<16xi32>
      %parallel_loop3A_623 = vector.bitcast %parallel_loop3A_622 : vector<16xi32> to vector<16xf32>
      %parallel_loop3A_624 = arith.constant -65536 : i32
      %parallel_loop3A_625 = vector.broadcast %parallel_loop3A_624 : i32 to vector<16xi32>
      %parallel_loop3A_626 = arith.andi %parallel_loop3A_612, %parallel_loop3A_625 : vector<16xi32>
      %parallel_loop3A_627 = vector.bitcast %parallel_loop3A_626 : vector<16xi32> to vector<16xf32>
      %parallel_loop3A_628 = arith.constant -65536 : i32
      %parallel_loop3A_629 = vector.broadcast %parallel_loop3A_628 : i32 to vector<16xi32>
      %parallel_loop3A_630 = arith.andi %parallel_loop3A_615, %parallel_loop3A_629 : vector<16xi32>
      %parallel_loop3A_631 = vector.bitcast %parallel_loop3A_630 : vector<16xi32> to vector<16xf32>
      %parallel_loop3A_632 = arith.index_cast %parallel_loop3A_58 : i32 to index
      %parallel_loop3A_633 = arith.constant 208 : index
      %parallel_loop3A_634 = tpu.vector_load %arg16[%parallel_loop3A_632, %parallel_loop3A_633] {strides = array<i32>} : memref<32x768xf32, #tpu.memory_space<vmem>>, vector<16xf32>,
      %parallel_loop3A_635 = arith.mulf %parallel_loop3A_62, %parallel_loop3A_619 : vector<16xf32>
      %parallel_loop3A_636 = arith.addf %parallel_loop3A_634, %parallel_loop3A_635 : vector<16xf32>
      %parallel_loop3A_637 = arith.mulf %parallel_loop3A_63, %parallel_loop3A_623 : vector<16xf32>
      %parallel_loop3A_638 = arith.addf %parallel_loop3A_636, %parallel_loop3A_637 : vector<16xf32>
      %parallel_loop3A_639 = arith.index_cast %parallel_loop3A_58 : i32 to index
      %parallel_loop3A_640 = arith.constant 208 : index
      %parallel_loop3A_641 = tpu.vector_load %arg16[%parallel_loop3A_639, %parallel_loop3A_640] {strides = array<i32>} : memref<32x768xf32, #tpu.memory_space<vmem>>, vector<16xf32>,
      tpu.vector_store %arg16[%parallel_loop3A_639, %parallel_loop3A_640], %parallel_loop3A_638 {strides = array<i32>} : memref<32x768xf32, #tpu.memory_space<vmem>>, vector<16xf32>,
      %parallel_loop3A_642 = arith.index_cast %parallel_loop3A_58 : i32 to index
      %parallel_loop3A_643 = arith.constant 592 : index
      %parallel_loop3A_644 = tpu.vector_load %arg16[%parallel_loop3A_642, %parallel_loop3A_643] {strides = array<i32>} : memref<32x768xf32, #tpu.memory_space<vmem>>, vector<16xf32>,
      %parallel_loop3A_645 = arith.mulf %parallel_loop3A_62, %parallel_loop3A_627 : vector<16xf32>
      %parallel_loop3A_646 = arith.addf %parallel_loop3A_644, %parallel_loop3A_645 : vector<16xf32>
      %parallel_loop3A_647 = arith.mulf %parallel_loop3A_63, %parallel_loop3A_631 : vector<16xf32>
      %parallel_loop3A_648 = arith.addf %parallel_loop3A_646, %parallel_loop3A_647 : vector<16xf32>
      %parallel_loop3A_649 = arith.index_cast %parallel_loop3A_58 : i32 to index
      %parallel_loop3A_650 = arith.constant 592 : index
      %parallel_loop3A_651 = tpu.vector_load %arg16[%parallel_loop3A_649, %parallel_loop3A_650] {strides = array<i32>} : memref<32x768xf32, #tpu.memory_space<vmem>>, vector<16xf32>,
      tpu.vector_store %arg16[%parallel_loop3A_649, %parallel_loop3A_650], %parallel_loop3A_648 {strides = array<i32>} : memref<32x768xf32, #tpu.memory_space<vmem>>, vector<16xf32>,
      %parallel_loop3A_652 = arith.index_cast %parallel_loop3A_58 : i32 to index
      %parallel_loop3A_653 = arith.constant 224 : index
      %parallel_loop3A_654 = tpu.vector_load %arg18[%parallel_loop3A_652, %parallel_loop3A_653] {strides = array<i32>} : memref<32x384xi32, #tpu.memory_space<vmem>>, vector<16xi32>,
      %parallel_loop3A_655 = arith.index_cast %parallel_loop3A_58 : i32 to index
      %parallel_loop3A_656 = arith.constant 224 : index
      %parallel_loop3A_657 = tpu.vector_load %arg20[%parallel_loop3A_655, %parallel_loop3A_656] {strides = array<i32>} : memref<32x384xi32, #tpu.memory_space<vmem>>, vector<16xi32>,
      %parallel_loop3A_658 = arith.constant 16 : i32
      %parallel_loop3A_659 = vector.broadcast %parallel_loop3A_658 : i32 to vector<16xi32>
      %parallel_loop3A_660 = arith.shli %parallel_loop3A_654, %parallel_loop3A_659 : vector<16xi32>
      %parallel_loop3A_661 = vector.bitcast %parallel_loop3A_660 : vector<16xi32> to vector<16xf32>
      %parallel_loop3A_662 = arith.constant 16 : i32
      %parallel_loop3A_663 = vector.broadcast %parallel_loop3A_662 : i32 to vector<16xi32>
      %parallel_loop3A_664 = arith.shli %parallel_loop3A_657, %parallel_loop3A_663 : vector<16xi32>
      %parallel_loop3A_665 = vector.bitcast %parallel_loop3A_664 : vector<16xi32> to vector<16xf32>
      %parallel_loop3A_666 = arith.constant -65536 : i32
      %parallel_loop3A_667 = vector.broadcast %parallel_loop3A_666 : i32 to vector<16xi32>
      %parallel_loop3A_668 = arith.andi %parallel_loop3A_654, %parallel_loop3A_667 : vector<16xi32>
      %parallel_loop3A_669 = vector.bitcast %parallel_loop3A_668 : vector<16xi32> to vector<16xf32>
      %parallel_loop3A_670 = arith.constant -65536 : i32
      %parallel_loop3A_671 = vector.broadcast %parallel_loop3A_670 : i32 to vector<16xi32>
      %parallel_loop3A_672 = arith.andi %parallel_loop3A_657, %parallel_loop3A_671 : vector<16xi32>
      %parallel_loop3A_673 = vector.bitcast %parallel_loop3A_672 : vector<16xi32> to vector<16xf32>
      %parallel_loop3A_674 = arith.index_cast %parallel_loop3A_58 : i32 to index
      %parallel_loop3A_675 = arith.constant 224 : index
      %parallel_loop3A_676 = tpu.vector_load %arg16[%parallel_loop3A_674, %parallel_loop3A_675] {strides = array<i32>} : memref<32x768xf32, #tpu.memory_space<vmem>>, vector<16xf32>,
      %parallel_loop3A_677 = arith.mulf %parallel_loop3A_62, %parallel_loop3A_661 : vector<16xf32>
      %parallel_loop3A_678 = arith.addf %parallel_loop3A_676, %parallel_loop3A_677 : vector<16xf32>
      %parallel_loop3A_679 = arith.mulf %parallel_loop3A_63, %parallel_loop3A_665 : vector<16xf32>
      %parallel_loop3A_680 = arith.addf %parallel_loop3A_678, %parallel_loop3A_679 : vector<16xf32>
      %parallel_loop3A_681 = arith.index_cast %parallel_loop3A_58 : i32 to index
      %parallel_loop3A_682 = arith.constant 224 : index
      %parallel_loop3A_683 = tpu.vector_load %arg16[%parallel_loop3A_681, %parallel_loop3A_682] {strides = array<i32>} : memref<32x768xf32, #tpu.memory_space<vmem>>, vector<16xf32>,
      tpu.vector_store %arg16[%parallel_loop3A_681, %parallel_loop3A_682], %parallel_loop3A_680 {strides = array<i32>} : memref<32x768xf32, #tpu.memory_space<vmem>>, vector<16xf32>,
      %parallel_loop3A_684 = arith.index_cast %parallel_loop3A_58 : i32 to index
      %parallel_loop3A_685 = arith.constant 608 : index
      %parallel_loop3A_686 = tpu.vector_load %arg16[%parallel_loop3A_684, %parallel_loop3A_685] {strides = array<i32>} : memref<32x768xf32, #tpu.memory_space<vmem>>, vector<16xf32>,
      %parallel_loop3A_687 = arith.mulf %parallel_loop3A_62, %parallel_loop3A_669 : vector<16xf32>
      %parallel_loop3A_688 = arith.addf %parallel_loop3A_686, %parallel_loop3A_687 : vector<16xf32>
      %parallel_loop3A_689 = arith.mulf %parallel_loop3A_63, %parallel_loop3A_673 : vector<16xf32>
      %parallel_loop3A_690 = arith.addf %parallel_loop3A_688, %parallel_loop3A_689 : vector<16xf32>
      %parallel_loop3A_691 = arith.index_cast %parallel_loop3A_58 : i32 to index
      %parallel_loop3A_692 = arith.constant 608 : index
      %parallel_loop3A_693 = tpu.vector_load %arg16[%parallel_loop3A_691, %parallel_loop3A_692] {strides = array<i32>} : memref<32x768xf32, #tpu.memory_space<vmem>>, vector<16xf32>,
      tpu.vector_store %arg16[%parallel_loop3A_691, %parallel_loop3A_692], %parallel_loop3A_690 {strides = array<i32>} : memref<32x768xf32, #tpu.memory_space<vmem>>, vector<16xf32>,
      %parallel_loop3A_694 = arith.index_cast %parallel_loop3A_58 : i32 to index
      %parallel_loop3A_695 = arith.constant 240 : index
      %parallel_loop3A_696 = tpu.vector_load %arg18[%parallel_loop3A_694, %parallel_loop3A_695] {strides = array<i32>} : memref<32x384xi32, #tpu.memory_space<vmem>>, vector<16xi32>,
      %parallel_loop3A_697 = arith.index_cast %parallel_loop3A_58 : i32 to index
      %parallel_loop3A_698 = arith.constant 240 : index
      %parallel_loop3A_699 = tpu.vector_load %arg20[%parallel_loop3A_697, %parallel_loop3A_698] {strides = array<i32>} : memref<32x384xi32, #tpu.memory_space<vmem>>, vector<16xi32>,
      %parallel_loop3A_700 = arith.constant 16 : i32
      %parallel_loop3A_701 = vector.broadcast %parallel_loop3A_700 : i32 to vector<16xi32>
      %parallel_loop3A_702 = arith.shli %parallel_loop3A_696, %parallel_loop3A_701 : vector<16xi32>
      %parallel_loop3A_703 = vector.bitcast %parallel_loop3A_702 : vector<16xi32> to vector<16xf32>
      %parallel_loop3A_704 = arith.constant 16 : i32
      %parallel_loop3A_705 = vector.broadcast %parallel_loop3A_704 : i32 to vector<16xi32>
      %parallel_loop3A_706 = arith.shli %parallel_loop3A_699, %parallel_loop3A_705 : vector<16xi32>
      %parallel_loop3A_707 = vector.bitcast %parallel_loop3A_706 : vector<16xi32> to vector<16xf32>
      %parallel_loop3A_708 = arith.constant -65536 : i32
      %parallel_loop3A_709 = vector.broadcast %parallel_loop3A_708 : i32 to vector<16xi32>
      %parallel_loop3A_710 = arith.andi %parallel_loop3A_696, %parallel_loop3A_709 : vector<16xi32>
      %parallel_loop3A_711 = vector.bitcast %parallel_loop3A_710 : vector<16xi32> to vector<16xf32>
      %parallel_loop3A_712 = arith.constant -65536 : i32
      %parallel_loop3A_713 = vector.broadcast %parallel_loop3A_712 : i32 to vector<16xi32>
      %parallel_loop3A_714 = arith.andi %parallel_loop3A_699, %parallel_loop3A_713 : vector<16xi32>
      %parallel_loop3A_715 = vector.bitcast %parallel_loop3A_714 : vector<16xi32> to vector<16xf32>
      %parallel_loop3A_716 = arith.index_cast %parallel_loop3A_58 : i32 to index
      %parallel_loop3A_717 = arith.constant 240 : index
      %parallel_loop3A_718 = tpu.vector_load %arg16[%parallel_loop3A_716, %parallel_loop3A_717] {strides = array<i32>} : memref<32x768xf32, #tpu.memory_space<vmem>>, vector<16xf32>,
      %parallel_loop3A_719 = arith.mulf %parallel_loop3A_62, %parallel_loop3A_703 : vector<16xf32>
      %parallel_loop3A_720 = arith.addf %parallel_loop3A_718, %parallel_loop3A_719 : vector<16xf32>
      %parallel_loop3A_721 = arith.mulf %parallel_loop3A_63, %parallel_loop3A_707 : vector<16xf32>
      %parallel_loop3A_722 = arith.addf %parallel_loop3A_720, %parallel_loop3A_721 : vector<16xf32>
      %parallel_loop3A_723 = arith.index_cast %parallel_loop3A_58 : i32 to index
      %parallel_loop3A_724 = arith.constant 240 : index
      %parallel_loop3A_725 = tpu.vector_load %arg16[%parallel_loop3A_723, %parallel_loop3A_724] {strides = array<i32>} : memref<32x768xf32, #tpu.memory_space<vmem>>, vector<16xf32>,
      tpu.vector_store %arg16[%parallel_loop3A_723, %parallel_loop3A_724], %parallel_loop3A_722 {strides = array<i32>} : memref<32x768xf32, #tpu.memory_space<vmem>>, vector<16xf32>,
      %parallel_loop3A_726 = arith.index_cast %parallel_loop3A_58 : i32 to index
      %parallel_loop3A_727 = arith.constant 624 : index
      %parallel_loop3A_728 = tpu.vector_load %arg16[%parallel_loop3A_726, %parallel_loop3A_727] {strides = array<i32>} : memref<32x768xf32, #tpu.memory_space<vmem>>, vector<16xf32>,
      %parallel_loop3A_729 = arith.mulf %parallel_loop3A_62, %parallel_loop3A_711 : vector<16xf32>
      %parallel_loop3A_730 = arith.addf %parallel_loop3A_728, %parallel_loop3A_729 : vector<16xf32>
      %parallel_loop3A_731 = arith.mulf %parallel_loop3A_63, %parallel_loop3A_715 : vector<16xf32>
      %parallel_loop3A_732 = arith.addf %parallel_loop3A_730, %parallel_loop3A_731 : vector<16xf32>
      %parallel_loop3A_733 = arith.index_cast %parallel_loop3A_58 : i32 to index
      %parallel_loop3A_734 = arith.constant 624 : index
      %parallel_loop3A_735 = tpu.vector_load %arg16[%parallel_loop3A_733, %parallel_loop3A_734] {strides = array<i32>} : memref<32x768xf32, #tpu.memory_space<vmem>>, vector<16xf32>,
      tpu.vector_store %arg16[%parallel_loop3A_733, %parallel_loop3A_734], %parallel_loop3A_732 {strides = array<i32>} : memref<32x768xf32, #tpu.memory_space<vmem>>, vector<16xf32>,
      %parallel_loop3A_736 = arith.index_cast %parallel_loop3A_58 : i32 to index
      %parallel_loop3A_737 = arith.constant 256 : index
      %parallel_loop3A_738 = tpu.vector_load %arg18[%parallel_loop3A_736, %parallel_loop3A_737] {strides = array<i32>} : memref<32x384xi32, #tpu.memory_space<vmem>>, vector<16xi32>,
      %parallel_loop3A_739 = arith.index_cast %parallel_loop3A_58 : i32 to index
      %parallel_loop3A_740 = arith.constant 256 : index
      %parallel_loop3A_741 = tpu.vector_load %arg20[%parallel_loop3A_739, %parallel_loop3A_740] {strides = array<i32>} : memref<32x384xi32, #tpu.memory_space<vmem>>, vector<16xi32>,
      %parallel_loop3A_742 = arith.constant 16 : i32
      %parallel_loop3A_743 = vector.broadcast %parallel_loop3A_742 : i32 to vector<16xi32>
      %parallel_loop3A_744 = arith.shli %parallel_loop3A_738, %parallel_loop3A_743 : vector<16xi32>
      %parallel_loop3A_745 = vector.bitcast %parallel_loop3A_744 : vector<16xi32> to vector<16xf32>
      %parallel_loop3A_746 = arith.constant 16 : i32
      %parallel_loop3A_747 = vector.broadcast %parallel_loop3A_746 : i32 to vector<16xi32>
      %parallel_loop3A_748 = arith.shli %parallel_loop3A_741, %parallel_loop3A_747 : vector<16xi32>
      %parallel_loop3A_749 = vector.bitcast %parallel_loop3A_748 : vector<16xi32> to vector<16xf32>
      %parallel_loop3A_750 = arith.constant -65536 : i32
      %parallel_loop3A_751 = vector.broadcast %parallel_loop3A_750 : i32 to vector<16xi32>
      %parallel_loop3A_752 = arith.andi %parallel_loop3A_738, %parallel_loop3A_751 : vector<16xi32>
      %parallel_loop3A_753 = vector.bitcast %parallel_loop3A_752 : vector<16xi32> to vector<16xf32>
      %parallel_loop3A_754 = arith.constant -65536 : i32
      %parallel_loop3A_755 = vector.broadcast %parallel_loop3A_754 : i32 to vector<16xi32>
      %parallel_loop3A_756 = arith.andi %parallel_loop3A_741, %parallel_loop3A_755 : vector<16xi32>
      %parallel_loop3A_757 = vector.bitcast %parallel_loop3A_756 : vector<16xi32> to vector<16xf32>
      %parallel_loop3A_758 = arith.index_cast %parallel_loop3A_58 : i32 to index
      %parallel_loop3A_759 = arith.constant 256 : index
      %parallel_loop3A_760 = tpu.vector_load %arg16[%parallel_loop3A_758, %parallel_loop3A_759] {strides = array<i32>} : memref<32x768xf32, #tpu.memory_space<vmem>>, vector<16xf32>,
      %parallel_loop3A_761 = arith.mulf %parallel_loop3A_62, %parallel_loop3A_745 : vector<16xf32>
      %parallel_loop3A_762 = arith.addf %parallel_loop3A_760, %parallel_loop3A_761 : vector<16xf32>
      %parallel_loop3A_763 = arith.mulf %parallel_loop3A_63, %parallel_loop3A_749 : vector<16xf32>
      %parallel_loop3A_764 = arith.addf %parallel_loop3A_762, %parallel_loop3A_763 : vector<16xf32>
      %parallel_loop3A_765 = arith.index_cast %parallel_loop3A_58 : i32 to index
      %parallel_loop3A_766 = arith.constant 256 : index
      %parallel_loop3A_767 = tpu.vector_load %arg16[%parallel_loop3A_765, %parallel_loop3A_766] {strides = array<i32>} : memref<32x768xf32, #tpu.memory_space<vmem>>, vector<16xf32>,
      tpu.vector_store %arg16[%parallel_loop3A_765, %parallel_loop3A_766], %parallel_loop3A_764 {strides = array<i32>} : memref<32x768xf32, #tpu.memory_space<vmem>>, vector<16xf32>,
      %parallel_loop3A_768 = arith.index_cast %parallel_loop3A_58 : i32 to index
      %parallel_loop3A_769 = arith.constant 640 : index
      %parallel_loop3A_770 = tpu.vector_load %arg16[%parallel_loop3A_768, %parallel_loop3A_769] {strides = array<i32>} : memref<32x768xf32, #tpu.memory_space<vmem>>, vector<16xf32>,
      %parallel_loop3A_771 = arith.mulf %parallel_loop3A_62, %parallel_loop3A_753 : vector<16xf32>
      %parallel_loop3A_772 = arith.addf %parallel_loop3A_770, %parallel_loop3A_771 : vector<16xf32>
      %parallel_loop3A_773 = arith.mulf %parallel_loop3A_63, %parallel_loop3A_757 : vector<16xf32>
      %parallel_loop3A_774 = arith.addf %parallel_loop3A_772, %parallel_loop3A_773 : vector<16xf32>
      %parallel_loop3A_775 = arith.index_cast %parallel_loop3A_58 : i32 to index
      %parallel_loop3A_776 = arith.constant 640 : index
      %parallel_loop3A_777 = tpu.vector_load %arg16[%parallel_loop3A_775, %parallel_loop3A_776] {strides = array<i32>} : memref<32x768xf32, #tpu.memory_space<vmem>>, vector<16xf32>,
      tpu.vector_store %arg16[%parallel_loop3A_775, %parallel_loop3A_776], %parallel_loop3A_774 {strides = array<i32>} : memref<32x768xf32, #tpu.memory_space<vmem>>, vector<16xf32>,
      %parallel_loop3A_778 = arith.index_cast %parallel_loop3A_58 : i32 to index
      %parallel_loop3A_779 = arith.constant 272 : index
      %parallel_loop3A_780 = tpu.vector_load %arg18[%parallel_loop3A_778, %parallel_loop3A_779] {strides = array<i32>} : memref<32x384xi32, #tpu.memory_space<vmem>>, vector<16xi32>,
      %parallel_loop3A_781 = arith.index_cast %parallel_loop3A_58 : i32 to index
      %parallel_loop3A_782 = arith.constant 272 : index
      %parallel_loop3A_783 = tpu.vector_load %arg20[%parallel_loop3A_781, %parallel_loop3A_782] {strides = array<i32>} : memref<32x384xi32, #tpu.memory_space<vmem>>, vector<16xi32>,
      %parallel_loop3A_784 = arith.constant 16 : i32
      %parallel_loop3A_785 = vector.broadcast %parallel_loop3A_784 : i32 to vector<16xi32>
      %parallel_loop3A_786 = arith.shli %parallel_loop3A_780, %parallel_loop3A_785 : vector<16xi32>
      %parallel_loop3A_787 = vector.bitcast %parallel_loop3A_786 : vector<16xi32> to vector<16xf32>
      %parallel_loop3A_788 = arith.constant 16 : i32
      %parallel_loop3A_789 = vector.broadcast %parallel_loop3A_788 : i32 to vector<16xi32>
      %parallel_loop3A_790 = arith.shli %parallel_loop3A_783, %parallel_loop3A_789 : vector<16xi32>
      %parallel_loop3A_791 = vector.bitcast %parallel_loop3A_790 : vector<16xi32> to vector<16xf32>
      %parallel_loop3A_792 = arith.constant -65536 : i32
      %parallel_loop3A_793 = vector.broadcast %parallel_loop3A_792 : i32 to vector<16xi32>
      %parallel_loop3A_794 = arith.andi %parallel_loop3A_780, %parallel_loop3A_793 : vector<16xi32>
      %parallel_loop3A_795 = vector.bitcast %parallel_loop3A_794 : vector<16xi32> to vector<16xf32>
      %parallel_loop3A_796 = arith.constant -65536 : i32
      %parallel_loop3A_797 = vector.broadcast %parallel_loop3A_796 : i32 to vector<16xi32>
      %parallel_loop3A_798 = arith.andi %parallel_loop3A_783, %parallel_loop3A_797 : vector<16xi32>
      %parallel_loop3A_799 = vector.bitcast %parallel_loop3A_798 : vector<16xi32> to vector<16xf32>
      %parallel_loop3A_800 = arith.index_cast %parallel_loop3A_58 : i32 to index
      %parallel_loop3A_801 = arith.constant 272 : index
      %parallel_loop3A_802 = tpu.vector_load %arg16[%parallel_loop3A_800, %parallel_loop3A_801] {strides = array<i32>} : memref<32x768xf32, #tpu.memory_space<vmem>>, vector<16xf32>,
      %parallel_loop3A_803 = arith.mulf %parallel_loop3A_62, %parallel_loop3A_787 : vector<16xf32>
      %parallel_loop3A_804 = arith.addf %parallel_loop3A_802, %parallel_loop3A_803 : vector<16xf32>
      %parallel_loop3A_805 = arith.mulf %parallel_loop3A_63, %parallel_loop3A_791 : vector<16xf32>
      %parallel_loop3A_806 = arith.addf %parallel_loop3A_804, %parallel_loop3A_805 : vector<16xf32>
      %parallel_loop3A_807 = arith.index_cast %parallel_loop3A_58 : i32 to index
      %parallel_loop3A_808 = arith.constant 272 : index
      %parallel_loop3A_809 = tpu.vector_load %arg16[%parallel_loop3A_807, %parallel_loop3A_808] {strides = array<i32>} : memref<32x768xf32, #tpu.memory_space<vmem>>, vector<16xf32>,
      tpu.vector_store %arg16[%parallel_loop3A_807, %parallel_loop3A_808], %parallel_loop3A_806 {strides = array<i32>} : memref<32x768xf32, #tpu.memory_space<vmem>>, vector<16xf32>,
      %parallel_loop3A_810 = arith.index_cast %parallel_loop3A_58 : i32 to index
      %parallel_loop3A_811 = arith.constant 656 : index
      %parallel_loop3A_812 = tpu.vector_load %arg16[%parallel_loop3A_810, %parallel_loop3A_811] {strides = array<i32>} : memref<32x768xf32, #tpu.memory_space<vmem>>, vector<16xf32>,
      %parallel_loop3A_813 = arith.mulf %parallel_loop3A_62, %parallel_loop3A_795 : vector<16xf32>
      %parallel_loop3A_814 = arith.addf %parallel_loop3A_812, %parallel_loop3A_813 : vector<16xf32>
      %parallel_loop3A_815 = arith.mulf %parallel_loop3A_63, %parallel_loop3A_799 : vector<16xf32>
      %parallel_loop3A_816 = arith.addf %parallel_loop3A_814, %parallel_loop3A_815 : vector<16xf32>
      %parallel_loop3A_817 = arith.index_cast %parallel_loop3A_58 : i32 to index
      %parallel_loop3A_818 = arith.constant 656 : index
      %parallel_loop3A_819 = tpu.vector_load %arg16[%parallel_loop3A_817, %parallel_loop3A_818] {strides = array<i32>} : memref<32x768xf32, #tpu.memory_space<vmem>>, vector<16xf32>,
      tpu.vector_store %arg16[%parallel_loop3A_817, %parallel_loop3A_818], %parallel_loop3A_816 {strides = array<i32>} : memref<32x768xf32, #tpu.memory_space<vmem>>, vector<16xf32>,
      %parallel_loop3A_820 = arith.index_cast %parallel_loop3A_58 : i32 to index
      %parallel_loop3A_821 = arith.constant 288 : index
      %parallel_loop3A_822 = tpu.vector_load %arg18[%parallel_loop3A_820, %parallel_loop3A_821] {strides = array<i32>} : memref<32x384xi32, #tpu.memory_space<vmem>>, vector<16xi32>,
      %parallel_loop3A_823 = arith.index_cast %parallel_loop3A_58 : i32 to index
      %parallel_loop3A_824 = arith.constant 288 : index
      %parallel_loop3A_825 = tpu.vector_load %arg20[%parallel_loop3A_823, %parallel_loop3A_824] {strides = array<i32>} : memref<32x384xi32, #tpu.memory_space<vmem>>, vector<16xi32>,
      %parallel_loop3A_826 = arith.constant 16 : i32
      %parallel_loop3A_827 = vector.broadcast %parallel_loop3A_826 : i32 to vector<16xi32>
      %parallel_loop3A_828 = arith.shli %parallel_loop3A_822, %parallel_loop3A_827 : vector<16xi32>
      %parallel_loop3A_829 = vector.bitcast %parallel_loop3A_828 : vector<16xi32> to vector<16xf32>
      %parallel_loop3A_830 = arith.constant 16 : i32
      %parallel_loop3A_831 = vector.broadcast %parallel_loop3A_830 : i32 to vector<16xi32>
      %parallel_loop3A_832 = arith.shli %parallel_loop3A_825, %parallel_loop3A_831 : vector<16xi32>
      %parallel_loop3A_833 = vector.bitcast %parallel_loop3A_832 : vector<16xi32> to vector<16xf32>
      %parallel_loop3A_834 = arith.constant -65536 : i32
      %parallel_loop3A_835 = vector.broadcast %parallel_loop3A_834 : i32 to vector<16xi32>
      %parallel_loop3A_836 = arith.andi %parallel_loop3A_822, %parallel_loop3A_835 : vector<16xi32>
      %parallel_loop3A_837 = vector.bitcast %parallel_loop3A_836 : vector<16xi32> to vector<16xf32>
      %parallel_loop3A_838 = arith.constant -65536 : i32
      %parallel_loop3A_839 = vector.broadcast %parallel_loop3A_838 : i32 to vector<16xi32>
      %parallel_loop3A_840 = arith.andi %parallel_loop3A_825, %parallel_loop3A_839 : vector<16xi32>
      %parallel_loop3A_841 = vector.bitcast %parallel_loop3A_840 : vector<16xi32> to vector<16xf32>
      %parallel_loop3A_842 = arith.index_cast %parallel_loop3A_58 : i32 to index
      %parallel_loop3A_843 = arith.constant 288 : index
      %parallel_loop3A_844 = tpu.vector_load %arg16[%parallel_loop3A_842, %parallel_loop3A_843] {strides = array<i32>} : memref<32x768xf32, #tpu.memory_space<vmem>>, vector<16xf32>,
      %parallel_loop3A_845 = arith.mulf %parallel_loop3A_62, %parallel_loop3A_829 : vector<16xf32>
      %parallel_loop3A_846 = arith.addf %parallel_loop3A_844, %parallel_loop3A_845 : vector<16xf32>
      %parallel_loop3A_847 = arith.mulf %parallel_loop3A_63, %parallel_loop3A_833 : vector<16xf32>
      %parallel_loop3A_848 = arith.addf %parallel_loop3A_846, %parallel_loop3A_847 : vector<16xf32>
      %parallel_loop3A_849 = arith.index_cast %parallel_loop3A_58 : i32 to index
      %parallel_loop3A_850 = arith.constant 288 : index
      %parallel_loop3A_851 = tpu.vector_load %arg16[%parallel_loop3A_849, %parallel_loop3A_850] {strides = array<i32>} : memref<32x768xf32, #tpu.memory_space<vmem>>, vector<16xf32>,
      tpu.vector_store %arg16[%parallel_loop3A_849, %parallel_loop3A_850], %parallel_loop3A_848 {strides = array<i32>} : memref<32x768xf32, #tpu.memory_space<vmem>>, vector<16xf32>,
      %parallel_loop3A_852 = arith.index_cast %parallel_loop3A_58 : i32 to index
      %parallel_loop3A_853 = arith.constant 672 : index
      %parallel_loop3A_854 = tpu.vector_load %arg16[%parallel_loop3A_852, %parallel_loop3A_853] {strides = array<i32>} : memref<32x768xf32, #tpu.memory_space<vmem>>, vector<16xf32>,
      %parallel_loop3A_855 = arith.mulf %parallel_loop3A_62, %parallel_loop3A_837 : vector<16xf32>
      %parallel_loop3A_856 = arith.addf %parallel_loop3A_854, %parallel_loop3A_855 : vector<16xf32>
      %parallel_loop3A_857 = arith.mulf %parallel_loop3A_63, %parallel_loop3A_841 : vector<16xf32>
      %parallel_loop3A_858 = arith.addf %parallel_loop3A_856, %parallel_loop3A_857 : vector<16xf32>
      %parallel_loop3A_859 = arith.index_cast %parallel_loop3A_58 : i32 to index
      %parallel_loop3A_860 = arith.constant 672 : index
      %parallel_loop3A_861 = tpu.vector_load %arg16[%parallel_loop3A_859, %parallel_loop3A_860] {strides = array<i32>} : memref<32x768xf32, #tpu.memory_space<vmem>>, vector<16xf32>,
      tpu.vector_store %arg16[%parallel_loop3A_859, %parallel_loop3A_860], %parallel_loop3A_858 {strides = array<i32>} : memref<32x768xf32, #tpu.memory_space<vmem>>, vector<16xf32>,
      %parallel_loop3A_862 = arith.index_cast %parallel_loop3A_58 : i32 to index
      %parallel_loop3A_863 = arith.constant 304 : index
      %parallel_loop3A_864 = tpu.vector_load %arg18[%parallel_loop3A_862, %parallel_loop3A_863] {strides = array<i32>} : memref<32x384xi32, #tpu.memory_space<vmem>>, vector<16xi32>,
      %parallel_loop3A_865 = arith.index_cast %parallel_loop3A_58 : i32 to index
      %parallel_loop3A_866 = arith.constant 304 : index
      %parallel_loop3A_867 = tpu.vector_load %arg20[%parallel_loop3A_865, %parallel_loop3A_866] {strides = array<i32>} : memref<32x384xi32, #tpu.memory_space<vmem>>, vector<16xi32>,
      %parallel_loop3A_868 = arith.constant 16 : i32
      %parallel_loop3A_869 = vector.broadcast %parallel_loop3A_868 : i32 to vector<16xi32>
      %parallel_loop3A_870 = arith.shli %parallel_loop3A_864, %parallel_loop3A_869 : vector<16xi32>
      %parallel_loop3A_871 = vector.bitcast %parallel_loop3A_870 : vector<16xi32> to vector<16xf32>
      %parallel_loop3A_872 = arith.constant 16 : i32
      %parallel_loop3A_873 = vector.broadcast %parallel_loop3A_872 : i32 to vector<16xi32>
      %parallel_loop3A_874 = arith.shli %parallel_loop3A_867, %parallel_loop3A_873 : vector<16xi32>
      %parallel_loop3A_875 = vector.bitcast %parallel_loop3A_874 : vector<16xi32> to vector<16xf32>
      %parallel_loop3A_876 = arith.constant -65536 : i32
      %parallel_loop3A_877 = vector.broadcast %parallel_loop3A_876 : i32 to vector<16xi32>
      %parallel_loop3A_878 = arith.andi %parallel_loop3A_864, %parallel_loop3A_877 : vector<16xi32>
      %parallel_loop3A_879 = vector.bitcast %parallel_loop3A_878 : vector<16xi32> to vector<16xf32>
      %parallel_loop3A_880 = arith.constant -65536 : i32
      %parallel_loop3A_881 = vector.broadcast %parallel_loop3A_880 : i32 to vector<16xi32>
      %parallel_loop3A_882 = arith.andi %parallel_loop3A_867, %parallel_loop3A_881 : vector<16xi32>
      %parallel_loop3A_883 = vector.bitcast %parallel_loop3A_882 : vector<16xi32> to vector<16xf32>
      %parallel_loop3A_884 = arith.index_cast %parallel_loop3A_58 : i32 to index
      %parallel_loop3A_885 = arith.constant 304 : index
      %parallel_loop3A_886 = tpu.vector_load %arg16[%parallel_loop3A_884, %parallel_loop3A_885] {strides = array<i32>} : memref<32x768xf32, #tpu.memory_space<vmem>>, vector<16xf32>,
      %parallel_loop3A_887 = arith.mulf %parallel_loop3A_62, %parallel_loop3A_871 : vector<16xf32>
      %parallel_loop3A_888 = arith.addf %parallel_loop3A_886, %parallel_loop3A_887 : vector<16xf32>
      %parallel_loop3A_889 = arith.mulf %parallel_loop3A_63, %parallel_loop3A_875 : vector<16xf32>
      %parallel_loop3A_890 = arith.addf %parallel_loop3A_888, %parallel_loop3A_889 : vector<16xf32>
      %parallel_loop3A_891 = arith.index_cast %parallel_loop3A_58 : i32 to index
      %parallel_loop3A_892 = arith.constant 304 : index
      %parallel_loop3A_893 = tpu.vector_load %arg16[%parallel_loop3A_891, %parallel_loop3A_892] {strides = array<i32>} : memref<32x768xf32, #tpu.memory_space<vmem>>, vector<16xf32>,
      tpu.vector_store %arg16[%parallel_loop3A_891, %parallel_loop3A_892], %parallel_loop3A_890 {strides = array<i32>} : memref<32x768xf32, #tpu.memory_space<vmem>>, vector<16xf32>,
      %parallel_loop3A_894 = arith.index_cast %parallel_loop3A_58 : i32 to index
      %parallel_loop3A_895 = arith.constant 688 : index
      %parallel_loop3A_896 = tpu.vector_load %arg16[%parallel_loop3A_894, %parallel_loop3A_895] {strides = array<i32>} : memref<32x768xf32, #tpu.memory_space<vmem>>, vector<16xf32>,
      %parallel_loop3A_897 = arith.mulf %parallel_loop3A_62, %parallel_loop3A_879 : vector<16xf32>
      %parallel_loop3A_898 = arith.addf %parallel_loop3A_896, %parallel_loop3A_897 : vector<16xf32>
      %parallel_loop3A_899 = arith.mulf %parallel_loop3A_63, %parallel_loop3A_883 : vector<16xf32>
      %parallel_loop3A_900 = arith.addf %parallel_loop3A_898, %parallel_loop3A_899 : vector<16xf32>
      %parallel_loop3A_901 = arith.index_cast %parallel_loop3A_58 : i32 to index
      %parallel_loop3A_902 = arith.constant 688 : index
      %parallel_loop3A_903 = tpu.vector_load %arg16[%parallel_loop3A_901, %parallel_loop3A_902] {strides = array<i32>} : memref<32x768xf32, #tpu.memory_space<vmem>>, vector<16xf32>,
      tpu.vector_store %arg16[%parallel_loop3A_901, %parallel_loop3A_902], %parallel_loop3A_900 {strides = array<i32>} : memref<32x768xf32, #tpu.memory_space<vmem>>, vector<16xf32>,
      %parallel_loop3A_904 = arith.index_cast %parallel_loop3A_58 : i32 to index
      %parallel_loop3A_905 = arith.constant 320 : index
      %parallel_loop3A_906 = tpu.vector_load %arg18[%parallel_loop3A_904, %parallel_loop3A_905] {strides = array<i32>} : memref<32x384xi32, #tpu.memory_space<vmem>>, vector<16xi32>,
      %parallel_loop3A_907 = arith.index_cast %parallel_loop3A_58 : i32 to index
      %parallel_loop3A_908 = arith.constant 320 : index
      %parallel_loop3A_909 = tpu.vector_load %arg20[%parallel_loop3A_907, %parallel_loop3A_908] {strides = array<i32>} : memref<32x384xi32, #tpu.memory_space<vmem>>, vector<16xi32>,
      %parallel_loop3A_910 = arith.constant 16 : i32
      %parallel_loop3A_911 = vector.broadcast %parallel_loop3A_910 : i32 to vector<16xi32>
      %parallel_loop3A_912 = arith.shli %parallel_loop3A_906, %parallel_loop3A_911 : vector<16xi32>
      %parallel_loop3A_913 = vector.bitcast %parallel_loop3A_912 : vector<16xi32> to vector<16xf32>
      %parallel_loop3A_914 = arith.constant 16 : i32
      %parallel_loop3A_915 = vector.broadcast %parallel_loop3A_914 : i32 to vector<16xi32>
      %parallel_loop3A_916 = arith.shli %parallel_loop3A_909, %parallel_loop3A_915 : vector<16xi32>
      %parallel_loop3A_917 = vector.bitcast %parallel_loop3A_916 : vector<16xi32> to vector<16xf32>
      %parallel_loop3A_918 = arith.constant -65536 : i32
      %parallel_loop3A_919 = vector.broadcast %parallel_loop3A_918 : i32 to vector<16xi32>
      %parallel_loop3A_920 = arith.andi %parallel_loop3A_906, %parallel_loop3A_919 : vector<16xi32>
      %parallel_loop3A_921 = vector.bitcast %parallel_loop3A_920 : vector<16xi32> to vector<16xf32>
      %parallel_loop3A_922 = arith.constant -65536 : i32
      %parallel_loop3A_923 = vector.broadcast %parallel_loop3A_922 : i32 to vector<16xi32>
      %parallel_loop3A_924 = arith.andi %parallel_loop3A_909, %parallel_loop3A_923 : vector<16xi32>
      %parallel_loop3A_925 = vector.bitcast %parallel_loop3A_924 : vector<16xi32> to vector<16xf32>
      %parallel_loop3A_926 = arith.index_cast %parallel_loop3A_58 : i32 to index
      %parallel_loop3A_927 = arith.constant 320 : index
      %parallel_loop3A_928 = tpu.vector_load %arg16[%parallel_loop3A_926, %parallel_loop3A_927] {strides = array<i32>} : memref<32x768xf32, #tpu.memory_space<vmem>>, vector<16xf32>,
      %parallel_loop3A_929 = arith.mulf %parallel_loop3A_62, %parallel_loop3A_913 : vector<16xf32>
      %parallel_loop3A_930 = arith.addf %parallel_loop3A_928, %parallel_loop3A_929 : vector<16xf32>
      %parallel_loop3A_931 = arith.mulf %parallel_loop3A_63, %parallel_loop3A_917 : vector<16xf32>
      %parallel_loop3A_932 = arith.addf %parallel_loop3A_930, %parallel_loop3A_931 : vector<16xf32>
      %parallel_loop3A_933 = arith.index_cast %parallel_loop3A_58 : i32 to index
      %parallel_loop3A_934 = arith.constant 320 : index
      %parallel_loop3A_935 = tpu.vector_load %arg16[%parallel_loop3A_933, %parallel_loop3A_934] {strides = array<i32>} : memref<32x768xf32, #tpu.memory_space<vmem>>, vector<16xf32>,
      tpu.vector_store %arg16[%parallel_loop3A_933, %parallel_loop3A_934], %parallel_loop3A_932 {strides = array<i32>} : memref<32x768xf32, #tpu.memory_space<vmem>>, vector<16xf32>,
      %parallel_loop3A_936 = arith.index_cast %parallel_loop3A_58 : i32 to index
      %parallel_loop3A_937 = arith.constant 704 : index
      %parallel_loop3A_938 = tpu.vector_load %arg16[%parallel_loop3A_936, %parallel_loop3A_937] {strides = array<i32>} : memref<32x768xf32, #tpu.memory_space<vmem>>, vector<16xf32>,
      %parallel_loop3A_939 = arith.mulf %parallel_loop3A_62, %parallel_loop3A_921 : vector<16xf32>
      %parallel_loop3A_940 = arith.addf %parallel_loop3A_938, %parallel_loop3A_939 : vector<16xf32>
      %parallel_loop3A_941 = arith.mulf %parallel_loop3A_63, %parallel_loop3A_925 : vector<16xf32>
      %parallel_loop3A_942 = arith.addf %parallel_loop3A_940, %parallel_loop3A_941 : vector<16xf32>
      %parallel_loop3A_943 = arith.index_cast %parallel_loop3A_58 : i32 to index
      %parallel_loop3A_944 = arith.constant 704 : index
      %parallel_loop3A_945 = tpu.vector_load %arg16[%parallel_loop3A_943, %parallel_loop3A_944] {strides = array<i32>} : memref<32x768xf32, #tpu.memory_space<vmem>>, vector<16xf32>,
      tpu.vector_store %arg16[%parallel_loop3A_943, %parallel_loop3A_944], %parallel_loop3A_942 {strides = array<i32>} : memref<32x768xf32, #tpu.memory_space<vmem>>, vector<16xf32>,
      %parallel_loop3A_946 = arith.index_cast %parallel_loop3A_58 : i32 to index
      %parallel_loop3A_947 = arith.constant 336 : index
      %parallel_loop3A_948 = tpu.vector_load %arg18[%parallel_loop3A_946, %parallel_loop3A_947] {strides = array<i32>} : memref<32x384xi32, #tpu.memory_space<vmem>>, vector<16xi32>,
      %parallel_loop3A_949 = arith.index_cast %parallel_loop3A_58 : i32 to index
      %parallel_loop3A_950 = arith.constant 336 : index
      %parallel_loop3A_951 = tpu.vector_load %arg20[%parallel_loop3A_949, %parallel_loop3A_950] {strides = array<i32>} : memref<32x384xi32, #tpu.memory_space<vmem>>, vector<16xi32>,
      %parallel_loop3A_952 = arith.constant 16 : i32
      %parallel_loop3A_953 = vector.broadcast %parallel_loop3A_952 : i32 to vector<16xi32>
      %parallel_loop3A_954 = arith.shli %parallel_loop3A_948, %parallel_loop3A_953 : vector<16xi32>
      %parallel_loop3A_955 = vector.bitcast %parallel_loop3A_954 : vector<16xi32> to vector<16xf32>
      %parallel_loop3A_956 = arith.constant 16 : i32
      %parallel_loop3A_957 = vector.broadcast %parallel_loop3A_956 : i32 to vector<16xi32>
      %parallel_loop3A_958 = arith.shli %parallel_loop3A_951, %parallel_loop3A_957 : vector<16xi32>
      %parallel_loop3A_959 = vector.bitcast %parallel_loop3A_958 : vector<16xi32> to vector<16xf32>
      %parallel_loop3A_960 = arith.constant -65536 : i32
      %parallel_loop3A_961 = vector.broadcast %parallel_loop3A_960 : i32 to vector<16xi32>
      %parallel_loop3A_962 = arith.andi %parallel_loop3A_948, %parallel_loop3A_961 : vector<16xi32>
      %parallel_loop3A_963 = vector.bitcast %parallel_loop3A_962 : vector<16xi32> to vector<16xf32>
      %parallel_loop3A_964 = arith.constant -65536 : i32
      %parallel_loop3A_965 = vector.broadcast %parallel_loop3A_964 : i32 to vector<16xi32>
      %parallel_loop3A_966 = arith.andi %parallel_loop3A_951, %parallel_loop3A_965 : vector<16xi32>
      %parallel_loop3A_967 = vector.bitcast %parallel_loop3A_966 : vector<16xi32> to vector<16xf32>
      %parallel_loop3A_968 = arith.index_cast %parallel_loop3A_58 : i32 to index
      %parallel_loop3A_969 = arith.constant 336 : index
      %parallel_loop3A_970 = tpu.vector_load %arg16[%parallel_loop3A_968, %parallel_loop3A_969] {strides = array<i32>} : memref<32x768xf32, #tpu.memory_space<vmem>>, vector<16xf32>,
      %parallel_loop3A_971 = arith.mulf %parallel_loop3A_62, %parallel_loop3A_955 : vector<16xf32>
      %parallel_loop3A_972 = arith.addf %parallel_loop3A_970, %parallel_loop3A_971 : vector<16xf32>
      %parallel_loop3A_973 = arith.mulf %parallel_loop3A_63, %parallel_loop3A_959 : vector<16xf32>
      %parallel_loop3A_974 = arith.addf %parallel_loop3A_972, %parallel_loop3A_973 : vector<16xf32>
      %parallel_loop3A_975 = arith.index_cast %parallel_loop3A_58 : i32 to index
      %parallel_loop3A_976 = arith.constant 336 : index
      %parallel_loop3A_977 = tpu.vector_load %arg16[%parallel_loop3A_975, %parallel_loop3A_976] {strides = array<i32>} : memref<32x768xf32, #tpu.memory_space<vmem>>, vector<16xf32>,
      tpu.vector_store %arg16[%parallel_loop3A_975, %parallel_loop3A_976], %parallel_loop3A_974 {strides = array<i32>} : memref<32x768xf32, #tpu.memory_space<vmem>>, vector<16xf32>,
      %parallel_loop3A_978 = arith.index_cast %parallel_loop3A_58 : i32 to index
      %parallel_loop3A_979 = arith.constant 720 : index
      %parallel_loop3A_980 = tpu.vector_load %arg16[%parallel_loop3A_978, %parallel_loop3A_979] {strides = array<i32>} : memref<32x768xf32, #tpu.memory_space<vmem>>, vector<16xf32>,
      %parallel_loop3A_981 = arith.mulf %parallel_loop3A_62, %parallel_loop3A_963 : vector<16xf32>
      %parallel_loop3A_982 = arith.addf %parallel_loop3A_980, %parallel_loop3A_981 : vector<16xf32>
      %parallel_loop3A_983 = arith.mulf %parallel_loop3A_63, %parallel_loop3A_967 : vector<16xf32>
      %parallel_loop3A_984 = arith.addf %parallel_loop3A_982, %parallel_loop3A_983 : vector<16xf32>
      %parallel_loop3A_985 = arith.index_cast %parallel_loop3A_58 : i32 to index
      %parallel_loop3A_986 = arith.constant 720 : index
      %parallel_loop3A_987 = tpu.vector_load %arg16[%parallel_loop3A_985, %parallel_loop3A_986] {strides = array<i32>} : memref<32x768xf32, #tpu.memory_space<vmem>>, vector<16xf32>,
      tpu.vector_store %arg16[%parallel_loop3A_985, %parallel_loop3A_986], %parallel_loop3A_984 {strides = array<i32>} : memref<32x768xf32, #tpu.memory_space<vmem>>, vector<16xf32>,
      %parallel_loop3A_988 = arith.index_cast %parallel_loop3A_58 : i32 to index
      %parallel_loop3A_989 = arith.constant 352 : index
      %parallel_loop3A_990 = tpu.vector_load %arg18[%parallel_loop3A_988, %parallel_loop3A_989] {strides = array<i32>} : memref<32x384xi32, #tpu.memory_space<vmem>>, vector<16xi32>,
      %parallel_loop3A_991 = arith.index_cast %parallel_loop3A_58 : i32 to index
      %parallel_loop3A_992 = arith.constant 352 : index
      %parallel_loop3A_993 = tpu.vector_load %arg20[%parallel_loop3A_991, %parallel_loop3A_992] {strides = array<i32>} : memref<32x384xi32, #tpu.memory_space<vmem>>, vector<16xi32>,
      %parallel_loop3A_994 = arith.constant 16 : i32
      %parallel_loop3A_995 = vector.broadcast %parallel_loop3A_994 : i32 to vector<16xi32>
      %parallel_loop3A_996 = arith.shli %parallel_loop3A_990, %parallel_loop3A_995 : vector<16xi32>
      %parallel_loop3A_997 = vector.bitcast %parallel_loop3A_996 : vector<16xi32> to vector<16xf32>
      %parallel_loop3A_998 = arith.constant 16 : i32
      %parallel_loop3A_999 = vector.broadcast %parallel_loop3A_998 : i32 to vector<16xi32>
      %parallel_loop3A_1000 = arith.shli %parallel_loop3A_993, %parallel_loop3A_999 : vector<16xi32>
      %parallel_loop3A_1001 = vector.bitcast %parallel_loop3A_1000 : vector<16xi32> to vector<16xf32>
      %parallel_loop3A_1002 = arith.constant -65536 : i32
      %parallel_loop3A_1003 = vector.broadcast %parallel_loop3A_1002 : i32 to vector<16xi32>
      %parallel_loop3A_1004 = arith.andi %parallel_loop3A_990, %parallel_loop3A_1003 : vector<16xi32>
      %parallel_loop3A_1005 = vector.bitcast %parallel_loop3A_1004 : vector<16xi32> to vector<16xf32>
      %parallel_loop3A_1006 = arith.constant -65536 : i32
      %parallel_loop3A_1007 = vector.broadcast %parallel_loop3A_1006 : i32 to vector<16xi32>
      %parallel_loop3A_1008 = arith.andi %parallel_loop3A_993, %parallel_loop3A_1007 : vector<16xi32>
      %parallel_loop3A_1009 = vector.bitcast %parallel_loop3A_1008 : vector<16xi32> to vector<16xf32>
      %parallel_loop3A_1010 = arith.index_cast %parallel_loop3A_58 : i32 to index
      %parallel_loop3A_1011 = arith.constant 352 : index
      %parallel_loop3A_1012 = tpu.vector_load %arg16[%parallel_loop3A_1010, %parallel_loop3A_1011] {strides = array<i32>} : memref<32x768xf32, #tpu.memory_space<vmem>>, vector<16xf32>,
      %parallel_loop3A_1013 = arith.mulf %parallel_loop3A_62, %parallel_loop3A_997 : vector<16xf32>
      %parallel_loop3A_1014 = arith.addf %parallel_loop3A_1012, %parallel_loop3A_1013 : vector<16xf32>
      %parallel_loop3A_1015 = arith.mulf %parallel_loop3A_63, %parallel_loop3A_1001 : vector<16xf32>
      %parallel_loop3A_1016 = arith.addf %parallel_loop3A_1014, %parallel_loop3A_1015 : vector<16xf32>
      %parallel_loop3A_1017 = arith.index_cast %parallel_loop3A_58 : i32 to index
      %parallel_loop3A_1018 = arith.constant 352 : index
      %parallel_loop3A_1019 = tpu.vector_load %arg16[%parallel_loop3A_1017, %parallel_loop3A_1018] {strides = array<i32>} : memref<32x768xf32, #tpu.memory_space<vmem>>, vector<16xf32>,
      tpu.vector_store %arg16[%parallel_loop3A_1017, %parallel_loop3A_1018], %parallel_loop3A_1016 {strides = array<i32>} : memref<32x768xf32, #tpu.memory_space<vmem>>, vector<16xf32>,
      %parallel_loop3A_1020 = arith.index_cast %parallel_loop3A_58 : i32 to index
      %parallel_loop3A_1021 = arith.constant 736 : index
      %parallel_loop3A_1022 = tpu.vector_load %arg16[%parallel_loop3A_1020, %parallel_loop3A_1021] {strides = array<i32>} : memref<32x768xf32, #tpu.memory_space<vmem>>, vector<16xf32>,
      %parallel_loop3A_1023 = arith.mulf %parallel_loop3A_62, %parallel_loop3A_1005 : vector<16xf32>
      %parallel_loop3A_1024 = arith.addf %parallel_loop3A_1022, %parallel_loop3A_1023 : vector<16xf32>
      %parallel_loop3A_1025 = arith.mulf %parallel_loop3A_63, %parallel_loop3A_1009 : vector<16xf32>
      %parallel_loop3A_1026 = arith.addf %parallel_loop3A_1024, %parallel_loop3A_1025 : vector<16xf32>
      %parallel_loop3A_1027 = arith.index_cast %parallel_loop3A_58 : i32 to index
      %parallel_loop3A_1028 = arith.constant 736 : index
      %parallel_loop3A_1029 = tpu.vector_load %arg16[%parallel_loop3A_1027, %parallel_loop3A_1028] {strides = array<i32>} : memref<32x768xf32, #tpu.memory_space<vmem>>, vector<16xf32>,
      tpu.vector_store %arg16[%parallel_loop3A_1027, %parallel_loop3A_1028], %parallel_loop3A_1026 {strides = array<i32>} : memref<32x768xf32, #tpu.memory_space<vmem>>, vector<16xf32>,
      %parallel_loop3A_1030 = arith.index_cast %parallel_loop3A_58 : i32 to index
      %parallel_loop3A_1031 = arith.constant 368 : index
      %parallel_loop3A_1032 = tpu.vector_load %arg18[%parallel_loop3A_1030, %parallel_loop3A_1031] {strides = array<i32>} : memref<32x384xi32, #tpu.memory_space<vmem>>, vector<16xi32>,
      %parallel_loop3A_1033 = arith.index_cast %parallel_loop3A_58 : i32 to index
      %parallel_loop3A_1034 = arith.constant 368 : index
      %parallel_loop3A_1035 = tpu.vector_load %arg20[%parallel_loop3A_1033, %parallel_loop3A_1034] {strides = array<i32>} : memref<32x384xi32, #tpu.memory_space<vmem>>, vector<16xi32>,
      %parallel_loop3A_1036 = arith.constant 16 : i32
      %parallel_loop3A_1037 = vector.broadcast %parallel_loop3A_1036 : i32 to vector<16xi32>
      %parallel_loop3A_1038 = arith.shli %parallel_loop3A_1032, %parallel_loop3A_1037 : vector<16xi32>
      %parallel_loop3A_1039 = vector.bitcast %parallel_loop3A_1038 : vector<16xi32> to vector<16xf32>
      %parallel_loop3A_1040 = arith.constant 16 : i32
      %parallel_loop3A_1041 = vector.broadcast %parallel_loop3A_1040 : i32 to vector<16xi32>
      %parallel_loop3A_1042 = arith.shli %parallel_loop3A_1035, %parallel_loop3A_1041 : vector<16xi32>
      %parallel_loop3A_1043 = vector.bitcast %parallel_loop3A_1042 : vector<16xi32> to vector<16xf32>
      %parallel_loop3A_1044 = arith.constant -65536 : i32
      %parallel_loop3A_1045 = vector.broadcast %parallel_loop3A_1044 : i32 to vector<16xi32>
      %parallel_loop3A_1046 = arith.andi %parallel_loop3A_1032, %parallel_loop3A_1045 : vector<16xi32>
      %parallel_loop3A_1047 = vector.bitcast %parallel_loop3A_1046 : vector<16xi32> to vector<16xf32>
      %parallel_loop3A_1048 = arith.constant -65536 : i32
      %parallel_loop3A_1049 = vector.broadcast %parallel_loop3A_1048 : i32 to vector<16xi32>
      %parallel_loop3A_1050 = arith.andi %parallel_loop3A_1035, %parallel_loop3A_1049 : vector<16xi32>
      %parallel_loop3A_1051 = vector.bitcast %parallel_loop3A_1050 : vector<16xi32> to vector<16xf32>
      %parallel_loop3A_1052 = arith.index_cast %parallel_loop3A_58 : i32 to index
      %parallel_loop3A_1053 = arith.constant 368 : index
      %parallel_loop3A_1054 = tpu.vector_load %arg16[%parallel_loop3A_1052, %parallel_loop3A_1053] {strides = array<i32>} : memref<32x768xf32, #tpu.memory_space<vmem>>, vector<16xf32>,
      %parallel_loop3A_1055 = arith.mulf %parallel_loop3A_62, %parallel_loop3A_1039 : vector<16xf32>
      %parallel_loop3A_1056 = arith.addf %parallel_loop3A_1054, %parallel_loop3A_1055 : vector<16xf32>
      %parallel_loop3A_1057 = arith.mulf %parallel_loop3A_63, %parallel_loop3A_1043 : vector<16xf32>
      %parallel_loop3A_1058 = arith.addf %parallel_loop3A_1056, %parallel_loop3A_1057 : vector<16xf32>
      %parallel_loop3A_1059 = arith.index_cast %parallel_loop3A_58 : i32 to index
      %parallel_loop3A_1060 = arith.constant 368 : index
      %parallel_loop3A_1061 = tpu.vector_load %arg16[%parallel_loop3A_1059, %parallel_loop3A_1060] {strides = array<i32>} : memref<32x768xf32, #tpu.memory_space<vmem>>, vector<16xf32>,
      tpu.vector_store %arg16[%parallel_loop3A_1059, %parallel_loop3A_1060], %parallel_loop3A_1058 {strides = array<i32>} : memref<32x768xf32, #tpu.memory_space<vmem>>, vector<16xf32>,
      %parallel_loop3A_1062 = arith.index_cast %parallel_loop3A_58 : i32 to index
      %parallel_loop3A_1063 = arith.constant 752 : index
      %parallel_loop3A_1064 = tpu.vector_load %arg16[%parallel_loop3A_1062, %parallel_loop3A_1063] {strides = array<i32>} : memref<32x768xf32, #tpu.memory_space<vmem>>, vector<16xf32>,
      %parallel_loop3A_1065 = arith.mulf %parallel_loop3A_62, %parallel_loop3A_1047 : vector<16xf32>
      %parallel_loop3A_1066 = arith.addf %parallel_loop3A_1064, %parallel_loop3A_1065 : vector<16xf32>
      %parallel_loop3A_1067 = arith.mulf %parallel_loop3A_63, %parallel_loop3A_1051 : vector<16xf32>
      %parallel_loop3A_1068 = arith.addf %parallel_loop3A_1066, %parallel_loop3A_1067 : vector<16xf32>
      %parallel_loop3A_1069 = arith.index_cast %parallel_loop3A_58 : i32 to index
      %parallel_loop3A_1070 = arith.constant 752 : index
      %parallel_loop3A_1071 = tpu.vector_load %arg16[%parallel_loop3A_1069, %parallel_loop3A_1070] {strides = array<i32>} : memref<32x768xf32, #tpu.memory_space<vmem>>, vector<16xf32>,
      tpu.vector_store %arg16[%parallel_loop3A_1069, %parallel_loop3A_1070], %parallel_loop3A_1068 {strides = array<i32>} : memref<32x768xf32, #tpu.memory_space<vmem>>, vector<16xf32>,
    } {sc.loop_unroll_factor = 4 : i64, sc.parallel_access}
    %add3A_56 = arith.constant 32 : i32
    %add3A_57 = arith.addi %mul3A_2, %add3A_56 : i32
    "tpu.region"() ({
      %run_scoped3A = tpu.sem_alloc : memref<!tpu.dma_semaphore, #tpu.memory_space<semaphore_mem>>
      %dma_start3A_58 = arith.constant 0 : i32
      %dma_start3A_59 = tpu.memref_slice %arg8[%add3A_57, %dma_start3A_58] : memref<2048x768xf32, #tpu.memory_space<hbm>> -> memref<32x768xf32, #tpu.memory_space<hbm>>
      %dma_start3A_60 = arith.constant 0 : i32
      %dma_start3A_61 = tpu.memref_slice %arg8[%add3A_57, %dma_start3A_60] : memref<2048x768xf32, #tpu.memory_space<hbm>> -> memref<32x768xf32, #tpu.memory_space<hbm>>
      tpu.enqueue_dma source(%arg16 : memref<32x768xf32, #tpu.memory_space<vmem>>) target(%dma_start3A_61 : memref<32x768xf32, #tpu.memory_space<hbm>>) target_semaphore(%run_scoped3A : memref<!tpu.dma_semaphore, #tpu.memory_space<semaphore_mem>>)
      %dma_wait3A_62 = arith.constant 0 : i32
      %dma_wait3A_63 = tpu.memref_slice %arg8[%add3A_57, %dma_wait3A_62] : memref<2048x768xf32, #tpu.memory_space<hbm>> -> memref<32x768xf32, #tpu.memory_space<hbm>>
      %dma_wait3A_64 = arith.constant 0 : i32
      %dma_wait3A_65 = tpu.memref_slice %arg8[%add3A_57, %dma_wait3A_64] : memref<2048x768xf32, #tpu.memory_space<hbm>> -> memref<32x768xf32, #tpu.memory_space<hbm>>
      tpu.wait_dma2 semaphore(%run_scoped3A : memref<!tpu.dma_semaphore, #tpu.memory_space<semaphore_mem>>) src(%arg16 : memref<32x768xf32, #tpu.memory_space<vmem>>) dst(%dma_wait3A_65 : memref<32x768xf32, #tpu.memory_space<hbm>>)
      tpu.yield
    }) : () -> ()
    return
  }
}

#map = affine_map<(d0, d1) -> (0)>
#map1 = affine_map<(d0, d1) -> (0, 0)>
module attributes {stable_mosaic.version = 14 : i64} {
  func.func @_dispatch_body(%arg0: i32, %arg1: i32, %arg2: memref<2048xi32, #tpu.memory_space<hbm>>, %arg3: memref<2048xi32, #tpu.memory_space<hbm>>, %arg4: memref<2048xi32, #tpu.memory_space<hbm>>, %arg5: memref<2048xi32, #tpu.memory_space<hbm>>, %arg6: memref<16xi32, #tpu.memory_space<hbm>>, %arg7: memref<2048x384xi32, #tpu.memory_space<hbm>>, %arg8: memref<6144x384xi32, #tpu.memory_space<hbm>>, %arg9: memref<2048xi32, #tpu.memory_space<hbm>>, %arg10: memref<2048xi32, #tpu.memory_space<hbm>>, %arg11: memref<64xi32, #tpu.memory_space<vmem>>, %arg12: memref<64xi32, #tpu.memory_space<vmem>>, %arg13: memref<64xi32, #tpu.memory_space<vmem>>, %arg14: memref<64xi32, #tpu.memory_space<vmem>>, %arg15: memref<16xi32, #tpu.memory_space<vmem>>, %arg16: memref<64xi32, #tpu.memory_space<vmem>>, %arg17: memref<64xi32, #tpu.memory_space<vmem>>, %arg18: memref<64x384xi32, #tpu.memory_space<vmem>>, %arg19: memref<!tpu.dma_semaphore, #tpu.memory_space<semaphore_mem>>, %arg20: memref<!tpu.dma_semaphore, #tpu.memory_space<semaphore_mem>>) attributes {dimension_semantics = [#tpu.dimension_semantics<core_parallel>, #tpu.dimension_semantics<subcore_parallel>], iteration_bounds = array<i64: 2, 16>, scalar_prefetch = 0 : i64, scratch_operands = 10 : i64, tpu.core_type = #tpu.core_type<sc_vector_subcore>, window_params = [{transform_indices = #map}, {transform_indices = #map}, {transform_indices = #map}, {transform_indices = #map}, {transform_indices = #map}, {transform_indices = #map1}, {transform_indices = #map1}, {transform_indices = #map}, {transform_indices = #map}]} {
    %mul3A = arith.constant 2 : i32
    %mul3A_0 = arith.muli %arg1, %mul3A : i32
    %add3A = arith.addi %mul3A_0, %arg0 : i32
    %mul3A_1 = arith.constant 64 : i32
    %mul3A_2 = arith.muli %add3A, %mul3A_1 : i32
    %dma_start3A = arith.constant 0 : i32
    %dma_start3A_3 = tpu.memref_slice %arg7[%mul3A_2, %dma_start3A] : memref<2048x384xi32, #tpu.memory_space<hbm>> -> memref<64x384xi32, #tpu.memory_space<hbm>>
    %dma_start3A_4 = arith.constant 0 : i32
    %dma_start3A_5 = tpu.memref_slice %arg7[%mul3A_2, %dma_start3A_4] : memref<2048x384xi32, #tpu.memory_space<hbm>> -> memref<64x384xi32, #tpu.memory_space<hbm>>
    tpu.enqueue_dma source(%dma_start3A_5 : memref<64x384xi32, #tpu.memory_space<hbm>>) target(%arg18 : memref<64x384xi32, #tpu.memory_space<vmem>>) target_semaphore(%arg19 : memref<!tpu.dma_semaphore, #tpu.memory_space<semaphore_mem>>)
    "tpu.region"() ({
      %run_scoped3A = tpu.sem_alloc : memref<!tpu.dma_semaphore, #tpu.memory_space<semaphore_mem>>
      %dma_start3A_82 = tpu.memref_slice %arg2[%mul3A_2] : memref<2048xi32, #tpu.memory_space<hbm>> -> memref<64xi32, #tpu.memory_space<hbm>>
      %dma_start3A_83 = tpu.memref_slice %arg2[%mul3A_2] : memref<2048xi32, #tpu.memory_space<hbm>> -> memref<64xi32, #tpu.memory_space<hbm>>
      tpu.enqueue_dma source(%dma_start3A_83 : memref<64xi32, #tpu.memory_space<hbm>>) target(%arg11 : memref<64xi32, #tpu.memory_space<vmem>>) target_semaphore(%run_scoped3A : memref<!tpu.dma_semaphore, #tpu.memory_space<semaphore_mem>>)
      %dma_wait3A_84 = tpu.memref_slice %arg2[%mul3A_2] : memref<2048xi32, #tpu.memory_space<hbm>> -> memref<64xi32, #tpu.memory_space<hbm>>
      %dma_wait3A_85 = tpu.memref_slice %arg2[%mul3A_2] : memref<2048xi32, #tpu.memory_space<hbm>> -> memref<64xi32, #tpu.memory_space<hbm>>
      tpu.wait_dma2 semaphore(%run_scoped3A : memref<!tpu.dma_semaphore, #tpu.memory_space<semaphore_mem>>) src(%dma_wait3A_85 : memref<64xi32, #tpu.memory_space<hbm>>) dst(%arg11 : memref<64xi32, #tpu.memory_space<vmem>>)
      tpu.yield
    }) : () -> ()
    "tpu.region"() ({
      %run_scoped3A = tpu.sem_alloc : memref<!tpu.dma_semaphore, #tpu.memory_space<semaphore_mem>>
      %dma_start3A_82 = tpu.memref_slice %arg3[%mul3A_2] : memref<2048xi32, #tpu.memory_space<hbm>> -> memref<64xi32, #tpu.memory_space<hbm>>
      %dma_start3A_83 = tpu.memref_slice %arg3[%mul3A_2] : memref<2048xi32, #tpu.memory_space<hbm>> -> memref<64xi32, #tpu.memory_space<hbm>>
      tpu.enqueue_dma source(%dma_start3A_83 : memref<64xi32, #tpu.memory_space<hbm>>) target(%arg12 : memref<64xi32, #tpu.memory_space<vmem>>) target_semaphore(%run_scoped3A : memref<!tpu.dma_semaphore, #tpu.memory_space<semaphore_mem>>)
      %dma_wait3A_84 = tpu.memref_slice %arg3[%mul3A_2] : memref<2048xi32, #tpu.memory_space<hbm>> -> memref<64xi32, #tpu.memory_space<hbm>>
      %dma_wait3A_85 = tpu.memref_slice %arg3[%mul3A_2] : memref<2048xi32, #tpu.memory_space<hbm>> -> memref<64xi32, #tpu.memory_space<hbm>>
      tpu.wait_dma2 semaphore(%run_scoped3A : memref<!tpu.dma_semaphore, #tpu.memory_space<semaphore_mem>>) src(%dma_wait3A_85 : memref<64xi32, #tpu.memory_space<hbm>>) dst(%arg12 : memref<64xi32, #tpu.memory_space<vmem>>)
      tpu.yield
    }) : () -> ()
    "tpu.region"() ({
      %run_scoped3A = tpu.sem_alloc : memref<!tpu.dma_semaphore, #tpu.memory_space<semaphore_mem>>
      %dma_start3A_82 = tpu.memref_slice %arg4[%mul3A_2] : memref<2048xi32, #tpu.memory_space<hbm>> -> memref<64xi32, #tpu.memory_space<hbm>>
      %dma_start3A_83 = tpu.memref_slice %arg4[%mul3A_2] : memref<2048xi32, #tpu.memory_space<hbm>> -> memref<64xi32, #tpu.memory_space<hbm>>
      tpu.enqueue_dma source(%dma_start3A_83 : memref<64xi32, #tpu.memory_space<hbm>>) target(%arg13 : memref<64xi32, #tpu.memory_space<vmem>>) target_semaphore(%run_scoped3A : memref<!tpu.dma_semaphore, #tpu.memory_space<semaphore_mem>>)
      %dma_wait3A_84 = tpu.memref_slice %arg4[%mul3A_2] : memref<2048xi32, #tpu.memory_space<hbm>> -> memref<64xi32, #tpu.memory_space<hbm>>
      %dma_wait3A_85 = tpu.memref_slice %arg4[%mul3A_2] : memref<2048xi32, #tpu.memory_space<hbm>> -> memref<64xi32, #tpu.memory_space<hbm>>
      tpu.wait_dma2 semaphore(%run_scoped3A : memref<!tpu.dma_semaphore, #tpu.memory_space<semaphore_mem>>) src(%dma_wait3A_85 : memref<64xi32, #tpu.memory_space<hbm>>) dst(%arg13 : memref<64xi32, #tpu.memory_space<vmem>>)
      tpu.yield
    }) : () -> ()
    "tpu.region"() ({
      %run_scoped3A = tpu.sem_alloc : memref<!tpu.dma_semaphore, #tpu.memory_space<semaphore_mem>>
      %dma_start3A_82 = tpu.memref_slice %arg5[%mul3A_2] : memref<2048xi32, #tpu.memory_space<hbm>> -> memref<64xi32, #tpu.memory_space<hbm>>
      %dma_start3A_83 = tpu.memref_slice %arg5[%mul3A_2] : memref<2048xi32, #tpu.memory_space<hbm>> -> memref<64xi32, #tpu.memory_space<hbm>>
      tpu.enqueue_dma source(%dma_start3A_83 : memref<64xi32, #tpu.memory_space<hbm>>) target(%arg14 : memref<64xi32, #tpu.memory_space<vmem>>) target_semaphore(%run_scoped3A : memref<!tpu.dma_semaphore, #tpu.memory_space<semaphore_mem>>)
      %dma_wait3A_84 = tpu.memref_slice %arg5[%mul3A_2] : memref<2048xi32, #tpu.memory_space<hbm>> -> memref<64xi32, #tpu.memory_space<hbm>>
      %dma_wait3A_85 = tpu.memref_slice %arg5[%mul3A_2] : memref<2048xi32, #tpu.memory_space<hbm>> -> memref<64xi32, #tpu.memory_space<hbm>>
      tpu.wait_dma2 semaphore(%run_scoped3A : memref<!tpu.dma_semaphore, #tpu.memory_space<semaphore_mem>>) src(%dma_wait3A_85 : memref<64xi32, #tpu.memory_space<hbm>>) dst(%arg14 : memref<64xi32, #tpu.memory_space<vmem>>)
      tpu.yield
    }) : () -> ()
    "tpu.region"() ({
      %run_scoped3A = tpu.sem_alloc : memref<!tpu.dma_semaphore, #tpu.memory_space<semaphore_mem>>
      tpu.enqueue_dma source(%arg6 : memref<16xi32, #tpu.memory_space<hbm>>) target(%arg15 : memref<16xi32, #tpu.memory_space<vmem>>) target_semaphore(%run_scoped3A : memref<!tpu.dma_semaphore, #tpu.memory_space<semaphore_mem>>)
      tpu.wait_dma2 semaphore(%run_scoped3A : memref<!tpu.dma_semaphore, #tpu.memory_space<semaphore_mem>>) src(%arg6 : memref<16xi32, #tpu.memory_space<hbm>>) dst(%arg15 : memref<16xi32, #tpu.memory_space<vmem>>)
      tpu.yield
    }) : () -> ()
    %get3A = arith.constant 0 : index
    %get3A_6 = tpu.vector_load %arg11[%get3A] {strides = array<i32>} : memref<64xi32, #tpu.memory_space<vmem>>, vector<16xi32>,
    %gather3A = tpu.vector_load_idx %arg15[%get3A_6] : memref<16xi32, #tpu.memory_space<vmem>>[vector<16xi32>], vector<16xi32>,
    %get3A_7 = arith.constant 0 : index
    %get3A_8 = tpu.vector_load %arg13[%get3A_7] {strides = array<i32>} : memref<64xi32, #tpu.memory_space<vmem>>, vector<16xi32>,
    %add3A_9 = arith.addi %gather3A, %get3A_8 : vector<16xi32>
    %swap3A = arith.constant 0 : index
    %swap3A_10 = tpu.vector_load %arg16[%swap3A] {strides = array<i32>} : memref<64xi32, #tpu.memory_space<vmem>>, vector<16xi32>,
    tpu.vector_store %arg16[%swap3A], %add3A_9 {strides = array<i32>} : memref<64xi32, #tpu.memory_space<vmem>>, vector<16xi32>,
    %get3A_11 = arith.constant 0 : index
    %get3A_12 = tpu.vector_load %arg12[%get3A_11] {strides = array<i32>} : memref<64xi32, #tpu.memory_space<vmem>>, vector<16xi32>,
    %gather3A_13 = tpu.vector_load_idx %arg15[%get3A_12] : memref<16xi32, #tpu.memory_space<vmem>>[vector<16xi32>], vector<16xi32>,
    %get3A_14 = arith.constant 0 : index
    %get3A_15 = tpu.vector_load %arg14[%get3A_14] {strides = array<i32>} : memref<64xi32, #tpu.memory_space<vmem>>, vector<16xi32>,
    %add3A_16 = arith.addi %gather3A_13, %get3A_15 : vector<16xi32>
    %swap3A_17 = arith.constant 0 : index
    %swap3A_18 = tpu.vector_load %arg17[%swap3A_17] {strides = array<i32>} : memref<64xi32, #tpu.memory_space<vmem>>, vector<16xi32>,
    tpu.vector_store %arg17[%swap3A_17], %add3A_16 {strides = array<i32>} : memref<64xi32, #tpu.memory_space<vmem>>, vector<16xi32>,
    %get3A_19 = arith.constant 16 : index
    %get3A_20 = tpu.vector_load %arg11[%get3A_19] {strides = array<i32>} : memref<64xi32, #tpu.memory_space<vmem>>, vector<16xi32>,
    %gather3A_21 = tpu.vector_load_idx %arg15[%get3A_20] : memref<16xi32, #tpu.memory_space<vmem>>[vector<16xi32>], vector<16xi32>,
    %get3A_22 = arith.constant 16 : index
    %get3A_23 = tpu.vector_load %arg13[%get3A_22] {strides = array<i32>} : memref<64xi32, #tpu.memory_space<vmem>>, vector<16xi32>,
    %add3A_24 = arith.addi %gather3A_21, %get3A_23 : vector<16xi32>
    %swap3A_25 = arith.constant 16 : index
    %swap3A_26 = tpu.vector_load %arg16[%swap3A_25] {strides = array<i32>} : memref<64xi32, #tpu.memory_space<vmem>>, vector<16xi32>,
    tpu.vector_store %arg16[%swap3A_25], %add3A_24 {strides = array<i32>} : memref<64xi32, #tpu.memory_space<vmem>>, vector<16xi32>,
    %get3A_27 = arith.constant 16 : index
    %get3A_28 = tpu.vector_load %arg12[%get3A_27] {strides = array<i32>} : memref<64xi32, #tpu.memory_space<vmem>>, vector<16xi32>,
    %gather3A_29 = tpu.vector_load_idx %arg15[%get3A_28] : memref<16xi32, #tpu.memory_space<vmem>>[vector<16xi32>], vector<16xi32>,
    %get3A_30 = arith.constant 16 : index
    %get3A_31 = tpu.vector_load %arg14[%get3A_30] {strides = array<i32>} : memref<64xi32, #tpu.memory_space<vmem>>, vector<16xi32>,
    %add3A_32 = arith.addi %gather3A_29, %get3A_31 : vector<16xi32>
    %swap3A_33 = arith.constant 16 : index
    %swap3A_34 = tpu.vector_load %arg17[%swap3A_33] {strides = array<i32>} : memref<64xi32, #tpu.memory_space<vmem>>, vector<16xi32>,
    tpu.vector_store %arg17[%swap3A_33], %add3A_32 {strides = array<i32>} : memref<64xi32, #tpu.memory_space<vmem>>, vector<16xi32>,
    %get3A_35 = arith.constant 32 : index
    %get3A_36 = tpu.vector_load %arg11[%get3A_35] {strides = array<i32>} : memref<64xi32, #tpu.memory_space<vmem>>, vector<16xi32>,
    %gather3A_37 = tpu.vector_load_idx %arg15[%get3A_36] : memref<16xi32, #tpu.memory_space<vmem>>[vector<16xi32>], vector<16xi32>,
    %get3A_38 = arith.constant 32 : index
    %get3A_39 = tpu.vector_load %arg13[%get3A_38] {strides = array<i32>} : memref<64xi32, #tpu.memory_space<vmem>>, vector<16xi32>,
    %add3A_40 = arith.addi %gather3A_37, %get3A_39 : vector<16xi32>
    %swap3A_41 = arith.constant 32 : index
    %swap3A_42 = tpu.vector_load %arg16[%swap3A_41] {strides = array<i32>} : memref<64xi32, #tpu.memory_space<vmem>>, vector<16xi32>,
    tpu.vector_store %arg16[%swap3A_41], %add3A_40 {strides = array<i32>} : memref<64xi32, #tpu.memory_space<vmem>>, vector<16xi32>,
    %get3A_43 = arith.constant 32 : index
    %get3A_44 = tpu.vector_load %arg12[%get3A_43] {strides = array<i32>} : memref<64xi32, #tpu.memory_space<vmem>>, vector<16xi32>,
    %gather3A_45 = tpu.vector_load_idx %arg15[%get3A_44] : memref<16xi32, #tpu.memory_space<vmem>>[vector<16xi32>], vector<16xi32>,
    %get3A_46 = arith.constant 32 : index
    %get3A_47 = tpu.vector_load %arg14[%get3A_46] {strides = array<i32>} : memref<64xi32, #tpu.memory_space<vmem>>, vector<16xi32>,
    %add3A_48 = arith.addi %gather3A_45, %get3A_47 : vector<16xi32>
    %swap3A_49 = arith.constant 32 : index
    %swap3A_50 = tpu.vector_load %arg17[%swap3A_49] {strides = array<i32>} : memref<64xi32, #tpu.memory_space<vmem>>, vector<16xi32>,
    tpu.vector_store %arg17[%swap3A_49], %add3A_48 {strides = array<i32>} : memref<64xi32, #tpu.memory_space<vmem>>, vector<16xi32>,
    %get3A_51 = arith.constant 48 : index
    %get3A_52 = tpu.vector_load %arg11[%get3A_51] {strides = array<i32>} : memref<64xi32, #tpu.memory_space<vmem>>, vector<16xi32>,
    %gather3A_53 = tpu.vector_load_idx %arg15[%get3A_52] : memref<16xi32, #tpu.memory_space<vmem>>[vector<16xi32>], vector<16xi32>,
    %get3A_54 = arith.constant 48 : index
    %get3A_55 = tpu.vector_load %arg13[%get3A_54] {strides = array<i32>} : memref<64xi32, #tpu.memory_space<vmem>>, vector<16xi32>,
    %add3A_56 = arith.addi %gather3A_53, %get3A_55 : vector<16xi32>
    %swap3A_57 = arith.constant 48 : index
    %swap3A_58 = tpu.vector_load %arg16[%swap3A_57] {strides = array<i32>} : memref<64xi32, #tpu.memory_space<vmem>>, vector<16xi32>,
    tpu.vector_store %arg16[%swap3A_57], %add3A_56 {strides = array<i32>} : memref<64xi32, #tpu.memory_space<vmem>>, vector<16xi32>,
    %get3A_59 = arith.constant 48 : index
    %get3A_60 = tpu.vector_load %arg12[%get3A_59] {strides = array<i32>} : memref<64xi32, #tpu.memory_space<vmem>>, vector<16xi32>,
    %gather3A_61 = tpu.vector_load_idx %arg15[%get3A_60] : memref<16xi32, #tpu.memory_space<vmem>>[vector<16xi32>], vector<16xi32>,
    %get3A_62 = arith.constant 48 : index
    %get3A_63 = tpu.vector_load %arg14[%get3A_62] {strides = array<i32>} : memref<64xi32, #tpu.memory_space<vmem>>, vector<16xi32>,
    %add3A_64 = arith.addi %gather3A_61, %get3A_63 : vector<16xi32>
    %swap3A_65 = arith.constant 48 : index
    %swap3A_66 = tpu.vector_load %arg17[%swap3A_65] {strides = array<i32>} : memref<64xi32, #tpu.memory_space<vmem>>, vector<16xi32>,
    tpu.vector_store %arg17[%swap3A_65], %add3A_64 {strides = array<i32>} : memref<64xi32, #tpu.memory_space<vmem>>, vector<16xi32>,
    "tpu.region"() ({
      %run_scoped3A = tpu.sem_alloc : memref<!tpu.dma_semaphore, #tpu.memory_space<semaphore_mem>>
      %dma_start3A_82 = tpu.memref_slice %arg9[%mul3A_2] : memref<2048xi32, #tpu.memory_space<hbm>> -> memref<64xi32, #tpu.memory_space<hbm>>
      %dma_start3A_83 = tpu.memref_slice %arg9[%mul3A_2] : memref<2048xi32, #tpu.memory_space<hbm>> -> memref<64xi32, #tpu.memory_space<hbm>>
      tpu.enqueue_dma source(%arg16 : memref<64xi32, #tpu.memory_space<vmem>>) target(%dma_start3A_83 : memref<64xi32, #tpu.memory_space<hbm>>) target_semaphore(%run_scoped3A : memref<!tpu.dma_semaphore, #tpu.memory_space<semaphore_mem>>)
      %dma_wait3A_84 = tpu.memref_slice %arg9[%mul3A_2] : memref<2048xi32, #tpu.memory_space<hbm>> -> memref<64xi32, #tpu.memory_space<hbm>>
      %dma_wait3A_85 = tpu.memref_slice %arg9[%mul3A_2] : memref<2048xi32, #tpu.memory_space<hbm>> -> memref<64xi32, #tpu.memory_space<hbm>>
      tpu.wait_dma2 semaphore(%run_scoped3A : memref<!tpu.dma_semaphore, #tpu.memory_space<semaphore_mem>>) src(%arg16 : memref<64xi32, #tpu.memory_space<vmem>>) dst(%dma_wait3A_85 : memref<64xi32, #tpu.memory_space<hbm>>)
      tpu.yield
    }) : () -> ()
    "tpu.region"() ({
      %run_scoped3A = tpu.sem_alloc : memref<!tpu.dma_semaphore, #tpu.memory_space<semaphore_mem>>
      %dma_start3A_82 = tpu.memref_slice %arg10[%mul3A_2] : memref<2048xi32, #tpu.memory_space<hbm>> -> memref<64xi32, #tpu.memory_space<hbm>>
      %dma_start3A_83 = tpu.memref_slice %arg10[%mul3A_2] : memref<2048xi32, #tpu.memory_space<hbm>> -> memref<64xi32, #tpu.memory_space<hbm>>
      tpu.enqueue_dma source(%arg17 : memref<64xi32, #tpu.memory_space<vmem>>) target(%dma_start3A_83 : memref<64xi32, #tpu.memory_space<hbm>>) target_semaphore(%run_scoped3A : memref<!tpu.dma_semaphore, #tpu.memory_space<semaphore_mem>>)
      %dma_wait3A_84 = tpu.memref_slice %arg10[%mul3A_2] : memref<2048xi32, #tpu.memory_space<hbm>> -> memref<64xi32, #tpu.memory_space<hbm>>
      %dma_wait3A_85 = tpu.memref_slice %arg10[%mul3A_2] : memref<2048xi32, #tpu.memory_space<hbm>> -> memref<64xi32, #tpu.memory_space<hbm>>
      tpu.wait_dma2 semaphore(%run_scoped3A : memref<!tpu.dma_semaphore, #tpu.memory_space<semaphore_mem>>) src(%arg17 : memref<64xi32, #tpu.memory_space<vmem>>) dst(%dma_wait3A_85 : memref<64xi32, #tpu.memory_space<hbm>>)
      tpu.yield
    }) : () -> ()
    %dma_wait3A = arith.constant 0 : i32
    %dma_wait3A_67 = tpu.memref_slice %arg7[%mul3A_2, %dma_wait3A] : memref<2048x384xi32, #tpu.memory_space<hbm>> -> memref<64x384xi32, #tpu.memory_space<hbm>>
    %dma_wait3A_68 = arith.constant 0 : i32
    %dma_wait3A_69 = tpu.memref_slice %arg7[%mul3A_2, %dma_wait3A_68] : memref<2048x384xi32, #tpu.memory_space<hbm>> -> memref<64x384xi32, #tpu.memory_space<hbm>>
    tpu.wait_dma2 semaphore(%arg19 : memref<!tpu.dma_semaphore, #tpu.memory_space<semaphore_mem>>) src(%dma_wait3A_69 : memref<64x384xi32, #tpu.memory_space<hbm>>) dst(%arg18 : memref<64x384xi32, #tpu.memory_space<vmem>>)
    %dma_start3A_70 = arith.constant 0 : i32
    %dma_start3A_71 = arith.constant 0 : i32
    %dma_start3A_72 = tpu.memref_slice %arg8[%dma_start3A_70, %dma_start3A_71] : memref<6144x384xi32, #tpu.memory_space<hbm>> -> memref<6144x384xi32, #tpu.memory_space<hbm>>
    tpu.enqueue_indirect_dma source(%arg18 : memref<64x384xi32, #tpu.memory_space<vmem>>) target(%dma_start3A_72 : memref<6144x384xi32, #tpu.memory_space<hbm>>) offsets(%arg16 : memref<64xi32, #tpu.memory_space<vmem>>) semaphore(%arg19 : memref<!tpu.dma_semaphore, #tpu.memory_space<semaphore_mem>>)
    %dma_start3A_73 = arith.constant 0 : i32
    %dma_start3A_74 = arith.constant 0 : i32
    %dma_start3A_75 = tpu.memref_slice %arg8[%dma_start3A_73, %dma_start3A_74] : memref<6144x384xi32, #tpu.memory_space<hbm>> -> memref<6144x384xi32, #tpu.memory_space<hbm>>
    tpu.enqueue_indirect_dma source(%arg18 : memref<64x384xi32, #tpu.memory_space<vmem>>) target(%dma_start3A_75 : memref<6144x384xi32, #tpu.memory_space<hbm>>) offsets(%arg17 : memref<64xi32, #tpu.memory_space<vmem>>) semaphore(%arg20 : memref<!tpu.dma_semaphore, #tpu.memory_space<semaphore_mem>>)
    %dma_wait3A_76 = arith.constant 0 : i32
    %dma_wait3A_77 = arith.constant 0 : i32
    %dma_wait3A_78 = tpu.memref_slice %arg8[%dma_wait3A_76, %dma_wait3A_77] : memref<6144x384xi32, #tpu.memory_space<hbm>> -> memref<6144x384xi32, #tpu.memory_space<hbm>>
    tpu.wait_indirect_dma semaphore(%arg19 : memref<!tpu.dma_semaphore, #tpu.memory_space<semaphore_mem>>) src(%arg18 : memref<64x384xi32, #tpu.memory_space<vmem>>) dst(%dma_wait3A_78 : memref<6144x384xi32, #tpu.memory_space<hbm>>)
    %dma_wait3A_79 = arith.constant 0 : i32
    %dma_wait3A_80 = arith.constant 0 : i32
    %dma_wait3A_81 = tpu.memref_slice %arg8[%dma_wait3A_79, %dma_wait3A_80] : memref<6144x384xi32, #tpu.memory_space<hbm>> -> memref<6144x384xi32, #tpu.memory_space<hbm>>
    tpu.wait_indirect_dma semaphore(%arg20 : memref<!tpu.dma_semaphore, #tpu.memory_space<semaphore_mem>>) src(%arg18 : memref<64x384xi32, #tpu.memory_space<vmem>>) dst(%dma_wait3A_81 : memref<6144x384xi32, #tpu.memory_space<hbm>>)
    return
  }
}

module attributes {stable_mosaic.version = 14 : i64} {
  func.func @_gate_body(%arg0: i32, %arg1: memref<256x768xf32, #tpu.memory_space<vmem>>, %arg2: memref<8x768xf32, #tpu.memory_space<vmem>>, %arg3: memref<1x8xf32, #tpu.memory_space<vmem>>, %arg4: memref<512x768xf32, #tpu.memory_space<vmem>>, %arg5: memref<512x768xf32, #tpu.memory_space<vmem>>, %arg6: memref<768x512xf32, #tpu.memory_space<vmem>>, %arg7: memref<256x1xi32, #tpu.memory_space<vmem>>, %arg8: memref<256x1xi32, #tpu.memory_space<vmem>>, %arg9: memref<256x1xi32, #tpu.memory_space<vmem>>, %arg10: memref<256x1xi32, #tpu.memory_space<vmem>>, %arg11: memref<256x1xf32, #tpu.memory_space<vmem>>, %arg12: memref<256x1xf32, #tpu.memory_space<vmem>>, %arg13: memref<24x8xi32, #tpu.memory_space<vmem>>, %arg14: memref<1x16xi32, #tpu.memory_space<vmem>>, %arg15: memref<256x384xi32, #tpu.memory_space<vmem>>, %arg16: memref<256x768xf32, #tpu.memory_space<vmem>>, %arg17: memref<1x8xf32, #tpu.memory_space<vmem>>, %arg18: memref<256x256xf32, #tpu.memory_space<vmem>>) attributes {dimension_semantics = [#tpu.dimension_semantics<arbitrary>], iteration_bounds = array<i64: 8>, scalar_prefetch = 0 : i64, scratch_operands = 2 : i64, tpu.core_type = #tpu.core_type<tc>, window_params = [{transform_indices = @transform_0, window_bounds = array<i64: 256, 768>}, {pipeline_mode = #tpu.pipeline_mode<synchronous>, transform_indices = @transform_1, window_bounds = array<i64: 8, 768>}, {pipeline_mode = #tpu.pipeline_mode<synchronous>, transform_indices = @transform_2, window_bounds = array<i64: 1, 8>}, {pipeline_mode = #tpu.pipeline_mode<synchronous>, transform_indices = @transform_3, window_bounds = array<i64: 512, 768>}, {pipeline_mode = #tpu.pipeline_mode<synchronous>, transform_indices = @transform_4, window_bounds = array<i64: 512, 768>}, {pipeline_mode = #tpu.pipeline_mode<synchronous>, transform_indices = @transform_5, window_bounds = array<i64: 768, 512>}, {transform_indices = @transform_6, window_bounds = array<i64: 256, 1>}, {transform_indices = @transform_7, window_bounds = array<i64: 256, 1>}, {transform_indices = @transform_8, window_bounds = array<i64: 256, 1>}, {transform_indices = @transform_9, window_bounds = array<i64: 256, 1>}, {transform_indices = @transform_10, window_bounds = array<i64: 256, 1>}, {transform_indices = @transform_11, window_bounds = array<i64: 256, 1>}, {pipeline_mode = #tpu.pipeline_mode<synchronous>, transform_indices = @transform_12, window_bounds = array<i64: 24, 8>}, {pipeline_mode = #tpu.pipeline_mode<synchronous>, transform_indices = @transform_13, window_bounds = array<i64: 1, 16>}, {transform_indices = @transform_14, window_bounds = array<i64: 256, 384>}, {transform_indices = @transform_15, window_bounds = array<i64: 256, 768>}]} {
    %eq3A = arith.constant 0 : i32
    %eq3A_0 = arith.cmpi eq, %arg0, %eq3A : i32
    %convert_element_type3A = arith.extui %eq3A_0 : i1 to i32
    %cond3A = arith.constant 0 : i32
    %cond3A_1 = arith.cmpi ne, %convert_element_type3A, %cond3A : i32
    scf.if %cond3A_1 {
      %broadcast_in_dim3A_160 = arith.constant 0.000000e+00 : f32
      %broadcast_in_dim3A_161 = vector.broadcast %broadcast_in_dim3A_160 : f32 to vector<1x8xf32>
      %swap3A_162 = arith.constant 0 : index
      %swap3A_163 = arith.constant 0 : index
      %swap3A_164 = vector.load %arg17[%swap3A_162, %swap3A_163] : memref<1x8xf32, #tpu.memory_space<vmem>>, vector<1x8xf32>
      tpu.vector_store %arg17[%swap3A_162, %swap3A_163], %broadcast_in_dim3A_161 {strides = array<i32>} : memref<1x8xf32, #tpu.memory_space<vmem>>, vector<1x8xf32>,
      %iota3A_165 = tpu.iota {dimensions = array<i32: 0>} : vector<256x256xi32>
      %iota3A_166 = tpu.iota {dimensions = array<i32: 1>} : vector<256x256xi32>
      %le3A = arith.cmpi sle, %iota3A_166, %iota3A_165 : vector<256x256xi32>
      %convert_element_type3A_167 = arith.extui %le3A : vector<256x256xi1> to vector<256x256xi32>
      %convert_element_type3A_168 = arith.sitofp %convert_element_type3A_167 : vector<256x256xi32> to vector<256x256xf32>
      %swap3A_169 = arith.constant 0 : index
      %swap3A_170 = arith.constant 0 : index
      %swap3A_171 = vector.load %arg18[%swap3A_169, %swap3A_170] : memref<256x256xf32, #tpu.memory_space<vmem>>, vector<256x256xf32>
      tpu.vector_store %arg18[%swap3A_169, %swap3A_170], %convert_element_type3A_168 {strides = array<i32>} : memref<256x256xf32, #tpu.memory_space<vmem>>, vector<256x256xf32>,
    } else {
    }
    %get3A = arith.constant 0 : index
    %get3A_2 = arith.constant 0 : index
    %get3A_3 = vector.load %arg1[%get3A, %get3A_2] : memref<256x768xf32, #tpu.memory_space<vmem>>, vector<256x768xf32>
    %slice3A = vector.extract_strided_slice %get3A_3 {offsets = [0, 0], sizes = [256, 384], strides = [1, 1]} : vector<256x768xf32> to vector<256x384xf32>
    %slice3A_4 = vector.extract_strided_slice %get3A_3 {offsets = [0, 384], sizes = [256, 384], strides = [1, 1]} : vector<256x768xf32> to vector<256x384xf32>
    %convert_element_type3A_5 = arith.truncf %slice3A : vector<256x384xf32> to vector<256x384xbf16>
    %convert_element_type3A_6 = arith.extf %convert_element_type3A_5 : vector<256x384xbf16> to vector<256x384xf32>
    %bitcast_convert_type3A = tpu.bitcast %convert_element_type3A_6 : vector<256x384xf32> -> vector<256x384xi32>
    %convert_element_type3A_7 = arith.truncf %slice3A_4 : vector<256x384xf32> to vector<256x384xbf16>
    %convert_element_type3A_8 = arith.extf %convert_element_type3A_7 : vector<256x384xbf16> to vector<256x384xf32>
    %bitcast_convert_type3A_9 = tpu.bitcast %convert_element_type3A_8 : vector<256x384xf32> -> vector<256x384xi32>
    %shift_right_logical3A = arith.constant 16 : i32
    %shift_right_logical3A_10 = vector.broadcast %shift_right_logical3A : i32 to vector<256x384xi32>
    %shift_right_logical3A_11 = arith.shrui %bitcast_convert_type3A, %shift_right_logical3A_10 : vector<256x384xi32>
    %and3A = arith.constant -65536 : i32
    %and3A_12 = vector.broadcast %and3A : i32 to vector<256x384xi32>
    %and3A_13 = arith.andi %bitcast_convert_type3A_9, %and3A_12 : vector<256x384xi32>
    %or3A = arith.ori %shift_right_logical3A_11, %and3A_13 : vector<256x384xi32>
    %swap3A = arith.constant 0 : index
    %swap3A_14 = arith.constant 0 : index
    %swap3A_15 = vector.load %arg15[%swap3A, %swap3A_14] : memref<256x384xi32, #tpu.memory_space<vmem>>, vector<256x384xi32>
    tpu.vector_store %arg15[%swap3A, %swap3A_14], %or3A {strides = array<i32>} : memref<256x384xi32, #tpu.memory_space<vmem>>, vector<256x384xi32>,
    %convert_element_type3A_16 = arith.truncf %get3A_3 : vector<256x768xf32> to vector<256x768xbf16>
    %get3A_17 = arith.constant 0 : index
    %get3A_18 = arith.constant 0 : index
    %get3A_19 = vector.load %arg4[%get3A_17, %get3A_18] : memref<512x768xf32, #tpu.memory_space<vmem>>, vector<512x768xf32>
    %get3A_20 = arith.constant 0 : index
    %get3A_21 = arith.constant 0 : index
    %get3A_22 = vector.load %arg5[%get3A_20, %get3A_21] : memref<512x768xf32, #tpu.memory_space<vmem>>, vector<512x768xf32>
    %get3A_23 = arith.constant 0 : index
    %get3A_24 = arith.constant 0 : index
    %get3A_25 = vector.load %arg6[%get3A_23, %get3A_24] : memref<768x512xf32, #tpu.memory_space<vmem>>, vector<768x512xf32>
    %convert_element_type3A_26 = arith.truncf %get3A_19 : vector<512x768xf32> to vector<512x768xbf16>
    %dot_general3A = arith.constant dense<0.000000e+00> : vector<256x512xf32>
    %dot_general3A_27 = tpu.matmul %convert_element_type3A_16, %convert_element_type3A_26, %dot_general3A {dimension_numbers = #tpu.dot_dimension_numbers<[1], [1], [0], [0], [0, 0, 1, 0], [], []>, transpose_lhs_hint = false} : vector<256x768xbf16>, vector<512x768xbf16>, vector<256x512xf32> -> vector<256x512xf32>
    %convert_element_type3A_28 = arith.truncf %get3A_22 : vector<512x768xf32> to vector<512x768xbf16>
    %dot_general3A_29 = arith.constant dense<0.000000e+00> : vector<256x512xf32>
    %dot_general3A_30 = tpu.matmul %convert_element_type3A_16, %convert_element_type3A_28, %dot_general3A_29 {dimension_numbers = #tpu.dot_dimension_numbers<[1], [1], [0], [0], [0, 0, 1, 0], [], []>, transpose_lhs_hint = false} : vector<256x768xbf16>, vector<512x768xbf16>, vector<256x512xf32> -> vector<256x512xf32>
    %logistic3A = arith.negf %dot_general3A_27 : vector<256x512xf32>
    %logistic3A_31 = math.exp %logistic3A : vector<256x512xf32>
    %logistic3A_32 = arith.constant 1.000000e+00 : f32
    %logistic3A_33 = vector.broadcast %logistic3A_32 : f32 to vector<256x512xf32>
    %logistic3A_34 = arith.addf %logistic3A_33, %logistic3A_31 : vector<256x512xf32>
    %logistic3A_35 = arith.divf %logistic3A_33, %logistic3A_34 : vector<256x512xf32>
    %mul3A = arith.mulf %dot_general3A_27, %logistic3A_35 : vector<256x512xf32>
    %mul3A_36 = arith.mulf %mul3A, %dot_general3A_30 : vector<256x512xf32>
    %convert_element_type3A_37 = arith.truncf %mul3A_36 : vector<256x512xf32> to vector<256x512xbf16>
    %convert_element_type3A_38 = arith.truncf %get3A_25 : vector<768x512xf32> to vector<768x512xbf16>
    %dot_general3A_39 = arith.constant dense<0.000000e+00> : vector<256x768xf32>
    %dot_general3A_40 = tpu.matmul %convert_element_type3A_37, %convert_element_type3A_38, %dot_general3A_39 {dimension_numbers = #tpu.dot_dimension_numbers<[1], [1], [0], [0], [0, 0, 1, 0], [], []>, transpose_lhs_hint = false} : vector<256x512xbf16>, vector<768x512xbf16>, vector<256x768xf32> -> vector<256x768xf32>
    %swap3A_41 = arith.constant 0 : index
    %swap3A_42 = arith.constant 0 : index
    %swap3A_43 = vector.load %arg16[%swap3A_41, %swap3A_42] : memref<256x768xf32, #tpu.memory_space<vmem>>, vector<256x768xf32>
    tpu.vector_store %arg16[%swap3A_41, %swap3A_42], %dot_general3A_40 {strides = array<i32>} : memref<256x768xf32, #tpu.memory_space<vmem>>, vector<256x768xf32>,
    %get3A_44 = arith.constant 0 : index
    %get3A_45 = arith.constant 0 : index
    %get3A_46 = vector.load %arg2[%get3A_44, %get3A_45] : memref<8x768xf32, #tpu.memory_space<vmem>>, vector<8x768xf32>
    %dot_general3A_47 = arith.constant dense<0.000000e+00> : vector<256x8xf32>
    %dot_general3A_48 = tpu.matmul %get3A_3, %get3A_46, %dot_general3A_47 {dimension_numbers = #tpu.dot_dimension_numbers<[1], [1], [0], [0], [0, 0, 1, 0], [], []>, transpose_lhs_hint = false} : vector<256x768xf32>, vector<8x768xf32>, vector<256x8xf32> -> vector<256x8xf32>
    %logistic3A_49 = arith.negf %dot_general3A_48 : vector<256x8xf32>
    %logistic3A_50 = math.exp %logistic3A_49 : vector<256x8xf32>
    %logistic3A_51 = arith.constant 1.000000e+00 : f32
    %logistic3A_52 = vector.broadcast %logistic3A_51 : f32 to vector<256x8xf32>
    %logistic3A_53 = arith.addf %logistic3A_52, %logistic3A_50 : vector<256x8xf32>
    %logistic3A_54 = arith.divf %logistic3A_52, %logistic3A_53 : vector<256x8xf32>
    %get3A_55 = arith.constant 0 : index
    %get3A_56 = arith.constant 0 : index
    %get3A_57 = vector.load %arg3[%get3A_55, %get3A_56] : memref<1x8xf32, #tpu.memory_space<vmem>>, vector<1x8xf32>
    %add3A = vector.broadcast %get3A_57 : vector<1x8xf32> to vector<256x8xf32>
    %add3A_58 = arith.addf %logistic3A_54, %add3A : vector<256x8xf32>
    %iota3A = tpu.iota {dimensions = array<i32: 1>} : vector<256x8xi32>
    %bitcast_convert_type3A_59 = tpu.bitcast %add3A_58 : vector<256x8xf32> -> vector<256x8xi32>
    %and3A_60 = arith.constant -8 : i32
    %and3A_61 = vector.broadcast %and3A_60 : i32 to vector<256x8xi32>
    %and3A_62 = arith.andi %bitcast_convert_type3A_59, %and3A_61 : vector<256x8xi32>
    %sub3A = arith.constant 7 : i32
    %sub3A_63 = vector.broadcast %sub3A : i32 to vector<256x8xi32>
    %sub3A_64 = arith.subi %sub3A_63, %iota3A : vector<256x8xi32>
    %or3A_65 = arith.ori %and3A_62, %sub3A_64 : vector<256x8xi32>
    %reduce_max3A = arith.constant dense<-2147483648> : vector<256xi32>
    %reduce_max3A_66 = vector.multi_reduction <maxsi>, %or3A_65, %reduce_max3A [1] : vector<256x8xi32> to vector<256xi32>
    %broadcast_in_dim3A = vector.shape_cast %reduce_max3A_66 : vector<256xi32> to vector<256x1xi32>
    %eq3A_67 = vector.broadcast %broadcast_in_dim3A : vector<256x1xi32> to vector<256x8xi32>
    %eq3A_68 = arith.cmpi eq, %or3A_65, %eq3A_67 : vector<256x8xi32>
    %convert_element_type3A_69 = arith.extui %eq3A_68 : vector<256x8xi1> to vector<256x8xi32>
    %convert_element_type3A_70 = arith.sitofp %convert_element_type3A_69 : vector<256x8xi32> to vector<256x8xf32>
    %and3A_71 = arith.constant 7 : i32
    %and3A_72 = vector.broadcast %and3A_71 : i32 to vector<256x1xi32>
    %and3A_73 = arith.andi %broadcast_in_dim3A, %and3A_72 : vector<256x1xi32>
    %sub3A_74 = arith.constant 7 : i32
    %sub3A_75 = vector.broadcast %sub3A_74 : i32 to vector<256x1xi32>
    %sub3A_76 = arith.subi %sub3A_75, %and3A_73 : vector<256x1xi32>
    %jit3A = arith.constant 0 : i32
    %broadcast_in_dim3A_77 = vector.broadcast %jit3A : i32 to vector<256x8xi32>
    %select_n3A = arith.select %eq3A_68, %broadcast_in_dim3A_77, %or3A_65 : vector<256x8xi1>, vector<256x8xi32>
    %reduce_max3A_78 = arith.constant dense<-2147483648> : vector<256xi32>
    %reduce_max3A_79 = vector.multi_reduction <maxsi>, %select_n3A, %reduce_max3A_78 [1] : vector<256x8xi32> to vector<256xi32>
    %broadcast_in_dim3A_80 = vector.shape_cast %reduce_max3A_79 : vector<256xi32> to vector<256x1xi32>
    %eq3A_81 = vector.broadcast %broadcast_in_dim3A_80 : vector<256x1xi32> to vector<256x8xi32>
    %eq3A_82 = arith.cmpi eq, %select_n3A, %eq3A_81 : vector<256x8xi32>
    %convert_element_type3A_83 = arith.extui %eq3A_82 : vector<256x8xi1> to vector<256x8xi32>
    %convert_element_type3A_84 = arith.sitofp %convert_element_type3A_83 : vector<256x8xi32> to vector<256x8xf32>
    %and3A_85 = arith.constant 7 : i32
    %and3A_86 = vector.broadcast %and3A_85 : i32 to vector<256x1xi32>
    %and3A_87 = arith.andi %broadcast_in_dim3A_80, %and3A_86 : vector<256x1xi32>
    %sub3A_88 = arith.constant 7 : i32
    %sub3A_89 = vector.broadcast %sub3A_88 : i32 to vector<256x1xi32>
    %sub3A_90 = arith.subi %sub3A_89, %and3A_87 : vector<256x1xi32>
    %and3A_91 = arith.constant -8 : i32
    %and3A_92 = vector.broadcast %and3A_91 : i32 to vector<256x1xi32>
    %and3A_93 = arith.andi %broadcast_in_dim3A, %and3A_92 : vector<256x1xi32>
    %bitcast_convert_type3A_94 = tpu.bitcast %and3A_93 : vector<256x1xi32> -> vector<256x1xf32>
    %and3A_95 = arith.constant -8 : i32
    %and3A_96 = vector.broadcast %and3A_95 : i32 to vector<256x1xi32>
    %and3A_97 = arith.andi %broadcast_in_dim3A_80, %and3A_96 : vector<256x1xi32>
    %bitcast_convert_type3A_98 = tpu.bitcast %and3A_97 : vector<256x1xi32> -> vector<256x1xf32>
    %add3A_99 = arith.addf %bitcast_convert_type3A_94, %bitcast_convert_type3A_98 : vector<256x1xf32>
    %div3A = arith.divf %bitcast_convert_type3A_94, %add3A_99 : vector<256x1xf32>
    %swap3A_100 = arith.constant 0 : index
    %swap3A_101 = arith.constant 0 : index
    %swap3A_102 = vector.load %arg11[%swap3A_100, %swap3A_101] : memref<256x1xf32, #tpu.memory_space<vmem>>, vector<256x1xf32>
    tpu.vector_store %arg11[%swap3A_100, %swap3A_101], %div3A {strides = array<i32>} : memref<256x1xf32, #tpu.memory_space<vmem>>, vector<256x1xf32>,
    %div3A_103 = arith.divf %bitcast_convert_type3A_98, %add3A_99 : vector<256x1xf32>
    %swap3A_104 = arith.constant 0 : index
    %swap3A_105 = arith.constant 0 : index
    %swap3A_106 = vector.load %arg12[%swap3A_104, %swap3A_105] : memref<256x1xf32, #tpu.memory_space<vmem>>, vector<256x1xf32>
    tpu.vector_store %arg12[%swap3A_104, %swap3A_105], %div3A_103 {strides = array<i32>} : memref<256x1xf32, #tpu.memory_space<vmem>>, vector<256x1xf32>,
    %swap3A_107 = arith.constant 0 : index
    %swap3A_108 = arith.constant 0 : index
    %swap3A_109 = vector.load %arg7[%swap3A_107, %swap3A_108] : memref<256x1xi32, #tpu.memory_space<vmem>>, vector<256x1xi32>
    tpu.vector_store %arg7[%swap3A_107, %swap3A_108], %sub3A_76 {strides = array<i32>} : memref<256x1xi32, #tpu.memory_space<vmem>>, vector<256x1xi32>,
    %swap3A_110 = arith.constant 0 : index
    %swap3A_111 = arith.constant 0 : index
    %swap3A_112 = vector.load %arg8[%swap3A_110, %swap3A_111] : memref<256x1xi32, #tpu.memory_space<vmem>>, vector<256x1xi32>
    tpu.vector_store %arg8[%swap3A_110, %swap3A_111], %sub3A_90 {strides = array<i32>} : memref<256x1xi32, #tpu.memory_space<vmem>>, vector<256x1xi32>,
    %add3A_113 = arith.addf %convert_element_type3A_70, %convert_element_type3A_84 : vector<256x8xf32>
    %get3A_114 = arith.constant 0 : index
    %get3A_115 = arith.constant 0 : index
    %get3A_116 = vector.load %arg18[%get3A_114, %get3A_115] : memref<256x256xf32, #tpu.memory_space<vmem>>, vector<256x256xf32>
    %dot_general3A_117 = arith.constant dense<0.000000e+00> : vector<256x8xf32>
    %dot_general3A_118 = tpu.matmul %get3A_116, %add3A_113, %dot_general3A_117 {dimension_numbers = #tpu.dot_dimension_numbers<[1], [0], [0], [1], [0, 0, 1, 1], [], []>, transpose_lhs_hint = false} : vector<256x256xf32>, vector<256x8xf32>, vector<256x8xf32> -> vector<256x8xf32>
    %get3A_119 = arith.constant 0 : index
    %get3A_120 = arith.constant 0 : index
    %get3A_121 = vector.load %arg17[%get3A_119, %get3A_120] : memref<1x8xf32, #tpu.memory_space<vmem>>, vector<1x8xf32>
    %add3A_122 = vector.broadcast %get3A_121 : vector<1x8xf32> to vector<256x8xf32>
    %add3A_123 = arith.addf %dot_general3A_118, %add3A_122 : vector<256x8xf32>
    %mul3A_124 = arith.mulf %add3A_123, %convert_element_type3A_70 : vector<256x8xf32>
    %reduce_sum3A = arith.constant dense<0.000000e+00> : vector<256xf32>
    %reduce_sum3A_125 = vector.multi_reduction <add>, %mul3A_124, %reduce_sum3A [1] : vector<256x8xf32> to vector<256xf32>
    %broadcast_in_dim3A_126 = vector.shape_cast %reduce_sum3A_125 : vector<256xf32> to vector<256x1xf32>
    %sub3A_127 = arith.constant 1.000000e+00 : f32
    %sub3A_128 = vector.broadcast %sub3A_127 : f32 to vector<256x1xf32>
    %sub3A_129 = arith.subf %broadcast_in_dim3A_126, %sub3A_128 : vector<256x1xf32>
    %convert_element_type3A_130 = arith.fptosi %sub3A_129 : vector<256x1xf32> to vector<256x1xi32>
    %swap3A_131 = arith.constant 0 : index
    %swap3A_132 = arith.constant 0 : index
    %swap3A_133 = vector.load %arg9[%swap3A_131, %swap3A_132] : memref<256x1xi32, #tpu.memory_space<vmem>>, vector<256x1xi32>
    tpu.vector_store %arg9[%swap3A_131, %swap3A_132], %convert_element_type3A_130 {strides = array<i32>} : memref<256x1xi32, #tpu.memory_space<vmem>>, vector<256x1xi32>,
    %mul3A_134 = arith.mulf %add3A_123, %convert_element_type3A_84 : vector<256x8xf32>
    %reduce_sum3A_135 = arith.constant dense<0.000000e+00> : vector<256xf32>
    %reduce_sum3A_136 = vector.multi_reduction <add>, %mul3A_134, %reduce_sum3A_135 [1] : vector<256x8xf32> to vector<256xf32>
    %broadcast_in_dim3A_137 = vector.shape_cast %reduce_sum3A_136 : vector<256xf32> to vector<256x1xf32>
    %sub3A_138 = arith.constant 1.000000e+00 : f32
    %sub3A_139 = vector.broadcast %sub3A_138 : f32 to vector<256x1xf32>
    %sub3A_140 = arith.subf %broadcast_in_dim3A_137, %sub3A_139 : vector<256x1xf32>
    %convert_element_type3A_141 = arith.fptosi %sub3A_140 : vector<256x1xf32> to vector<256x1xi32>
    %swap3A_142 = arith.constant 0 : index
    %swap3A_143 = arith.constant 0 : index
    %swap3A_144 = vector.load %arg10[%swap3A_142, %swap3A_143] : memref<256x1xi32, #tpu.memory_space<vmem>>, vector<256x1xi32>
    tpu.vector_store %arg10[%swap3A_142, %swap3A_143], %convert_element_type3A_141 {strides = array<i32>} : memref<256x1xi32, #tpu.memory_space<vmem>>, vector<256x1xi32>,
    %get3A_145 = arith.constant 0 : index
    %get3A_146 = arith.constant 0 : index
    %get3A_147 = vector.load %arg17[%get3A_145, %get3A_146] : memref<1x8xf32, #tpu.memory_space<vmem>>, vector<1x8xf32>
    %reduce_sum3A_148 = arith.constant dense<0.000000e+00> : vector<8xf32>
    %reduce_sum3A_149 = vector.multi_reduction <add>, %add3A_113, %reduce_sum3A_148 [0] : vector<256x8xf32> to vector<8xf32>
    %broadcast_in_dim3A_150 = vector.shape_cast %reduce_sum3A_149 : vector<8xf32> to vector<1x8xf32>
    %add3A_151 = arith.addf %get3A_147, %broadcast_in_dim3A_150 : vector<1x8xf32>
    %swap3A_152 = arith.constant 0 : index
    %swap3A_153 = arith.constant 0 : index
    %swap3A_154 = vector.load %arg17[%swap3A_152, %swap3A_153] : memref<1x8xf32, #tpu.memory_space<vmem>>, vector<1x8xf32>
    tpu.vector_store %arg17[%swap3A_152, %swap3A_153], %add3A_151 {strides = array<i32>} : memref<1x8xf32, #tpu.memory_space<vmem>>, vector<1x8xf32>,
    %eq3A_155 = arith.constant 7 : i32
    %eq3A_156 = arith.cmpi eq, %arg0, %eq3A_155 : i32
    %convert_element_type3A_157 = arith.extui %eq3A_156 : i1 to i32
    %cond3A_158 = arith.constant 0 : i32
    %cond3A_159 = arith.cmpi ne, %convert_element_type3A_157, %cond3A_158 : i32
    scf.if %cond3A_159 {
      %get3A_160 = arith.constant 0 : index
      %get3A_161 = arith.constant 0 : index
      %get3A_162 = vector.load %arg17[%get3A_160, %get3A_161] : memref<1x8xf32, #tpu.memory_space<vmem>>, vector<1x8xf32>
      %div3A_163 = arith.constant 2.560000e+02 : f32
      %div3A_164 = vector.broadcast %div3A_163 : f32 to vector<1x8xf32>
      %div3A_165 = arith.divf %get3A_162, %div3A_164 : vector<1x8xf32>
      %ceil3A = math.ceil %div3A_165 : vector<1x8xf32>
      %mul3A_166 = arith.constant 2.560000e+02 : f32
      %mul3A_167 = vector.broadcast %mul3A_166 : f32 to vector<1x8xf32>
      %mul3A_168 = arith.mulf %ceil3A, %mul3A_167 : vector<1x8xf32>
      %iota3A_169 = tpu.iota {dimensions = array<i32: 0>} : vector<8x16xi32>
      %iota3A_170 = tpu.iota {dimensions = array<i32: 1>} : vector<8x16xi32>
      %lt3A = arith.cmpi slt, %iota3A_169, %iota3A_170 : vector<8x16xi32>
      %convert_element_type3A_171 = arith.extui %lt3A : vector<8x16xi1> to vector<8x16xi32>
      %convert_element_type3A_172 = arith.sitofp %convert_element_type3A_171 : vector<8x16xi32> to vector<8x16xf32>
      %dot_general3A_173 = arith.constant dense<0.000000e+00> : vector<1x16xf32>
      %dot_general3A_174 = tpu.matmul %mul3A_168, %convert_element_type3A_172, %dot_general3A_173 {dimension_numbers = #tpu.dot_dimension_numbers<[1], [0], [0], [1], [0, 0, 1, 1], [], []>, transpose_lhs_hint = false} : vector<1x8xf32>, vector<8x16xf32>, vector<1x16xf32> -> vector<1x16xf32>
      %slice3A_175 = vector.extract_strided_slice %dot_general3A_174 {offsets = [0, 0], sizes = [1, 8], strides = [1, 1]} : vector<1x16xf32> to vector<1x8xf32>
      %convert_element_type3A_176 = arith.fptosi %dot_general3A_174 : vector<1x16xf32> to vector<1x16xi32>
      %swap3A_177 = arith.constant 0 : index
      %swap3A_178 = arith.constant 0 : index
      %swap3A_179 = vector.load %arg14[%swap3A_177, %swap3A_178] : memref<1x16xi32, #tpu.memory_space<vmem>>, vector<1x16xi32>
      tpu.vector_store %arg14[%swap3A_177, %swap3A_178], %convert_element_type3A_176 {strides = array<i32>} : memref<1x16xi32, #tpu.memory_space<vmem>>, vector<1x16xi32>,
      %reduce_sum3A_180 = arith.constant dense<0.000000e+00> : vector<1xf32>
      %reduce_sum3A_181 = vector.multi_reduction <add>, %mul3A_168, %reduce_sum3A_180 [1] : vector<1x8xf32> to vector<1xf32>
      %broadcast_in_dim3A_182 = vector.shape_cast %reduce_sum3A_181 : vector<1xf32> to vector<1x1xf32>
      %div3A_183 = arith.constant 2.560000e+02 : f32
      %div3A_184 = vector.broadcast %div3A_183 : f32 to vector<1x1xf32>
      %div3A_185 = arith.divf %broadcast_in_dim3A_182, %div3A_184 : vector<1x1xf32>
      %convert_element_type3A_186 = arith.fptosi %div3A_185 : vector<1x1xf32> to vector<1x1xi32>
      %add3A_187 = arith.addf %slice3A_175, %mul3A_168 : vector<1x8xf32>
      %div3A_188 = arith.constant 2.560000e+02 : f32
      %div3A_189 = vector.broadcast %div3A_188 : f32 to vector<1x8xf32>
      %div3A_190 = arith.divf %add3A_187, %div3A_189 : vector<1x8xf32>
      %convert_element_type3A_191 = arith.fptosi %div3A_190 : vector<1x8xf32> to vector<1x8xi32>
      %iota3A_192 = tpu.iota {dimensions = array<i32: 0>} : vector<24x8xi32>
      %sub3A_193 = arith.constant 1 : i32
      %sub3A_194 = vector.broadcast %sub3A_193 : i32 to vector<1x1xi32>
      %sub3A_195 = arith.subi %convert_element_type3A_186, %sub3A_194 : vector<1x1xi32>
      %min3A = vector.broadcast %sub3A_195 : vector<1x1xi32> to vector<24x8xi32>
      %min3A_196 = arith.minsi %iota3A_192, %min3A : vector<24x8xi32>
      %broadcast_in_dim3A_197 = vector.shape_cast %convert_element_type3A_191 : vector<1x8xi32> to vector<1x8xi32>
      %broadcast_in_dim3A_198 = vector.broadcast %broadcast_in_dim3A_197 : vector<1x8xi32> to vector<24x8xi32>
      %le3A = arith.cmpi sle, %broadcast_in_dim3A_198, %min3A_196 : vector<24x8xi32>
      %convert_element_type3A_199 = arith.extui %le3A : vector<24x8xi1> to vector<24x8xi32>
      %reduce_sum3A_200 = arith.constant dense<0> : vector<24xi32>
      %reduce_sum3A_201 = vector.multi_reduction <add>, %convert_element_type3A_199, %reduce_sum3A_200 [1] : vector<24x8xi32> to vector<24xi32>
      %broadcast_in_dim3A_202 = vector.shape_cast %reduce_sum3A_201 : vector<24xi32> to vector<24x1xi32>
      %iota3A_203 = tpu.iota {dimensions = array<i32: 1>} : vector<24x8xi32>
      %eq3A_204 = arith.constant 0 : i32
      %eq3A_205 = vector.broadcast %eq3A_204 : i32 to vector<24x8xi32>
      %eq3A_206 = arith.cmpi eq, %iota3A_203, %eq3A_205 : vector<24x8xi32>
      %eq3A_207 = arith.constant 1 : i32
      %eq3A_208 = vector.broadcast %eq3A_207 : i32 to vector<24x8xi32>
      %eq3A_209 = arith.cmpi eq, %iota3A_203, %eq3A_208 : vector<24x8xi32>
      %broadcast_in_dim3A_210 = vector.shape_cast %broadcast_in_dim3A_202 : vector<24x1xi32> to vector<24x1xi32>
      %broadcast_in_dim3A_211 = vector.broadcast %broadcast_in_dim3A_210 : vector<24x1xi32> to vector<24x8xi32>
      %broadcast_in_dim3A_212 = vector.shape_cast %convert_element_type3A_186 : vector<1x1xi32> to vector<1x1xi32>
      %broadcast_in_dim3A_213 = vector.broadcast %broadcast_in_dim3A_212 : vector<1x1xi32> to vector<24x8xi32>
      %select_n3A_214 = arith.select %eq3A_209, %broadcast_in_dim3A_211, %broadcast_in_dim3A_213 : vector<24x8xi1>, vector<24x8xi32>
      %select_n3A_215 = arith.select %eq3A_206, %min3A_196, %select_n3A_214 : vector<24x8xi1>, vector<24x8xi32>
      %swap3A_216 = arith.constant 0 : index
      %swap3A_217 = arith.constant 0 : index
      %swap3A_218 = vector.load %arg13[%swap3A_216, %swap3A_217] : memref<24x8xi32, #tpu.memory_space<vmem>>, vector<24x8xi32>
      tpu.vector_store %arg13[%swap3A_216, %swap3A_217], %select_n3A_215 {strides = array<i32>} : memref<24x8xi32, #tpu.memory_space<vmem>>, vector<24x8xi32>,
    } else {
    }
    return
  }
  func.func @transform_0(%arg0: i32) -> (i32, i32) {
    %c0_i32 = arith.constant 0 : i32
    %c0_i32_0 = arith.constant 0 : i32
    return %arg0, %c0_i32 : i32, i32
  }
  func.func @transform_1(%arg0: i32) -> (i32, i32) {
    %c0_i32 = arith.constant 0 : i32
    %c0_i32_0 = arith.constant 0 : i32
    %c0_i32_1 = arith.constant 0 : i32
    return %c0_i32, %c0_i32_0 : i32, i32
  }
  func.func @transform_2(%arg0: i32) -> (i32, i32) {
    %c0_i32 = arith.constant 0 : i32
    %c0_i32_0 = arith.constant 0 : i32
    %c0_i32_1 = arith.constant 0 : i32
    return %c0_i32, %c0_i32_0 : i32, i32
  }
  func.func @transform_3(%arg0: i32) -> (i32, i32) {
    %c0_i32 = arith.constant 0 : i32
    %c0_i32_0 = arith.constant 0 : i32
    %c0_i32_1 = arith.constant 0 : i32
    return %c0_i32, %c0_i32_0 : i32, i32
  }
  func.func @transform_4(%arg0: i32) -> (i32, i32) {
    %c0_i32 = arith.constant 0 : i32
    %c0_i32_0 = arith.constant 0 : i32
    %c0_i32_1 = arith.constant 0 : i32
    return %c0_i32, %c0_i32_0 : i32, i32
  }
  func.func @transform_5(%arg0: i32) -> (i32, i32) {
    %c0_i32 = arith.constant 0 : i32
    %c0_i32_0 = arith.constant 0 : i32
    %c0_i32_1 = arith.constant 0 : i32
    return %c0_i32, %c0_i32_0 : i32, i32
  }
  func.func @transform_6(%arg0: i32) -> (i32, i32) {
    %c0_i32 = arith.constant 0 : i32
    %c0_i32_0 = arith.constant 0 : i32
    return %arg0, %c0_i32 : i32, i32
  }
  func.func @transform_7(%arg0: i32) -> (i32, i32) {
    %c0_i32 = arith.constant 0 : i32
    %c0_i32_0 = arith.constant 0 : i32
    return %arg0, %c0_i32 : i32, i32
  }
  func.func @transform_8(%arg0: i32) -> (i32, i32) {
    %c0_i32 = arith.constant 0 : i32
    %c0_i32_0 = arith.constant 0 : i32
    return %arg0, %c0_i32 : i32, i32
  }
  func.func @transform_9(%arg0: i32) -> (i32, i32) {
    %c0_i32 = arith.constant 0 : i32
    %c0_i32_0 = arith.constant 0 : i32
    return %arg0, %c0_i32 : i32, i32
  }
  func.func @transform_10(%arg0: i32) -> (i32, i32) {
    %c0_i32 = arith.constant 0 : i32
    %c0_i32_0 = arith.constant 0 : i32
    return %arg0, %c0_i32 : i32, i32
  }
  func.func @transform_11(%arg0: i32) -> (i32, i32) {
    %c0_i32 = arith.constant 0 : i32
    %c0_i32_0 = arith.constant 0 : i32
    return %arg0, %c0_i32 : i32, i32
  }
  func.func @transform_12(%arg0: i32) -> (i32, i32) {
    %c0_i32 = arith.constant 0 : i32
    %c0_i32_0 = arith.constant 0 : i32
    %c0_i32_1 = arith.constant 0 : i32
    return %c0_i32, %c0_i32_0 : i32, i32
  }
  func.func @transform_13(%arg0: i32) -> (i32, i32) {
    %c0_i32 = arith.constant 0 : i32
    %c0_i32_0 = arith.constant 0 : i32
    %c0_i32_1 = arith.constant 0 : i32
    return %c0_i32, %c0_i32_0 : i32, i32
  }
  func.func @transform_14(%arg0: i32) -> (i32, i32) {
    %c0_i32 = arith.constant 0 : i32
    %c0_i32_0 = arith.constant 0 : i32
    return %arg0, %c0_i32 : i32, i32
  }
  func.func @transform_15(%arg0: i32) -> (i32, i32) {
    %c0_i32 = arith.constant 0 : i32
    %c0_i32_0 = arith.constant 0 : i32
    return %arg0, %c0_i32 : i32, i32
  }
}

module attributes {stable_mosaic.version = 14 : i64} {
  func.func @_experts_body(%arg0: i32, %arg1: memref<24xi32, #tpu.memory_space<smem>>, %arg2: memref<24xi32, #tpu.memory_space<smem>>, %arg3: memref<1xi32, #tpu.memory_space<smem>>, %arg4: memref<256x384xi32, #tpu.memory_space<vmem>>, %arg5: memref<1x512x768xf32, #tpu.memory_space<vmem>>, %arg6: memref<1x512x768xf32, #tpu.memory_space<vmem>>, %arg7: memref<1x768x512xf32, #tpu.memory_space<vmem>>, %arg8: memref<256x384xi32, #tpu.memory_space<vmem>>) attributes {dimension_semantics = [#tpu.dimension_semantics<arbitrary>], iteration_bounds = array<i64: 24>, scalar_prefetch = 3 : i64, scratch_operands = 0 : i64, tpu.core_type = #tpu.core_type<tc>, window_params = [{transform_indices = @transform_0, window_bounds = array<i64: 256, 384>}, {transform_indices = @transform_1, window_bounds = array<i64: 1, 512, 768>}, {transform_indices = @transform_2, window_bounds = array<i64: 1, 512, 768>}, {transform_indices = @transform_3, window_bounds = array<i64: 1, 768, 512>}, {transform_indices = @transform_4, window_bounds = array<i64: 256, 384>}]} {
    %get3A = arith.constant 0 : index
    %get3A_0 = memref.load %arg3[%get3A] : memref<1xi32, #tpu.memory_space<smem>>
    %lt3A = arith.cmpi slt, %arg0, %get3A_0 : i32
    %convert_element_type3A = arith.extui %lt3A : i1 to i32
    %cond3A = arith.constant 0 : i32
    %cond3A_1 = arith.cmpi ne, %convert_element_type3A, %cond3A : i32
    scf.if %cond3A_1 {
      %get3A_2 = arith.constant 0 : index
      %get3A_3 = arith.constant 0 : index
      %get3A_4 = vector.load %arg4[%get3A_2, %get3A_3] : memref<256x384xi32, #tpu.memory_space<vmem>>, vector<256x384xi32>
      %get3A_5 = arith.constant 0 : index
      %get3A_6 = arith.constant 0 : index
      %get3A_7 = arith.constant 0 : index
      %get3A_8 = vector.load %arg5[%get3A_5, %get3A_6, %get3A_7] : memref<1x512x768xf32, #tpu.memory_space<vmem>>, vector<1x512x768xf32>
      %get3A_9 = vector.shape_cast %get3A_8 : vector<1x512x768xf32> to vector<512x768xf32>
      %get3A_10 = arith.constant 0 : index
      %get3A_11 = arith.constant 0 : index
      %get3A_12 = arith.constant 0 : index
      %get3A_13 = vector.load %arg6[%get3A_10, %get3A_11, %get3A_12] : memref<1x512x768xf32, #tpu.memory_space<vmem>>, vector<1x512x768xf32>
      %get3A_14 = vector.shape_cast %get3A_13 : vector<1x512x768xf32> to vector<512x768xf32>
      %get3A_15 = arith.constant 0 : index
      %get3A_16 = arith.constant 0 : index
      %get3A_17 = arith.constant 0 : index
      %get3A_18 = vector.load %arg7[%get3A_15, %get3A_16, %get3A_17] : memref<1x768x512xf32, #tpu.memory_space<vmem>>, vector<1x768x512xf32>
      %get3A_19 = vector.shape_cast %get3A_18 : vector<1x768x512xf32> to vector<768x512xf32>
      %shift_left3A = arith.constant 16 : i32
      %shift_left3A_20 = vector.broadcast %shift_left3A : i32 to vector<256x384xi32>
      %shift_left3A_21 = arith.shli %get3A_4, %shift_left3A_20 : vector<256x384xi32>
      %bitcast_convert_type3A = tpu.bitcast %shift_left3A_21 : vector<256x384xi32> -> vector<256x384xf32>
      %and3A = arith.constant -65536 : i32
      %and3A_22 = vector.broadcast %and3A : i32 to vector<256x384xi32>
      %and3A_23 = arith.andi %get3A_4, %and3A_22 : vector<256x384xi32>
      %bitcast_convert_type3A_24 = tpu.bitcast %and3A_23 : vector<256x384xi32> -> vector<256x384xf32>
      %convert_element_type3A_25 = arith.truncf %bitcast_convert_type3A : vector<256x384xf32> to vector<256x384xbf16>
      %convert_element_type3A_26 = arith.truncf %bitcast_convert_type3A_24 : vector<256x384xf32> to vector<256x384xbf16>
      %concatenate3A = tpu.concatenate %convert_element_type3A_25, %convert_element_type3A_26 in 1 : vector<256x384xbf16>, vector<256x384xbf16> -> vector<256x768xbf16>
      %convert_element_type3A_27 = arith.truncf %get3A_9 : vector<512x768xf32> to vector<512x768xbf16>
      %dot_general3A = arith.constant dense<0.000000e+00> : vector<256x512xf32>
      %dot_general3A_28 = tpu.matmul %concatenate3A, %convert_element_type3A_27, %dot_general3A {dimension_numbers = #tpu.dot_dimension_numbers<[1], [1], [0], [0], [0, 0, 1, 0], [], []>, transpose_lhs_hint = false} : vector<256x768xbf16>, vector<512x768xbf16>, vector<256x512xf32> -> vector<256x512xf32>
      %convert_element_type3A_29 = arith.truncf %get3A_14 : vector<512x768xf32> to vector<512x768xbf16>
      %dot_general3A_30 = arith.constant dense<0.000000e+00> : vector<256x512xf32>
      %dot_general3A_31 = tpu.matmul %concatenate3A, %convert_element_type3A_29, %dot_general3A_30 {dimension_numbers = #tpu.dot_dimension_numbers<[1], [1], [0], [0], [0, 0, 1, 0], [], []>, transpose_lhs_hint = false} : vector<256x768xbf16>, vector<512x768xbf16>, vector<256x512xf32> -> vector<256x512xf32>
      %logistic3A = arith.negf %dot_general3A_28 : vector<256x512xf32>
      %logistic3A_32 = math.exp %logistic3A : vector<256x512xf32>
      %logistic3A_33 = arith.constant 1.000000e+00 : f32
      %logistic3A_34 = vector.broadcast %logistic3A_33 : f32 to vector<256x512xf32>
      %logistic3A_35 = arith.addf %logistic3A_34, %logistic3A_32 : vector<256x512xf32>
      %logistic3A_36 = arith.divf %logistic3A_34, %logistic3A_35 : vector<256x512xf32>
      %mul3A = arith.mulf %dot_general3A_28, %logistic3A_36 : vector<256x512xf32>
      %mul3A_37 = arith.mulf %mul3A, %dot_general3A_31 : vector<256x512xf32>
      %convert_element_type3A_38 = arith.truncf %mul3A_37 : vector<256x512xf32> to vector<256x512xbf16>
      %convert_element_type3A_39 = arith.truncf %get3A_19 : vector<768x512xf32> to vector<768x512xbf16>
      %dot_general3A_40 = arith.constant dense<0.000000e+00> : vector<256x768xf32>
      %dot_general3A_41 = tpu.matmul %convert_element_type3A_38, %convert_element_type3A_39, %dot_general3A_40 {dimension_numbers = #tpu.dot_dimension_numbers<[1], [1], [0], [0], [0, 0, 1, 0], [], []>, transpose_lhs_hint = false} : vector<256x512xbf16>, vector<768x512xbf16>, vector<256x768xf32> -> vector<256x768xf32>
      %slice3A = vector.extract_strided_slice %dot_general3A_41 {offsets = [0, 0], sizes = [256, 384], strides = [1, 1]} : vector<256x768xf32> to vector<256x384xf32>
      %slice3A_42 = vector.extract_strided_slice %dot_general3A_41 {offsets = [0, 384], sizes = [256, 384], strides = [1, 1]} : vector<256x768xf32> to vector<256x384xf32>
      %convert_element_type3A_43 = arith.truncf %slice3A : vector<256x384xf32> to vector<256x384xbf16>
      %convert_element_type3A_44 = arith.extf %convert_element_type3A_43 : vector<256x384xbf16> to vector<256x384xf32>
      %bitcast_convert_type3A_45 = tpu.bitcast %convert_element_type3A_44 : vector<256x384xf32> -> vector<256x384xi32>
      %convert_element_type3A_46 = arith.truncf %slice3A_42 : vector<256x384xf32> to vector<256x384xbf16>
      %convert_element_type3A_47 = arith.extf %convert_element_type3A_46 : vector<256x384xbf16> to vector<256x384xf32>
      %bitcast_convert_type3A_48 = tpu.bitcast %convert_element_type3A_47 : vector<256x384xf32> -> vector<256x384xi32>
      %shift_right_logical3A = arith.constant 16 : i32
      %shift_right_logical3A_49 = vector.broadcast %shift_right_logical3A : i32 to vector<256x384xi32>
      %shift_right_logical3A_50 = arith.shrui %bitcast_convert_type3A_45, %shift_right_logical3A_49 : vector<256x384xi32>
      %and3A_51 = arith.constant -65536 : i32
      %and3A_52 = vector.broadcast %and3A_51 : i32 to vector<256x384xi32>
      %and3A_53 = arith.andi %bitcast_convert_type3A_48, %and3A_52 : vector<256x384xi32>
      %or3A = arith.ori %shift_right_logical3A_50, %and3A_53 : vector<256x384xi32>
      %swap3A = arith.constant 0 : index
      %swap3A_54 = arith.constant 0 : index
      %swap3A_55 = vector.load %arg8[%swap3A, %swap3A_54] : memref<256x384xi32, #tpu.memory_space<vmem>>, vector<256x384xi32>
      tpu.vector_store %arg8[%swap3A, %swap3A_54], %or3A {strides = array<i32>} : memref<256x384xi32, #tpu.memory_space<vmem>>, vector<256x384xi32>,
    } else {
    }
    return
  }
  func.func @transform_0(%arg0: i32, %arg1: memref<24xi32, #tpu.memory_space<smem>>, %arg2: memref<24xi32, #tpu.memory_space<smem>>, %arg3: memref<1xi32, #tpu.memory_space<smem>>) -> (i32, i32) {
    %get3A = arith.index_cast %arg0 : i32 to index
    %get3A_0 = memref.load %arg1[%get3A] : memref<24xi32, #tpu.memory_space<smem>>
    %c0_i32 = arith.constant 0 : i32
    %c0_i32_1 = arith.constant 0 : i32
    return %get3A_0, %c0_i32 : i32, i32
  }
  func.func @transform_1(%arg0: i32, %arg1: memref<24xi32, #tpu.memory_space<smem>>, %arg2: memref<24xi32, #tpu.memory_space<smem>>, %arg3: memref<1xi32, #tpu.memory_space<smem>>) -> (i32, i32, i32) {
    %get3A = arith.index_cast %arg0 : i32 to index
    %get3A_0 = memref.load %arg2[%get3A] : memref<24xi32, #tpu.memory_space<smem>>
    %c0_i32 = arith.constant 0 : i32
    %c0_i32_1 = arith.constant 0 : i32
    %c0_i32_2 = arith.constant 0 : i32
    return %get3A_0, %c0_i32, %c0_i32_1 : i32, i32, i32
  }
  func.func @transform_2(%arg0: i32, %arg1: memref<24xi32, #tpu.memory_space<smem>>, %arg2: memref<24xi32, #tpu.memory_space<smem>>, %arg3: memref<1xi32, #tpu.memory_space<smem>>) -> (i32, i32, i32) {
    %get3A = arith.index_cast %arg0 : i32 to index
    %get3A_0 = memref.load %arg2[%get3A] : memref<24xi32, #tpu.memory_space<smem>>
    %c0_i32 = arith.constant 0 : i32
    %c0_i32_1 = arith.constant 0 : i32
    %c0_i32_2 = arith.constant 0 : i32
    return %get3A_0, %c0_i32, %c0_i32_1 : i32, i32, i32
  }
  func.func @transform_3(%arg0: i32, %arg1: memref<24xi32, #tpu.memory_space<smem>>, %arg2: memref<24xi32, #tpu.memory_space<smem>>, %arg3: memref<1xi32, #tpu.memory_space<smem>>) -> (i32, i32, i32) {
    %get3A = arith.index_cast %arg0 : i32 to index
    %get3A_0 = memref.load %arg2[%get3A] : memref<24xi32, #tpu.memory_space<smem>>
    %c0_i32 = arith.constant 0 : i32
    %c0_i32_1 = arith.constant 0 : i32
    %c0_i32_2 = arith.constant 0 : i32
    return %get3A_0, %c0_i32, %c0_i32_1 : i32, i32, i32
  }
  func.func @transform_4(%arg0: i32, %arg1: memref<24xi32, #tpu.memory_space<smem>>, %arg2: memref<24xi32, #tpu.memory_space<smem>>, %arg3: memref<1xi32, #tpu.memory_space<smem>>) -> (i32, i32) {
    %c0_i32 = arith.constant 0 : i32
    %c0_i32_0 = arith.constant 0 : i32
    return %arg0, %c0_i32 : i32, i32
  }
}

</mosaic_0001>

<sc_bundles>
// kernel: kernel.6.cloned.1.call-start
scs
__scs_entry_jumppad:
0x0: {  	(pc) =	sbr.rel $0x88, $3  }
0x1: {  	(tag) =	ssettag $0x0;
	lr =	simm.s32 $0x1  }
0x2: {  	[smem:$0x3F98] =	sst lr;
	_ =	strace $0xD0000000  }
0x3: {  	_ = 	snop  }
0x4: {  	_ = 	snop  }
0x5: {  	_ = 	snop  }
0x6: {  	_ = 	snop  }
0x7: {  	_ = 	snop  }
__scs_overlays_trampoline_lowered:
0x8: {  	[smem:$0x3FA7] =	sst s0  }
0x9: {  	[smem:$0x3FA8] =	sst s1  }
0xa: {  	[smem:$0x3FA9] =	sst s2  }
0xb: {  	[smem:$0x3FAA] =	sst s3  }
0xc: {  	[smem:$0x3FAB] =	sst s4  }
0xd: {  	[smem:$0x3FAC] =	sst s5  }
0xe: {  	[smem:$0x3FAD] =	sst s6  }
0xf: {  	[smem:$0x3FAE] =	sst s7  }
0x10: {  	[smem:$0x3FAF] =	sst s8  }
0x11: {  	[smem:$0x3FB0] =	sst s9;
	s0 =	simm.s32 @!p0 $0x0  }
0x12: {  	s1 =	sld [smem:$0x3F96];
	s0 =	simm.s32 @p0 $0x1  }
0x13: {  	[smem:$0x3FB1] =	sst s0;
	s0 =	simm.s32 @!p1 $0x0  }
0x14: {  	s2 =	sld [smem:$0x3F95];
	s0 =	simm.s32 @p1 $0x1  }
0x15: {  	[smem:$0x3FB2] =	sst s0;
	s0 =	simm.s32 @!p2 $0x0  }
0x16: {  	s3 =	sld [smem:$0x3FDB];
	s0 =	simm.s32 @p2 $0x1  }
0x17: {  	s4 =	simm.s32 $0x1BF5;
	[smem:$0x3FB4] =	sst s0  }
0x18: {  	s0 =	sld [smem:$0x3F97];
	_ =	swait.ge [sflag:s4], $0x0  }
0x19: {  	s7 =	sld [smem:$0x3F98]  }
0x1a: {  	s8 =	sadd.s32 $0xFFFFE003, lr  }
0x1b: {  	s9 =	sadd.s32 $0xFFFFFEF7, lr;
	s5 =	simm.s32 $0xFFFFFFFF;
	p2 =	slt.u32 s8, $0xFFFFF086  }
0x1c: {  	p1 =	slt.u32 s9, $0xF7A;
	s5 =	simm.s32 @!p2 $0x0  }
0x1d: {  	s5 =	simm.s32 @p1 $0x1;
	p0 =	seq.s32 s7, s2  }
0x1e: {  	s7 =	smul.u32 @!p0 $0xF7A, s2;
	p2 =	seq.s32 @!p0 s5, $0x0  }
0x1f: {  	s9 =	smul.u32 $0xF7A, s1;
	s8 =	simm.s32 @!p0 $0x1BF5;
	p2 =	por !p2, p0  }
0x20: {  	[sflag:s8] =	ssyncset.s32 @!p0 $0xFFFFF086;
	s6 =	sadd.s32 @!p0 s3, s7;
	s7 =	simm.s32 @!p0 $0x108  }
0x21: {  	s3 =	sadd.s32 s3, s9;
	s6 =	sadd.s32 @!p0 $0x88, s6;
	s7 =	simm.s32 @p2 $0x1082  }
0x22: {  	[simem:s7], [sflag:s8] =	dma.local @!p0 [hbm:s6], $0xF7A  }
0x23: {  	s9 =	sor.u32 $0xD0000000, s2;
	s6 =	simm.s32 $0x108;
	_ =	swait.ge @!p0 [sflag:s8], $0x0  }
0x24: {  	s3 =	sadd.s32 $0x88, s3;
	s6 =	simm.s32 @!p1 $0x1082;
	[sflag:s4] =	ssyncset.s32 $0xFFFFF086  }
0x25: {  	[simem:s6], [sflag:s4] =	dma.local [hbm:s3], $0xF7A  }
0x26: {  	[smem:$0x3F98] =	sst s1;
	(tag) =	ssettag s2;
	_ =	strace s9  }
0x27: {  	s1 =	sld [smem:$0x3FA8]  }
0x28: {  	s2 =	sld [smem:$0x3FA9]  }
0x29: {  	s4 =	sld [smem:$0x3FAB]  }
0x2a: {  	p0 =	seq.s32 s5, $0x0;
	s5 =	sld [smem:$0x3FAC]  }
0x2b: {  	s6 =	sld [smem:$0x3FAD]  }
0x2c: {  	s7 =	sld [smem:$0x3FAE]  }
0x2d: {  	s3 =	simm.s32 $0x108;
	s8 =	sld [smem:$0x3FAF]  }
0x2e: {  	s3 =	simm.s32 @!p0 $0x1082;
	s9 =	sld [smem:$0x3FB0]  }
0x2f: {  	lr =	sadd.s32 s0, s3;
	s0 =	sld [smem:$0x3FA7]  }
0x30: {  	s3 =	sld [smem:$0x3FAA]  }
0x31: {  	[smem:$0x3FB3] =	sst s10  }
0x32: {  	s10 =	sld [smem:$0x3FB1];
	_ =	sdelay $0x3  }
0x33: {  	p0 =	seq.s32 s10, $0x1;
	s10 =	sld [smem:$0x3FB3];
	_ =	sdelay $0x3  }
0x34: {  	[smem:$0x3FB3] =	sst s10  }
0x35: {  	s10 =	sld [smem:$0x3FB2];
	_ =	sdelay $0x3  }
0x36: {  	p1 =	seq.s32 s10, $0x1;
	s10 =	sld [smem:$0x3FB3];
	_ =	sdelay $0x3  }
0x37: {  	[smem:$0x3FB3] =	sst s10  }
0x38: {  	s10 =	sld [smem:$0x3FB4]  }
0x39: {  	_ = 	snop;
	(pc) =	sbr.ind lr, $3  }
0x3a: {  	_ = 	snop  }
0x3b: {  	_ = 	snop  }
0x3c: {  	p2 =	seq.s32 s10, $0x1;
	s10 =	sld [smem:$0x3FB3]  }
0x3d: {  	_ =	shalt  }
0x3e: {  	_ =	shalt  }
0x3f: {  	_ =	shalt  }
0x40: {  	_ =	shalt  }
0x41: {  	_ =	shalt  }
0x42: {  	_ =	shalt  }
0x43: {  	_ =	shalt  }
0x44: {  	_ =	shalt  }
0x45: {  	_ =	shalt  }
0x46: {  	_ =	shalt  }
0x47: {  	_ =	shalt  }
0x48: {  	_ =	shalt  }
0x49: {  	_ =	shalt  }
0x4a: {  	_ =	shalt  }
0x4b: {  	_ =	shalt  }
0x4c: {  	_ =	shalt  }
0x4d: {  	_ =	shalt  }
0x4e: {  	_ =	shalt  }
0x4f: {  	_ =	shalt  }
0x50: {  	_ =	shalt  }
0x51: {  	_ =	shalt  }
0x52: {  	_ =	shalt  }
0x53: {  	_ =	shalt  }
0x54: {  	_ =	shalt  }
0x55: {  	_ =	shalt  }
0x56: {  	_ =	shalt  }
0x57: {  	_ =	shalt  }
0x58: {  	_ =	shalt  }
0x59: {  	_ =	shalt  }
0x5a: {  	_ =	shalt  }
0x5b: {  	_ =	shalt  }
0x5c: {  	_ =	shalt  }
0x5d: {  	_ =	shalt  }
0x5e: {  	_ =	shalt  }
0x5f: {  	_ =	shalt  }
0x60: {  	_ =	shalt  }
0x61: {  	_ =	shalt  }
0x62: {  	_ =	shalt  }
0x63: {  	_ =	shalt  }
0x64: {  	_ =	shalt  }
0x65: {  	_ =	shalt  }
0x66: {  	_ =	shalt  }
0x67: {  	_ =	shalt  }
0x68: {  	_ =	shalt  }
0x69: {  	_ =	shalt  }
0x6a: {  	_ =	shalt  }
0x6b: {  	_ =	shalt  }
0x6c: {  	_ =	shalt  }
0x6d: {  	_ =	shalt  }
0x6e: {  	_ =	shalt  }
0x6f: {  	_ =	shalt  }
0x70: {  	_ =	shalt  }
0x71: {  	_ =	shalt  }
0x72: {  	_ =	shalt  }
0x73: {  	_ =	shalt  }
0x74: {  	_ =	shalt  }
0x75: {  	_ =	shalt  }
0x76: {  	_ =	shalt  }
0x77: {  	_ =	shalt  }
0x78: {  	_ =	shalt  }
0x79: {  	_ =	shalt  }
0x7a: {  	_ =	shalt  }
0x7b: {  	_ =	shalt  }
0x7c: {  	_ =	shalt  }
0x7d: {  	_ =	shalt  }
0x7e: {  	_ =	shalt  }
0x7f: {  	_ =	shalt  }
0x80: {  	_ =	shalt  }
0x81: {  	_ =	shalt  }
0x82: {  	_ =	shalt  }
0x83: {  	_ =	shalt  }
0x84: {  	_ =	shalt  }
0x85: {  	_ =	shalt  }
0x86: {  	_ =	shalt  }
0x87: {  	_ =	shalt  }
.Lfunc_end0:
.L_simem_size_0:
called_computation_lowered:
.L_overlay_start_0:
0x88: {  	s2 =	sld [smem:$0x3FD9]  }
0x89: {  	s3 =	sld [smem:$0x3FFE];
	_ =	sdelay $0x1  }
0x8a: {  	s1 =	srdreg.scid  }
0x8b: {  	s0 =	sand.u32 $0x1, s1  }
0x8c: {  	s17 =	sshll.u32 s0, $0xA;
	s2 =	sadd.s32 s3, s2  }
0x8d: {  	s2 =	sadd.s32 s2, s17  }
0x8e: {  	[smem:$0x3FBF] =	sst s2  }
0x8f: {  	_ = 	snop  }
0x90: {  	s2 =	sld [smem:$0x3FD0];
	(tm) =	ssettm $0x1  }
0x91: {  	s18 =	sld [smem:$0x3FFB];
	_ =	sdelay $0x3  }
0x92: {  	_ =	strace s18  }
0x93: {  	s3 =	sld [smem:$0x3FFC];
	_ =	sdelay $0x3  }
0x94: {  	_ =	strace s3  }
0x95: {  	s3 =	sld [smem:$0x3FFD];
	_ =	sdelay $0x3  }
0x96: {  	_ =	strace s3  }
0x97: {  	_ =	strace $0x8FFFFFFF  }
0x98: {  	s19 =	sld [smem:$0x3FDB];
	_ =	sdelay $0x1  }
0x99: {  	s4 =	simm.s32 $_scs_section_size  }
0x9a: {  	s5 =	simm.s32 $_size__tile_overlayer_lowered;
	s6 =	simm.s32 $_tile_overlayer_lowered  }
0x9b: {  	s22 =	simm.s32 $0x1BFF;
	s21 =	sshll.u32 s6, $0x1;
	s3 =	sadd.s32 s4, s19  }
0x9c: {  	s7 =	simm.s32 $0x0;
	s20 =	sshll.u32 s5, $0x1;
	s5 =	sadd.s32 s21, s3  }
0x9d: {  	[timem:s7], [sflag:s22] =	dma.local [hbm:s5], s20  }
0x9e: {  	_ =	swait.ge [sflag:s22], s20  }
0x9f: {  	s4 =	ssub.s32 $0x0, s20;
	[sflag:s22] =	ssyncset.done $0x0  }
0xa0: {  	[sflag:s22] =	ssyncadd.s32 s4;
	_ =	sdelay $0x1  }
0xa1: {  	s23 =	simm.s32 $0x1B8B  }
0xa2: {  	_ =	swait.ge [sflag:s23], $0x1  }
0xa3: {  	[sflag:s23] =	ssyncset.done $0x0  }
0xa4: {  	s25 =	simm.s32 $0x1B8E;
	s24 =	sld [smem:$0x3FFE];
	[sflag:s23] =	ssyncadd.s32 $0xFFFFFFFF  }
0xa5: {  	s26 =	simm.s32 $execute0_lowered;
	[smem:$0x3FD2] =	sst s25  }
0xa6: {  	s5 =	sshll.u32 s26, $0x1;
	_ =	strace $0x80000046;
	[dreg:$0x1] =	wrdreg $0xFFFFFFFF  }
0xa7: {  	s28 =	simm.s32 $_size_execute0_lowered;
	s3 =	sadd.s32 s3, s5;
	[dreg:$0x0] =	wrdreg $0x0  }
0xa8: {  	s5 =	sshll.u32 s28, $0x1;
	[dreg:$0x2] =	wrdreg s3  }
0xa9: {  	[dreg:$0x3] =	wrdreg s5  }
0xaa: {  	[dreg:$0x4] =	wrdreg $0xC0  }
0xab: {  	_ =	task [dreg:s7], $0x5FFFF  }
0xac: {  	[dreg:$0x1] =	wrdreg $0xFFFFFFFF  }
0xad: {  	[dreg:$0x0] =	wrdreg $0x60  }
0xae: {  	[dreg:$0x2] =	wrdreg s24  }
0xaf: {  	[dreg:$0x3] =	wrdreg s2  }
0xb0: {  	[dreg:$0x4] =	wrdreg $0x9  }
0xb1: {  	_ =	task.clear_ibuf [dreg:s7], $0x5FFFF;
	_ =	strace $0x90000046  }
0xb2: {  	s29 =	simm.s32 $0x9;
	_ =	strace $0x80000048  }
0xb3: {  	_ =	swait.ge [sflag:s29], $0x1  }
0xb4: {  	[sflag:s29] =	ssyncadd.s32 $0xFFFFFFFF  }
0xb5: {  	_ =	strace $0x90000048  }
0xb6: {  	_ =	sfence  }
0xb7: {  	s30 =	sld [smem:$0x0];
	_ =	sdelay $0x2  }
0xb8: {  	s31 =	sshll.u32 s1, $0xD;
	s1 =	sshrl.u32 s1, $0x2  }
0xb9: {  	s3 =	sand.u32 $0x4000, s31;
	s1 =	sadd.s32 s1, s30  }
0xba: {  	s0 =	sor.u32 s3, s0;
	s1 =	sshll.u32 s1, $0x11  }
0xbb: {  	s0 =	sor.u32 s1, s0  }
0xbc: {  	s0 =	sadd.s32 $0x8F2B, s0  }
0xbd: {  	[sflag:s0] =	ssyncadd.remote.s32 $0x1  }
0xbe: {  	_ =	sfence.sel $0xFFFF  }
0xbf: {  	[dreg:$0x0] =	wrdreg $0xFFFFFFFF;
	(pc) =	sbr.abs _section_cstart, $3  }
0xc0: {  	[dreg:$0x1] =	wrdreg $0xFFFFFFFF  }
0xc1: {  	_ =	task.clear_ibuf [dreg:s7], $0x2FFFF;
	_ =	strace $0x9FFFFFFF  }
0xc2: {  	(tm) =	ssettm $0x7FFFFFFF  }
0xc3: {  	_ =	shalt  }
tec
execute0_lowered:
.L_overlay_start_1:
0x0: {  	(tag) =	ssettag $0x1  }
0x1: {  	s1 =	srdreg.scid;
	s2 =	rddreg [dreg:$0x0]  }
0x2: {  	s0 =	stileid.u32;
	s5 =	rddreg [dreg:$0x1]  }
0x3: {  	s7 =	simm.s32 $0x380;
	s8 =	simm.s32 $0x3;
	s9 =	simm.s32 $0x80  }
0x4: {  	s10 =	simm.s32 $0x100;
	s11 =	simm.s32 $0x180;
	s12 =	simm.s32 $0x200  }
0x5: {  	s13 =	simm.s32 $0x280;
	s14 =	simm.s32 $0x300;
	s15 =	simm.s32 $0x1  }
0x6: {  	s16 =	simm.s32 $0xB80;
	s17 =	simm.s32 $0xF80;
	s18 =	simm.s32 $0x1780  }
0x7: {  	s19 =	simm.s32 $0x1B80;
	s28 =	simm.s32 $0x4B80;
	s1 =	sand.u32 $0x1, s1  }
0x8: {  	s29 =	simm.s32 $0x5380;
	s3 =	sshll.u32 s0, $0x4;
	s4 =	sshll.u32 s1, $0x3  }
0x9: {  	s30 =	simm.s32 $0x5780;
	s31 =	simm.s32 $0x5F80;
	s4 =	sor.u32 s4, s3  }
0xa: {  	s3 =	simm.s32 $0x0;
	s6 =	smul.u32 $0x180, s4;
	s4 =	sadd.s32 s4, s2  }
0xb: {  	s1 =	ssub.s32 $0x2, s1;
	[smem:$0x7FF] =	sst s3;
	s20 =	sadd.s32 $0x30200, s4  }
0xc: {  	_ =	strace $0x80000047;
	s21 =	sadd.s32 $0x30400, s4;
	[dreg:$0x4] =	wrdreg s20  }
0xd: {  	s25 =	sshrl.u32 s1, $0x1;
	s22 =	sadd.s32 $0x30600, s4;
	[dreg:$0x5] =	wrdreg s21  }
0xe: {  	s1 =	ssub.s32 s1, s25;
	s23 =	sadd.s32 $0x30800, s4;
	[dreg:$0x6] =	wrdreg s22  }
0xf: {  	s25 =	simm.s32 $0x3F80;
	s24 =	sadd.s32 $0x78A00, s4;
	[dreg:$0x7] =	wrdreg s23  }
0x10: {  	s26 =	sadd.s32 $0x78C00, s4;
	s4 =	sadd.s32 $0x30A00, s2;
	[dreg:$0x8] =	wrdreg s24  }
0x11: {  	s5 =	sadd.s32 s5, s6;
	[dreg:$0x9] =	wrdreg s26;
	s6 =	smax.u32 s1, $0x1  }
0x12: {  	v2 =	vlaneseq.u32;
	s20 =	simm.s32 $0x2380;
	s21 =	simm.s32 $0x2780;
	s22 =	simm.s32 $0x2F80  }
0x13: {  	vm0 =	vmmov $0xffff;
	vm1 =	vmmov $0xff;
	v1 =	vshrl.u32 v2, $0x3;
	s23 =	simm.s32 $0x3380;
	s24 =	simm.s32 $0x3B80;
	s26 =	simm.s32 $0x4780  }
0x14: {  	v0 =	vand.u32 $0x7, v2;
	v2 =	vor.u32 $0x8, v2;
	v1 =	vmul.u32 $0x8, v1;
	s1 =	simm.s32 $0x2;
	[dreg:$0x3] =	wrdreg s5;
	s5 =	sadd.s32 $0x30B00, s2  }
.LBB2_1:
0x15: {  	s0 =	rddreg [dreg:$0x3]  }
0x16: {  	[tilespmem:s7], [sflag:$0x1] =	stream.linear.gather [hbm4b:s0+s3], $0x6000, $0x38;
	[tilespmem:$0x6380] =	vst v63  }
0x17: {  	s2 =	rddreg [dreg:$0x4]  }
0x18: {  	[tilespmem:s3], [sflag:$0x3] =	stream.linear.gather [hbm4b:s2+s3], $0x40, $0x38;
	[tilespmem:$0x6380] =	vst v63  }
0x19: {  	_ =	swait.ge [sflag:s8], $0x40  }
0x1a: {  	[sflag:s8] =	ssyncset.done $0x0  }
0x1b: {  	s2 =	rddreg [dreg:$0x5];
	[sflag:s8] =	ssyncadd.s32 $0xFFFFFFC0  }
0x1c: {  	[tilespmem:s9], [sflag:$0x3] =	stream.linear.gather [hbm4b:s2+s3], $0x40, $0x38;
	[tilespmem:$0x6380] =	vst v63  }
0x1d: {  	_ =	swait.ge [sflag:s8], $0x40  }
0x1e: {  	[sflag:s8] =	ssyncset.done $0x0  }
0x1f: {  	s2 =	rddreg [dreg:$0x6];
	[sflag:s8] =	ssyncadd.s32 $0xFFFFFFC0  }
0x20: {  	[tilespmem:s10], [sflag:$0x3] =	stream.linear.gather [hbm4b:s2+s3], $0x40, $0x38;
	[tilespmem:$0x6380] =	vst v63  }
0x21: {  	_ =	swait.ge [sflag:s8], $0x40  }
0x22: {  	[sflag:s8] =	ssyncset.done $0x0  }
0x23: {  	s2 =	rddreg [dreg:$0x7];
	[sflag:s8] =	ssyncadd.s32 $0xFFFFFFC0  }
0x24: {  	[tilespmem:s11], [sflag:$0x3] =	stream.linear.gather [hbm4b:s2+s3], $0x40, $0x38;
	[tilespmem:$0x6380] =	vst v63  }
0x25: {  	_ =	swait.ge [sflag:s8], $0x40  }
0x26: {  	[sflag:s8] =	ssyncset.done $0x0  }
0x27: {  	[sflag:s8] =	ssyncadd.s32 $0xFFFFFFC0  }
0x28: {  	s2 =	rddreg [dreg:$0x0]  }
0x29: {  	[tilespmem:s12], [sflag:$0x3] =	stream.linear.gather [hbm4b:s2+s3], $0x80, $0x38;
	[tilespmem:$0x6380] =	vst v63  }
0x2a: {  	_ =	swait.ge [sflag:s8], $0x80  }
0x2b: {  	[sflag:s8] =	ssyncset.done $0x0  }
0x2c: {  	[sflag:s8] =	ssyncadd.s32 $0xFFFFFF80  }
0x2d: {  	v3 =	vld [tilespmem:$0x0];
	_ =	sdelay $0x5  }
0x2e: {  	v4 =	vld [tilespmem:$0x80]  }
0x2f: {  	v5 =	vld [tilespmem:$0x100]  }
0x30: {  	v3 =	vld.idx.msk [tilespmem:v3+s12+$0x0], $0xffff;
	_ =	sdelay $0x4  }
0x31: {  	v43 =	vld [tilespmem:$0x10];
	v3 =	vadd.s32 v3, v5  }
0x32: {  	v44 =	vld [tilespmem:$0x180];
	[tilespmem:$0x280] =	vst v3  }
0x33: {  	v3 =	vld.idx.msk [tilespmem:v4+s12+$0x0], $0xffff;
	_ =	sdelay $0x4  }
0x34: {  	v45 =	vld [tilespmem:$0x90];
	v3 =	vadd.s32 v3, v44  }
0x35: {  	v46 =	vld [tilespmem:$0x110];
	[tilespmem:$0x300] =	vst v3  }
0x36: {  	v3 =	vld.idx.msk [tilespmem:v43+s12+$0x0], $0xffff;
	_ =	sdelay $0x4  }
0x37: {  	v47 =	vld [tilespmem:$0x20];
	v3 =	vadd.s32 v3, v46  }
0x38: {  	v48 =	vld [tilespmem:$0x190];
	[tilespmem:$0x290] =	vst v3  }
0x39: {  	v3 =	vld.idx.msk [tilespmem:v45+s12+$0x0], $0xffff;
	_ =	sdelay $0x4  }
0x3a: {  	v49 =	vld [tilespmem:$0xA0];
	v3 =	vadd.s32 v3, v48  }
0x3b: {  	v50 =	vld [tilespmem:$0x120];
	[tilespmem:$0x310] =	vst v3  }
0x3c: {  	v3 =	vld.idx.msk [tilespmem:v47+s12+$0x0], $0xffff;
	_ =	sdelay $0x4  }
0x3d: {  	v51 =	vld [tilespmem:$0x30];
	v3 =	vadd.s32 v3, v50  }
0x3e: {  	v52 =	vld [tilespmem:$0x1A0];
	[tilespmem:$0x2A0] =	vst v3  }
0x3f: {  	v3 =	vld.idx.msk [tilespmem:v49+s12+$0x0], $0xffff;
	_ =	sdelay $0x4  }
0x40: {  	v53 =	vld [tilespmem:$0xB0];
	v3 =	vadd.s32 v3, v52  }
0x41: {  	v54 =	vld [tilespmem:$0x130];
	[tilespmem:$0x320] =	vst v3  }
0x42: {  	v3 =	vld.idx.msk [tilespmem:v51+s12+$0x0], $0xffff;
	_ =	sdelay $0x4  }
0x43: {  	v3 =	vadd.s32 v3, v54  }
0x44: {  	v55 =	vld [tilespmem:$0x1B0];
	[tilespmem:$0x2B0] =	vst v3  }
0x45: {  	v3 =	vld.idx.msk [tilespmem:v53+s12+$0x0], $0xffff;
	_ =	sdelay $0x4  }
0x46: {  	v3 =	vadd.s32 v3, v55  }
0x47: {  	s2 =	rddreg [dreg:$0x8];
	[tilespmem:$0x330] =	vst v3  }
0x48: {  	[hbm4b:s2+s3] =	stream.linear.scatter [tilespmem:s13], [sflag:$0x3], $0x40, $0x38;
	[tilespmem:$0x6380] =	vst v63  }
0x49: {  	_ =	swait.ge [sflag:s8], $0x40  }
0x4a: {  	[sflag:s8] =	ssyncset.done $0x0  }
0x4b: {  	s2 =	rddreg [dreg:$0x9];
	[sflag:s8] =	ssyncadd.s32 $0xFFFFFFC0  }
0x4c: {  	[hbm4b:s2+s3] =	stream.linear.scatter [tilespmem:s14], [sflag:$0x3], $0x40, $0x38;
	[tilespmem:$0x6380] =	vst v63  }
0x4d: {  	_ =	swait.ge [sflag:s8], $0x40  }
0x4e: {  	[sflag:s8] =	ssyncset.done $0x0  }
0x4f: {  	[sflag:s8] =	ssyncadd.s32 $0xFFFFFFC0  }
0x50: {  	_ =	swait.ge [sflag:s15], $0x6000  }
0x51: {  	[sflag:s15] =	ssyncset.done $0x0  }
0x52: {  	[sflag:s15] =	ssyncadd.s32 $0xFFFFA000  }
0x53: {  	v3 =	vld [tilespmem:$0x280];
	_ =	sdelay $0x4  }
0x54: {  	v56 =	vshrl.u32 v3, $0x3  }
0x55: {  	v4 =	vmul.u32 $0x18, v56  }
0x56: {  	v3 =	vand.u32 $0x7, v3  }
0x57: {  	v3 =	vor.u32 v3, v4  }
0x58: {  	v4 =	vperm.xlane v3, v0;
	_ =	sdelay $0x1  }
0x59: {  	v4 =	vadd.s32 v1, v4;
	_ =	sdelay $0x1  }
0x5a: {  	v3 =	vperm.xlane v3, v2;
	_ =	sdelay $0x1  }
0x5b: {  	v3 =	vadd.s32 v1, v3  }
0x5c: {  	[hbm4b:s4+s3] =	stream.indirect_vreg.scatter [tilespmem:s7], [sflag:$0x1], $0x80, v4, vm0, $0xb8;
	[tilespmem:$0x6380] =	vst v63  }
0x5d: {  	_ = 	snop  }
0x5e: {  	[hbm4b:s5+s3] =	stream.indirect_vreg.scatter [tilespmem:s16], [sflag:$0x1], $0x80, v4, vm1, $0xb8;
	[tilespmem:$0x6380] =	vst v63  }
0x5f: {  	_ = 	snop  }
0x60: {  	[hbm4b:s4+s3] =	stream.indirect_vreg.scatter [tilespmem:s17], [sflag:$0x1], $0x80, v3, vm0, $0xb8;
	[tilespmem:$0x6380] =	vst v63  }
0x61: {  	_ = 	snop  }
0x62: {  	[hbm4b:s5+s3] =	stream.indirect_vreg.scatter [tilespmem:s18], [sflag:$0x1], $0x80, v3, vm1, $0xb8;
	[tilespmem:$0x6380] =	vst v63  }
0x63: {  	v3 =	vld [tilespmem:$0x290];
	_ =	sdelay $0x4  }
0x64: {  	v57 =	vshrl.u32 v3, $0x3  }
0x65: {  	v4 =	vmul.u32 $0x18, v57  }
0x66: {  	v3 =	vand.u32 $0x7, v3  }
0x67: {  	v3 =	vor.u32 v3, v4  }
0x68: {  	v4 =	vperm.xlane v3, v0;
	_ =	sdelay $0x1  }
0x69: {  	v4 =	vadd.s32 v1, v4;
	_ =	sdelay $0x1  }
0x6a: {  	v3 =	vperm.xlane v3, v2;
	_ =	sdelay $0x1  }
0x6b: {  	v3 =	vadd.s32 v1, v3  }
0x6c: {  	[hbm4b:s4+s3] =	stream.indirect_vreg.scatter [tilespmem:s19], [sflag:$0x1], $0x80, v4, vm0, $0xb8;
	[tilespmem:$0x6380] =	vst v63  }
0x6d: {  	_ = 	snop  }
0x6e: {  	[hbm4b:s5+s3] =	stream.indirect_vreg.scatter [tilespmem:s20], [sflag:$0x1], $0x80, v4, vm1, $0xb8;
	[tilespmem:$0x6380] =	vst v63  }
0x6f: {  	_ = 	snop  }
0x70: {  	[hbm4b:s4+s3] =	stream.indirect_vreg.scatter [tilespmem:s21], [sflag:$0x1], $0x80, v3, vm0, $0xb8;
	[tilespmem:$0x6380] =	vst v63  }
0x71: {  	_ = 	snop  }
0x72: {  	[hbm4b:s5+s3] =	stream.indirect_vreg.scatter [tilespmem:s22], [sflag:$0x1], $0x80, v3, vm1, $0xb8;
	[tilespmem:$0x6380] =	vst v63  }
0x73: {  	v3 =	vld [tilespmem:$0x2A0];
	_ =	sdelay $0x4  }
0x74: {  	v58 =	vshrl.u32 v3, $0x3  }
0x75: {  	v4 =	vmul.u32 $0x18, v58  }
0x76: {  	v3 =	vand.u32 $0x7, v3  }
0x77: {  	v3 =	vor.u32 v3, v4  }
0x78: {  	v4 =	vperm.xlane v3, v0;
	_ =	sdelay $0x1  }
0x79: {  	v4 =	vadd.s32 v1, v4;
	_ =	sdelay $0x1  }
0x7a: {  	v3 =	vperm.xlane v3, v2;
	_ =	sdelay $0x1  }
0x7b: {  	v3 =	vadd.s32 v1, v3  }
0x7c: {  	[hbm4b:s4+s3] =	stream.indirect_vreg.scatter [tilespmem:s23], [sflag:$0x1], $0x80, v4, vm0, $0xb8;
	[tilespmem:$0x6380] =	vst v63  }
0x7d: {  	_ = 	snop  }
0x7e: {  	[hbm4b:s5+s3] =	stream.indirect_vreg.scatter [tilespmem:s24], [sflag:$0x1], $0x80, v4, vm1, $0xb8;
	[tilespmem:$0x6380] =	vst v63  }
0x7f: {  	_ = 	snop  }
0x80: {  	[hbm4b:s4+s3] =	stream.indirect_vreg.scatter [tilespmem:s25], [sflag:$0x1], $0x80, v3, vm0, $0xb8;
	[tilespmem:$0x6380] =	vst v63  }
0x81: {  	_ = 	snop  }
0x82: {  	[hbm4b:s5+s3] =	stream.indirect_vreg.scatter [tilespmem:s26], [sflag:$0x1], $0x80, v3, vm1, $0xb8;
	[tilespmem:$0x6380] =	vst v63  }
0x83: {  	v3 =	vld [tilespmem:$0x2B0];
	_ =	sdelay $0x4  }
0x84: {  	v59 =	vshrl.u32 v3, $0x3  }
0x85: {  	v4 =	vmul.u32 $0x18, v59  }
0x86: {  	v3 =	vand.u32 $0x7, v3  }
0x87: {  	v3 =	vor.u32 v3, v4  }
0x88: {  	v4 =	vperm.xlane v3, v0;
	_ =	sdelay $0x1  }
0x89: {  	v4 =	vadd.s32 v1, v4;
	_ =	sdelay $0x1  }
0x8a: {  	v3 =	vperm.xlane v3, v2;
	_ =	sdelay $0x1  }
0x8b: {  	v3 =	vadd.s32 v1, v3  }
0x8c: {  	[hbm4b:s4+s3] =	stream.indirect_vreg.scatter [tilespmem:s28], [sflag:$0x1], $0x80, v4, vm0, $0xb8;
	[tilespmem:$0x6380] =	vst v63  }
0x8d: {  	_ = 	snop  }
0x8e: {  	[hbm4b:s5+s3] =	stream.indirect_vreg.scatter [tilespmem:s29], [sflag:$0x1], $0x80, v4, vm1, $0xb8;
	[tilespmem:$0x6380] =	vst v63  }
0x8f: {  	_ = 	snop  }
0x90: {  	[hbm4b:s4+s3] =	stream.indirect_vreg.scatter [tilespmem:s30], [sflag:$0x1], $0x80, v3, vm0, $0xb8;
	[tilespmem:$0x6380] =	vst v63  }
0x91: {  	_ = 	snop  }
0x92: {  	[hbm4b:s5+s3] =	stream.indirect_vreg.scatter [tilespmem:s31], [sflag:$0x1], $0x80, v3, vm1, $0xb8;
	[tilespmem:$0x6380] =	vst v63  }
0x93: {  	v3 =	vld [tilespmem:$0x300];
	_ =	sdelay $0x4  }
0x94: {  	v60 =	vshrl.u32 v3, $0x3  }
0x95: {  	v4 =	vmul.u32 $0x18, v60  }
0x96: {  	v3 =	vand.u32 $0x7, v3  }
0x97: {  	v3 =	vor.u32 v3, v4  }
0x98: {  	v4 =	vperm.xlane v3, v0;
	_ =	sdelay $0x1  }
0x99: {  	v4 =	vadd.s32 v1, v4;
	_ =	sdelay $0x1  }
0x9a: {  	v3 =	vperm.xlane v3, v2;
	_ =	sdelay $0x1  }
0x9b: {  	v3 =	vadd.s32 v1, v3  }
0x9c: {  	[hbm4b:s4+s3] =	stream.indirect_vreg.scatter [tilespmem:s7], [sflag:$0x2], $0x80, v4, vm0, $0xb8;
	[tilespmem:$0x6380] =	vst v63  }
0x9d: {  	_ = 	snop  }
0x9e: {  	[hbm4b:s5+s3] =	stream.indirect_vreg.scatter [tilespmem:s16], [sflag:$0x2], $0x80, v4, vm1, $0xb8;
	[tilespmem:$0x6380] =	vst v63  }
0x9f: {  	_ = 	snop  }
0xa0: {  	[hbm4b:s4+s3] =	stream.indirect_vreg.scatter [tilespmem:s17], [sflag:$0x2], $0x80, v3, vm0, $0xb8;
	[tilespmem:$0x6380] =	vst v63  }
0xa1: {  	_ = 	snop  }
0xa2: {  	[hbm4b:s5+s3] =	stream.indirect_vreg.scatter [tilespmem:s18], [sflag:$0x2], $0x80, v3, vm1, $0xb8;
	[tilespmem:$0x6380] =	vst v63  }
0xa3: {  	v3 =	vld [tilespmem:$0x310];
	_ =	sdelay $0x4  }
0xa4: {  	v61 =	vshrl.u32 v3, $0x3  }
0xa5: {  	v4 =	vmul.u32 $0x18, v61  }
0xa6: {  	v3 =	vand.u32 $0x7, v3  }
0xa7: {  	v3 =	vor.u32 v3, v4  }
0xa8: {  	v4 =	vperm.xlane v3, v0;
	_ =	sdelay $0x1  }
0xa9: {  	v4 =	vadd.s32 v1, v4;
	_ =	sdelay $0x1  }
0xaa: {  	v3 =	vperm.xlane v3, v2;
	_ =	sdelay $0x1  }
0xab: {  	v3 =	vadd.s32 v1, v3  }
0xac: {  	[hbm4b:s4+s3] =	stream.indirect_vreg.scatter [tilespmem:s19], [sflag:$0x2], $0x80, v4, vm0, $0xb8;
	[tilespmem:$0x6380] =	vst v63  }
0xad: {  	_ = 	snop  }
0xae: {  	[hbm4b:s5+s3] =	stream.indirect_vreg.scatter [tilespmem:s20], [sflag:$0x2], $0x80, v4, vm1, $0xb8;
	[tilespmem:$0x6380] =	vst v63  }
0xaf: {  	_ = 	snop  }
0xb0: {  	[hbm4b:s4+s3] =	stream.indirect_vreg.scatter [tilespmem:s21], [sflag:$0x2], $0x80, v3, vm0, $0xb8;
	[tilespmem:$0x6380] =	vst v63  }
0xb1: {  	_ = 	snop  }
0xb2: {  	[hbm4b:s5+s3] =	stream.indirect_vreg.scatter [tilespmem:s22], [sflag:$0x2], $0x80, v3, vm1, $0xb8;
	[tilespmem:$0x6380] =	vst v63  }
0xb3: {  	v3 =	vld [tilespmem:$0x320];
	_ =	sdelay $0x4  }
0xb4: {  	v62 =	vshrl.u32 v3, $0x3  }
0xb5: {  	v4 =	vmul.u32 $0x18, v62  }
0xb6: {  	v3 =	vand.u32 $0x7, v3  }
0xb7: {  	v3 =	vor.u32 v3, v4  }
0xb8: {  	v4 =	vperm.xlane v3, v0;
	_ =	sdelay $0x1  }
0xb9: {  	v4 =	vadd.s32 v1, v4;
	_ =	sdelay $0x1  }
0xba: {  	v3 =	vperm.xlane v3, v2;
	_ =	sdelay $0x1  }
0xbb: {  	v3 =	vadd.s32 v1, v3  }
0xbc: {  	[hbm4b:s4+s3] =	stream.indirect_vreg.scatter [tilespmem:s23], [sflag:$0x2], $0x80, v4, vm0, $0xb8;
	[tilespmem:$0x6380] =	vst v63  }
0xbd: {  	_ = 	snop  }
0xbe: {  	[hbm4b:s5+s3] =	stream.indirect_vreg.scatter [tilespmem:s24], [sflag:$0x2], $0x80, v4, vm1, $0xb8;
	[tilespmem:$0x6380] =	vst v63  }
0xbf: {  	_ = 	snop  }
0xc0: {  	[hbm4b:s4+s3] =	stream.indirect_vreg.scatter [tilespmem:s25], [sflag:$0x2], $0x80, v3, vm0, $0xb8;
	[tilespmem:$0x6380] =	vst v63  }
0xc1: {  	_ = 	snop  }
0xc2: {  	[hbm4b:s5+s3] =	stream.indirect_vreg.scatter [tilespmem:s26], [sflag:$0x2], $0x80, v3, vm1, $0xb8;
	[tilespmem:$0x6380] =	vst v63  }
0xc3: {  	v3 =	vld [tilespmem:$0x330];
	_ =	sdelay $0x4  }
0xc4: {  	v63 =	vshrl.u32 v3, $0x3  }
0xc5: {  	v4 =	vmul.u32 $0x18, v63  }
0xc6: {  	v3 =	vand.u32 $0x7, v3  }
0xc7: {  	v3 =	vor.u32 v3, v4  }
0xc8: {  	v4 =	vperm.xlane v3, v0;
	_ =	sdelay $0x1  }
0xc9: {  	v4 =	vadd.s32 v1, v4;
	_ =	sdelay $0x1  }
0xca: {  	v3 =	vperm.xlane v3, v2;
	_ =	sdelay $0x1  }
0xcb: {  	v3 =	vadd.s32 v1, v3  }
0xcc: {  	[hbm4b:s4+s3] =	stream.indirect_vreg.scatter [tilespmem:s28], [sflag:$0x2], $0x80, v4, vm0, $0xb8;
	[tilespmem:$0x6380] =	vst v63  }
0xcd: {  	_ = 	snop  }
0xce: {  	[hbm4b:s5+s3] =	stream.indirect_vreg.scatter [tilespmem:s29], [sflag:$0x2], $0x80, v4, vm1, $0xb8;
	[tilespmem:$0x6380] =	vst v63  }
0xcf: {  	_ = 	snop  }
0xd0: {  	[hbm4b:s4+s3] =	stream.indirect_vreg.scatter [tilespmem:s30], [sflag:$0x2], $0x80, v3, vm0, $0xb8;
	[tilespmem:$0x6380] =	vst v63  }
0xd1: {  	_ = 	snop  }
0xd2: {  	[hbm4b:s5+s3] =	stream.indirect_vreg.scatter [tilespmem:s31], [sflag:$0x2], $0x80, v3, vm1, $0xb8;
	[tilespmem:$0x6380] =	vst v63  }
0xd3: {  	p0 =	sne.s32 s6, $0x1;
	_ =	swait.ge [sflag:s15], $0x6000  }
.Ltmp0:
0xd4: {  	[sflag:s15] =	ssyncset.done $0x0;
	(pc) =	sbr.rel @p0 .LBB2_1-.Ltmp0, $4  }
0xd5: {  	[sflag:s15] =	ssyncadd.s32 $0xFFFFA000  }
0xd6: {  	_ =	swait.ge [sflag:s1], $0x6000  }
0xd7: {  	[sflag:s1] =	ssyncset.done $0x0  }
0xd8: {  	s6 =	sadd.s32 $0xFFFFFFFF, s6;
	[sflag:s1] =	ssyncadd.s32 $0xFFFFA000  }
0xd9: {  	_ =	sfence.sel $0x180000  }
0xda: {  	[bflag:$0x0] =	sbarrier.arrive $0xFFFF  }
0xdb: {  	_ =	strace $0x90000047  }
0xdc: {  	s0 =	stileid.u32;
	[bflag:$0x2] =	sbarrier.arrive $0xFFFF  }
0xdd: {  	p0 =	sne.s32 s0, $0x0;
	s0 =	rddreg [dreg:$0x2]  }
0xde: {  	s0 =	sadd.s32 @!p0 $0x100000, s0  }
0xdf: {  	[sflag:s0] =	ssyncadd.tile.s32 @!p0 $0x1;
	_ =	shalt  }
.Lfunc_end2:
_tile_overlayer_lowered:
.L_overlay_start_2:
0xe0: {  	(tag) =	ssettag $0x2  }
0xe1: {  	s0 =	rddreg [dreg:$0x0];
	s2 =	stileid.u32  }
0xe2: {  	s1 =	rddreg [dreg:$0x1];
	p0 =	sne.s32 s2, $0x0  }
0xe3: {  	s3 =	rddreg [dreg:$0x2];
	[bflag:$0x3] =	sbarrier.arrive $0xFFFF;
	s2 =	simm.s32 @!p0 $0x1C03  }
0xe4: {  	[timem:s3], [sflag:s2] =	dma.local @!p0 [hbm:s0], s1  }
0xe5: {  	s0 =	simm.s32 @!p0 $0x3  }
0xe6: {  	_ =	swait.ge @!p0 [sflag:s0], s1  }
0xe7: {  	s1 =	ssub.s32 @!p0 $0x0, s1;
	[sflag:s0] =	ssyncset.done @!p0 $0x0  }
0xe8: {  	[sflag:s0] =	ssyncadd.s32 @!p0 s1  }
0xe9: {  	[bflag:$0x3] =	sbarrier.arrive $0xFFFF  }
0xea: {  	_ =	shalt  }

// kernel: kernel.9.cloned.1.call-start
scs
__scs_entry_jumppad:
0x0: {  	(pc) =	sbr.rel $0x88, $3  }
0x1: {  	(tag) =	ssettag $0x0;
	lr =	simm.s32 $0x1  }
0x2: {  	[smem:$0x3F98] =	sst lr;
	_ =	strace $0xD0000000  }
0x3: {  	_ = 	snop  }
0x4: {  	_ = 	snop  }
0x5: {  	_ = 	snop  }
0x6: {  	_ = 	snop  }
0x7: {  	_ = 	snop  }
__scs_overlays_trampoline_lowered:
0x8: {  	[smem:$0x3FA7] =	sst s0  }
0x9: {  	[smem:$0x3FA8] =	sst s1  }
0xa: {  	[smem:$0x3FA9] =	sst s2  }
0xb: {  	[smem:$0x3FAA] =	sst s3  }
0xc: {  	[smem:$0x3FAB] =	sst s4  }
0xd: {  	[smem:$0x3FAC] =	sst s5  }
0xe: {  	[smem:$0x3FAD] =	sst s6  }
0xf: {  	[smem:$0x3FAE] =	sst s7  }
0x10: {  	[smem:$0x3FAF] =	sst s8  }
0x11: {  	[smem:$0x3FB0] =	sst s9;
	s0 =	simm.s32 @!p0 $0x0  }
0x12: {  	s1 =	sld [smem:$0x3F96];
	s0 =	simm.s32 @p0 $0x1  }
0x13: {  	[smem:$0x3FB1] =	sst s0;
	s0 =	simm.s32 @!p1 $0x0  }
0x14: {  	s2 =	sld [smem:$0x3F95];
	s0 =	simm.s32 @p1 $0x1  }
0x15: {  	[smem:$0x3FB2] =	sst s0;
	s0 =	simm.s32 @!p2 $0x0  }
0x16: {  	s3 =	sld [smem:$0x3FDB];
	s0 =	simm.s32 @p2 $0x1  }
0x17: {  	s4 =	simm.s32 $0x1BF5;
	[smem:$0x3FB4] =	sst s0  }
0x18: {  	s0 =	sld [smem:$0x3F97];
	_ =	swait.ge [sflag:s4], $0x0  }
0x19: {  	s7 =	sld [smem:$0x3F98]  }
0x1a: {  	s8 =	sadd.s32 $0xFFFFE003, lr  }
0x1b: {  	s9 =	sadd.s32 $0xFFFFFEF7, lr;
	s5 =	simm.s32 $0xFFFFFFFF;
	p2 =	slt.u32 s8, $0xFFFFF086  }
0x1c: {  	p1 =	slt.u32 s9, $0xF7A;
	s5 =	simm.s32 @!p2 $0x0  }
0x1d: {  	s5 =	simm.s32 @p1 $0x1;
	p0 =	seq.s32 s7, s2  }
0x1e: {  	s7 =	smul.u32 @!p0 $0xF7A, s2;
	p2 =	seq.s32 @!p0 s5, $0x0  }
0x1f: {  	s9 =	smul.u32 $0xF7A, s1;
	s8 =	simm.s32 @!p0 $0x1BF5;
	p2 =	por !p2, p0  }
0x20: {  	[sflag:s8] =	ssyncset.s32 @!p0 $0xFFFFF086;
	s6 =	sadd.s32 @!p0 s3, s7;
	s7 =	simm.s32 @!p0 $0x108  }
0x21: {  	s3 =	sadd.s32 s3, s9;
	s6 =	sadd.s32 @!p0 $0x88, s6;
	s7 =	simm.s32 @p2 $0x1082  }
0x22: {  	[simem:s7], [sflag:s8] =	dma.local @!p0 [hbm:s6], $0xF7A  }
0x23: {  	s9 =	sor.u32 $0xD0000000, s2;
	s6 =	simm.s32 $0x108;
	_ =	swait.ge @!p0 [sflag:s8], $0x0  }
0x24: {  	s3 =	sadd.s32 $0x88, s3;
	s6 =	simm.s32 @!p1 $0x1082;
	[sflag:s4] =	ssyncset.s32 $0xFFFFF086  }
0x25: {  	[simem:s6], [sflag:s4] =	dma.local [hbm:s3], $0xF7A  }
0x26: {  	[smem:$0x3F98] =	sst s1;
	(tag) =	ssettag s2;
	_ =	strace s9  }
0x27: {  	s1 =	sld [smem:$0x3FA8]  }
0x28: {  	s2 =	sld [smem:$0x3FA9]  }
0x29: {  	s4 =	sld [smem:$0x3FAB]  }
0x2a: {  	p0 =	seq.s32 s5, $0x0;
	s5 =	sld [smem:$0x3FAC]  }
0x2b: {  	s6 =	sld [smem:$0x3FAD]  }
0x2c: {  	s7 =	sld [smem:$0x3FAE]  }
0x2d: {  	s3 =	simm.s32 $0x108;
	s8 =	sld [smem:$0x3FAF]  }
0x2e: {  	s3 =	simm.s32 @!p0 $0x1082;
	s9 =	sld [smem:$0x3FB0]  }
0x2f: {  	lr =	sadd.s32 s0, s3;
	s0 =	sld [smem:$0x3FA7]  }
0x30: {  	s3 =	sld [smem:$0x3FAA]  }
0x31: {  	[smem:$0x3FB3] =	sst s10  }
0x32: {  	s10 =	sld [smem:$0x3FB1];
	_ =	sdelay $0x3  }
0x33: {  	p0 =	seq.s32 s10, $0x1;
	s10 =	sld [smem:$0x3FB3];
	_ =	sdelay $0x3  }
0x34: {  	[smem:$0x3FB3] =	sst s10  }
0x35: {  	s10 =	sld [smem:$0x3FB2];
	_ =	sdelay $0x3  }
0x36: {  	p1 =	seq.s32 s10, $0x1;
	s10 =	sld [smem:$0x3FB3];
	_ =	sdelay $0x3  }
0x37: {  	[smem:$0x3FB3] =	sst s10  }
0x38: {  	s10 =	sld [smem:$0x3FB4]  }
0x39: {  	_ = 	snop;
	(pc) =	sbr.ind lr, $3  }
0x3a: {  	_ = 	snop  }
0x3b: {  	_ = 	snop  }
0x3c: {  	p2 =	seq.s32 s10, $0x1;
	s10 =	sld [smem:$0x3FB3]  }
0x3d: {  	_ =	shalt  }
0x3e: {  	_ =	shalt  }
0x3f: {  	_ =	shalt  }
0x40: {  	_ =	shalt  }
0x41: {  	_ =	shalt  }
0x42: {  	_ =	shalt  }
0x43: {  	_ =	shalt  }
0x44: {  	_ =	shalt  }
0x45: {  	_ =	shalt  }
0x46: {  	_ =	shalt  }
0x47: {  	_ =	shalt  }
0x48: {  	_ =	shalt  }
0x49: {  	_ =	shalt  }
0x4a: {  	_ =	shalt  }
0x4b: {  	_ =	shalt  }
0x4c: {  	_ =	shalt  }
0x4d: {  	_ =	shalt  }
0x4e: {  	_ =	shalt  }
0x4f: {  	_ =	shalt  }
0x50: {  	_ =	shalt  }
0x51: {  	_ =	shalt  }
0x52: {  	_ =	shalt  }
0x53: {  	_ =	shalt  }
0x54: {  	_ =	shalt  }
0x55: {  	_ =	shalt  }
0x56: {  	_ =	shalt  }
0x57: {  	_ =	shalt  }
0x58: {  	_ =	shalt  }
0x59: {  	_ =	shalt  }
0x5a: {  	_ =	shalt  }
0x5b: {  	_ =	shalt  }
0x5c: {  	_ =	shalt  }
0x5d: {  	_ =	shalt  }
0x5e: {  	_ =	shalt  }
0x5f: {  	_ =	shalt  }
0x60: {  	_ =	shalt  }
0x61: {  	_ =	shalt  }
0x62: {  	_ =	shalt  }
0x63: {  	_ =	shalt  }
0x64: {  	_ =	shalt  }
0x65: {  	_ =	shalt  }
0x66: {  	_ =	shalt  }
0x67: {  	_ =	shalt  }
0x68: {  	_ =	shalt  }
0x69: {  	_ =	shalt  }
0x6a: {  	_ =	shalt  }
0x6b: {  	_ =	shalt  }
0x6c: {  	_ =	shalt  }
0x6d: {  	_ =	shalt  }
0x6e: {  	_ =	shalt  }
0x6f: {  	_ =	shalt  }
0x70: {  	_ =	shalt  }
0x71: {  	_ =	shalt  }
0x72: {  	_ =	shalt  }
0x73: {  	_ =	shalt  }
0x74: {  	_ =	shalt  }
0x75: {  	_ =	shalt  }
0x76: {  	_ =	shalt  }
0x77: {  	_ =	shalt  }
0x78: {  	_ =	shalt  }
0x79: {  	_ =	shalt  }
0x7a: {  	_ =	shalt  }
0x7b: {  	_ =	shalt  }
0x7c: {  	_ =	shalt  }
0x7d: {  	_ =	shalt  }
0x7e: {  	_ =	shalt  }
0x7f: {  	_ =	shalt  }
0x80: {  	_ =	shalt  }
0x81: {  	_ =	shalt  }
0x82: {  	_ =	shalt  }
0x83: {  	_ =	shalt  }
0x84: {  	_ =	shalt  }
0x85: {  	_ =	shalt  }
0x86: {  	_ =	shalt  }
0x87: {  	_ =	shalt  }
.Lfunc_end0:
.L_simem_size_0:
called_computation.1_lowered:
.L_overlay_start_0:
0x88: {  	s2 =	sld [smem:$0x3FD9]  }
0x89: {  	s3 =	sld [smem:$0x3FFE];
	_ =	sdelay $0x1  }
0x8a: {  	s1 =	srdreg.scid  }
0x8b: {  	s0 =	sand.u32 $0x1, s1  }
0x8c: {  	s17 =	sshll.u32 s0, $0xA;
	s2 =	sadd.s32 s3, s2  }
0x8d: {  	s2 =	sadd.s32 s2, s17  }
0x8e: {  	[smem:$0x3FBF] =	sst s2  }
0x8f: {  	_ = 	snop  }
0x90: {  	s2 =	sld [smem:$0x3FD0];
	(tm) =	ssettm $0x1  }
0x91: {  	s18 =	sld [smem:$0x3FFB];
	_ =	sdelay $0x3  }
0x92: {  	_ =	strace s18  }
0x93: {  	s3 =	sld [smem:$0x3FFC];
	_ =	sdelay $0x3  }
0x94: {  	_ =	strace s3  }
0x95: {  	s3 =	sld [smem:$0x3FFD];
	_ =	sdelay $0x3  }
0x96: {  	_ =	strace s3  }
0x97: {  	_ =	strace $0x8FFFFFFF  }
0x98: {  	s19 =	sld [smem:$0x3FDB];
	_ =	sdelay $0x1  }
0x99: {  	s4 =	simm.s32 $_scs_section_size  }
0x9a: {  	s5 =	simm.s32 $_size__tile_overlayer_lowered;
	s6 =	simm.s32 $_tile_overlayer_lowered  }
0x9b: {  	s22 =	simm.s32 $0x1BFF;
	s21 =	sshll.u32 s6, $0x1;
	s3 =	sadd.s32 s4, s19  }
0x9c: {  	s7 =	simm.s32 $0x0;
	s20 =	sshll.u32 s5, $0x1;
	s5 =	sadd.s32 s21, s3  }
0x9d: {  	[timem:s7], [sflag:s22] =	dma.local [hbm:s5], s20  }
0x9e: {  	_ =	swait.ge [sflag:s22], s20  }
0x9f: {  	s4 =	ssub.s32 $0x0, s20;
	[sflag:s22] =	ssyncset.done $0x0  }
0xa0: {  	[sflag:s22] =	ssyncadd.s32 s4;
	_ =	sdelay $0x1  }
0xa1: {  	s23 =	simm.s32 $0x1B8B  }
0xa2: {  	_ =	swait.ge [sflag:s23], $0x1  }
0xa3: {  	[sflag:s23] =	ssyncset.done $0x0  }
0xa4: {  	s25 =	simm.s32 $0x1B8E;
	s24 =	sld [smem:$0x3FFE];
	[sflag:s23] =	ssyncadd.s32 $0xFFFFFFFF  }
0xa5: {  	s26 =	simm.s32 $execute0_lowered;
	[smem:$0x3FD2] =	sst s25  }
0xa6: {  	s5 =	sshll.u32 s26, $0x1;
	_ =	strace $0x80000049;
	[dreg:$0x1] =	wrdreg $0xFFFFFFFF  }
0xa7: {  	s28 =	simm.s32 $_size_execute0_lowered;
	s3 =	sadd.s32 s3, s5;
	[dreg:$0x0] =	wrdreg $0x0  }
0xa8: {  	s5 =	sshll.u32 s28, $0x1;
	[dreg:$0x2] =	wrdreg s3  }
0xa9: {  	[dreg:$0x3] =	wrdreg s5  }
0xaa: {  	[dreg:$0x4] =	wrdreg $0xC0  }
0xab: {  	_ =	task [dreg:s7], $0x5FFFF  }
0xac: {  	[dreg:$0x1] =	wrdreg $0xFFFFFFFF  }
0xad: {  	[dreg:$0x0] =	wrdreg $0x60  }
0xae: {  	[dreg:$0x2] =	wrdreg s24  }
0xaf: {  	[dreg:$0x3] =	wrdreg s2  }
0xb0: {  	[dreg:$0x4] =	wrdreg $0x9  }
0xb1: {  	_ =	task.clear_ibuf [dreg:s7], $0x5FFFF;
	_ =	strace $0x90000049  }
0xb2: {  	s29 =	simm.s32 $0x9;
	_ =	strace $0x8000004B  }
0xb3: {  	_ =	swait.ge [sflag:s29], $0x1  }
0xb4: {  	[sflag:s29] =	ssyncadd.s32 $0xFFFFFFFF  }
0xb5: {  	_ =	strace $0x9000004B  }
0xb6: {  	_ =	sfence  }
0xb7: {  	s30 =	sld [smem:$0x0];
	_ =	sdelay $0x2  }
0xb8: {  	s31 =	sshll.u32 s1, $0xD;
	s1 =	sshrl.u32 s1, $0x2  }
0xb9: {  	s3 =	sand.u32 $0x4000, s31;
	s1 =	sadd.s32 s1, s30  }
0xba: {  	s0 =	sor.u32 s3, s0;
	s1 =	sshll.u32 s1, $0x11  }
0xbb: {  	s0 =	sor.u32 s1, s0  }
0xbc: {  	s0 =	sadd.s32 $0x8F2B, s0  }
0xbd: {  	[sflag:s0] =	ssyncadd.remote.s32 $0x1  }
0xbe: {  	_ =	sfence.sel $0xFFFF  }
0xbf: {  	[dreg:$0x0] =	wrdreg $0xFFFFFFFF;
	(pc) =	sbr.abs _section_cstart, $3  }
0xc0: {  	[dreg:$0x1] =	wrdreg $0xFFFFFFFF  }
0xc1: {  	_ =	task.clear_ibuf [dreg:s7], $0x2FFFF;
	_ =	strace $0x9FFFFFFF  }
0xc2: {  	(tm) =	ssettm $0x7FFFFFFF  }
0xc3: {  	_ =	shalt  }
tec
execute0_lowered:
.L_overlay_start_1:
0x0: {  	(tag) =	ssettag $0x1  }
0x1: {  	s0 =	rddreg [dreg:$0x0]  }
0x2: {  	s1 =	rddreg [dreg:$0x1];
	s2 =	simm.s32 $0x0;
	s3 =	srdreg.scid  }
0x3: {  	s5 =	stileid.u32;
	s16 =	simm.s32 $0x7;
	s17 =	simm.s32 $0x6  }
0x4: {  	s18 =	simm.s32 $0x0;
	[smem:$0x7FF] =	sst s2;
	s4 =	sand.u32 $0x1, s3  }
0x5: {  	s5 =	sshll.u32 s5, $0x4;
	s7 =	sadd.s32 $0x78A00, s0;
	s6 =	sshll.u32 s4, $0x3  }
0x6: {  	s19 =	sadd.s32 $0x78C00, s0;
	_ =	strace $0x8000004A;
	s5 =	sor.u32 s6, s5  }
0x7: {  	s8 =	sadd.s32 s5, s0;
	s20 =	sor.u32 $0x4, s5;
	s10 =	sadd.s32 s7, s5  }
0x8: {  	s21 =	smul.u32 $0x300, s5;
	s5 =	sadd.s32 s19, s5;
	[dreg:$0x3] =	wrdreg s10  }
0x9: {  	s3 =	sadd.s32 $0x30200, s0;
	s7 =	sadd.s32 s7, s20;
	[dreg:$0x5] =	wrdreg s5  }
0xa: {  	s4 =	ssub.s32 $0x2, s4;
	s22 =	sadd.s32 s19, s20;
	[dreg:$0x4] =	wrdreg s7  }
0xb: {  	s9 =	sshrl.u32 s4, $0x1;
	s24 =	sadd.s32 $0x79000, s8;
	[dreg:$0x6] =	wrdreg s22  }
0xc: {  	s4 =	ssub.s32 s4, s9;
	s25 =	sadd.s32 $0x79200, s8;
	[dreg:$0x7] =	wrdreg s24  }
0xd: {  	s11 =	sadd.s32 $0x200, s0;
	s31 =	smax.u32 s4, $0x1;
	[dreg:$0x8] =	wrdreg s25  }
0xe: {  	s23 =	smul.u32 $0x300, s20;
	s26 =	sadd.s32 s11, s21;
	[dreg:$0xd] =	wrdreg s31  }
0xf: {  	s10 =	sadd.s32 $0x30300, s0;
	s29 =	sadd.s32 s1, s21;
	[dreg:$0x9] =	wrdreg s26  }
0x10: {  	v2 =	vlaneseq.u32;
	s19 =	simm.s32 $0x200;
	s28 =	sadd.s32 s11, s23;
	[dreg:$0xb] =	wrdreg s29  }
0x11: {  	vm0 =	vmmov $0xffff;
	vm1 =	vmmov $0xff;
	v1 =	vshrl.u32 v2, $0x3;
	s20 =	simm.s32 $0x280;
	s30 =	sadd.s32 s1, s23;
	[dreg:$0xa] =	wrdreg s28  }
0x12: {  	v0 =	vand.u32 $0x7, v2;
	v2 =	vor.u32 $0x8, v2;
	v1 =	vmul.u32 $0x8, v1;
	s5 =	simm.s32 $0x6300;
	s1 =	simm.s32 $0x4;
	[dreg:$0xc] =	wrdreg s30  }
.LBB2_1:
0x13: {  	s0 =	rddreg [dreg:$0x3]  }
0x14: {  	[tilespmem:s2], [sflag:$0x7] =	stream.linear.gather [hbm4b:s0+s2], $0x20, $0x38;
	[tilespmem:$0x18300] =	vst v63  }
0x15: {  	_ =	swait.ge [sflag:s16], $0x20  }
0x16: {  	[sflag:s16] =	ssyncset.done $0x0  }
0x17: {  	s4 =	simm.s32 $0x80;
	s25 =	rddreg [dreg:$0x4];
	[sflag:s16] =	ssyncadd.s32 $0xFFFFFFE0  }
0x18: {  	[tilespmem:s4], [sflag:$0x7] =	stream.linear.gather [hbm4b:s25+s2], $0x20, $0x38;
	[tilespmem:$0x18300] =	vst v63  }
0x19: {  	_ =	swait.ge [sflag:s16], $0x20  }
0x1a: {  	[sflag:s16] =	ssyncset.done $0x0  }
0x1b: {  	s28 =	simm.s32 $0x100;
	s26 =	rddreg [dreg:$0x5];
	[sflag:s16] =	ssyncadd.s32 $0xFFFFFFE0  }
0x1c: {  	[tilespmem:s28], [sflag:$0x7] =	stream.linear.gather [hbm4b:s26+s2], $0x20, $0x38;
	[tilespmem:$0x18300] =	vst v63  }
0x1d: {  	_ =	swait.ge [sflag:s16], $0x20  }
0x1e: {  	[sflag:s16] =	ssyncset.done $0x0  }
0x1f: {  	s21 =	simm.s32 $0x180;
	s29 =	rddreg [dreg:$0x6];
	[sflag:s16] =	ssyncadd.s32 $0xFFFFFFE0  }
0x20: {  	[tilespmem:s21], [sflag:$0x7] =	stream.linear.gather [hbm4b:s29+s2], $0x20, $0x38;
	[tilespmem:$0x18300] =	vst v63  }
0x21: {  	_ =	swait.ge [sflag:s16], $0x20  }
0x22: {  	[sflag:s16] =	ssyncset.done $0x0  }
0x23: {  	s30 =	rddreg [dreg:$0x7];
	[sflag:s16] =	ssyncadd.s32 $0xFFFFFFE0  }
0x24: {  	[tilespmem:s19], [sflag:$0x7] =	stream.linear.gather [hbm4b:s30+s2], $0x40, $0x38;
	[tilespmem:$0x18300] =	vst v63  }
0x25: {  	_ =	swait.ge [sflag:s16], $0x40  }
0x26: {  	[sflag:s16] =	ssyncset.done $0x0  }
0x27: {  	s31 =	rddreg [dreg:$0x8];
	[sflag:s16] =	ssyncadd.s32 $0xFFFFFFC0  }
0x28: {  	[tilespmem:s20], [sflag:$0x7] =	stream.linear.gather [hbm4b:s31+s2], $0x40, $0x38;
	[tilespmem:$0x18300] =	vst v63  }
0x29: {  	_ =	swait.ge [sflag:s16], $0x40  }
0x2a: {  	[sflag:s16] =	ssyncset.done $0x0  }
0x2b: {  	[sflag:s16] =	ssyncadd.s32 $0xFFFFFFC0  }
0x2c: {  	v3 =	vld [tilespmem:$0x0];
	_ =	sdelay $0x4  }
0x2d: {  	v4 =	vshrl.u32 v3, $0x3  }
0x2e: {  	v4 =	vmul.u32 $0x18, v4  }
0x2f: {  	v3 =	vand.u32 $0x7, v3  }
0x30: {  	v3 =	vor.u32 v3, v4  }
0x31: {  	v4 =	vperm.xlane v3, v0;
	_ =	sdelay $0x1  }
0x32: {  	v4 =	vadd.s32 v1, v4;
	_ =	sdelay $0x1  }
0x33: {  	v3 =	vperm.xlane v3, v2;
	_ =	sdelay $0x1  }
0x34: {  	s4 =	simm.s32 $0xC300;
	v3 =	vadd.s32 v1, v3  }
0x35: {  	[tilespmem:s4], [sflag:$0x1] =	stream.indirect_vreg.gather [hbm4b:s3+s2], $0x80, v4, vm0, $0xb8;
	[tilespmem:$0x18300] =	vst v63  }
0x36: {  	s6 =	simm.s32 $0xCB00  }
0x37: {  	[tilespmem:s6], [sflag:$0x1] =	stream.indirect_vreg.gather [hbm4b:s10+s2], $0x80, v4, vm1, $0xb8;
	[tilespmem:$0x18300] =	vst v63  }
0x38: {  	s7 =	simm.s32 $0xCF00  }
0x39: {  	[tilespmem:s7], [sflag:$0x1] =	stream.indirect_vreg.gather [hbm4b:s3+s2], $0x80, v3, vm0, $0xb8;
	[tilespmem:$0x18300] =	vst v63  }
0x3a: {  	s8 =	simm.s32 $0xD700  }
0x3b: {  	[tilespmem:s8], [sflag:$0x1] =	stream.indirect_vreg.gather [hbm4b:s10+s2], $0x80, v3, vm1, $0xb8;
	[tilespmem:$0x18300] =	vst v63  }
0x3c: {  	v3 =	vld [tilespmem:$0x10];
	_ =	sdelay $0x4  }
0x3d: {  	v57 =	vshrl.u32 v3, $0x3  }
0x3e: {  	v4 =	vmul.u32 $0x18, v57  }
0x3f: {  	v3 =	vand.u32 $0x7, v3  }
0x40: {  	v3 =	vor.u32 v3, v4  }
0x41: {  	v4 =	vperm.xlane v3, v0;
	_ =	sdelay $0x1  }
0x42: {  	v4 =	vadd.s32 v1, v4;
	_ =	sdelay $0x1  }
0x43: {  	v3 =	vperm.xlane v3, v2;
	_ =	sdelay $0x1  }
0x44: {  	s9 =	simm.s32 $0xDB00;
	v3 =	vadd.s32 v1, v3  }
0x45: {  	[tilespmem:s9], [sflag:$0x1] =	stream.indirect_vreg.gather [hbm4b:s3+s2], $0x80, v4, vm0, $0xb8;
	[tilespmem:$0x18300] =	vst v63  }
0x46: {  	s11 =	simm.s32 $0xE300  }
0x47: {  	[tilespmem:s11], [sflag:$0x1] =	stream.indirect_vreg.gather [hbm4b:s10+s2], $0x80, v4, vm1, $0xb8;
	[tilespmem:$0x18300] =	vst v63  }
0x48: {  	s12 =	simm.s32 $0xE700  }
0x49: {  	[tilespmem:s12], [sflag:$0x1] =	stream.indirect_vreg.gather [hbm4b:s3+s2], $0x80, v3, vm0, $0xb8;
	[tilespmem:$0x18300] =	vst v63  }
0x4a: {  	s13 =	simm.s32 $0xEF00  }
0x4b: {  	[tilespmem:s13], [sflag:$0x1] =	stream.indirect_vreg.gather [hbm4b:s10+s2], $0x80, v3, vm1, $0xb8;
	[tilespmem:$0x18300] =	vst v63  }
0x4c: {  	v3 =	vld [tilespmem:$0x100];
	_ =	sdelay $0x4  }
0x4d: {  	v58 =	vshrl.u32 v3, $0x3  }
0x4e: {  	v4 =	vmul.u32 $0x18, v58  }
0x4f: {  	v3 =	vand.u32 $0x7, v3  }
0x50: {  	v3 =	vor.u32 v3, v4  }
0x51: {  	v4 =	vperm.xlane v3, v0;
	_ =	sdelay $0x1  }
0x52: {  	v4 =	vadd.s32 v1, v4;
	_ =	sdelay $0x1  }
0x53: {  	v3 =	vperm.xlane v3, v2;
	_ =	sdelay $0x1  }
0x54: {  	s14 =	simm.s32 $0x12300;
	v3 =	vadd.s32 v1, v3  }
0x55: {  	[tilespmem:s14], [sflag:$0x3] =	stream.indirect_vreg.gather [hbm4b:s3+s2], $0x80, v4, vm0, $0xb8;
	[tilespmem:$0x18300] =	vst v63  }
0x56: {  	s15 =	simm.s32 $0x12B00  }
0x57: {  	[tilespmem:s15], [sflag:$0x3] =	stream.indirect_vreg.gather [hbm4b:s10+s2], $0x80, v4, vm1, $0xb8;
	[tilespmem:$0x18300] =	vst v63  }
0x58: {  	s22 =	simm.s32 $0x12F00  }
0x59: {  	[tilespmem:s22], [sflag:$0x3] =	stream.indirect_vreg.gather [hbm4b:s3+s2], $0x80, v3, vm0, $0xb8;
	[tilespmem:$0x18300] =	vst v63  }
0x5a: {  	s23 =	simm.s32 $0x13700  }
0x5b: {  	[tilespmem:s23], [sflag:$0x3] =	stream.indirect_vreg.gather [hbm4b:s10+s2], $0x80, v3, vm1, $0xb8;
	[tilespmem:$0x18300] =	vst v63  }
0x5c: {  	v3 =	vld [tilespmem:$0x110];
	_ =	sdelay $0x4  }
0x5d: {  	v59 =	vshrl.u32 v3, $0x3  }
0x5e: {  	v4 =	vmul.u32 $0x18, v59  }
0x5f: {  	v3 =	vand.u32 $0x7, v3  }
0x60: {  	v3 =	vor.u32 v3, v4  }
0x61: {  	v4 =	vperm.xlane v3, v0;
	_ =	sdelay $0x1  }
0x62: {  	v4 =	vadd.s32 v1, v4;
	_ =	sdelay $0x1  }
0x63: {  	v3 =	vperm.xlane v3, v2;
	_ =	sdelay $0x1  }
0x64: {  	s24 =	simm.s32 $0x13B00;
	v3 =	vadd.s32 v1, v3  }
0x65: {  	[tilespmem:s24], [sflag:$0x3] =	stream.indirect_vreg.gather [hbm4b:s3+s2], $0x80, v4, vm0, $0xb8;
	[tilespmem:$0x18300] =	vst v63  }
0x66: {  	s25 =	simm.s32 $0x14300  }
0x67: {  	[tilespmem:s25], [sflag:$0x3] =	stream.indirect_vreg.gather [hbm4b:s10+s2], $0x80, v4, vm1, $0xb8;
	[tilespmem:$0x18300] =	vst v63  }
0x68: {  	s26 =	simm.s32 $0x14700  }
0x69: {  	[tilespmem:s26], [sflag:$0x3] =	stream.indirect_vreg.gather [hbm4b:s3+s2], $0x80, v3, vm0, $0xb8;
	[tilespmem:$0x18300] =	vst v63  }
0x6a: {  	s28 =	simm.s32 $0x14F00  }
0x6b: {  	[tilespmem:s28], [sflag:$0x3] =	stream.indirect_vreg.gather [hbm4b:s10+s2], $0x80, v3, vm1, $0xb8;
	[tilespmem:$0x18300] =	vst v63  }
0x6c: {  	s30 =	simm.s32 $0x300;
	s29 =	rddreg [dreg:$0x9]  }
0x6d: {  	[tilespmem:s30], [sflag:$0x5] =	stream.linear.gather [hbm4b:s29+s2], $0x6000, $0x38;
	[tilespmem:$0x18300] =	vst v63  }
0x6e: {  	v3 =	vld [tilespmem:$0x80];
	_ =	sdelay $0x4  }
0x6f: {  	v60 =	vshrl.u32 v3, $0x3  }
0x70: {  	v4 =	vmul.u32 $0x18, v60  }
0x71: {  	v3 =	vand.u32 $0x7, v3  }
0x72: {  	v3 =	vor.u32 v3, v4  }
0x73: {  	v4 =	vperm.xlane v3, v0;
	_ =	sdelay $0x1  }
0x74: {  	v4 =	vadd.s32 v1, v4;
	_ =	sdelay $0x1  }
0x75: {  	v3 =	vperm.xlane v3, v2;
	_ =	sdelay $0x1  }
0x76: {  	s31 =	simm.s32 $0xF300;
	v3 =	vadd.s32 v1, v3  }
0x77: {  	[tilespmem:s31], [sflag:$0x2] =	stream.indirect_vreg.gather [hbm4b:s3+s2], $0x80, v4, vm0, $0xb8;
	[tilespmem:$0x18300] =	vst v63  }
0x78: {  	s4 =	simm.s32 $0xFB00  }
0x79: {  	[tilespmem:s4], [sflag:$0x2] =	stream.indirect_vreg.gather [hbm4b:s10+s2], $0x80, v4, vm1, $0xb8;
	[tilespmem:$0x18300] =	vst v63  }
0x7a: {  	s6 =	simm.s32 $0xFF00  }
0x7b: {  	[tilespmem:s6], [sflag:$0x2] =	stream.indirect_vreg.gather [hbm4b:s3+s2], $0x80, v3, vm0, $0xb8;
	[tilespmem:$0x18300] =	vst v63  }
0x7c: {  	s7 =	simm.s32 $0x10700  }
0x7d: {  	[tilespmem:s7], [sflag:$0x2] =	stream.indirect_vreg.gather [hbm4b:s10+s2], $0x80, v3, vm1, $0xb8;
	[tilespmem:$0x18300] =	vst v63  }
0x7e: {  	v3 =	vld [tilespmem:$0x90];
	_ =	sdelay $0x4  }
0x7f: {  	v61 =	vshrl.u32 v3, $0x3  }
0x80: {  	v4 =	vmul.u32 $0x18, v61  }
0x81: {  	v3 =	vand.u32 $0x7, v3  }
0x82: {  	v3 =	vor.u32 v3, v4  }
0x83: {  	v4 =	vperm.xlane v3, v0;
	_ =	sdelay $0x1  }
0x84: {  	v4 =	vadd.s32 v1, v4;
	_ =	sdelay $0x1  }
0x85: {  	v3 =	vperm.xlane v3, v2;
	_ =	sdelay $0x1  }
0x86: {  	s8 =	simm.s32 $0x10B00;
	v3 =	vadd.s32 v1, v3  }
0x87: {  	[tilespmem:s8], [sflag:$0x2] =	stream.indirect_vreg.gather [hbm4b:s3+s2], $0x80, v4, vm0, $0xb8;
	[tilespmem:$0x18300] =	vst v63  }
0x88: {  	s9 =	simm.s32 $0x11300  }
0x89: {  	[tilespmem:s9], [sflag:$0x2] =	stream.indirect_vreg.gather [hbm4b:s10+s2], $0x80, v4, vm1, $0xb8;
	[tilespmem:$0x18300] =	vst v63  }
0x8a: {  	s11 =	simm.s32 $0x11700  }
0x8b: {  	[tilespmem:s11], [sflag:$0x2] =	stream.indirect_vreg.gather [hbm4b:s3+s2], $0x80, v3, vm0, $0xb8;
	[tilespmem:$0x18300] =	vst v63  }
0x8c: {  	s12 =	simm.s32 $0x11F00  }
0x8d: {  	[tilespmem:s12], [sflag:$0x2] =	stream.indirect_vreg.gather [hbm4b:s10+s2], $0x80, v3, vm1, $0xb8;
	[tilespmem:$0x18300] =	vst v63  }
0x8e: {  	v3 =	vld [tilespmem:$0x180];
	_ =	sdelay $0x4  }
0x8f: {  	v62 =	vshrl.u32 v3, $0x3  }
0x90: {  	v4 =	vmul.u32 $0x18, v62  }
0x91: {  	v3 =	vand.u32 $0x7, v3  }
0x92: {  	v3 =	vor.u32 v3, v4  }
0x93: {  	v4 =	vperm.xlane v3, v0;
	_ =	sdelay $0x1  }
0x94: {  	v4 =	vadd.s32 v1, v4;
	_ =	sdelay $0x1  }
0x95: {  	v3 =	vperm.xlane v3, v2;
	_ =	sdelay $0x1  }
0x96: {  	s13 =	simm.s32 $0x15300;
	v3 =	vadd.s32 v1, v3  }
0x97: {  	[tilespmem:s13], [sflag:$0x4] =	stream.indirect_vreg.gather [hbm4b:s3+s2], $0x80, v4, vm0, $0xb8;
	[tilespmem:$0x18300] =	vst v63  }
0x98: {  	s14 =	simm.s32 $0x15B00  }
0x99: {  	[tilespmem:s14], [sflag:$0x4] =	stream.indirect_vreg.gather [hbm4b:s10+s2], $0x80, v4, vm1, $0xb8;
	[tilespmem:$0x18300] =	vst v63  }
0x9a: {  	s15 =	simm.s32 $0x15F00  }
0x9b: {  	[tilespmem:s15], [sflag:$0x4] =	stream.indirect_vreg.gather [hbm4b:s3+s2], $0x80, v3, vm0, $0xb8;
	[tilespmem:$0x18300] =	vst v63  }
0x9c: {  	s22 =	simm.s32 $0x16700  }
0x9d: {  	[tilespmem:s22], [sflag:$0x4] =	stream.indirect_vreg.gather [hbm4b:s10+s2], $0x80, v3, vm1, $0xb8;
	[tilespmem:$0x18300] =	vst v63  }
0x9e: {  	v3 =	vld [tilespmem:$0x190];
	_ =	sdelay $0x4  }
0x9f: {  	v63 =	vshrl.u32 v3, $0x3  }
0xa0: {  	v4 =	vmul.u32 $0x18, v63  }
0xa1: {  	v3 =	vand.u32 $0x7, v3  }
0xa2: {  	v3 =	vor.u32 v3, v4  }
0xa3: {  	v4 =	vperm.xlane v3, v0;
	_ =	sdelay $0x1  }
0xa4: {  	v4 =	vadd.s32 v1, v4;
	_ =	sdelay $0x1  }
0xa5: {  	v3 =	vperm.xlane v3, v2;
	_ =	sdelay $0x1  }
0xa6: {  	s23 =	simm.s32 $0x16B00;
	v3 =	vadd.s32 v1, v3  }
0xa7: {  	[tilespmem:s23], [sflag:$0x4] =	stream.indirect_vreg.gather [hbm4b:s3+s2], $0x80, v4, vm0, $0xb8;
	[tilespmem:$0x18300] =	vst v63  }
0xa8: {  	s24 =	simm.s32 $0x17300  }
0xa9: {  	[tilespmem:s24], [sflag:$0x4] =	stream.indirect_vreg.gather [hbm4b:s10+s2], $0x80, v4, vm1, $0xb8;
	[tilespmem:$0x18300] =	vst v63  }
0xaa: {  	s25 =	simm.s32 $0x17700  }
0xab: {  	[tilespmem:s25], [sflag:$0x4] =	stream.indirect_vreg.gather [hbm4b:s3+s2], $0x80, v3, vm0, $0xb8;
	[tilespmem:$0x18300] =	vst v63  }
0xac: {  	s26 =	simm.s32 $0x17F00  }
0xad: {  	[tilespmem:s26], [sflag:$0x4] =	stream.indirect_vreg.gather [hbm4b:s10+s2], $0x80, v3, vm1, $0xb8;
	[tilespmem:$0x18300] =	vst v63  }
0xae: {  	s28 =	rddreg [dreg:$0xa];
	s29 =	simm.s32 $0x1  }
0xaf: {  	[tilespmem:s5], [sflag:$0x6] =	stream.linear.gather [hbm4b:s28+s2], $0x6000, $0x38;
	[tilespmem:$0x18300] =	vst v63  }
0xb0: {  	_ =	swait.ge [sflag:s29], $0x3000  }
0xb1: {  	[sflag:s29] =	ssyncset.done $0x0  }
0xb2: {  	s30 =	simm.s32 $0x3;
	[sflag:s29] =	ssyncadd.s32 $0xFFFFD000  }
0xb3: {  	_ =	swait.ge [sflag:s30], $0x3000  }
0xb4: {  	[sflag:s30] =	ssyncset.done $0x0  }
0xb5: {  	s31 =	simm.s32 $0x5;
	[sflag:s30] =	ssyncadd.s32 $0xFFFFD000  }
0xb6: {  	_ =	swait.ge [sflag:s31], $0x6000  }
0xb7: {  	[sflag:s31] =	ssyncset.done $0x0  }
0xb8: {  	s22 =	simm.s32 $0x0;
	[sflag:s31] =	ssyncadd.s32 $0xFFFFA000  }
.LBB2_2:
0xb9: {  	v3 =	vmov s22  }
0xba: {  	v3 =	vand.u32 $0xFFFFFFFC, v3  }
0xbb: {  	s0 =	sshrl.u32 s22, $0x3;
	v3 =	vbroadcast v3, $0x0  }
0xbc: {  	s4 =	sadd.s32 $0xFFFFFE80, s21;
	s26 =	smul.u32 $0xC00, s0  }
0xbd: {  	s24 =	sand.u32 $0x200, s4;
	s0 =	smul.u32 $0x6000, s0  }
0xbe: {  	s4 =	sor.u32 s24, s26  }
0xbf: {  	s25 =	sshra.s32 s0, $0x2;
	v5 =	vld [tilespmem:s4+$0xC300]  }
0xc0: {  	s11 =	sor.u32 $0x300, s25;
	v6 =	vld [tilespmem:s4+$0x12300]  }
0xc1: {  	s23 =	sadd.s32 s24, s11;
	v4 =	vld.idx.msk [tilespmem:v3+s19+$0x0], $0xffff  }
0xc2: {  	v7 =	vld [tilespmem:s23+$0x0]  }
0xc3: {  	v3 =	vld.idx.msk [tilespmem:v3+s20+$0x0], $0xffff;
	_ =	sdelay $0x1  }
0xc4: {  	v8 =	vshll.u32 v5, $0x10  }
0xc5: {  	v8 =	vmul.f32 v8, v4  }
0xc6: {  	v9 =	vshll.u32 v6, $0x10  }
0xc7: {  	v16 =	vmul.f32 v9, v3;
	v7 =	vadd.f32 v8, v7;
	_ =	sdelay $0x1  }
0xc8: {  	v7 =	vadd.f32 v16, v7  }
0xc9: {  	s31 =	sadd.s32 $0xF00, s25  }
0xca: {  	s5 =	sadd.s32 s24, s31;
	[tilespmem:s23+$0x0] =	vst v7  }
0xcb: {  	v7 =	vld [tilespmem:s5+$0x0];
	_ =	sdelay $0x1  }
0xcc: {  	v5 =	vand.u32 $0xFFFF0000, v5  }
0xcd: {  	v5 =	vmul.f32 v5, v4  }
0xce: {  	v6 =	vand.u32 $0xFFFF0000, v6  }
0xcf: {  	v6 =	vmul.f32 v6, v3;
	v5 =	vadd.f32 v7, v5;
	_ =	sdelay $0x1  }
0xd0: {  	v5 =	vadd.f32 v5, v6;
	_ =	sdelay $0x1  }
0xd1: {  	[tilespmem:s5+$0x0] =	vst v5  }
0xd2: {  	v5 =	vld [tilespmem:s4+$0xC310];
	_ =	sdelay $0x1  }
0xd3: {  	v17 =	vld [tilespmem:s4+$0x12310]  }
0xd4: {  	v18 =	vld [tilespmem:s23+$0x10];
	_ =	sdelay $0x1  }
0xd5: {  	v19 =	vshll.u32 v5, $0x10  }
0xd6: {  	v8 =	vmul.f32 v19, v4  }
0xd7: {  	v20 =	vshll.u32 v17, $0x10  }
0xd8: {  	v21 =	vmul.f32 v20, v3;
	v7 =	vadd.f32 v8, v18;
	_ =	sdelay $0x1  }
0xd9: {  	v7 =	vadd.f32 v21, v7;
	_ =	sdelay $0x1  }
0xda: {  	[tilespmem:s23+$0x10] =	vst v7  }
0xdb: {  	v7 =	vld [tilespmem:s5+$0x10];
	_ =	sdelay $0x1  }
0xdc: {  	v5 =	vand.u32 $0xFFFF0000, v5  }
0xdd: {  	v5 =	vmul.f32 v5, v4  }
0xde: {  	v6 =	vand.u32 $0xFFFF0000, v17  }
0xdf: {  	v6 =	vmul.f32 v6, v3;
	v5 =	vadd.f32 v7, v5;
	_ =	sdelay $0x1  }
0xe0: {  	v5 =	vadd.f32 v5, v6;
	_ =	sdelay $0x1  }
0xe1: {  	[tilespmem:s5+$0x10] =	vst v5  }
0xe2: {  	v5 =	vld [tilespmem:s4+$0xC320];
	_ =	sdelay $0x1  }
0xe3: {  	v22 =	vld [tilespmem:s4+$0x12320]  }
0xe4: {  	v23 =	vld [tilespmem:s23+$0x20];
	_ =	sdelay $0x1  }
0xe5: {  	v24 =	vshll.u32 v5, $0x10  }
0xe6: {  	v8 =	vmul.f32 v24, v4  }
0xe7: {  	v25 =	vshll.u32 v22, $0x10  }
0xe8: {  	v26 =	vmul.f32 v25, v3;
	v7 =	vadd.f32 v8, v23;
	_ =	sdelay $0x1  }
0xe9: {  	v7 =	vadd.f32 v26, v7;
	_ =	sdelay $0x1  }
0xea: {  	[tilespmem:s23+$0x20] =	vst v7  }
0xeb: {  	v7 =	vld [tilespmem:s5+$0x20];
	_ =	sdelay $0x1  }
0xec: {  	v5 =	vand.u32 $0xFFFF0000, v5  }
0xed: {  	v5 =	vmul.f32 v5, v4  }
0xee: {  	v6 =	vand.u32 $0xFFFF0000, v22  }
0xef: {  	v6 =	vmul.f32 v6, v3;
	v5 =	vadd.f32 v7, v5;
	_ =	sdelay $0x1  }
0xf0: {  	v5 =	vadd.f32 v5, v6;
	_ =	sdelay $0x1  }
0xf1: {  	[tilespmem:s5+$0x20] =	vst v5  }
0xf2: {  	v5 =	vld [tilespmem:s4+$0xC330];
	_ =	sdelay $0x1  }
0xf3: {  	v27 =	vld [tilespmem:s4+$0x12330]  }
0xf4: {  	v28 =	vld [tilespmem:s23+$0x30];
	_ =	sdelay $0x1  }
0xf5: {  	v29 =	vshll.u32 v5, $0x10  }
0xf6: {  	v8 =	vmul.f32 v29, v4  }
0xf7: {  	v30 =	vshll.u32 v27, $0x10  }
0xf8: {  	v31 =	vmul.f32 v30, v3;
	v7 =	vadd.f32 v8, v28;
	_ =	sdelay $0x1  }
0xf9: {  	v7 =	vadd.f32 v31, v7;
	_ =	sdelay $0x1  }
0xfa: {  	[tilespmem:s23+$0x30] =	vst v7  }
0xfb: {  	v7 =	vld [tilespmem:s5+$0x30];
	_ =	sdelay $0x1  }
0xfc: {  	v5 =	vand.u32 $0xFFFF0000, v5  }
0xfd: {  	v5 =	vmul.f32 v5, v4  }
0xfe: {  	v6 =	vand.u32 $0xFFFF0000, v27  }
0xff: {  	v6 =	vmul.f32 v6, v3;
	v5 =	vadd.f32 v7, v5;
	_ =	sdelay $0x1  }
0x100: {  	v5 =	vadd.f32 v5, v6;
	_ =	sdelay $0x1  }
0x101: {  	[tilespmem:s5+$0x30] =	vst v5  }
0x102: {  	v5 =	vld [tilespmem:s4+$0xC340];
	_ =	sdelay $0x1  }
0x103: {  	v32 =	vld [tilespmem:s4+$0x12340]  }
0x104: {  	v33 =	vld [tilespmem:s23+$0x40];
	_ =	sdelay $0x1  }
0x105: {  	v34 =	vshll.u32 v5, $0x10  }
0x106: {  	v8 =	vmul.f32 v34, v4  }
0x107: {  	v35 =	vshll.u32 v32, $0x10  }
0x108: {  	v36 =	vmul.f32 v35, v3;
	v7 =	vadd.f32 v8, v33;
	_ =	sdelay $0x1  }
0x109: {  	v7 =	vadd.f32 v36, v7;
	_ =	sdelay $0x1  }
0x10a: {  	[tilespmem:s23+$0x40] =	vst v7  }
0x10b: {  	v7 =	vld [tilespmem:s5+$0x40];
	_ =	sdelay $0x1  }
0x10c: {  	v5 =	vand.u32 $0xFFFF0000, v5  }
0x10d: {  	v5 =	vmul.f32 v5, v4  }
0x10e: {  	v6 =	vand.u32 $0xFFFF0000, v32  }
0x10f: {  	v6 =	vmul.f32 v6, v3;
	v5 =	vadd.f32 v7, v5;
	_ =	sdelay $0x1  }
0x110: {  	v5 =	vadd.f32 v5, v6;
	_ =	sdelay $0x1  }
0x111: {  	[tilespmem:s5+$0x40] =	vst v5  }
0x112: {  	v5 =	vld [tilespmem:s4+$0xC350];
	_ =	sdelay $0x1  }
0x113: {  	v37 =	vld [tilespmem:s4+$0x12350]  }
0x114: {  	v38 =	vld [tilespmem:s23+$0x50];
	_ =	sdelay $0x1  }
0x115: {  	v39 =	vshll.u32 v5, $0x10  }
0x116: {  	v8 =	vmul.f32 v39, v4  }
0x117: {  	v40 =	vshll.u32 v37, $0x10  }
0x118: {  	v41 =	vmul.f32 v40, v3;
	v7 =	vadd.f32 v8, v38;
	_ =	sdelay $0x1  }
0x119: {  	v7 =	vadd.f32 v41, v7;
	_ =	sdelay $0x1  }
0x11a: {  	[tilespmem:s23+$0x50] =	vst v7  }
0x11b: {  	v7 =	vld [tilespmem:s5+$0x50];
	_ =	sdelay $0x1  }
0x11c: {  	v5 =	vand.u32 $0xFFFF0000, v5  }
0x11d: {  	v5 =	vmul.f32 v5, v4  }
0x11e: {  	v6 =	vand.u32 $0xFFFF0000, v37  }
0x11f: {  	v6 =	vmul.f32 v6, v3;
	v5 =	vadd.f32 v7, v5;
	_ =	sdelay $0x1  }
0x120: {  	v5 =	vadd.f32 v5, v6;
	_ =	sdelay $0x1  }
0x121: {  	[tilespmem:s5+$0x50] =	vst v5  }
0x122: {  	v5 =	vld [tilespmem:s4+$0xC360];
	_ =	sdelay $0x1  }
0x123: {  	v42 =	vld [tilespmem:s4+$0x12360]  }
0x124: {  	v43 =	vld [tilespmem:s23+$0x60];
	_ =	sdelay $0x1  }
0x125: {  	v44 =	vshll.u32 v5, $0x10  }
0x126: {  	v8 =	vmul.f32 v44, v4  }
0x127: {  	v45 =	vshll.u32 v42, $0x10  }
0x128: {  	v46 =	vmul.f32 v45, v3;
	v7 =	vadd.f32 v8, v43;
	_ =	sdelay $0x1  }
0x129: {  	v7 =	vadd.f32 v46, v7;
	_ =	sdelay $0x1  }
0x12a: {  	[tilespmem:s23+$0x60] =	vst v7  }
0x12b: {  	v7 =	vld [tilespmem:s5+$0x60];
	_ =	sdelay $0x1  }
0x12c: {  	v5 =	vand.u32 $0xFFFF0000, v5  }
0x12d: {  	v5 =	vmul.f32 v5, v4  }
0x12e: {  	v6 =	vand.u32 $0xFFFF0000, v42  }
0x12f: {  	v6 =	vmul.f32 v6, v3;
	v5 =	vadd.f32 v7, v5;
	_ =	sdelay $0x1  }
0x130: {  	v5 =	vadd.f32 v5, v6;
	_ =	sdelay $0x1  }
0x131: {  	[tilespmem:s5+$0x60] =	vst v5  }
0x132: {  	v5 =	vld [tilespmem:s4+$0xC370];
	_ =	sdelay $0x1  }
0x133: {  	v47 =	vld [tilespmem:s4+$0x12370]  }
0x134: {  	v48 =	vld [tilespmem:s23+$0x70];
	_ =	sdelay $0x1  }
0x135: {  	v49 =	vshll.u32 v5, $0x10  }
0x136: {  	v8 =	vmul.f32 v49, v4  }
0x137: {  	v50 =	vshll.u32 v47, $0x10  }
0x138: {  	v51 =	vmul.f32 v50, v3;
	v7 =	vadd.f32 v8, v48;
	_ =	sdelay $0x1  }
0x139: {  	v7 =	vadd.f32 v51, v7;
	_ =	sdelay $0x1  }
0x13a: {  	[tilespmem:s23+$0x70] =	vst v7  }
0x13b: {  	v7 =	vld [tilespmem:s5+$0x70];
	_ =	sdelay $0x1  }
0x13c: {  	v5 =	vand.u32 $0xFFFF0000, v5  }
0x13d: {  	v5 =	vmul.f32 v5, v4  }
0x13e: {  	v6 =	vand.u32 $0xFFFF0000, v47  }
0x13f: {  	v6 =	vmul.f32 v6, v3;
	v5 =	vadd.f32 v7, v5;
	_ =	sdelay $0x1  }
0x140: {  	v5 =	vadd.f32 v5, v6  }
0x141: {  	s13 =	sadd.s32 $0x400, s26  }
0x142: {  	s7 =	sor.u32 s24, s13;
	[tilespmem:s5+$0x70] =	vst v5  }
0x143: {  	v5 =	vld [tilespmem:s7+$0xC300];
	_ =	sdelay $0x1  }
0x144: {  	v52 =	vld [tilespmem:s7+$0x12300]  }
0x145: {  	v53 =	vld [tilespmem:s23+$0x400];
	_ =	sdelay $0x1  }
0x146: {  	v54 =	vshll.u32 v5, $0x10  }
0x147: {  	v8 =	vmul.f32 v54, v4  }
0x148: {  	v55 =	vshll.u32 v52, $0x10  }
0x149: {  	v56 =	vmul.f32 v55, v3;
	v7 =	vadd.f32 v8, v53;
	_ =	sdelay $0x1  }
0x14a: {  	v7 =	vadd.f32 v56, v7  }
0x14b: {  	s12 =	sadd.s32 $0x1300, s25  }
0x14c: {  	s28 =	sadd.s32 s24, s12;
	[tilespmem:s23+$0x400] =	vst v7  }
0x14d: {  	v7 =	vld [tilespmem:s28+$0x0];
	_ =	sdelay $0x1  }
0x14e: {  	v5 =	vand.u32 $0xFFFF0000, v5  }
0x14f: {  	v5 =	vmul.f32 v5, v4  }
0x150: {  	v6 =	vand.u32 $0xFFFF0000, v52  }
0x151: {  	v6 =	vmul.f32 v6, v3;
	v5 =	vadd.f32 v7, v5;
	_ =	sdelay $0x1  }
0x152: {  	v5 =	vadd.f32 v5, v6;
	_ =	sdelay $0x1  }
0x153: {  	[tilespmem:s28+$0x0] =	vst v5  }
0x154: {  	v5 =	vld [tilespmem:s7+$0xC310];
	_ =	sdelay $0x1  }
0x155: {  	v57 =	vld [tilespmem:s7+$0x12310]  }
0x156: {  	v58 =	vld [tilespmem:s23+$0x410];
	_ =	sdelay $0x1  }
0x157: {  	v59 =	vshll.u32 v5, $0x10  }
0x158: {  	v8 =	vmul.f32 v59, v4  }
0x159: {  	v60 =	vshll.u32 v57, $0x10  }
0x15a: {  	v61 =	vmul.f32 v60, v3;
	v7 =	vadd.f32 v8, v58;
	_ =	sdelay $0x1  }
0x15b: {  	v7 =	vadd.f32 v61, v7;
	_ =	sdelay $0x1  }
0x15c: {  	[tilespmem:s23+$0x410] =	vst v7  }
0x15d: {  	v7 =	vld [tilespmem:s28+$0x10];
	_ =	sdelay $0x1  }
0x15e: {  	v5 =	vand.u32 $0xFFFF0000, v5  }
0x15f: {  	v5 =	vmul.f32 v5, v4  }
0x160: {  	v6 =	vand.u32 $0xFFFF0000, v57  }
0x161: {  	v6 =	vmul.f32 v6, v3;
	v5 =	vadd.f32 v7, v5;
	_ =	sdelay $0x1  }
0x162: {  	v5 =	vadd.f32 v5, v6;
	_ =	sdelay $0x1  }
0x163: {  	[tilespmem:s28+$0x10] =	vst v5  }
0x164: {  	v5 =	vld [tilespmem:s7+$0xC320];
	_ =	sdelay $0x1  }
0x165: {  	v62 =	vld [tilespmem:s7+$0x12320]  }
0x166: {  	v63 =	vld [tilespmem:s23+$0x420];
	_ =	sdelay $0x1  }
0x167: {  	v12 =	vshll.u32 v5, $0x10  }
0x168: {  	v8 =	vmul.f32 v12, v4  }
0x169: {  	v13 =	vshll.u32 v62, $0x10  }
0x16a: {  	v14 =	vmul.f32 v13, v3;
	v7 =	vadd.f32 v8, v63;
	_ =	sdelay $0x1  }
0x16b: {  	v7 =	vadd.f32 v14, v7;
	_ =	sdelay $0x1  }
0x16c: {  	[tilespmem:s23+$0x420] =	vst v7  }
0x16d: {  	v7 =	vld [tilespmem:s28+$0x20];
	_ =	sdelay $0x1  }
0x16e: {  	v5 =	vand.u32 $0xFFFF0000, v5  }
0x16f: {  	v5 =	vmul.f32 v5, v4  }
0x170: {  	v6 =	vand.u32 $0xFFFF0000, v62  }
0x171: {  	v6 =	vmul.f32 v6, v3;
	v5 =	vadd.f32 v7, v5;
	_ =	sdelay $0x1  }
0x172: {  	v5 =	vadd.f32 v5, v6;
	_ =	sdelay $0x1  }
0x173: {  	[tilespmem:s28+$0x20] =	vst v5  }
0x174: {  	v5 =	vld [tilespmem:s7+$0xC330];
	_ =	sdelay $0x1  }
0x175: {  	v15 =	vld [tilespmem:s7+$0x12330]  }
0x176: {  	v16 =	vld [tilespmem:s23+$0x430];
	_ =	sdelay $0x1  }
0x177: {  	v17 =	vshll.u32 v5, $0x10  }
0x178: {  	v8 =	vmul.f32 v17, v4  }
0x179: {  	v18 =	vshll.u32 v15, $0x10  }
0x17a: {  	v19 =	vmul.f32 v18, v3;
	v7 =	vadd.f32 v8, v16;
	_ =	sdelay $0x1  }
0x17b: {  	v7 =	vadd.f32 v19, v7;
	_ =	sdelay $0x1  }
0x17c: {  	[tilespmem:s23+$0x430] =	vst v7  }
0x17d: {  	v7 =	vld [tilespmem:s28+$0x30];
	_ =	sdelay $0x1  }
0x17e: {  	v5 =	vand.u32 $0xFFFF0000, v5  }
0x17f: {  	v5 =	vmul.f32 v5, v4  }
0x180: {  	v6 =	vand.u32 $0xFFFF0000, v15  }
0x181: {  	v6 =	vmul.f32 v6, v3;
	v5 =	vadd.f32 v7, v5;
	_ =	sdelay $0x1  }
0x182: {  	v5 =	vadd.f32 v5, v6;
	_ =	sdelay $0x1  }
0x183: {  	[tilespmem:s28+$0x30] =	vst v5  }
0x184: {  	v5 =	vld [tilespmem:s7+$0xC340];
	_ =	sdelay $0x1  }
0x185: {  	v20 =	vld [tilespmem:s7+$0x12340]  }
0x186: {  	v21 =	vld [tilespmem:s23+$0x440];
	_ =	sdelay $0x1  }
0x187: {  	v22 =	vshll.u32 v5, $0x10  }
0x188: {  	v8 =	vmul.f32 v22, v4  }
0x189: {  	v23 =	vshll.u32 v20, $0x10  }
0x18a: {  	v24 =	vmul.f32 v23, v3;
	v7 =	vadd.f32 v8, v21;
	_ =	sdelay $0x1  }
0x18b: {  	v7 =	vadd.f32 v24, v7;
	_ =	sdelay $0x1  }
0x18c: {  	[tilespmem:s23+$0x440] =	vst v7  }
0x18d: {  	v7 =	vld [tilespmem:s28+$0x40];
	_ =	sdelay $0x1  }
0x18e: {  	v5 =	vand.u32 $0xFFFF0000, v5  }
0x18f: {  	v5 =	vmul.f32 v5, v4  }
0x190: {  	v6 =	vand.u32 $0xFFFF0000, v20  }
0x191: {  	v6 =	vmul.f32 v6, v3;
	v5 =	vadd.f32 v7, v5;
	_ =	sdelay $0x1  }
0x192: {  	v5 =	vadd.f32 v5, v6;
	_ =	sdelay $0x1  }
0x193: {  	[tilespmem:s28+$0x40] =	vst v5  }
0x194: {  	v12 =	vld [tilespmem:s7+$0xC350];
	_ =	sdelay $0x1  }
0x195: {  	v11 =	vld [tilespmem:s7+$0x12350]  }
0x196: {  	v5 =	vld [tilespmem:s23+$0x450];
	_ =	sdelay $0x1  }
0x197: {  	s6 =	sadd.s32 $0x1, s22;
	v25 =	vshll.u32 v12, $0x10  }
0x198: {  	v26 =	vmov s6;
	v6 =	vmul.f32 v25, v4  }
0x199: {  	v7 =	vand.u32 $0xFFFFFFFD, v26;
	v27 =	vshll.u32 v11, $0x10  }
0x19a: {  	v29 =	vbroadcast v7, $0x0;
	v28 =	vmul.f32 v27, v3;
	v5 =	vadd.f32 v6, v5;
	_ =	sdelay $0x1  }
0x19b: {  	v5 =	vadd.f32 v28, v5;
	_ =	sdelay $0x1  }
0x19c: {  	[tilespmem:s23+$0x450] =	vst v5  }
0x19d: {  	s9 =	sadd.s32 $0xFFFFFF00, s21;
	v13 =	vld [tilespmem:s28+$0x50]  }
0x19e: {  	s4 =	sand.u32 $0x280, s9;
	v7 =	vld.idx.msk [tilespmem:v29+s19+$0x0], $0xffff  }
0x19f: {  	s8 =	sadd.s32 $0x2, s22;
	s29 =	sor.u32 s26, s4;
	v5 =	vld.idx.msk [tilespmem:v29+s20+$0x0], $0xffff  }
0x1a0: {  	s14 =	sadd.s32 $0xFFFFFF80, s21;
	s6 =	sadd.s32 $0x3, s22;
	v30 =	vmov s8;
	v14 =	vld [tilespmem:s29+$0xC300]  }
0x1a1: {  	v31 =	vand.u32 $0xFFFFFFFE, v30;
	v32 =	vmov s6;
	s8 =	sadd.s32 s4, s11;
	s5 =	sand.u32 $0x300, s14;
	v15 =	vld [tilespmem:s29+$0x12300]  }
0x1a2: {  	s30 =	sor.u32 s26, s5;
	v6 =	vbroadcast v31, $0x0;
	v16 =	vld [tilespmem:s8+$0x0]  }
0x1a3: {  	v17 =	vld [tilespmem:s30+$0xC300]  }
0x1a4: {  	s9 =	sadd.s32 s5, s11;
	v18 =	vld [tilespmem:s30+$0x12300]  }
0x1a5: {  	s6 =	sand.u32 $0x380, s21;
	v19 =	vld [tilespmem:s9+$0x0]  }
0x1a6: {  	s0 =	sor.u32 s26, s6;
	v10 =	vld.idx.msk [tilespmem:v32+s19+$0x0], $0xffff  }
0x1a7: {  	v21 =	vld [tilespmem:s0+$0xC300]  }
0x1a8: {  	v8 =	vld.idx.msk [tilespmem:v6+s19+$0x0], $0xffff  }
0x1a9: {  	v9 =	vld.idx.msk [tilespmem:v32+s20+$0x0], $0xffff;
	v20 =	vshll.u32 v14, $0x10  }
0x1aa: {  	v6 =	vld.idx.msk [tilespmem:v6+s20+$0x0], $0xffff;
	v20 =	vmul.f32 v20, v7  }
0x1ab: {  	s11 =	sadd.s32 s6, s11;
	v23 =	vld [tilespmem:s0+$0x12300];
	v22 =	vshll.u32 v15, $0x10  }
0x1ac: {  	v24 =	vld [tilespmem:s11+$0x0];
	v34 =	vshll.u32 v17, $0x10;
	v33 =	vmul.f32 v22, v5;
	v16 =	vadd.f32 v20, v16  }
0x1ad: {  	v22 =	vmul.f32 v34, v8  }
0x1ae: {  	v35 =	vshll.u32 v18, $0x10;
	v25 =	vshll.u32 v21, $0x10;
	v16 =	vadd.f32 v33, v16  }
0x1af: {  	v36 =	vmul.f32 v25, v10;
	v19 =	vadd.f32 v22, v19;
	v20 =	vmul.f32 v35, v6  }
0x1b0: {  	s15 =	sadd.s32 s4, s31;
	v37 =	vshll.u32 v23, $0x10;
	[tilespmem:s8+$0x0] =	vst v16  }
0x1b1: {  	v39 =	vadd.f32 v36, v24;
	v19 =	vadd.f32 v20, v19;
	v16 =	vmul.f32 v37, v9;
	v38 =	vld [tilespmem:s15+$0x0];
	_ =	sdelay $0x1  }
0x1b2: {  	s14 =	sadd.s32 s5, s31;
	v14 =	vand.u32 $0xFFFF0000, v14;
	[tilespmem:s9+$0x0] =	vst v19;
	v16 =	vadd.f32 v16, v39  }
0x1b3: {  	v14 =	vmul.f32 v14, v7;
	v19 =	vld [tilespmem:s14+$0x0]  }
0x1b4: {  	s31 =	sadd.s32 s6, s31;
	v15 =	vand.u32 $0xFFFF0000, v15;
	[tilespmem:s11+$0x0] =	vst v16  }
0x1b5: {  	v40 =	vand.u32 $0xFFFF0000, v17;
	v15 =	vmul.f32 v15, v5;
	v41 =	vld [tilespmem:s31+$0x0];
	v14 =	vadd.f32 v38, v14  }
0x1b6: {  	v16 =	vmul.f32 v40, v8  }
0x1b7: {  	v42 =	vand.u32 $0xFFFF0000, v18;
	v43 =	vand.u32 $0xFFFF0000, v21;
	v14 =	vadd.f32 v14, v15  }
0x1b8: {  	v18 =	vmul.f32 v43, v10;
	v16 =	vadd.f32 v19, v16;
	v15 =	vmul.f32 v42, v6  }
0x1b9: {  	v44 =	vand.u32 $0xFFFF0000, v23;
	[tilespmem:s15+$0x0] =	vst v14  }
0x1ba: {  	v15 =	vadd.f32 v16, v15;
	v46 =	vadd.f32 v41, v18;
	v14 =	vmul.f32 v44, v9;
	v45 =	vld [tilespmem:s29+$0xC310]  }
0x1bb: {  	v47 =	vld [tilespmem:s29+$0x12310]  }
0x1bc: {  	v48 =	vld [tilespmem:s8+$0x10];
	[tilespmem:s14+$0x0] =	vst v15;
	v14 =	vadd.f32 v46, v14  }
0x1bd: {  	v15 =	vld [tilespmem:s30+$0xC310]  }
0x1be: {  	v49 =	vld [tilespmem:s30+$0x12310];
	[tilespmem:s31+$0x0] =	vst v14  }
0x1bf: {  	v51 =	vld [tilespmem:s0+$0xC310];
	v50 =	vshll.u32 v45, $0x10  }
0x1c0: {  	v52 =	vld [tilespmem:s9+$0x10];
	v14 =	vmul.f32 v50, v7  }
0x1c1: {  	v54 =	vld [tilespmem:s0+$0x12310];
	v53 =	vshll.u32 v47, $0x10  }
0x1c2: {  	v57 =	vld [tilespmem:s11+$0x10];
	v55 =	vmul.f32 v53, v5;
	v56 =	vshll.u32 v15, $0x10;
	v14 =	vadd.f32 v14, v48  }
0x1c3: {  	v22 =	vmul.f32 v56, v8  }
0x1c4: {  	v58 =	vshll.u32 v49, $0x10;
	v59 =	vshll.u32 v51, $0x10;
	v14 =	vadd.f32 v55, v14  }
0x1c5: {  	v18 =	vmul.f32 v58, v6;
	v21 =	vadd.f32 v22, v52;
	v60 =	vmul.f32 v59, v10  }
0x1c6: {  	v61 =	vshll.u32 v54, $0x10;
	[tilespmem:s8+$0x10] =	vst v14  }
0x1c7: {  	v18 =	vadd.f32 v18, v21;
	v63 =	vadd.f32 v60, v57;
	v14 =	vmul.f32 v61, v9;
	v62 =	vld [tilespmem:s15+$0x10];
	_ =	sdelay $0x1  }
0x1c8: {  	v19 =	vand.u32 $0xFFFF0000, v45;
	[tilespmem:s9+$0x10] =	vst v18;
	v14 =	vadd.f32 v14, v63  }
0x1c9: {  	v24 =	vmul.f32 v19, v7;
	v26 =	vld [tilespmem:s14+$0x10]  }
0x1ca: {  	v17 =	vand.u32 $0xFFFF0000, v47;
	[tilespmem:s11+$0x10] =	vst v14  }
0x1cb: {  	v17 =	vmul.f32 v17, v5;
	v15 =	vand.u32 $0xFFFF0000, v15;
	v28 =	vld [tilespmem:s31+$0x10];
	v27 =	vadd.f32 v62, v24  }
0x1cc: {  	v15 =	vmul.f32 v15, v8  }
0x1cd: {  	v16 =	vand.u32 $0xFFFF0000, v49;
	v29 =	vand.u32 $0xFFFF0000, v51;
	v14 =	vadd.f32 v27, v17  }
0x1ce: {  	v16 =	vmul.f32 v16, v6;
	v15 =	vadd.f32 v26, v15;
	v17 =	vmul.f32 v29, v10  }
0x1cf: {  	v30 =	vand.u32 $0xFFFF0000, v54;
	[tilespmem:s15+$0x10] =	vst v14  }
0x1d0: {  	v15 =	vadd.f32 v15, v16;
	v32 =	vadd.f32 v28, v17;
	v14 =	vmul.f32 v30, v9;
	v31 =	vld [tilespmem:s29+$0xC320]  }
0x1d1: {  	v33 =	vld [tilespmem:s29+$0x12320]  }
0x1d2: {  	v34 =	vld [tilespmem:s8+$0x20];
	[tilespmem:s14+$0x10] =	vst v15;
	v14 =	vadd.f32 v32, v14  }
0x1d3: {  	v15 =	vld [tilespmem:s30+$0xC320]  }
0x1d4: {  	v35 =	vld [tilespmem:s30+$0x12320];
	[tilespmem:s31+$0x10] =	vst v14  }
0x1d5: {  	v37 =	vld [tilespmem:s0+$0xC320];
	v36 =	vshll.u32 v31, $0x10  }
0x1d6: {  	v38 =	vld [tilespmem:s9+$0x20];
	v14 =	vmul.f32 v36, v7  }
0x1d7: {  	v40 =	vld [tilespmem:s0+$0x12320];
	v39 =	vshll.u32 v33, $0x10  }
0x1d8: {  	v43 =	vld [tilespmem:s11+$0x20];
	v41 =	vmul.f32 v39, v5;
	v42 =	vshll.u32 v15, $0x10;
	v14 =	vadd.f32 v14, v34  }
0x1d9: {  	v22 =	vmul.f32 v42, v8  }
0x1da: {  	v44 =	vshll.u32 v35, $0x10;
	v45 =	vshll.u32 v37, $0x10;
	v14 =	vadd.f32 v41, v14  }
0x1db: {  	v18 =	vmul.f32 v44, v6;
	v21 =	vadd.f32 v22, v38;
	v46 =	vmul.f32 v45, v10  }
0x1dc: {  	v47 =	vshll.u32 v40, $0x10;
	[tilespmem:s8+$0x20] =	vst v14  }
0x1dd: {  	v18 =	vadd.f32 v18, v21;
	v49 =	vadd.f32 v46, v43;
	v14 =	vmul.f32 v47, v9;
	v48 =	vld [tilespmem:s15+$0x20];
	_ =	sdelay $0x1  }
0x1de: {  	v19 =	vand.u32 $0xFFFF0000, v31;
	[tilespmem:s9+$0x20] =	vst v18;
	v14 =	vadd.f32 v14, v49  }
0x1df: {  	v50 =	vmul.f32 v19, v7;
	v51 =	vld [tilespmem:s14+$0x20]  }
0x1e0: {  	v17 =	vand.u32 $0xFFFF0000, v33;
	[tilespmem:s11+$0x20] =	vst v14  }
0x1e1: {  	v17 =	vmul.f32 v17, v5;
	v15 =	vand.u32 $0xFFFF0000, v15;
	v53 =	vld [tilespmem:s31+$0x20];
	v52 =	vadd.f32 v48, v50  }
0x1e2: {  	v15 =	vmul.f32 v15, v8  }
0x1e3: {  	v16 =	vand.u32 $0xFFFF0000, v35;
	v54 =	vand.u32 $0xFFFF0000, v37;
	v14 =	vadd.f32 v52, v17  }
0x1e4: {  	v16 =	vmul.f32 v16, v6;
	v15 =	vadd.f32 v51, v15;
	v17 =	vmul.f32 v54, v10  }
0x1e5: {  	v55 =	vand.u32 $0xFFFF0000, v40;
	[tilespmem:s15+$0x20] =	vst v14  }
0x1e6: {  	v15 =	vadd.f32 v15, v16;
	v57 =	vadd.f32 v53, v17;
	v14 =	vmul.f32 v55, v9;
	v56 =	vld [tilespmem:s29+$0xC330]  }
0x1e7: {  	v58 =	vld [tilespmem:s29+$0x12330]  }
0x1e8: {  	v59 =	vld [tilespmem:s8+$0x30];
	[tilespmem:s14+$0x20] =	vst v15;
	v14 =	vadd.f32 v57, v14  }
0x1e9: {  	v15 =	vld [tilespmem:s30+$0xC330]  }
0x1ea: {  	v60 =	vld [tilespmem:s30+$0x12330];
	[tilespmem:s31+$0x20] =	vst v14  }
0x1eb: {  	v62 =	vld [tilespmem:s0+$0xC330];
	v61 =	vshll.u32 v56, $0x10  }
0x1ec: {  	v63 =	vld [tilespmem:s9+$0x30];
	v14 =	vmul.f32 v61, v7  }
0x1ed: {  	v29 =	vld [tilespmem:s0+$0x12330];
	v28 =	vshll.u32 v58, $0x10  }
0x1ee: {  	v32 =	vld [tilespmem:s11+$0x30];
	v30 =	vmul.f32 v28, v5;
	v31 =	vshll.u32 v15, $0x10;
	v14 =	vadd.f32 v14, v59  }
0x1ef: {  	v22 =	vmul.f32 v31, v8  }
0x1f0: {  	v33 =	vshll.u32 v60, $0x10;
	v34 =	vshll.u32 v62, $0x10;
	v14 =	vadd.f32 v30, v14  }
0x1f1: {  	v18 =	vmul.f32 v33, v6;
	v21 =	vadd.f32 v22, v63;
	v35 =	vmul.f32 v34, v10  }
0x1f2: {  	v36 =	vshll.u32 v29, $0x10;
	[tilespmem:s8+$0x30] =	vst v14  }
0x1f3: {  	v18 =	vadd.f32 v18, v21;
	v38 =	vadd.f32 v35, v32;
	v14 =	vmul.f32 v36, v9;
	v37 =	vld [tilespmem:s15+$0x30];
	_ =	sdelay $0x1  }
0x1f4: {  	v19 =	vand.u32 $0xFFFF0000, v56;
	[tilespmem:s9+$0x30] =	vst v18;
	v14 =	vadd.f32 v14, v38  }
0x1f5: {  	v39 =	vmul.f32 v19, v7;
	v40 =	vld [tilespmem:s14+$0x30]  }
0x1f6: {  	v17 =	vand.u32 $0xFFFF0000, v58;
	[tilespmem:s11+$0x30] =	vst v14  }
0x1f7: {  	v17 =	vmul.f32 v17, v5;
	v15 =	vand.u32 $0xFFFF0000, v15;
	v42 =	vld [tilespmem:s31+$0x30];
	v41 =	vadd.f32 v37, v39  }
0x1f8: {  	v15 =	vmul.f32 v15, v8  }
0x1f9: {  	v16 =	vand.u32 $0xFFFF0000, v60;
	v43 =	vand.u32 $0xFFFF0000, v62;
	v14 =	vadd.f32 v41, v17  }
0x1fa: {  	v16 =	vmul.f32 v16, v6;
	v15 =	vadd.f32 v40, v15;
	v17 =	vmul.f32 v43, v10  }
0x1fb: {  	v44 =	vand.u32 $0xFFFF0000, v29;
	[tilespmem:s15+$0x30] =	vst v14  }
0x1fc: {  	v15 =	vadd.f32 v15, v16;
	v46 =	vadd.f32 v42, v17;
	v14 =	vmul.f32 v44, v9;
	v45 =	vld [tilespmem:s29+$0xC340]  }
0x1fd: {  	v47 =	vld [tilespmem:s29+$0x12340]  }
0x1fe: {  	v48 =	vld [tilespmem:s8+$0x40];
	[tilespmem:s14+$0x30] =	vst v15;
	v14 =	vadd.f32 v46, v14  }
0x1ff: {  	v15 =	vld [tilespmem:s30+$0xC340]  }
0x200: {  	v49 =	vld [tilespmem:s30+$0x12340];
	[tilespmem:s31+$0x30] =	vst v14  }
0x201: {  	v51 =	vld [tilespmem:s0+$0xC340];
	v50 =	vshll.u32 v45, $0x10  }
0x202: {  	v52 =	vld [tilespmem:s9+$0x40];
	v14 =	vmul.f32 v50, v7  }
0x203: {  	v54 =	vld [tilespmem:s0+$0x12340];
	v53 =	vshll.u32 v47, $0x10  }
0x204: {  	v57 =	vld [tilespmem:s11+$0x40];
	v55 =	vmul.f32 v53, v5;
	v56 =	vshll.u32 v15, $0x10;
	v14 =	vadd.f32 v14, v48  }
0x205: {  	v22 =	vmul.f32 v56, v8  }
0x206: {  	v58 =	vshll.u32 v49, $0x10;
	v59 =	vshll.u32 v51, $0x10;
	v14 =	vadd.f32 v55, v14  }
0x207: {  	v18 =	vmul.f32 v58, v6;
	v21 =	vadd.f32 v22, v52;
	v60 =	vmul.f32 v59, v10  }
0x208: {  	v61 =	vshll.u32 v54, $0x10;
	[tilespmem:s8+$0x40] =	vst v14  }
0x209: {  	v18 =	vadd.f32 v18, v21;
	v63 =	vadd.f32 v60, v57;
	v14 =	vmul.f32 v61, v9;
	v62 =	vld [tilespmem:s15+$0x40];
	_ =	sdelay $0x1  }
0x20a: {  	v19 =	vand.u32 $0xFFFF0000, v45;
	[tilespmem:s9+$0x40] =	vst v18;
	v14 =	vadd.f32 v14, v63  }
0x20b: {  	v24 =	vmul.f32 v19, v7;
	v26 =	vld [tilespmem:s14+$0x40]  }
0x20c: {  	v17 =	vand.u32 $0xFFFF0000, v47;
	[tilespmem:s11+$0x40] =	vst v14  }
0x20d: {  	v17 =	vmul.f32 v17, v5;
	v15 =	vand.u32 $0xFFFF0000, v15;
	v28 =	vld [tilespmem:s31+$0x40];
	v27 =	vadd.f32 v62, v24  }
0x20e: {  	v15 =	vmul.f32 v15, v8  }
0x20f: {  	v16 =	vand.u32 $0xFFFF0000, v49;
	v29 =	vand.u32 $0xFFFF0000, v51;
	v14 =	vadd.f32 v27, v17  }
0x210: {  	v16 =	vmul.f32 v16, v6;
	v15 =	vadd.f32 v26, v15;
	v17 =	vmul.f32 v29, v10  }
0x211: {  	v30 =	vand.u32 $0xFFFF0000, v54;
	[tilespmem:s15+$0x40] =	vst v14  }
0x212: {  	v15 =	vadd.f32 v15, v16;
	v32 =	vadd.f32 v28, v17;
	v14 =	vmul.f32 v30, v9;
	v31 =	vld [tilespmem:s29+$0xC350]  }
0x213: {  	v33 =	vld [tilespmem:s29+$0x12350]  }
0x214: {  	v34 =	vld [tilespmem:s8+$0x50];
	[tilespmem:s14+$0x40] =	vst v15;
	v14 =	vadd.f32 v32, v14  }
0x215: {  	v15 =	vld [tilespmem:s30+$0xC350]  }
0x216: {  	v35 =	vld [tilespmem:s30+$0x12350];
	[tilespmem:s31+$0x40] =	vst v14  }
0x217: {  	v37 =	vld [tilespmem:s0+$0xC350];
	v36 =	vshll.u32 v31, $0x10  }
0x218: {  	v38 =	vld [tilespmem:s9+$0x50];
	v14 =	vmul.f32 v36, v7  }
0x219: {  	v40 =	vld [tilespmem:s0+$0x12350];
	v39 =	vshll.u32 v33, $0x10  }
0x21a: {  	v43 =	vld [tilespmem:s11+$0x50];
	v41 =	vmul.f32 v39, v5;
	v42 =	vshll.u32 v15, $0x10;
	v14 =	vadd.f32 v14, v34  }
0x21b: {  	v22 =	vmul.f32 v42, v8  }
0x21c: {  	v44 =	vshll.u32 v35, $0x10;
	v45 =	vshll.u32 v37, $0x10;
	v14 =	vadd.f32 v41, v14  }
0x21d: {  	v18 =	vmul.f32 v44, v6;
	v21 =	vadd.f32 v22, v38;
	v46 =	vmul.f32 v45, v10  }
0x21e: {  	v47 =	vshll.u32 v40, $0x10;
	[tilespmem:s8+$0x50] =	vst v14  }
0x21f: {  	v18 =	vadd.f32 v18, v21;
	v49 =	vadd.f32 v46, v43;
	v14 =	vmul.f32 v47, v9;
	v48 =	vld [tilespmem:s15+$0x50];
	_ =	sdelay $0x1  }
0x220: {  	v19 =	vand.u32 $0xFFFF0000, v31;
	[tilespmem:s9+$0x50] =	vst v18;
	v14 =	vadd.f32 v14, v49  }
0x221: {  	v50 =	vmul.f32 v19, v7;
	v51 =	vld [tilespmem:s14+$0x50]  }
0x222: {  	v17 =	vand.u32 $0xFFFF0000, v33;
	[tilespmem:s11+$0x50] =	vst v14  }
0x223: {  	v17 =	vmul.f32 v17, v5;
	v15 =	vand.u32 $0xFFFF0000, v15;
	v53 =	vld [tilespmem:s31+$0x50];
	v52 =	vadd.f32 v48, v50  }
0x224: {  	v15 =	vmul.f32 v15, v8  }
0x225: {  	v16 =	vand.u32 $0xFFFF0000, v35;
	v54 =	vand.u32 $0xFFFF0000, v37;
	v14 =	vadd.f32 v52, v17  }
0x226: {  	v16 =	vmul.f32 v16, v6;
	v15 =	vadd.f32 v51, v15;
	v17 =	vmul.f32 v54, v10  }
0x227: {  	v55 =	vand.u32 $0xFFFF0000, v40;
	[tilespmem:s15+$0x50] =	vst v14  }
0x228: {  	v15 =	vadd.f32 v15, v16;
	v57 =	vadd.f32 v53, v17;
	v14 =	vmul.f32 v55, v9;
	v56 =	vld [tilespmem:s29+$0xC360]  }
0x229: {  	v58 =	vld [tilespmem:s29+$0x12360]  }
0x22a: {  	v59 =	vld [tilespmem:s8+$0x60];
	[tilespmem:s14+$0x50] =	vst v15;
	v14 =	vadd.f32 v57, v14  }
0x22b: {  	v15 =	vld [tilespmem:s30+$0xC360]  }
0x22c: {  	v60 =	vld [tilespmem:s30+$0x12360];
	[tilespmem:s31+$0x50] =	vst v14  }
0x22d: {  	v62 =	vld [tilespmem:s0+$0xC360];
	v61 =	vshll.u32 v56, $0x10  }
0x22e: {  	v63 =	vld [tilespmem:s9+$0x60];
	v14 =	vmul.f32 v61, v7  }
0x22f: {  	v29 =	vld [tilespmem:s0+$0x12360];
	v28 =	vshll.u32 v58, $0x10  }
0x230: {  	v32 =	vld [tilespmem:s11+$0x60];
	v30 =	vmul.f32 v28, v5;
	v31 =	vshll.u32 v15, $0x10;
	v14 =	vadd.f32 v14, v59  }
0x231: {  	v22 =	vmul.f32 v31, v8  }
0x232: {  	v33 =	vshll.u32 v60, $0x10;
	v34 =	vshll.u32 v62, $0x10;
	v14 =	vadd.f32 v30, v14  }
0x233: {  	v18 =	vmul.f32 v33, v6;
	v21 =	vadd.f32 v22, v63;
	v35 =	vmul.f32 v34, v10  }
0x234: {  	v36 =	vshll.u32 v29, $0x10;
	[tilespmem:s8+$0x60] =	vst v14  }
0x235: {  	v18 =	vadd.f32 v18, v21;
	v38 =	vadd.f32 v35, v32;
	v14 =	vmul.f32 v36, v9;
	v37 =	vld [tilespmem:s15+$0x60];
	_ =	sdelay $0x1  }
0x236: {  	v19 =	vand.u32 $0xFFFF0000, v56;
	[tilespmem:s9+$0x60] =	vst v18;
	v14 =	vadd.f32 v14, v38  }
0x237: {  	v39 =	vmul.f32 v19, v7;
	v40 =	vld [tilespmem:s14+$0x60]  }
0x238: {  	v17 =	vand.u32 $0xFFFF0000, v58;
	[tilespmem:s11+$0x60] =	vst v14  }
0x239: {  	v17 =	vmul.f32 v17, v5;
	v15 =	vand.u32 $0xFFFF0000, v15;
	v42 =	vld [tilespmem:s31+$0x60];
	v41 =	vadd.f32 v37, v39  }
0x23a: {  	v15 =	vmul.f32 v15, v8  }
0x23b: {  	v16 =	vand.u32 $0xFFFF0000, v60;
	v43 =	vand.u32 $0xFFFF0000, v62;
	v14 =	vadd.f32 v41, v17  }
0x23c: {  	v16 =	vmul.f32 v16, v6;
	v15 =	vadd.f32 v40, v15;
	v17 =	vmul.f32 v43, v10  }
0x23d: {  	v44 =	vand.u32 $0xFFFF0000, v29;
	[tilespmem:s15+$0x60] =	vst v14  }
0x23e: {  	v15 =	vadd.f32 v15, v16;
	v46 =	vadd.f32 v42, v17;
	v14 =	vmul.f32 v44, v9;
	v45 =	vld [tilespmem:s29+$0xC370]  }
0x23f: {  	v47 =	vld [tilespmem:s29+$0x12370]  }
0x240: {  	v48 =	vld [tilespmem:s8+$0x70];
	[tilespmem:s14+$0x60] =	vst v15;
	v14 =	vadd.f32 v46, v14  }
0x241: {  	v15 =	vld [tilespmem:s30+$0xC370]  }
0x242: {  	v49 =	vld [tilespmem:s30+$0x12370];
	[tilespmem:s31+$0x60] =	vst v14  }
0x243: {  	v51 =	vld [tilespmem:s0+$0xC370];
	v50 =	vshll.u32 v45, $0x10  }
0x244: {  	v52 =	vld [tilespmem:s9+$0x70];
	v14 =	vmul.f32 v50, v7  }
0x245: {  	v54 =	vld [tilespmem:s0+$0x12370];
	v53 =	vshll.u32 v47, $0x10  }
0x246: {  	v57 =	vld [tilespmem:s11+$0x70];
	v55 =	vmul.f32 v53, v5;
	v56 =	vshll.u32 v15, $0x10;
	v14 =	vadd.f32 v14, v48  }
0x247: {  	v22 =	vmul.f32 v56, v8  }
0x248: {  	v58 =	vshll.u32 v49, $0x10;
	v59 =	vshll.u32 v51, $0x10;
	v14 =	vadd.f32 v55, v14  }
0x249: {  	v18 =	vmul.f32 v58, v6;
	v21 =	vadd.f32 v22, v52;
	v60 =	vmul.f32 v59, v10  }
0x24a: {  	v61 =	vshll.u32 v54, $0x10;
	[tilespmem:s8+$0x70] =	vst v14  }
0x24b: {  	v18 =	vadd.f32 v18, v21;
	v63 =	vadd.f32 v60, v57;
	v14 =	vmul.f32 v61, v9;
	v62 =	vld [tilespmem:s15+$0x70];
	_ =	sdelay $0x1  }
0x24c: {  	v19 =	vand.u32 $0xFFFF0000, v45;
	[tilespmem:s9+$0x70] =	vst v18;
	v14 =	vadd.f32 v14, v63  }
0x24d: {  	v24 =	vmul.f32 v19, v7;
	v26 =	vld [tilespmem:s14+$0x70]  }
0x24e: {  	v17 =	vand.u32 $0xFFFF0000, v47;
	[tilespmem:s11+$0x70] =	vst v14  }
0x24f: {  	v17 =	vmul.f32 v17, v5;
	v15 =	vand.u32 $0xFFFF0000, v15;
	v28 =	vld [tilespmem:s31+$0x70];
	v27 =	vadd.f32 v62, v24  }
0x250: {  	v15 =	vmul.f32 v15, v8  }
0x251: {  	v16 =	vand.u32 $0xFFFF0000, v49;
	v29 =	vand.u32 $0xFFFF0000, v51;
	v14 =	vadd.f32 v27, v17  }
0x252: {  	v16 =	vmul.f32 v16, v6;
	v15 =	vadd.f32 v26, v15;
	v17 =	vmul.f32 v29, v10  }
0x253: {  	s29 =	sor.u32 s4, s13;
	v30 =	vand.u32 $0xFFFF0000, v54;
	[tilespmem:s15+$0x70] =	vst v14  }
0x254: {  	v15 =	vadd.f32 v15, v16;
	v32 =	vadd.f32 v28, v17;
	v14 =	vmul.f32 v30, v9;
	v31 =	vld [tilespmem:s29+$0xC300]  }
0x255: {  	v33 =	vld [tilespmem:s29+$0x12300]  }
0x256: {  	s15 =	sor.u32 s5, s13;
	v34 =	vld [tilespmem:s8+$0x400];
	[tilespmem:s14+$0x70] =	vst v15;
	v14 =	vadd.f32 v32, v14  }
0x257: {  	v15 =	vld [tilespmem:s15+$0xC300]  }
0x258: {  	s13 =	sor.u32 s6, s13;
	v35 =	vld [tilespmem:s15+$0x12300];
	[tilespmem:s31+$0x70] =	vst v14  }
0x259: {  	v37 =	vld [tilespmem:s13+$0xC300];
	v36 =	vshll.u32 v31, $0x10  }
0x25a: {  	v38 =	vld [tilespmem:s9+$0x400];
	v14 =	vmul.f32 v36, v7  }
0x25b: {  	v40 =	vld [tilespmem:s13+$0x12300];
	v39 =	vshll.u32 v33, $0x10  }
0x25c: {  	v43 =	vld [tilespmem:s11+$0x400];
	v41 =	vmul.f32 v39, v5;
	v42 =	vshll.u32 v15, $0x10;
	v14 =	vadd.f32 v14, v34  }
0x25d: {  	v22 =	vmul.f32 v42, v8  }
0x25e: {  	v44 =	vshll.u32 v35, $0x10;
	v45 =	vshll.u32 v37, $0x10;
	v14 =	vadd.f32 v41, v14  }
0x25f: {  	v18 =	vmul.f32 v44, v6;
	v21 =	vadd.f32 v22, v38;
	v46 =	vmul.f32 v45, v10  }
0x260: {  	s14 =	sadd.s32 s4, s12;
	v47 =	vshll.u32 v40, $0x10;
	[tilespmem:s8+$0x400] =	vst v14  }
0x261: {  	v18 =	vadd.f32 v18, v21;
	v49 =	vadd.f32 v46, v43;
	v14 =	vmul.f32 v47, v9;
	v48 =	vld [tilespmem:s14+$0x0];
	_ =	sdelay $0x1  }
0x262: {  	s0 =	sadd.s32 s5, s12;
	v19 =	vand.u32 $0xFFFF0000, v31;
	[tilespmem:s9+$0x400] =	vst v18;
	v14 =	vadd.f32 v14, v49  }
0x263: {  	v50 =	vmul.f32 v19, v7;
	v51 =	vld [tilespmem:s0+$0x0]  }
0x264: {  	s12 =	sadd.s32 s6, s12;
	v17 =	vand.u32 $0xFFFF0000, v33;
	[tilespmem:s11+$0x400] =	vst v14  }
0x265: {  	v17 =	vmul.f32 v17, v5;
	v15 =	vand.u32 $0xFFFF0000, v15;
	v53 =	vld [tilespmem:s12+$0x0];
	v52 =	vadd.f32 v48, v50  }
0x266: {  	v15 =	vmul.f32 v15, v8  }
0x267: {  	v16 =	vand.u32 $0xFFFF0000, v35;
	v54 =	vand.u32 $0xFFFF0000, v37;
	v14 =	vadd.f32 v52, v17  }
0x268: {  	v16 =	vmul.f32 v16, v6;
	v15 =	vadd.f32 v51, v15;
	v17 =	vmul.f32 v54, v10  }
0x269: {  	v55 =	vand.u32 $0xFFFF0000, v40;
	[tilespmem:s14+$0x0] =	vst v14  }
0x26a: {  	v15 =	vadd.f32 v15, v16;
	v57 =	vadd.f32 v53, v17;
	v14 =	vmul.f32 v55, v9;
	v56 =	vld [tilespmem:s29+$0xC310]  }
0x26b: {  	v58 =	vld [tilespmem:s29+$0x12310]  }
0x26c: {  	v59 =	vld [tilespmem:s8+$0x410];
	[tilespmem:s0+$0x0] =	vst v15;
	v14 =	vadd.f32 v57, v14  }
0x26d: {  	v15 =	vld [tilespmem:s15+$0xC310]  }
0x26e: {  	v60 =	vld [tilespmem:s15+$0x12310];
	[tilespmem:s12+$0x0] =	vst v14  }
0x26f: {  	v62 =	vld [tilespmem:s13+$0xC310];
	v61 =	vshll.u32 v56, $0x10  }
0x270: {  	v63 =	vld [tilespmem:s9+$0x410];
	v14 =	vmul.f32 v61, v7  }
0x271: {  	v29 =	vld [tilespmem:s13+$0x12310];
	v28 =	vshll.u32 v58, $0x10  }
0x272: {  	v32 =	vld [tilespmem:s11+$0x410];
	v30 =	vmul.f32 v28, v5;
	v31 =	vshll.u32 v15, $0x10;
	v14 =	vadd.f32 v14, v59  }
0x273: {  	v22 =	vmul.f32 v31, v8  }
0x274: {  	v33 =	vshll.u32 v60, $0x10;
	v34 =	vshll.u32 v62, $0x10;
	v14 =	vadd.f32 v30, v14  }
0x275: {  	v18 =	vmul.f32 v33, v6;
	v21 =	vadd.f32 v22, v63;
	v35 =	vmul.f32 v34, v10  }
0x276: {  	v36 =	vshll.u32 v29, $0x10;
	[tilespmem:s8+$0x410] =	vst v14  }
0x277: {  	v18 =	vadd.f32 v18, v21;
	v38 =	vadd.f32 v35, v32;
	v14 =	vmul.f32 v36, v9;
	v37 =	vld [tilespmem:s14+$0x10];
	_ =	sdelay $0x1  }
0x278: {  	v19 =	vand.u32 $0xFFFF0000, v56;
	[tilespmem:s9+$0x410] =	vst v18;
	v14 =	vadd.f32 v14, v38  }
0x279: {  	v39 =	vmul.f32 v19, v7;
	v40 =	vld [tilespmem:s0+$0x10]  }
0x27a: {  	v17 =	vand.u32 $0xFFFF0000, v58;
	[tilespmem:s11+$0x410] =	vst v14  }
0x27b: {  	v17 =	vmul.f32 v17, v5;
	v15 =	vand.u32 $0xFFFF0000, v15;
	v42 =	vld [tilespmem:s12+$0x10];
	v41 =	vadd.f32 v37, v39  }
0x27c: {  	v15 =	vmul.f32 v15, v8  }
0x27d: {  	v16 =	vand.u32 $0xFFFF0000, v60;
	v43 =	vand.u32 $0xFFFF0000, v62;
	v14 =	vadd.f32 v41, v17  }
0x27e: {  	v16 =	vmul.f32 v16, v6;
	v15 =	vadd.f32 v40, v15;
	v17 =	vmul.f32 v43, v10  }
0x27f: {  	v44 =	vand.u32 $0xFFFF0000, v29;
	[tilespmem:s14+$0x10] =	vst v14  }
0x280: {  	v15 =	vadd.f32 v15, v16;
	v46 =	vadd.f32 v42, v17;
	v14 =	vmul.f32 v44, v9;
	v45 =	vld [tilespmem:s29+$0xC320]  }
0x281: {  	v47 =	vld [tilespmem:s29+$0x12320]  }
0x282: {  	v48 =	vld [tilespmem:s8+$0x420];
	[tilespmem:s0+$0x10] =	vst v15;
	v14 =	vadd.f32 v46, v14  }
0x283: {  	v15 =	vld [tilespmem:s15+$0xC320]  }
0x284: {  	v49 =	vld [tilespmem:s15+$0x12320];
	[tilespmem:s12+$0x10] =	vst v14  }
0x285: {  	v51 =	vld [tilespmem:s13+$0xC320];
	v50 =	vshll.u32 v45, $0x10  }
0x286: {  	v52 =	vld [tilespmem:s9+$0x420];
	v14 =	vmul.f32 v50, v7  }
0x287: {  	v54 =	vld [tilespmem:s13+$0x12320];
	v53 =	vshll.u32 v47, $0x10  }
0x288: {  	v57 =	vld [tilespmem:s11+$0x420];
	v55 =	vmul.f32 v53, v5;
	v56 =	vshll.u32 v15, $0x10;
	v14 =	vadd.f32 v14, v48  }
0x289: {  	v22 =	vmul.f32 v56, v8  }
0x28a: {  	v58 =	vshll.u32 v49, $0x10;
	v59 =	vshll.u32 v51, $0x10;
	v14 =	vadd.f32 v55, v14  }
0x28b: {  	v18 =	vmul.f32 v58, v6;
	v21 =	vadd.f32 v22, v52;
	v60 =	vmul.f32 v59, v10  }
0x28c: {  	v61 =	vshll.u32 v54, $0x10;
	[tilespmem:s8+$0x420] =	vst v14  }
0x28d: {  	v18 =	vadd.f32 v18, v21;
	v63 =	vadd.f32 v60, v57;
	v14 =	vmul.f32 v61, v9;
	v62 =	vld [tilespmem:s14+$0x20];
	_ =	sdelay $0x1  }
0x28e: {  	v19 =	vand.u32 $0xFFFF0000, v45;
	[tilespmem:s9+$0x420] =	vst v18;
	v14 =	vadd.f32 v14, v63  }
0x28f: {  	v24 =	vmul.f32 v19, v7;
	v26 =	vld [tilespmem:s0+$0x20]  }
0x290: {  	v17 =	vand.u32 $0xFFFF0000, v47;
	[tilespmem:s11+$0x420] =	vst v14  }
0x291: {  	v17 =	vmul.f32 v17, v5;
	v15 =	vand.u32 $0xFFFF0000, v15;
	v28 =	vld [tilespmem:s12+$0x20];
	v27 =	vadd.f32 v62, v24  }
0x292: {  	v15 =	vmul.f32 v15, v8  }
0x293: {  	v16 =	vand.u32 $0xFFFF0000, v49;
	v29 =	vand.u32 $0xFFFF0000, v51;
	v14 =	vadd.f32 v27, v17  }
0x294: {  	v16 =	vmul.f32 v16, v6;
	v15 =	vadd.f32 v26, v15;
	v17 =	vmul.f32 v29, v10  }
0x295: {  	v30 =	vand.u32 $0xFFFF0000, v54;
	[tilespmem:s14+$0x20] =	vst v14  }
0x296: {  	v15 =	vadd.f32 v15, v16;
	v32 =	vadd.f32 v28, v17;
	v14 =	vmul.f32 v30, v9;
	v31 =	vld [tilespmem:s29+$0xC330]  }
0x297: {  	v33 =	vld [tilespmem:s29+$0x12330]  }
0x298: {  	v34 =	vld [tilespmem:s8+$0x430];
	[tilespmem:s0+$0x20] =	vst v15;
	v14 =	vadd.f32 v32, v14  }
0x299: {  	v15 =	vld [tilespmem:s15+$0xC330]  }
0x29a: {  	v35 =	vld [tilespmem:s15+$0x12330];
	[tilespmem:s12+$0x20] =	vst v14  }
0x29b: {  	v37 =	vld [tilespmem:s13+$0xC330];
	v36 =	vshll.u32 v31, $0x10  }
0x29c: {  	v38 =	vld [tilespmem:s9+$0x430];
	v14 =	vmul.f32 v36, v7  }
0x29d: {  	v40 =	vld [tilespmem:s13+$0x12330];
	v39 =	vshll.u32 v33, $0x10  }
0x29e: {  	v43 =	vld [tilespmem:s11+$0x430];
	v41 =	vmul.f32 v39, v5;
	v42 =	vshll.u32 v15, $0x10;
	v14 =	vadd.f32 v14, v34  }
0x29f: {  	v22 =	vmul.f32 v42, v8  }
0x2a0: {  	v44 =	vshll.u32 v35, $0x10;
	v45 =	vshll.u32 v37, $0x10;
	v14 =	vadd.f32 v41, v14  }
0x2a1: {  	v18 =	vmul.f32 v44, v6;
	v21 =	vadd.f32 v22, v38;
	v46 =	vmul.f32 v45, v10  }
0x2a2: {  	v47 =	vshll.u32 v40, $0x10;
	[tilespmem:s8+$0x430] =	vst v14  }
0x2a3: {  	v18 =	vadd.f32 v18, v21;
	v49 =	vadd.f32 v46, v43;
	v14 =	vmul.f32 v47, v9;
	v48 =	vld [tilespmem:s14+$0x30];
	_ =	sdelay $0x1  }
0x2a4: {  	v19 =	vand.u32 $0xFFFF0000, v31;
	[tilespmem:s9+$0x430] =	vst v18;
	v14 =	vadd.f32 v14, v49  }
0x2a5: {  	v50 =	vmul.f32 v19, v7;
	v51 =	vld [tilespmem:s0+$0x30]  }
0x2a6: {  	v17 =	vand.u32 $0xFFFF0000, v33;
	[tilespmem:s11+$0x430] =	vst v14  }
0x2a7: {  	v17 =	vmul.f32 v17, v5;
	v15 =	vand.u32 $0xFFFF0000, v15;
	v53 =	vld [tilespmem:s12+$0x30];
	v52 =	vadd.f32 v48, v50  }
0x2a8: {  	v15 =	vmul.f32 v15, v8  }
0x2a9: {  	v16 =	vand.u32 $0xFFFF0000, v35;
	v54 =	vand.u32 $0xFFFF0000, v37;
	v14 =	vadd.f32 v52, v17  }
0x2aa: {  	v16 =	vmul.f32 v16, v6;
	v15 =	vadd.f32 v51, v15;
	v17 =	vmul.f32 v54, v10  }
0x2ab: {  	v55 =	vand.u32 $0xFFFF0000, v40;
	[tilespmem:s14+$0x30] =	vst v14  }
0x2ac: {  	v15 =	vadd.f32 v15, v16;
	v57 =	vadd.f32 v53, v17;
	v14 =	vmul.f32 v55, v9;
	v56 =	vld [tilespmem:s29+$0xC340]  }
0x2ad: {  	v58 =	vld [tilespmem:s29+$0x12340]  }
0x2ae: {  	v59 =	vld [tilespmem:s8+$0x440];
	[tilespmem:s0+$0x30] =	vst v15;
	v14 =	vadd.f32 v57, v14  }
0x2af: {  	v15 =	vld [tilespmem:s15+$0xC340]  }
0x2b0: {  	v60 =	vld [tilespmem:s15+$0x12340];
	[tilespmem:s12+$0x30] =	vst v14  }
0x2b1: {  	v62 =	vld [tilespmem:s13+$0xC340];
	v61 =	vshll.u32 v56, $0x10  }
0x2b2: {  	v63 =	vld [tilespmem:s9+$0x440];
	v14 =	vmul.f32 v61, v7  }
0x2b3: {  	v29 =	vld [tilespmem:s13+$0x12340];
	v28 =	vshll.u32 v58, $0x10  }
0x2b4: {  	v32 =	vld [tilespmem:s11+$0x440];
	v30 =	vmul.f32 v28, v5;
	v31 =	vshll.u32 v15, $0x10;
	v14 =	vadd.f32 v14, v59  }
0x2b5: {  	v22 =	vmul.f32 v31, v8  }
0x2b6: {  	v33 =	vshll.u32 v60, $0x10;
	v34 =	vshll.u32 v62, $0x10;
	v14 =	vadd.f32 v30, v14  }
0x2b7: {  	v18 =	vmul.f32 v33, v6;
	v21 =	vadd.f32 v22, v63;
	v35 =	vmul.f32 v34, v10  }
0x2b8: {  	v36 =	vshll.u32 v29, $0x10;
	[tilespmem:s8+$0x440] =	vst v14  }
0x2b9: {  	v18 =	vadd.f32 v18, v21;
	v38 =	vadd.f32 v35, v32;
	v14 =	vmul.f32 v36, v9;
	v37 =	vld [tilespmem:s14+$0x40];
	_ =	sdelay $0x1  }
0x2ba: {  	v19 =	vand.u32 $0xFFFF0000, v56;
	[tilespmem:s9+$0x440] =	vst v18;
	v14 =	vadd.f32 v14, v38  }
0x2bb: {  	v39 =	vmul.f32 v19, v7;
	v40 =	vld [tilespmem:s0+$0x40]  }
0x2bc: {  	v17 =	vand.u32 $0xFFFF0000, v58;
	[tilespmem:s11+$0x440] =	vst v14  }
0x2bd: {  	v17 =	vmul.f32 v17, v5;
	v15 =	vand.u32 $0xFFFF0000, v15;
	v42 =	vld [tilespmem:s12+$0x40];
	v41 =	vadd.f32 v37, v39  }
0x2be: {  	v15 =	vmul.f32 v15, v8  }
0x2bf: {  	v16 =	vand.u32 $0xFFFF0000, v60;
	v43 =	vand.u32 $0xFFFF0000, v62;
	v14 =	vadd.f32 v41, v17  }
0x2c0: {  	v16 =	vmul.f32 v16, v6;
	v15 =	vadd.f32 v40, v15;
	v17 =	vmul.f32 v43, v10  }
0x2c1: {  	v44 =	vand.u32 $0xFFFF0000, v29;
	[tilespmem:s14+$0x40] =	vst v14  }
0x2c2: {  	v15 =	vadd.f32 v15, v16;
	v46 =	vadd.f32 v42, v17;
	v14 =	vmul.f32 v44, v9;
	v45 =	vld [tilespmem:s29+$0xC350]  }
0x2c3: {  	v47 =	vld [tilespmem:s29+$0x12350]  }
0x2c4: {  	v48 =	vld [tilespmem:s8+$0x450];
	[tilespmem:s0+$0x40] =	vst v15;
	v14 =	vadd.f32 v46, v14  }
0x2c5: {  	v15 =	vld [tilespmem:s15+$0xC350]  }
0x2c6: {  	v49 =	vld [tilespmem:s15+$0x12350];
	[tilespmem:s12+$0x40] =	vst v14  }
0x2c7: {  	v51 =	vld [tilespmem:s13+$0xC350];
	v50 =	vshll.u32 v45, $0x10  }
0x2c8: {  	v52 =	vld [tilespmem:s9+$0x450];
	v14 =	vmul.f32 v50, v7  }
0x2c9: {  	v54 =	vld [tilespmem:s13+$0x12350];
	v53 =	vshll.u32 v47, $0x10  }
0x2ca: {  	v57 =	vld [tilespmem:s11+$0x450];
	v55 =	vmul.f32 v53, v5;
	v56 =	vshll.u32 v15, $0x10;
	v14 =	vadd.f32 v14, v48  }
0x2cb: {  	v12 =	vand.u32 $0xFFFF0000, v12;
	v22 =	vmul.f32 v56, v8  }
0x2cc: {  	v58 =	vshll.u32 v49, $0x10;
	v59 =	vshll.u32 v51, $0x10;
	v14 =	vadd.f32 v55, v14  }
0x2cd: {  	v18 =	vmul.f32 v58, v6;
	v21 =	vadd.f32 v22, v52;
	v60 =	vmul.f32 v59, v10  }
0x2ce: {  	v11 =	vand.u32 $0xFFFF0000, v11;
	v12 =	vmul.f32 v12, v4;
	v61 =	vshll.u32 v54, $0x10;
	[tilespmem:s8+$0x450] =	vst v14  }
0x2cf: {  	v18 =	vadd.f32 v18, v21;
	v63 =	vadd.f32 v60, v57;
	v14 =	vmul.f32 v61, v9;
	v62 =	vld [tilespmem:s14+$0x50]  }
0x2d0: {  	v11 =	vmul.f32 v11, v3  }
0x2d1: {  	v12 =	vadd.f32 v13, v12;
	v22 =	vand.u32 $0xFFFF0000, v45;
	[tilespmem:s9+$0x450] =	vst v18;
	v14 =	vadd.f32 v14, v63  }
0x2d2: {  	v24 =	vmul.f32 v22, v7;
	v26 =	vld [tilespmem:s0+$0x50]  }
0x2d3: {  	v11 =	vadd.f32 v12, v11;
	v17 =	vand.u32 $0xFFFF0000, v47;
	[tilespmem:s11+$0x450] =	vst v14  }
0x2d4: {  	v28 =	vmul.f32 v17, v5;
	v29 =	vand.u32 $0xFFFF0000, v15;
	v30 =	vld [tilespmem:s12+$0x50];
	v27 =	vadd.f32 v62, v24  }
0x2d5: {  	[tilespmem:s28+$0x50] =	vst v11;
	v14 =	vmul.f32 v29, v8  }
0x2d6: {  	v31 =	vld [tilespmem:s7+$0xC360];
	v32 =	vand.u32 $0xFFFF0000, v49;
	v33 =	vand.u32 $0xFFFF0000, v51;
	v11 =	vadd.f32 v27, v28  }
0x2d7: {  	v34 =	vld [tilespmem:s7+$0x12360];
	v12 =	vmul.f32 v32, v6;
	v35 =	vmul.f32 v33, v10;
	v13 =	vadd.f32 v26, v14  }
0x2d8: {  	v36 =	vld [tilespmem:s23+$0x460];
	v37 =	vand.u32 $0xFFFF0000, v54;
	[tilespmem:s14+$0x50] =	vst v11  }
0x2d9: {  	v12 =	vadd.f32 v13, v12;
	v39 =	vadd.f32 v30, v35;
	v11 =	vmul.f32 v37, v9;
	v38 =	vld [tilespmem:s29+$0xC360]  }
0x2da: {  	v41 =	vld [tilespmem:s29+$0x12360]  }
0x2db: {  	v40 =	vshll.u32 v31, $0x10;
	v42 =	vld [tilespmem:s8+$0x460];
	[tilespmem:s0+$0x50] =	vst v12;
	v11 =	vadd.f32 v39, v11  }
0x2dc: {  	v14 =	vmul.f32 v40, v4;
	v44 =	vld [tilespmem:s15+$0xC360]  }
0x2dd: {  	v43 =	vshll.u32 v34, $0x10;
	v45 =	vld [tilespmem:s15+$0x12360];
	[tilespmem:s12+$0x50] =	vst v11  }
0x2de: {  	v14 =	vadd.f32 v14, v36;
	v12 =	vmul.f32 v43, v3;
	v47 =	vld [tilespmem:s13+$0xC360];
	v46 =	vshll.u32 v38, $0x10  }
0x2df: {  	v48 =	vld [tilespmem:s9+$0x460];
	v11 =	vmul.f32 v46, v7  }
0x2e0: {  	v12 =	vadd.f32 v12, v14;
	v50 =	vld [tilespmem:s13+$0x12360];
	v49 =	vshll.u32 v41, $0x10  }
0x2e1: {  	v53 =	vld [tilespmem:s11+$0x460];
	v51 =	vmul.f32 v49, v5;
	v52 =	vshll.u32 v44, $0x10;
	v11 =	vadd.f32 v11, v42  }
0x2e2: {  	v17 =	vand.u32 $0xFFFF0000, v31;
	[tilespmem:s23+$0x460] =	vst v12;
	v20 =	vmul.f32 v52, v8  }
0x2e3: {  	v54 =	vld [tilespmem:s28+$0x60];
	v55 =	vshll.u32 v45, $0x10;
	v56 =	vshll.u32 v47, $0x10;
	v11 =	vadd.f32 v51, v11  }
0x2e4: {  	v12 =	vmul.f32 v55, v6;
	v14 =	vadd.f32 v20, v48;
	v57 =	vmul.f32 v56, v10  }
0x2e5: {  	v17 =	vmul.f32 v17, v4;
	v18 =	vand.u32 $0xFFFF0000, v34;
	v58 =	vshll.u32 v50, $0x10;
	[tilespmem:s8+$0x460] =	vst v11  }
0x2e6: {  	v12 =	vadd.f32 v12, v14;
	v60 =	vadd.f32 v57, v53;
	v11 =	vmul.f32 v58, v9;
	v59 =	vld [tilespmem:s14+$0x60]  }
0x2e7: {  	v18 =	vmul.f32 v18, v3  }
0x2e8: {  	v19 =	vand.u32 $0xFFFF0000, v38;
	v17 =	vadd.f32 v54, v17;
	[tilespmem:s9+$0x460] =	vst v12;
	v11 =	vadd.f32 v11, v60  }
0x2e9: {  	v62 =	vmul.f32 v19, v7;
	v63 =	vld [tilespmem:s0+$0x60]  }
0x2ea: {  	v15 =	vand.u32 $0xFFFF0000, v41;
	v61 =	vadd.f32 v17, v18;
	[tilespmem:s11+$0x460] =	vst v11  }
0x2eb: {  	v24 =	vmul.f32 v15, v5;
	v13 =	vand.u32 $0xFFFF0000, v44;
	v25 =	vld [tilespmem:s12+$0x60];
	v22 =	vadd.f32 v59, v62  }
0x2ec: {  	v13 =	vmul.f32 v13, v8;
	[tilespmem:s28+$0x60] =	vst v61  }
0x2ed: {  	v27 =	vand.u32 $0xFFFF0000, v45;
	v28 =	vand.u32 $0xFFFF0000, v47;
	v26 =	vld [tilespmem:s7+$0xC370];
	v11 =	vadd.f32 v22, v24  }
0x2ee: {  	v16 =	vmul.f32 v28, v10;
	v12 =	vmul.f32 v27, v6;
	v29 =	vld [tilespmem:s7+$0x12370];
	v13 =	vadd.f32 v63, v13  }
0x2ef: {  	v31 =	vand.u32 $0xFFFF0000, v50;
	v30 =	vld [tilespmem:s23+$0x470];
	[tilespmem:s14+$0x60] =	vst v11  }
0x2f0: {  	v12 =	vadd.f32 v13, v12;
	v33 =	vadd.f32 v25, v16;
	v11 =	vmul.f32 v31, v9;
	v32 =	vld [tilespmem:s29+$0xC370]  }
0x2f1: {  	v34 =	vld [tilespmem:s29+$0x12370]  }
0x2f2: {  	v35 =	vshll.u32 v26, $0x10;
	v36 =	vld [tilespmem:s8+$0x470];
	[tilespmem:s0+$0x60] =	vst v12;
	v11 =	vadd.f32 v33, v11  }
0x2f3: {  	v16 =	vmul.f32 v35, v4;
	v38 =	vld [tilespmem:s15+$0xC370]  }
0x2f4: {  	v37 =	vshll.u32 v29, $0x10;
	v39 =	vld [tilespmem:s15+$0x12370];
	[tilespmem:s12+$0x60] =	vst v11  }
0x2f5: {  	v16 =	vadd.f32 v16, v30;
	v12 =	vmul.f32 v37, v3;
	v41 =	vld [tilespmem:s13+$0xC370];
	v40 =	vshll.u32 v32, $0x10  }
0x2f6: {  	v42 =	vld [tilespmem:s9+$0x470];
	v11 =	vmul.f32 v40, v7  }
0x2f7: {  	v12 =	vadd.f32 v12, v16;
	v43 =	vld [tilespmem:s13+$0x12370];
	v44 =	vshll.u32 v34, $0x10  }
0x2f8: {  	v47 =	vld [tilespmem:s11+$0x470];
	v45 =	vmul.f32 v44, v5;
	v46 =	vshll.u32 v38, $0x10;
	v11 =	vadd.f32 v11, v36  }
0x2f9: {  	v15 =	vand.u32 $0xFFFF0000, v26;
	[tilespmem:s23+$0x470] =	vst v12;
	v20 =	vmul.f32 v46, v8  }
0x2fa: {  	v48 =	vld [tilespmem:s28+$0x70];
	v49 =	vshll.u32 v39, $0x10;
	v50 =	vshll.u32 v41, $0x10;
	v11 =	vadd.f32 v45, v11  }
0x2fb: {  	v12 =	vmul.f32 v49, v6;
	v16 =	vadd.f32 v20, v42;
	v51 =	vmul.f32 v50, v10  }
0x2fc: {  	v18 =	vand.u32 $0xFFFF0000, v29;
	v15 =	vmul.f32 v15, v4;
	v52 =	vshll.u32 v43, $0x10;
	[tilespmem:s8+$0x470] =	vst v11  }
0x2fd: {  	v12 =	vadd.f32 v12, v16;
	v54 =	vadd.f32 v51, v47;
	v11 =	vmul.f32 v52, v9;
	v53 =	vld [tilespmem:s14+$0x70]  }
0x2fe: {  	v18 =	vmul.f32 v18, v3  }
0x2ff: {  	v19 =	vand.u32 $0xFFFF0000, v32;
	v15 =	vadd.f32 v48, v15;
	[tilespmem:s9+$0x470] =	vst v12;
	v11 =	vadd.f32 v11, v54  }
0x300: {  	v56 =	vmul.f32 v19, v7;
	v57 =	vld [tilespmem:s0+$0x70]  }
0x301: {  	v14 =	vand.u32 $0xFFFF0000, v34;
	v55 =	vadd.f32 v15, v18;
	[tilespmem:s11+$0x470] =	vst v11  }
0x302: {  	s13 =	sadd.s32 $0x800, s26;
	v59 =	vmul.f32 v14, v5;
	v13 =	vand.u32 $0xFFFF0000, v38;
	v60 =	vld [tilespmem:s12+$0x70];
	v58 =	vadd.f32 v53, v56  }
0x303: {  	s23 =	sor.u32 s24, s13;
	v13 =	vmul.f32 v13, v8;
	[tilespmem:s28+$0x70] =	vst v55  }
0x304: {  	s31 =	sadd.s32 $0xB00, s25;
	v62 =	vand.u32 $0xFFFF0000, v39;
	v17 =	vand.u32 $0xFFFF0000, v41;
	v61 =	vld [tilespmem:s23+$0xC300];
	v11 =	vadd.f32 v58, v59  }
0x305: {  	v28 =	vmul.f32 v17, v10;
	s8 =	sadd.s32 s24, s31;
	v12 =	vmul.f32 v62, v6;
	v63 =	vld [tilespmem:s23+$0x12300];
	v13 =	vadd.f32 v57, v13  }
0x306: {  	v30 =	vand.u32 $0xFFFF0000, v43;
	s9 =	sor.u32 s4, s13;
	v29 =	vld [tilespmem:s8+$0x0];
	[tilespmem:s14+$0x70] =	vst v11  }
0x307: {  	v12 =	vadd.f32 v13, v12;
	v32 =	vadd.f32 v60, v28;
	v11 =	vmul.f32 v30, v9;
	v31 =	vld [tilespmem:s9+$0xC300]  }
0x308: {  	s11 =	sadd.s32 s4, s31;
	v34 =	vld [tilespmem:s9+$0x12300]  }
0x309: {  	v33 =	vshll.u32 v61, $0x10;
	s14 =	sor.u32 s5, s13;
	v35 =	vld [tilespmem:s11+$0x0];
	[tilespmem:s0+$0x70] =	vst v12;
	v11 =	vadd.f32 v32, v11  }
0x30a: {  	v14 =	vmul.f32 v33, v4;
	v37 =	vld [tilespmem:s14+$0xC300]  }
0x30b: {  	s26 =	sor.u32 s6, s13;
	v36 =	vshll.u32 v63, $0x10;
	v38 =	vld [tilespmem:s14+$0x12300];
	[tilespmem:s12+$0x70] =	vst v11  }
0x30c: {  	s15 =	sadd.s32 s5, s31;
	v14 =	vadd.f32 v14, v29;
	v12 =	vmul.f32 v36, v3;
	v40 =	vld [tilespmem:s26+$0xC300];
	v39 =	vshll.u32 v31, $0x10  }
0x30d: {  	v41 =	vld [tilespmem:s15+$0x0];
	v11 =	vmul.f32 v39, v7  }
0x30e: {  	s30 =	sadd.s32 s6, s31;
	v12 =	vadd.f32 v12, v14;
	v43 =	vld [tilespmem:s26+$0x12300];
	v42 =	vshll.u32 v34, $0x10  }
0x30f: {  	s29 =	sadd.s32 $0x1700, s25;
	v46 =	vld [tilespmem:s30+$0x0];
	v44 =	vmul.f32 v42, v5;
	v45 =	vshll.u32 v37, $0x10;
	v11 =	vadd.f32 v11, v35  }
0x310: {  	s31 =	sadd.s32 s24, s29;
	v15 =	vand.u32 $0xFFFF0000, v61;
	[tilespmem:s8+$0x0] =	vst v12;
	v20 =	vmul.f32 v45, v8  }
0x311: {  	v47 =	vld [tilespmem:s31+$0x0];
	v48 =	vshll.u32 v38, $0x10;
	v49 =	vshll.u32 v40, $0x10;
	v11 =	vadd.f32 v44, v11  }
0x312: {  	v12 =	vmul.f32 v48, v6;
	v14 =	vadd.f32 v20, v41;
	v50 =	vmul.f32 v49, v10  }
0x313: {  	s4 =	sadd.s32 s4, s29;
	v18 =	vand.u32 $0xFFFF0000, v63;
	v15 =	vmul.f32 v15, v4;
	v51 =	vshll.u32 v43, $0x10;
	[tilespmem:s11+$0x0] =	vst v11  }
0x314: {  	v12 =	vadd.f32 v12, v14;
	v53 =	vadd.f32 v50, v46;
	v11 =	vmul.f32 v51, v9;
	v52 =	vld [tilespmem:s4+$0x0]  }
0x315: {  	v18 =	vmul.f32 v18, v3  }
0x316: {  	s5 =	sadd.s32 s5, s29;
	v19 =	vand.u32 $0xFFFF0000, v31;
	v15 =	vadd.f32 v47, v15;
	[tilespmem:s15+$0x0] =	vst v12;
	v11 =	vadd.f32 v11, v53  }
0x317: {  	v55 =	vmul.f32 v19, v7;
	v56 =	vld [tilespmem:s5+$0x0]  }
0x318: {  	s6 =	sadd.s32 s6, s29;
	v16 =	vand.u32 $0xFFFF0000, v34;
	v54 =	vadd.f32 v15, v18;
	[tilespmem:s30+$0x0] =	vst v11  }
0x319: {  	v58 =	vmul.f32 v16, v5;
	v13 =	vand.u32 $0xFFFF0000, v37;
	v59 =	vld [tilespmem:s6+$0x0];
	v57 =	vadd.f32 v52, v55  }
0x31a: {  	v13 =	vmul.f32 v13, v8;
	[tilespmem:s31+$0x0] =	vst v54  }
0x31b: {  	v61 =	vand.u32 $0xFFFF0000, v38;
	v62 =	vand.u32 $0xFFFF0000, v40;
	v60 =	vld [tilespmem:s23+$0xC310];
	v11 =	vadd.f32 v57, v58  }
0x31c: {  	v28 =	vmul.f32 v62, v10;
	v12 =	vmul.f32 v61, v6;
	v63 =	vld [tilespmem:s23+$0x12310];
	v13 =	vadd.f32 v56, v13  }
0x31d: {  	v30 =	vand.u32 $0xFFFF0000, v43;
	v29 =	vld [tilespmem:s8+$0x10];
	[tilespmem:s4+$0x0] =	vst v11  }
0x31e: {  	v12 =	vadd.f32 v13, v12;
	v32 =	vadd.f32 v59, v28;
	v11 =	vmul.f32 v30, v9;
	v31 =	vld [tilespmem:s9+$0xC310]  }
0x31f: {  	v34 =	vld [tilespmem:s9+$0x12310]  }
0x320: {  	v33 =	vshll.u32 v60, $0x10;
	v35 =	vld [tilespmem:s11+$0x10];
	[tilespmem:s5+$0x0] =	vst v12;
	v11 =	vadd.f32 v32, v11  }
0x321: {  	v14 =	vmul.f32 v33, v4;
	v37 =	vld [tilespmem:s14+$0xC310]  }
0x322: {  	v36 =	vshll.u32 v63, $0x10;
	v38 =	vld [tilespmem:s14+$0x12310];
	[tilespmem:s6+$0x0] =	vst v11  }
0x323: {  	v14 =	vadd.f32 v14, v29;
	v12 =	vmul.f32 v36, v3;
	v40 =	vld [tilespmem:s26+$0xC310];
	v39 =	vshll.u32 v31, $0x10  }
0x324: {  	v41 =	vld [tilespmem:s15+$0x10];
	v11 =	vmul.f32 v39, v7  }
0x325: {  	v12 =	vadd.f32 v12, v14;
	v43 =	vld [tilespmem:s26+$0x12310];
	v42 =	vshll.u32 v34, $0x10  }
0x326: {  	v46 =	vld [tilespmem:s30+$0x10];
	v44 =	vmul.f32 v42, v5;
	v45 =	vshll.u32 v37, $0x10;
	v11 =	vadd.f32 v11, v35  }
0x327: {  	v16 =	vand.u32 $0xFFFF0000, v60;
	[tilespmem:s8+$0x10] =	vst v12;
	v20 =	vmul.f32 v45, v8  }
0x328: {  	v47 =	vld [tilespmem:s31+$0x10];
	v48 =	vshll.u32 v38, $0x10;
	v49 =	vshll.u32 v40, $0x10;
	v11 =	vadd.f32 v44, v11  }
0x329: {  	v12 =	vmul.f32 v48, v6;
	v14 =	vadd.f32 v20, v41;
	v50 =	vmul.f32 v49, v10  }
0x32a: {  	v18 =	vand.u32 $0xFFFF0000, v63;
	v16 =	vmul.f32 v16, v4;
	v51 =	vshll.u32 v43, $0x10;
	[tilespmem:s11+$0x10] =	vst v11  }
0x32b: {  	v12 =	vadd.f32 v12, v14;
	v53 =	vadd.f32 v50, v46;
	v11 =	vmul.f32 v51, v9;
	v52 =	vld [tilespmem:s4+$0x10]  }
0x32c: {  	v18 =	vmul.f32 v18, v3  }
0x32d: {  	v19 =	vand.u32 $0xFFFF0000, v31;
	v16 =	vadd.f32 v47, v16;
	[tilespmem:s15+$0x10] =	vst v12;
	v11 =	vadd.f32 v11, v53  }
0x32e: {  	v55 =	vmul.f32 v19, v7;
	v56 =	vld [tilespmem:s5+$0x10]  }
0x32f: {  	v15 =	vand.u32 $0xFFFF0000, v34;
	v54 =	vadd.f32 v16, v18;
	[tilespmem:s30+$0x10] =	vst v11  }
0x330: {  	v58 =	vmul.f32 v15, v5;
	v13 =	vand.u32 $0xFFFF0000, v37;
	v59 =	vld [tilespmem:s6+$0x10];
	v57 =	vadd.f32 v52, v55  }
0x331: {  	v13 =	vmul.f32 v13, v8;
	[tilespmem:s31+$0x10] =	vst v54  }
0x332: {  	v61 =	vand.u32 $0xFFFF0000, v38;
	v62 =	vand.u32 $0xFFFF0000, v40;
	v60 =	vld [tilespmem:s23+$0xC320];
	v11 =	vadd.f32 v57, v58  }
0x333: {  	v28 =	vmul.f32 v62, v10;
	v12 =	vmul.f32 v61, v6;
	v63 =	vld [tilespmem:s23+$0x12320];
	v13 =	vadd.f32 v56, v13  }
0x334: {  	v30 =	vand.u32 $0xFFFF0000, v43;
	v29 =	vld [tilespmem:s8+$0x20];
	[tilespmem:s4+$0x10] =	vst v11  }
0x335: {  	v12 =	vadd.f32 v13, v12;
	v32 =	vadd.f32 v59, v28;
	v11 =	vmul.f32 v30, v9;
	v31 =	vld [tilespmem:s9+$0xC320]  }
0x336: {  	v34 =	vld [tilespmem:s9+$0x12320]  }
0x337: {  	v33 =	vshll.u32 v60, $0x10;
	v35 =	vld [tilespmem:s11+$0x20];
	[tilespmem:s5+$0x10] =	vst v12;
	v11 =	vadd.f32 v32, v11  }
0x338: {  	v14 =	vmul.f32 v33, v4;
	v37 =	vld [tilespmem:s14+$0xC320]  }
0x339: {  	v36 =	vshll.u32 v63, $0x10;
	v38 =	vld [tilespmem:s14+$0x12320];
	[tilespmem:s6+$0x10] =	vst v11  }
0x33a: {  	v14 =	vadd.f32 v14, v29;
	v12 =	vmul.f32 v36, v3;
	v40 =	vld [tilespmem:s26+$0xC320];
	v39 =	vshll.u32 v31, $0x10  }
0x33b: {  	v41 =	vld [tilespmem:s15+$0x20];
	v11 =	vmul.f32 v39, v7  }
0x33c: {  	v12 =	vadd.f32 v12, v14;
	v43 =	vld [tilespmem:s26+$0x12320];
	v42 =	vshll.u32 v34, $0x10  }
0x33d: {  	v46 =	vld [tilespmem:s30+$0x20];
	v44 =	vmul.f32 v42, v5;
	v45 =	vshll.u32 v37, $0x10;
	v11 =	vadd.f32 v11, v35  }
0x33e: {  	v15 =	vand.u32 $0xFFFF0000, v60;
	[tilespmem:s8+$0x20] =	vst v12;
	v20 =	vmul.f32 v45, v8  }
0x33f: {  	v47 =	vld [tilespmem:s31+$0x20];
	v48 =	vshll.u32 v38, $0x10;
	v49 =	vshll.u32 v40, $0x10;
	v11 =	vadd.f32 v44, v11  }
0x340: {  	v12 =	vmul.f32 v48, v6;
	v14 =	vadd.f32 v20, v41;
	v50 =	vmul.f32 v49, v10  }
0x341: {  	v18 =	vand.u32 $0xFFFF0000, v63;
	v15 =	vmul.f32 v15, v4;
	v51 =	vshll.u32 v43, $0x10;
	[tilespmem:s11+$0x20] =	vst v11  }
0x342: {  	v12 =	vadd.f32 v12, v14;
	v53 =	vadd.f32 v50, v46;
	v11 =	vmul.f32 v51, v9;
	v52 =	vld [tilespmem:s4+$0x20]  }
0x343: {  	v18 =	vmul.f32 v18, v3  }
0x344: {  	v19 =	vand.u32 $0xFFFF0000, v31;
	v15 =	vadd.f32 v47, v15;
	[tilespmem:s15+$0x20] =	vst v12;
	v11 =	vadd.f32 v11, v53  }
0x345: {  	v55 =	vmul.f32 v19, v7;
	v56 =	vld [tilespmem:s5+$0x20]  }
0x346: {  	v16 =	vand.u32 $0xFFFF0000, v34;
	v54 =	vadd.f32 v15, v18;
	[tilespmem:s30+$0x20] =	vst v11  }
0x347: {  	v58 =	vmul.f32 v16, v5;
	v13 =	vand.u32 $0xFFFF0000, v37;
	v59 =	vld [tilespmem:s6+$0x20];
	v57 =	vadd.f32 v52, v55  }
0x348: {  	v13 =	vmul.f32 v13, v8;
	[tilespmem:s31+$0x20] =	vst v54  }
0x349: {  	v61 =	vand.u32 $0xFFFF0000, v38;
	v62 =	vand.u32 $0xFFFF0000, v40;
	v60 =	vld [tilespmem:s23+$0xC330];
	v11 =	vadd.f32 v57, v58  }
0x34a: {  	v28 =	vmul.f32 v62, v10;
	v12 =	vmul.f32 v61, v6;
	v63 =	vld [tilespmem:s23+$0x12330];
	v13 =	vadd.f32 v56, v13  }
0x34b: {  	v30 =	vand.u32 $0xFFFF0000, v43;
	v29 =	vld [tilespmem:s8+$0x30];
	[tilespmem:s4+$0x20] =	vst v11  }
0x34c: {  	v12 =	vadd.f32 v13, v12;
	v32 =	vadd.f32 v59, v28;
	v11 =	vmul.f32 v30, v9;
	v31 =	vld [tilespmem:s9+$0xC330]  }
0x34d: {  	v34 =	vld [tilespmem:s9+$0x12330]  }
0x34e: {  	v33 =	vshll.u32 v60, $0x10;
	v35 =	vld [tilespmem:s11+$0x30];
	[tilespmem:s5+$0x20] =	vst v12;
	v11 =	vadd.f32 v32, v11  }
0x34f: {  	v14 =	vmul.f32 v33, v4;
	v37 =	vld [tilespmem:s14+$0xC330]  }
0x350: {  	v36 =	vshll.u32 v63, $0x10;
	v38 =	vld [tilespmem:s14+$0x12330];
	[tilespmem:s6+$0x20] =	vst v11  }
0x351: {  	v14 =	vadd.f32 v14, v29;
	v12 =	vmul.f32 v36, v3;
	v40 =	vld [tilespmem:s26+$0xC330];
	v39 =	vshll.u32 v31, $0x10  }
0x352: {  	v41 =	vld [tilespmem:s15+$0x30];
	v11 =	vmul.f32 v39, v7  }
0x353: {  	v12 =	vadd.f32 v12, v14;
	v43 =	vld [tilespmem:s26+$0x12330];
	v42 =	vshll.u32 v34, $0x10  }
0x354: {  	v46 =	vld [tilespmem:s30+$0x30];
	v44 =	vmul.f32 v42, v5;
	v45 =	vshll.u32 v37, $0x10;
	v11 =	vadd.f32 v11, v35  }
0x355: {  	v16 =	vand.u32 $0xFFFF0000, v60;
	[tilespmem:s8+$0x30] =	vst v12;
	v20 =	vmul.f32 v45, v8  }
0x356: {  	v47 =	vld [tilespmem:s31+$0x30];
	v48 =	vshll.u32 v38, $0x10;
	v49 =	vshll.u32 v40, $0x10;
	v11 =	vadd.f32 v44, v11  }
0x357: {  	v12 =	vmul.f32 v48, v6;
	v14 =	vadd.f32 v20, v41;
	v50 =	vmul.f32 v49, v10  }
0x358: {  	v18 =	vand.u32 $0xFFFF0000, v63;
	v16 =	vmul.f32 v16, v4;
	v51 =	vshll.u32 v43, $0x10;
	[tilespmem:s11+$0x30] =	vst v11  }
0x359: {  	v12 =	vadd.f32 v12, v14;
	v53 =	vadd.f32 v50, v46;
	v11 =	vmul.f32 v51, v9;
	v52 =	vld [tilespmem:s4+$0x30]  }
0x35a: {  	v18 =	vmul.f32 v18, v3  }
0x35b: {  	v19 =	vand.u32 $0xFFFF0000, v31;
	v16 =	vadd.f32 v47, v16;
	[tilespmem:s15+$0x30] =	vst v12;
	v11 =	vadd.f32 v11, v53  }
0x35c: {  	v55 =	vmul.f32 v19, v7;
	v56 =	vld [tilespmem:s5+$0x30]  }
0x35d: {  	v15 =	vand.u32 $0xFFFF0000, v34;
	v54 =	vadd.f32 v16, v18;
	[tilespmem:s30+$0x30] =	vst v11  }
0x35e: {  	v58 =	vmul.f32 v15, v5;
	v13 =	vand.u32 $0xFFFF0000, v37;
	v59 =	vld [tilespmem:s6+$0x30];
	v57 =	vadd.f32 v52, v55  }
0x35f: {  	v13 =	vmul.f32 v13, v8;
	[tilespmem:s31+$0x30] =	vst v54  }
0x360: {  	v61 =	vand.u32 $0xFFFF0000, v38;
	v62 =	vand.u32 $0xFFFF0000, v40;
	v60 =	vld [tilespmem:s23+$0xC340];
	v11 =	vadd.f32 v57, v58  }
0x361: {  	v28 =	vmul.f32 v62, v10;
	v12 =	vmul.f32 v61, v6;
	v63 =	vld [tilespmem:s23+$0x12340];
	v13 =	vadd.f32 v56, v13  }
0x362: {  	v30 =	vand.u32 $0xFFFF0000, v43;
	v29 =	vld [tilespmem:s8+$0x40];
	[tilespmem:s4+$0x30] =	vst v11  }
0x363: {  	v12 =	vadd.f32 v13, v12;
	v32 =	vadd.f32 v59, v28;
	v11 =	vmul.f32 v30, v9;
	v31 =	vld [tilespmem:s9+$0xC340]  }
0x364: {  	v34 =	vld [tilespmem:s9+$0x12340]  }
0x365: {  	v33 =	vshll.u32 v60, $0x10;
	v35 =	vld [tilespmem:s11+$0x40];
	[tilespmem:s5+$0x30] =	vst v12;
	v11 =	vadd.f32 v32, v11  }
0x366: {  	v14 =	vmul.f32 v33, v4;
	v37 =	vld [tilespmem:s14+$0xC340]  }
0x367: {  	v36 =	vshll.u32 v63, $0x10;
	v38 =	vld [tilespmem:s14+$0x12340];
	[tilespmem:s6+$0x30] =	vst v11  }
0x368: {  	v14 =	vadd.f32 v14, v29;
	v12 =	vmul.f32 v36, v3;
	v40 =	vld [tilespmem:s26+$0xC340];
	v39 =	vshll.u32 v31, $0x10  }
0x369: {  	v41 =	vld [tilespmem:s15+$0x40];
	v11 =	vmul.f32 v39, v7  }
0x36a: {  	v12 =	vadd.f32 v12, v14;
	v43 =	vld [tilespmem:s26+$0x12340];
	v42 =	vshll.u32 v34, $0x10  }
0x36b: {  	v46 =	vld [tilespmem:s30+$0x40];
	v44 =	vmul.f32 v42, v5;
	v45 =	vshll.u32 v37, $0x10;
	v11 =	vadd.f32 v11, v35  }
0x36c: {  	v15 =	vand.u32 $0xFFFF0000, v60;
	[tilespmem:s8+$0x40] =	vst v12;
	v20 =	vmul.f32 v45, v8  }
0x36d: {  	v47 =	vld [tilespmem:s31+$0x40];
	v48 =	vshll.u32 v38, $0x10;
	v49 =	vshll.u32 v40, $0x10;
	v11 =	vadd.f32 v44, v11  }
0x36e: {  	v12 =	vmul.f32 v48, v6;
	v14 =	vadd.f32 v20, v41;
	v50 =	vmul.f32 v49, v10  }
0x36f: {  	v18 =	vand.u32 $0xFFFF0000, v63;
	v15 =	vmul.f32 v15, v4;
	v51 =	vshll.u32 v43, $0x10;
	[tilespmem:s11+$0x40] =	vst v11  }
0x370: {  	v12 =	vadd.f32 v12, v14;
	v53 =	vadd.f32 v50, v46;
	v11 =	vmul.f32 v51, v9;
	v52 =	vld [tilespmem:s4+$0x40]  }
0x371: {  	v18 =	vmul.f32 v18, v3  }
0x372: {  	v19 =	vand.u32 $0xFFFF0000, v31;
	v15 =	vadd.f32 v47, v15;
	[tilespmem:s15+$0x40] =	vst v12;
	v11 =	vadd.f32 v11, v53  }
0x373: {  	v55 =	vmul.f32 v19, v7;
	v56 =	vld [tilespmem:s5+$0x40]  }
0x374: {  	v16 =	vand.u32 $0xFFFF0000, v34;
	v54 =	vadd.f32 v15, v18;
	[tilespmem:s30+$0x40] =	vst v11  }
0x375: {  	v58 =	vmul.f32 v16, v5;
	v13 =	vand.u32 $0xFFFF0000, v37;
	v59 =	vld [tilespmem:s6+$0x40];
	v57 =	vadd.f32 v52, v55  }
0x376: {  	v13 =	vmul.f32 v13, v8;
	[tilespmem:s31+$0x40] =	vst v54  }
0x377: {  	v61 =	vand.u32 $0xFFFF0000, v38;
	v62 =	vand.u32 $0xFFFF0000, v40;
	v60 =	vld [tilespmem:s23+$0xC350];
	v11 =	vadd.f32 v57, v58  }
0x378: {  	v28 =	vmul.f32 v62, v10;
	v12 =	vmul.f32 v61, v6;
	v63 =	vld [tilespmem:s23+$0x12350];
	v13 =	vadd.f32 v56, v13  }
0x379: {  	v30 =	vand.u32 $0xFFFF0000, v43;
	v29 =	vld [tilespmem:s8+$0x50];
	[tilespmem:s4+$0x40] =	vst v11  }
0x37a: {  	v12 =	vadd.f32 v13, v12;
	v32 =	vadd.f32 v59, v28;
	v11 =	vmul.f32 v30, v9;
	v31 =	vld [tilespmem:s9+$0xC350]  }
0x37b: {  	v34 =	vld [tilespmem:s9+$0x12350]  }
0x37c: {  	v33 =	vshll.u32 v60, $0x10;
	v35 =	vld [tilespmem:s11+$0x50];
	[tilespmem:s5+$0x40] =	vst v12;
	v11 =	vadd.f32 v32, v11  }
0x37d: {  	v14 =	vmul.f32 v33, v4;
	v37 =	vld [tilespmem:s14+$0xC350]  }
0x37e: {  	v36 =	vshll.u32 v63, $0x10;
	v38 =	vld [tilespmem:s14+$0x12350];
	[tilespmem:s6+$0x40] =	vst v11  }
0x37f: {  	v14 =	vadd.f32 v14, v29;
	v12 =	vmul.f32 v36, v3;
	v40 =	vld [tilespmem:s26+$0xC350];
	v39 =	vshll.u32 v31, $0x10  }
0x380: {  	v41 =	vld [tilespmem:s15+$0x50];
	v11 =	vmul.f32 v39, v7  }
0x381: {  	v12 =	vadd.f32 v12, v14;
	v43 =	vld [tilespmem:s26+$0x12350];
	v42 =	vshll.u32 v34, $0x10  }
0x382: {  	v46 =	vld [tilespmem:s30+$0x50];
	v44 =	vmul.f32 v42, v5;
	v45 =	vshll.u32 v37, $0x10;
	v11 =	vadd.f32 v11, v35  }
0x383: {  	v16 =	vand.u32 $0xFFFF0000, v60;
	[tilespmem:s8+$0x50] =	vst v12;
	v20 =	vmul.f32 v45, v8  }
0x384: {  	v47 =	vld [tilespmem:s31+$0x50];
	v48 =	vshll.u32 v38, $0x10;
	v49 =	vshll.u32 v40, $0x10;
	v11 =	vadd.f32 v44, v11  }
0x385: {  	v12 =	vmul.f32 v48, v6;
	v14 =	vadd.f32 v20, v41;
	v50 =	vmul.f32 v49, v10  }
0x386: {  	v18 =	vand.u32 $0xFFFF0000, v63;
	v16 =	vmul.f32 v16, v4;
	v51 =	vshll.u32 v43, $0x10;
	[tilespmem:s11+$0x50] =	vst v11  }
0x387: {  	v12 =	vadd.f32 v12, v14;
	v53 =	vadd.f32 v50, v46;
	v11 =	vmul.f32 v51, v9;
	v52 =	vld [tilespmem:s4+$0x50]  }
0x388: {  	v18 =	vmul.f32 v18, v3  }
0x389: {  	v19 =	vand.u32 $0xFFFF0000, v31;
	v16 =	vadd.f32 v47, v16;
	[tilespmem:s15+$0x50] =	vst v12;
	v11 =	vadd.f32 v11, v53  }
0x38a: {  	v55 =	vmul.f32 v19, v7;
	v56 =	vld [tilespmem:s5+$0x50]  }
0x38b: {  	v15 =	vand.u32 $0xFFFF0000, v34;
	v54 =	vadd.f32 v16, v18;
	[tilespmem:s30+$0x50] =	vst v11  }
0x38c: {  	v58 =	vmul.f32 v15, v5;
	v13 =	vand.u32 $0xFFFF0000, v37;
	v59 =	vld [tilespmem:s6+$0x50];
	v57 =	vadd.f32 v52, v55  }
0x38d: {  	v13 =	vmul.f32 v13, v8;
	[tilespmem:s31+$0x50] =	vst v54  }
0x38e: {  	v61 =	vand.u32 $0xFFFF0000, v38;
	v62 =	vand.u32 $0xFFFF0000, v40;
	v60 =	vld [tilespmem:s23+$0xC360];
	v11 =	vadd.f32 v57, v58  }
0x38f: {  	v26 =	vmul.f32 v62, v10;
	v12 =	vmul.f32 v61, v6;
	v63 =	vld [tilespmem:s23+$0x12360];
	v13 =	vadd.f32 v56, v13  }
0x390: {  	v28 =	vand.u32 $0xFFFF0000, v43;
	v27 =	vld [tilespmem:s8+$0x60];
	[tilespmem:s4+$0x50] =	vst v11  }
0x391: {  	v12 =	vadd.f32 v13, v12;
	v30 =	vadd.f32 v59, v26;
	v11 =	vmul.f32 v28, v9;
	v29 =	vld [tilespmem:s9+$0xC360]  }
0x392: {  	v32 =	vld [tilespmem:s9+$0x12360]  }
0x393: {  	v31 =	vshll.u32 v60, $0x10;
	v33 =	vld [tilespmem:s11+$0x60];
	[tilespmem:s5+$0x50] =	vst v12;
	v11 =	vadd.f32 v30, v11  }
0x394: {  	v14 =	vmul.f32 v31, v4;
	v35 =	vld [tilespmem:s14+$0xC360]  }
0x395: {  	v34 =	vshll.u32 v63, $0x10;
	v36 =	vld [tilespmem:s14+$0x12360];
	[tilespmem:s6+$0x50] =	vst v11  }
0x396: {  	v14 =	vadd.f32 v14, v27;
	v12 =	vmul.f32 v34, v3;
	v38 =	vld [tilespmem:s26+$0xC360];
	v37 =	vshll.u32 v29, $0x10  }
0x397: {  	v39 =	vld [tilespmem:s15+$0x60];
	v11 =	vmul.f32 v37, v7  }
0x398: {  	v12 =	vadd.f32 v12, v14;
	v41 =	vld [tilespmem:s26+$0x12360];
	v40 =	vshll.u32 v32, $0x10  }
0x399: {  	v44 =	vld [tilespmem:s30+$0x60];
	v42 =	vmul.f32 v40, v5;
	v43 =	vshll.u32 v35, $0x10;
	v11 =	vadd.f32 v11, v33  }
0x39a: {  	v15 =	vand.u32 $0xFFFF0000, v60;
	[tilespmem:s8+$0x60] =	vst v12;
	v20 =	vmul.f32 v43, v8  }
0x39b: {  	v45 =	vld [tilespmem:s31+$0x60];
	v46 =	vshll.u32 v36, $0x10;
	v47 =	vshll.u32 v38, $0x10;
	v11 =	vadd.f32 v42, v11  }
0x39c: {  	v12 =	vmul.f32 v46, v6;
	v14 =	vadd.f32 v20, v39;
	v48 =	vmul.f32 v47, v10  }
0x39d: {  	v18 =	vand.u32 $0xFFFF0000, v63;
	v15 =	vmul.f32 v15, v4;
	v49 =	vshll.u32 v41, $0x10;
	[tilespmem:s11+$0x60] =	vst v11  }
0x39e: {  	v12 =	vadd.f32 v12, v14;
	v51 =	vadd.f32 v48, v44;
	v11 =	vmul.f32 v49, v9;
	v50 =	vld [tilespmem:s4+$0x60]  }
0x39f: {  	v18 =	vmul.f32 v18, v3  }
0x3a0: {  	v19 =	vand.u32 $0xFFFF0000, v29;
	v15 =	vadd.f32 v45, v15;
	[tilespmem:s15+$0x60] =	vst v12;
	v11 =	vadd.f32 v11, v51  }
0x3a1: {  	v52 =	vmul.f32 v19, v7;
	v53 =	vld [tilespmem:s5+$0x60]  }
0x3a2: {  	v16 =	vand.u32 $0xFFFF0000, v32;
	v15 =	vadd.f32 v15, v18;
	[tilespmem:s30+$0x60] =	vst v11  }
0x3a3: {  	v55 =	vmul.f32 v16, v5;
	v13 =	vand.u32 $0xFFFF0000, v35;
	v56 =	vld [tilespmem:s6+$0x60];
	v54 =	vadd.f32 v50, v52  }
0x3a4: {  	v13 =	vmul.f32 v13, v8;
	[tilespmem:s31+$0x60] =	vst v15  }
0x3a5: {  	v57 =	vand.u32 $0xFFFF0000, v36;
	v58 =	vand.u32 $0xFFFF0000, v38;
	v15 =	vld [tilespmem:s23+$0xC370];
	v11 =	vadd.f32 v54, v55  }
0x3a6: {  	v60 =	vmul.f32 v58, v10;
	v12 =	vmul.f32 v57, v6;
	v59 =	vld [tilespmem:s23+$0x12370];
	v13 =	vadd.f32 v53, v13  }
0x3a7: {  	v62 =	vand.u32 $0xFFFF0000, v41;
	v61 =	vld [tilespmem:s8+$0x70];
	[tilespmem:s4+$0x60] =	vst v11  }
0x3a8: {  	v12 =	vadd.f32 v13, v12;
	v28 =	vadd.f32 v56, v60;
	v11 =	vmul.f32 v62, v9;
	v63 =	vld [tilespmem:s9+$0xC370]  }
0x3a9: {  	v29 =	vld [tilespmem:s9+$0x12370]  }
0x3aa: {  	v30 =	vld [tilespmem:s11+$0x70];
	[tilespmem:s5+$0x60] =	vst v12;
	v11 =	vadd.f32 v28, v11  }
0x3ab: {  	v32 =	vld [tilespmem:s14+$0xC370]  }
0x3ac: {  	v31 =	vshll.u32 v15, $0x10;
	v33 =	vld [tilespmem:s14+$0x12370];
	[tilespmem:s6+$0x60] =	vst v11  }
0x3ad: {  	v12 =	vmul.f32 v31, v4;
	v35 =	vld [tilespmem:s26+$0xC370]  }
0x3ae: {  	v34 =	vshll.u32 v59, $0x10;
	v38 =	vld [tilespmem:s26+$0x12370]  }
0x3af: {  	v37 =	vld [tilespmem:s15+$0x70];
	v12 =	vadd.f32 v12, v61;
	v11 =	vmul.f32 v34, v3;
	v36 =	vshll.u32 v63, $0x10  }
0x3b0: {  	v40 =	vld [tilespmem:s30+$0x70];
	v39 =	vshll.u32 v29, $0x10;
	v17 =	vmul.f32 v36, v7  }
0x3b1: {  	v11 =	vadd.f32 v11, v12;
	v12 =	vmul.f32 v39, v5;
	v41 =	vshll.u32 v32, $0x10  }
0x3b2: {  	v16 =	vadd.f32 v17, v30;
	v17 =	vmul.f32 v41, v8;
	v42 =	vshll.u32 v35, $0x10  }
0x3b3: {  	v44 =	vshll.u32 v33, $0x10;
	v47 =	vshll.u32 v38, $0x10;
	v45 =	vmul.f32 v42, v10  }
0x3b4: {  	v43 =	vadd.f32 v12, v16;
	v17 =	vadd.f32 v17, v37;
	v12 =	vmul.f32 v44, v6  }
0x3b5: {  	[tilespmem:s8+$0x70] =	vst v11;
	v49 =	vmul.f32 v47, v9;
	v48 =	vadd.f32 v45, v40  }
0x3b6: {  	v46 =	vld [tilespmem:s31+$0x70];
	[tilespmem:s11+$0x70] =	vst v43;
	v12 =	vadd.f32 v12, v17  }
0x3b7: {  	v50 =	vld [tilespmem:s4+$0x70];
	v11 =	vadd.f32 v49, v48  }
0x3b8: {  	v15 =	vand.u32 $0xFFFF0000, v15;
	[tilespmem:s15+$0x70] =	vst v12  }
0x3b9: {  	v51 =	vand.u32 $0xFFFF0000, v59;
	v4 =	vmul.f32 v15, v4;
	v52 =	vand.u32 $0xFFFF0000, v63;
	v53 =	vld [tilespmem:s5+$0x70];
	[tilespmem:s30+$0x70] =	vst v11  }
0x3ba: {  	v3 =	vmul.f32 v51, v3;
	v56 =	vand.u32 $0xFFFF0000, v29;
	v7 =	vmul.f32 v52, v7;
	v11 =	vld [tilespmem:s6+$0x70]  }
0x3bb: {  	v5 =	vmul.f32 v56, v5;
	v55 =	vand.u32 $0xFFFF0000, v32;
	v57 =	vand.u32 $0xFFFF0000, v35  }
0x3bc: {  	v4 =	vadd.f32 v46, v4;
	v54 =	vadd.f32 v50, v7;
	v7 =	vmul.f32 v55, v8  }
0x3bd: {  	v59 =	vand.u32 $0xFFFF0000, v33;
	v60 =	vand.u32 $0xFFFF0000, v38;
	v58 =	vmul.f32 v57, v10  }
0x3be: {  	p0 =	slt.u32 s22, $0x1C;
	v6 =	vmul.f32 v59, v6;
	v3 =	vadd.f32 v4, v3;
	v7 =	vadd.f32 v53, v7  }
.Ltmp0:
0x3bf: {  	v62 =	vmul.f32 v60, v9;
	v4 =	vadd.f32 v54, v5;
	v61 =	vadd.f32 v11, v58;
	(pc) =	sbr.rel @p0 .LBB2_2-.Ltmp0, $4  }
0x3c0: {  	[tilespmem:s31+$0x70] =	vst v3;
	v3 =	vadd.f32 v7, v6  }
0x3c1: {  	[tilespmem:s4+$0x70] =	vst v4;
	v63 =	vadd.f32 v61, v62  }
0x3c2: {  	[tilespmem:s5+$0x70] =	vst v3  }
0x3c3: {  	s22 =	sadd.s32 $0x4, s22;
	s21 =	sadd.s32 $0x200, s21;
	[tilespmem:s6+$0x70] =	vst v63  }
0x3c4: {  	s21 =	simm.s32 $0x0;
	s0 =	rddreg [dreg:$0xb];
	s4 =	simm.s32 $0x300  }
0x3c5: {  	[hbm4b:s0+s21] =	stream.linear.scatter [tilespmem:s4], [sflag:$0x7], $0x6000, $0x38;
	[tilespmem:$0x18300] =	vst v63  }
0x3c6: {  	_ =	swait.ge [sflag:s16], $0x6000  }
0x3c7: {  	[sflag:s16] =	ssyncset.done $0x0  }
0x3c8: {  	s31 =	simm.s32 $0x2;
	[sflag:s16] =	ssyncadd.s32 $0xFFFFA000  }
0x3c9: {  	_ =	swait.ge [sflag:s31], $0x3000  }
0x3ca: {  	[sflag:s31] =	ssyncset.done $0x0  }
0x3cb: {  	[sflag:s31] =	ssyncadd.s32 $0xFFFFD000  }
0x3cc: {  	_ =	swait.ge [sflag:s1], $0x3000  }
0x3cd: {  	[sflag:s1] =	ssyncset.done $0x0  }
0x3ce: {  	[sflag:s1] =	ssyncadd.s32 $0xFFFFD000  }
0x3cf: {  	_ =	swait.ge [sflag:s17], $0x6000  }
0x3d0: {  	[sflag:s17] =	ssyncset.done $0x0  }
0x3d1: {  	s0 =	simm.s32 $0xFFFFFFFC;
	[sflag:s17] =	ssyncadd.s32 $0xFFFFA000  }
.LBB2_4:
0x3d2: {  	s4 =	sadd.s32 $0x24, s0  }
0x3d3: {  	v3 =	vmov s4  }
0x3d4: {  	s22 =	sadd.s32 $0x4, s0;
	v3 =	vand.u32 $0xFFFFFFFC, v3  }
0x3d5: {  	s6 =	sshrl.u32 s22, $0x3;
	v3 =	vbroadcast v3, $0x0  }
0x3d6: {  	s26 =	smul.u32 $0xC00, s6  }
0x3d7: {  	s24 =	sand.u32 $0x200, s21;
	s4 =	smul.u32 $0x6000, s6  }
0x3d8: {  	s5 =	sor.u32 s24, s26  }
0x3d9: {  	s25 =	sshra.s32 s4, $0x2;
	v5 =	vld [tilespmem:s5+$0xF300]  }
0x3da: {  	s11 =	sadd.s32 $0x6300, s25;
	v6 =	vld [tilespmem:s5+$0x15300]  }
0x3db: {  	s23 =	sadd.s32 s24, s11;
	v4 =	vld.idx.msk [tilespmem:v3+s19+$0x0], $0xffff  }
0x3dc: {  	v7 =	vld [tilespmem:s23+$0x0]  }
0x3dd: {  	v3 =	vld.idx.msk [tilespmem:v3+s20+$0x0], $0xffff;
	_ =	sdelay $0x1  }
0x3de: {  	v8 =	vshll.u32 v5, $0x10  }
0x3df: {  	v8 =	vmul.f32 v8, v4  }
0x3e0: {  	v9 =	vshll.u32 v6, $0x10  }
0x3e1: {  	v16 =	vmul.f32 v9, v3;
	v7 =	vadd.f32 v8, v7;
	_ =	sdelay $0x1  }
0x3e2: {  	v7 =	vadd.f32 v16, v7  }
0x3e3: {  	s31 =	sadd.s32 $0x6F00, s25  }
0x3e4: {  	s7 =	sadd.s32 s24, s31;
	[tilespmem:s23+$0x0] =	vst v7  }
0x3e5: {  	v7 =	vld [tilespmem:s7+$0x0];
	_ =	sdelay $0x1  }
0x3e6: {  	v5 =	vand.u32 $0xFFFF0000, v5  }
0x3e7: {  	v5 =	vmul.f32 v5, v4  }
0x3e8: {  	v6 =	vand.u32 $0xFFFF0000, v6  }
0x3e9: {  	v6 =	vmul.f32 v6, v3;
	v5 =	vadd.f32 v7, v5;
	_ =	sdelay $0x1  }
0x3ea: {  	v5 =	vadd.f32 v5, v6;
	_ =	sdelay $0x1  }
0x3eb: {  	[tilespmem:s7+$0x0] =	vst v5  }
0x3ec: {  	v5 =	vld [tilespmem:s5+$0xF310];
	_ =	sdelay $0x1  }
0x3ed: {  	v17 =	vld [tilespmem:s5+$0x15310]  }
0x3ee: {  	v18 =	vld [tilespmem:s23+$0x10];
	_ =	sdelay $0x1  }
0x3ef: {  	v19 =	vshll.u32 v5, $0x10  }
0x3f0: {  	v8 =	vmul.f32 v19, v4  }
0x3f1: {  	v20 =	vshll.u32 v17, $0x10  }
0x3f2: {  	v21 =	vmul.f32 v20, v3;
	v7 =	vadd.f32 v8, v18;
	_ =	sdelay $0x1  }
0x3f3: {  	v7 =	vadd.f32 v21, v7;
	_ =	sdelay $0x1  }
0x3f4: {  	[tilespmem:s23+$0x10] =	vst v7  }
0x3f5: {  	v7 =	vld [tilespmem:s7+$0x10];
	_ =	sdelay $0x1  }
0x3f6: {  	v5 =	vand.u32 $0xFFFF0000, v5  }
0x3f7: {  	v5 =	vmul.f32 v5, v4  }
0x3f8: {  	v6 =	vand.u32 $0xFFFF0000, v17  }
0x3f9: {  	v6 =	vmul.f32 v6, v3;
	v5 =	vadd.f32 v7, v5;
	_ =	sdelay $0x1  }
0x3fa: {  	v5 =	vadd.f32 v5, v6;
	_ =	sdelay $0x1  }
0x3fb: {  	[tilespmem:s7+$0x10] =	vst v5  }
0x3fc: {  	v5 =	vld [tilespmem:s5+$0xF320];
	_ =	sdelay $0x1  }
0x3fd: {  	v22 =	vld [tilespmem:s5+$0x15320]  }
0x3fe: {  	v23 =	vld [tilespmem:s23+$0x20];
	_ =	sdelay $0x1  }
0x3ff: {  	v24 =	vshll.u32 v5, $0x10  }
0x400: {  	v8 =	vmul.f32 v24, v4  }
0x401: {  	v25 =	vshll.u32 v22, $0x10  }
0x402: {  	v26 =	vmul.f32 v25, v3;
	v7 =	vadd.f32 v8, v23;
	_ =	sdelay $0x1  }
0x403: {  	v7 =	vadd.f32 v26, v7;
	_ =	sdelay $0x1  }
0x404: {  	[tilespmem:s23+$0x20] =	vst v7  }
0x405: {  	v7 =	vld [tilespmem:s7+$0x20];
	_ =	sdelay $0x1  }
0x406: {  	v5 =	vand.u32 $0xFFFF0000, v5  }
0x407: {  	v5 =	vmul.f32 v5, v4  }
0x408: {  	v6 =	vand.u32 $0xFFFF0000, v22  }
0x409: {  	v6 =	vmul.f32 v6, v3;
	v5 =	vadd.f32 v7, v5;
	_ =	sdelay $0x1  }
0x40a: {  	v5 =	vadd.f32 v5, v6;
	_ =	sdelay $0x1  }
0x40b: {  	[tilespmem:s7+$0x20] =	vst v5  }
0x40c: {  	v5 =	vld [tilespmem:s5+$0xF330];
	_ =	sdelay $0x1  }
0x40d: {  	v27 =	vld [tilespmem:s5+$0x15330]  }
0x40e: {  	v28 =	vld [tilespmem:s23+$0x30];
	_ =	sdelay $0x1  }
0x40f: {  	v29 =	vshll.u32 v5, $0x10  }
0x410: {  	v8 =	vmul.f32 v29, v4  }
0x411: {  	v30 =	vshll.u32 v27, $0x10  }
0x412: {  	v31 =	vmul.f32 v30, v3;
	v7 =	vadd.f32 v8, v28;
	_ =	sdelay $0x1  }
0x413: {  	v7 =	vadd.f32 v31, v7;
	_ =	sdelay $0x1  }
0x414: {  	[tilespmem:s23+$0x30] =	vst v7  }
0x415: {  	v7 =	vld [tilespmem:s7+$0x30];
	_ =	sdelay $0x1  }
0x416: {  	v5 =	vand.u32 $0xFFFF0000, v5  }
0x417: {  	v5 =	vmul.f32 v5, v4  }
0x418: {  	v6 =	vand.u32 $0xFFFF0000, v27  }
0x419: {  	v6 =	vmul.f32 v6, v3;
	v5 =	vadd.f32 v7, v5;
	_ =	sdelay $0x1  }
0x41a: {  	v5 =	vadd.f32 v5, v6;
	_ =	sdelay $0x1  }
0x41b: {  	[tilespmem:s7+$0x30] =	vst v5  }
0x41c: {  	v5 =	vld [tilespmem:s5+$0xF340];
	_ =	sdelay $0x1  }
0x41d: {  	v32 =	vld [tilespmem:s5+$0x15340]  }
0x41e: {  	v33 =	vld [tilespmem:s23+$0x40];
	_ =	sdelay $0x1  }
0x41f: {  	v34 =	vshll.u32 v5, $0x10  }
0x420: {  	v8 =	vmul.f32 v34, v4  }
0x421: {  	v35 =	vshll.u32 v32, $0x10  }
0x422: {  	v36 =	vmul.f32 v35, v3;
	v7 =	vadd.f32 v8, v33;
	_ =	sdelay $0x1  }
0x423: {  	v7 =	vadd.f32 v36, v7;
	_ =	sdelay $0x1  }
0x424: {  	[tilespmem:s23+$0x40] =	vst v7  }
0x425: {  	v7 =	vld [tilespmem:s7+$0x40];
	_ =	sdelay $0x1  }
0x426: {  	v5 =	vand.u32 $0xFFFF0000, v5  }
0x427: {  	v5 =	vmul.f32 v5, v4  }
0x428: {  	v6 =	vand.u32 $0xFFFF0000, v32  }
0x429: {  	v6 =	vmul.f32 v6, v3;
	v5 =	vadd.f32 v7, v5;
	_ =	sdelay $0x1  }
0x42a: {  	v5 =	vadd.f32 v5, v6;
	_ =	sdelay $0x1  }
0x42b: {  	[tilespmem:s7+$0x40] =	vst v5  }
0x42c: {  	v5 =	vld [tilespmem:s5+$0xF350];
	_ =	sdelay $0x1  }
0x42d: {  	v37 =	vld [tilespmem:s5+$0x15350]  }
0x42e: {  	v38 =	vld [tilespmem:s23+$0x50];
	_ =	sdelay $0x1  }
0x42f: {  	v39 =	vshll.u32 v5, $0x10  }
0x430: {  	v8 =	vmul.f32 v39, v4  }
0x431: {  	v40 =	vshll.u32 v37, $0x10  }
0x432: {  	v41 =	vmul.f32 v40, v3;
	v7 =	vadd.f32 v8, v38;
	_ =	sdelay $0x1  }
0x433: {  	v7 =	vadd.f32 v41, v7;
	_ =	sdelay $0x1  }
0x434: {  	[tilespmem:s23+$0x50] =	vst v7  }
0x435: {  	v7 =	vld [tilespmem:s7+$0x50];
	_ =	sdelay $0x1  }
0x436: {  	v5 =	vand.u32 $0xFFFF0000, v5  }
0x437: {  	v5 =	vmul.f32 v5, v4  }
0x438: {  	v6 =	vand.u32 $0xFFFF0000, v37  }
0x439: {  	v6 =	vmul.f32 v6, v3;
	v5 =	vadd.f32 v7, v5;
	_ =	sdelay $0x1  }
0x43a: {  	v5 =	vadd.f32 v5, v6;
	_ =	sdelay $0x1  }
0x43b: {  	[tilespmem:s7+$0x50] =	vst v5  }
0x43c: {  	v5 =	vld [tilespmem:s5+$0xF360];
	_ =	sdelay $0x1  }
0x43d: {  	v42 =	vld [tilespmem:s5+$0x15360]  }
0x43e: {  	v43 =	vld [tilespmem:s23+$0x60];
	_ =	sdelay $0x1  }
0x43f: {  	v44 =	vshll.u32 v5, $0x10  }
0x440: {  	v8 =	vmul.f32 v44, v4  }
0x441: {  	v45 =	vshll.u32 v42, $0x10  }
0x442: {  	v46 =	vmul.f32 v45, v3;
	v7 =	vadd.f32 v8, v43;
	_ =	sdelay $0x1  }
0x443: {  	v7 =	vadd.f32 v46, v7;
	_ =	sdelay $0x1  }
0x444: {  	[tilespmem:s23+$0x60] =	vst v7  }
0x445: {  	v7 =	vld [tilespmem:s7+$0x60];
	_ =	sdelay $0x1  }
0x446: {  	v5 =	vand.u32 $0xFFFF0000, v5  }
0x447: {  	v5 =	vmul.f32 v5, v4  }
0x448: {  	v6 =	vand.u32 $0xFFFF0000, v42  }
0x449: {  	v6 =	vmul.f32 v6, v3;
	v5 =	vadd.f32 v7, v5;
	_ =	sdelay $0x1  }
0x44a: {  	v5 =	vadd.f32 v5, v6;
	_ =	sdelay $0x1  }
0x44b: {  	[tilespmem:s7+$0x60] =	vst v5  }
0x44c: {  	v5 =	vld [tilespmem:s5+$0xF370];
	_ =	sdelay $0x1  }
0x44d: {  	v47 =	vld [tilespmem:s5+$0x15370]  }
0x44e: {  	v48 =	vld [tilespmem:s23+$0x70];
	_ =	sdelay $0x1  }
0x44f: {  	v49 =	vshll.u32 v5, $0x10  }
0x450: {  	v8 =	vmul.f32 v49, v4  }
0x451: {  	v50 =	vshll.u32 v47, $0x10  }
0x452: {  	v51 =	vmul.f32 v50, v3;
	v7 =	vadd.f32 v8, v48;
	_ =	sdelay $0x1  }
0x453: {  	v7 =	vadd.f32 v51, v7;
	_ =	sdelay $0x1  }
0x454: {  	[tilespmem:s23+$0x70] =	vst v7  }
0x455: {  	v7 =	vld [tilespmem:s7+$0x70];
	_ =	sdelay $0x1  }
0x456: {  	v5 =	vand.u32 $0xFFFF0000, v5  }
0x457: {  	v5 =	vmul.f32 v5, v4  }
0x458: {  	v6 =	vand.u32 $0xFFFF0000, v47  }
0x459: {  	v6 =	vmul.f32 v6, v3;
	v5 =	vadd.f32 v7, v5;
	_ =	sdelay $0x1  }
0x45a: {  	v5 =	vadd.f32 v5, v6  }
0x45b: {  	s13 =	sadd.s32 $0x400, s26  }
0x45c: {  	[tilespmem:s7+$0x70] =	vst v5;
	s7 =	sor.u32 s24, s13  }
0x45d: {  	v5 =	vld [tilespmem:s7+$0xF300];
	_ =	sdelay $0x1  }
0x45e: {  	v52 =	vld [tilespmem:s7+$0x15300]  }
0x45f: {  	v53 =	vld [tilespmem:s23+$0x400];
	_ =	sdelay $0x1  }
0x460: {  	v54 =	vshll.u32 v5, $0x10  }
0x461: {  	v8 =	vmul.f32 v54, v4  }
0x462: {  	v55 =	vshll.u32 v52, $0x10  }
0x463: {  	v56 =	vmul.f32 v55, v3;
	v7 =	vadd.f32 v8, v53;
	_ =	sdelay $0x1  }
0x464: {  	v7 =	vadd.f32 v56, v7  }
0x465: {  	s12 =	sadd.s32 $0x7300, s25  }
0x466: {  	s28 =	sadd.s32 s24, s12;
	[tilespmem:s23+$0x400] =	vst v7  }
0x467: {  	v7 =	vld [tilespmem:s28+$0x0];
	_ =	sdelay $0x1  }
0x468: {  	v5 =	vand.u32 $0xFFFF0000, v5  }
0x469: {  	v5 =	vmul.f32 v5, v4  }
0x46a: {  	v6 =	vand.u32 $0xFFFF0000, v52  }
0x46b: {  	v6 =	vmul.f32 v6, v3;
	v5 =	vadd.f32 v7, v5;
	_ =	sdelay $0x1  }
0x46c: {  	v5 =	vadd.f32 v5, v6;
	_ =	sdelay $0x1  }
0x46d: {  	[tilespmem:s28+$0x0] =	vst v5  }
0x46e: {  	v5 =	vld [tilespmem:s7+$0xF310];
	_ =	sdelay $0x1  }
0x46f: {  	v57 =	vld [tilespmem:s7+$0x15310]  }
0x470: {  	v58 =	vld [tilespmem:s23+$0x410];
	_ =	sdelay $0x1  }
0x471: {  	v59 =	vshll.u32 v5, $0x10  }
0x472: {  	v8 =	vmul.f32 v59, v4  }
0x473: {  	v60 =	vshll.u32 v57, $0x10  }
0x474: {  	v61 =	vmul.f32 v60, v3;
	v7 =	vadd.f32 v8, v58;
	_ =	sdelay $0x1  }
0x475: {  	v7 =	vadd.f32 v61, v7;
	_ =	sdelay $0x1  }
0x476: {  	[tilespmem:s23+$0x410] =	vst v7  }
0x477: {  	v7 =	vld [tilespmem:s28+$0x10];
	_ =	sdelay $0x1  }
0x478: {  	v5 =	vand.u32 $0xFFFF0000, v5  }
0x479: {  	v5 =	vmul.f32 v5, v4  }
0x47a: {  	v6 =	vand.u32 $0xFFFF0000, v57  }
0x47b: {  	v6 =	vmul.f32 v6, v3;
	v5 =	vadd.f32 v7, v5;
	_ =	sdelay $0x1  }
0x47c: {  	v5 =	vadd.f32 v5, v6;
	_ =	sdelay $0x1  }
0x47d: {  	[tilespmem:s28+$0x10] =	vst v5  }
0x47e: {  	v5 =	vld [tilespmem:s7+$0xF320];
	_ =	sdelay $0x1  }
0x47f: {  	v62 =	vld [tilespmem:s7+$0x15320]  }
0x480: {  	v63 =	vld [tilespmem:s23+$0x420];
	_ =	sdelay $0x1  }
0x481: {  	v12 =	vshll.u32 v5, $0x10  }
0x482: {  	v8 =	vmul.f32 v12, v4  }
0x483: {  	v13 =	vshll.u32 v62, $0x10  }
0x484: {  	v14 =	vmul.f32 v13, v3;
	v7 =	vadd.f32 v8, v63;
	_ =	sdelay $0x1  }
0x485: {  	v7 =	vadd.f32 v14, v7;
	_ =	sdelay $0x1  }
0x486: {  	[tilespmem:s23+$0x420] =	vst v7  }
0x487: {  	v7 =	vld [tilespmem:s28+$0x20];
	_ =	sdelay $0x1  }
0x488: {  	v5 =	vand.u32 $0xFFFF0000, v5  }
0x489: {  	v5 =	vmul.f32 v5, v4  }
0x48a: {  	v6 =	vand.u32 $0xFFFF0000, v62  }
0x48b: {  	v6 =	vmul.f32 v6, v3;
	v5 =	vadd.f32 v7, v5;
	_ =	sdelay $0x1  }
0x48c: {  	v5 =	vadd.f32 v5, v6;
	_ =	sdelay $0x1  }
0x48d: {  	[tilespmem:s28+$0x20] =	vst v5  }
0x48e: {  	v5 =	vld [tilespmem:s7+$0xF330];
	_ =	sdelay $0x1  }
0x48f: {  	v15 =	vld [tilespmem:s7+$0x15330]  }
0x490: {  	v16 =	vld [tilespmem:s23+$0x430];
	_ =	sdelay $0x1  }
0x491: {  	v17 =	vshll.u32 v5, $0x10  }
0x492: {  	v8 =	vmul.f32 v17, v4  }
0x493: {  	v18 =	vshll.u32 v15, $0x10  }
0x494: {  	v19 =	vmul.f32 v18, v3;
	v7 =	vadd.f32 v8, v16;
	_ =	sdelay $0x1  }
0x495: {  	v7 =	vadd.f32 v19, v7;
	_ =	sdelay $0x1  }
0x496: {  	[tilespmem:s23+$0x430] =	vst v7  }
0x497: {  	v7 =	vld [tilespmem:s28+$0x30];
	_ =	sdelay $0x1  }
0x498: {  	v5 =	vand.u32 $0xFFFF0000, v5  }
0x499: {  	v5 =	vmul.f32 v5, v4  }
0x49a: {  	v6 =	vand.u32 $0xFFFF0000, v15  }
0x49b: {  	v6 =	vmul.f32 v6, v3;
	v5 =	vadd.f32 v7, v5;
	_ =	sdelay $0x1  }
0x49c: {  	v5 =	vadd.f32 v5, v6;
	_ =	sdelay $0x1  }
0x49d: {  	[tilespmem:s28+$0x30] =	vst v5  }
0x49e: {  	v5 =	vld [tilespmem:s7+$0xF340];
	_ =	sdelay $0x1  }
0x49f: {  	v20 =	vld [tilespmem:s7+$0x15340]  }
0x4a0: {  	v21 =	vld [tilespmem:s23+$0x440];
	_ =	sdelay $0x1  }
0x4a1: {  	v22 =	vshll.u32 v5, $0x10  }
0x4a2: {  	v8 =	vmul.f32 v22, v4  }
0x4a3: {  	v23 =	vshll.u32 v20, $0x10  }
0x4a4: {  	v24 =	vmul.f32 v23, v3;
	v7 =	vadd.f32 v8, v21;
	_ =	sdelay $0x1  }
0x4a5: {  	v7 =	vadd.f32 v24, v7;
	_ =	sdelay $0x1  }
0x4a6: {  	[tilespmem:s23+$0x440] =	vst v7  }
0x4a7: {  	v7 =	vld [tilespmem:s28+$0x40];
	_ =	sdelay $0x1  }
0x4a8: {  	v5 =	vand.u32 $0xFFFF0000, v5  }
0x4a9: {  	v5 =	vmul.f32 v5, v4  }
0x4aa: {  	v6 =	vand.u32 $0xFFFF0000, v20  }
0x4ab: {  	v6 =	vmul.f32 v6, v3;
	v5 =	vadd.f32 v7, v5;
	_ =	sdelay $0x1  }
0x4ac: {  	v5 =	vadd.f32 v5, v6;
	_ =	sdelay $0x1  }
0x4ad: {  	[tilespmem:s28+$0x40] =	vst v5  }
0x4ae: {  	v12 =	vld [tilespmem:s7+$0xF350];
	_ =	sdelay $0x1  }
0x4af: {  	v11 =	vld [tilespmem:s7+$0x15350]  }
0x4b0: {  	v5 =	vld [tilespmem:s23+$0x450];
	_ =	sdelay $0x1  }
0x4b1: {  	s8 =	sadd.s32 $0x25, s0;
	v25 =	vshll.u32 v12, $0x10  }
0x4b2: {  	v26 =	vmov s8;
	v6 =	vmul.f32 v25, v4  }
0x4b3: {  	v7 =	vand.u32 $0xFFFFFFFD, v26;
	v27 =	vshll.u32 v11, $0x10  }
0x4b4: {  	v29 =	vbroadcast v7, $0x0;
	v28 =	vmul.f32 v27, v3;
	v5 =	vadd.f32 v6, v5;
	_ =	sdelay $0x1  }
0x4b5: {  	v5 =	vadd.f32 v28, v5;
	_ =	sdelay $0x1  }
0x4b6: {  	[tilespmem:s23+$0x450] =	vst v5  }
0x4b7: {  	v13 =	vld [tilespmem:s28+$0x50]  }
0x4b8: {  	s5 =	sor.u32 $0x80, s24;
	v7 =	vld.idx.msk [tilespmem:v29+s19+$0x0], $0xffff  }
0x4b9: {  	s9 =	sadd.s32 $0x26, s0;
	s29 =	sor.u32 s26, s5;
	v5 =	vld.idx.msk [tilespmem:v29+s20+$0x0], $0xffff  }
0x4ba: {  	s14 =	sadd.s32 $0x27, s0;
	v30 =	vmov s9;
	v14 =	vld [tilespmem:s29+$0xF300]  }
0x4bb: {  	s4 =	sor.u32 $0x100, s24;
	v31 =	vand.u32 $0xFFFFFFFE, v30;
	v32 =	vmov s14;
	s8 =	sadd.s32 s5, s11;
	v15 =	vld [tilespmem:s29+$0x15300]  }
0x4bc: {  	s0 =	sor.u32 s26, s4;
	v6 =	vbroadcast v31, $0x0;
	v16 =	vld [tilespmem:s8+$0x0]  }
0x4bd: {  	v17 =	vld [tilespmem:s0+$0xF300]  }
0x4be: {  	s9 =	sadd.s32 s4, s11;
	v18 =	vld [tilespmem:s0+$0x15300]  }
0x4bf: {  	s6 =	sor.u32 $0x180, s24;
	v19 =	vld [tilespmem:s9+$0x0]  }
0x4c0: {  	s30 =	sor.u32 s26, s6;
	v10 =	vld.idx.msk [tilespmem:v32+s19+$0x0], $0xffff  }
0x4c1: {  	v21 =	vld [tilespmem:s30+$0xF300]  }
0x4c2: {  	v8 =	vld.idx.msk [tilespmem:v6+s19+$0x0], $0xffff  }
0x4c3: {  	v9 =	vld.idx.msk [tilespmem:v32+s20+$0x0], $0xffff;
	v20 =	vshll.u32 v14, $0x10  }
0x4c4: {  	v6 =	vld.idx.msk [tilespmem:v6+s20+$0x0], $0xffff;
	v20 =	vmul.f32 v20, v7  }
0x4c5: {  	s11 =	sadd.s32 s6, s11;
	v23 =	vld [tilespmem:s30+$0x15300];
	v22 =	vshll.u32 v15, $0x10  }
0x4c6: {  	v24 =	vld [tilespmem:s11+$0x0];
	v34 =	vshll.u32 v17, $0x10;
	v33 =	vmul.f32 v22, v5;
	v16 =	vadd.f32 v20, v16  }
0x4c7: {  	v22 =	vmul.f32 v34, v8  }
0x4c8: {  	v35 =	vshll.u32 v18, $0x10;
	v25 =	vshll.u32 v21, $0x10;
	v16 =	vadd.f32 v33, v16  }
0x4c9: {  	v36 =	vmul.f32 v25, v10;
	v19 =	vadd.f32 v22, v19;
	v20 =	vmul.f32 v35, v6  }
0x4ca: {  	s15 =	sadd.s32 s5, s31;
	v37 =	vshll.u32 v23, $0x10;
	[tilespmem:s8+$0x0] =	vst v16  }
0x4cb: {  	v39 =	vadd.f32 v36, v24;
	v19 =	vadd.f32 v20, v19;
	v16 =	vmul.f32 v37, v9;
	v38 =	vld [tilespmem:s15+$0x0];
	_ =	sdelay $0x1  }
0x4cc: {  	s14 =	sadd.s32 s4, s31;
	v14 =	vand.u32 $0xFFFF0000, v14;
	[tilespmem:s9+$0x0] =	vst v19;
	v16 =	vadd.f32 v16, v39  }
0x4cd: {  	v14 =	vmul.f32 v14, v7;
	v19 =	vld [tilespmem:s14+$0x0]  }
0x4ce: {  	s31 =	sadd.s32 s6, s31;
	v15 =	vand.u32 $0xFFFF0000, v15;
	[tilespmem:s11+$0x0] =	vst v16  }
0x4cf: {  	v40 =	vand.u32 $0xFFFF0000, v17;
	v15 =	vmul.f32 v15, v5;
	v41 =	vld [tilespmem:s31+$0x0];
	v14 =	vadd.f32 v38, v14  }
0x4d0: {  	v16 =	vmul.f32 v40, v8  }
0x4d1: {  	v42 =	vand.u32 $0xFFFF0000, v18;
	v43 =	vand.u32 $0xFFFF0000, v21;
	v14 =	vadd.f32 v14, v15  }
0x4d2: {  	v18 =	vmul.f32 v43, v10;
	v16 =	vadd.f32 v19, v16;
	v15 =	vmul.f32 v42, v6  }
0x4d3: {  	v44 =	vand.u32 $0xFFFF0000, v23;
	[tilespmem:s15+$0x0] =	vst v14  }
0x4d4: {  	v15 =	vadd.f32 v16, v15;
	v46 =	vadd.f32 v41, v18;
	v14 =	vmul.f32 v44, v9;
	v45 =	vld [tilespmem:s29+$0xF310]  }
0x4d5: {  	v47 =	vld [tilespmem:s29+$0x15310]  }
0x4d6: {  	v48 =	vld [tilespmem:s8+$0x10];
	[tilespmem:s14+$0x0] =	vst v15;
	v14 =	vadd.f32 v46, v14  }
0x4d7: {  	v15 =	vld [tilespmem:s0+$0xF310]  }
0x4d8: {  	v49 =	vld [tilespmem:s0+$0x15310];
	[tilespmem:s31+$0x0] =	vst v14  }
0x4d9: {  	v51 =	vld [tilespmem:s30+$0xF310];
	v50 =	vshll.u32 v45, $0x10  }
0x4da: {  	v52 =	vld [tilespmem:s9+$0x10];
	v14 =	vmul.f32 v50, v7  }
0x4db: {  	v54 =	vld [tilespmem:s30+$0x15310];
	v53 =	vshll.u32 v47, $0x10  }
0x4dc: {  	v57 =	vld [tilespmem:s11+$0x10];
	v55 =	vmul.f32 v53, v5;
	v56 =	vshll.u32 v15, $0x10;
	v14 =	vadd.f32 v14, v48  }
0x4dd: {  	v22 =	vmul.f32 v56, v8  }
0x4de: {  	v58 =	vshll.u32 v49, $0x10;
	v59 =	vshll.u32 v51, $0x10;
	v14 =	vadd.f32 v55, v14  }
0x4df: {  	v18 =	vmul.f32 v58, v6;
	v21 =	vadd.f32 v22, v52;
	v60 =	vmul.f32 v59, v10  }
0x4e0: {  	v61 =	vshll.u32 v54, $0x10;
	[tilespmem:s8+$0x10] =	vst v14  }
0x4e1: {  	v18 =	vadd.f32 v18, v21;
	v63 =	vadd.f32 v60, v57;
	v14 =	vmul.f32 v61, v9;
	v62 =	vld [tilespmem:s15+$0x10];
	_ =	sdelay $0x1  }
0x4e2: {  	v19 =	vand.u32 $0xFFFF0000, v45;
	[tilespmem:s9+$0x10] =	vst v18;
	v14 =	vadd.f32 v14, v63  }
0x4e3: {  	v24 =	vmul.f32 v19, v7;
	v26 =	vld [tilespmem:s14+$0x10]  }
0x4e4: {  	v17 =	vand.u32 $0xFFFF0000, v47;
	[tilespmem:s11+$0x10] =	vst v14  }
0x4e5: {  	v17 =	vmul.f32 v17, v5;
	v15 =	vand.u32 $0xFFFF0000, v15;
	v28 =	vld [tilespmem:s31+$0x10];
	v27 =	vadd.f32 v62, v24  }
0x4e6: {  	v15 =	vmul.f32 v15, v8  }
0x4e7: {  	v16 =	vand.u32 $0xFFFF0000, v49;
	v29 =	vand.u32 $0xFFFF0000, v51;
	v14 =	vadd.f32 v27, v17  }
0x4e8: {  	v16 =	vmul.f32 v16, v6;
	v15 =	vadd.f32 v26, v15;
	v17 =	vmul.f32 v29, v10  }
0x4e9: {  	v30 =	vand.u32 $0xFFFF0000, v54;
	[tilespmem:s15+$0x10] =	vst v14  }
0x4ea: {  	v15 =	vadd.f32 v15, v16;
	v32 =	vadd.f32 v28, v17;
	v14 =	vmul.f32 v30, v9;
	v31 =	vld [tilespmem:s29+$0xF320]  }
0x4eb: {  	v33 =	vld [tilespmem:s29+$0x15320]  }
0x4ec: {  	v34 =	vld [tilespmem:s8+$0x20];
	[tilespmem:s14+$0x10] =	vst v15;
	v14 =	vadd.f32 v32, v14  }
0x4ed: {  	v15 =	vld [tilespmem:s0+$0xF320]  }
0x4ee: {  	v35 =	vld [tilespmem:s0+$0x15320];
	[tilespmem:s31+$0x10] =	vst v14  }
0x4ef: {  	v37 =	vld [tilespmem:s30+$0xF320];
	v36 =	vshll.u32 v31, $0x10  }
0x4f0: {  	v38 =	vld [tilespmem:s9+$0x20];
	v14 =	vmul.f32 v36, v7  }
0x4f1: {  	v40 =	vld [tilespmem:s30+$0x15320];
	v39 =	vshll.u32 v33, $0x10  }
0x4f2: {  	v43 =	vld [tilespmem:s11+$0x20];
	v41 =	vmul.f32 v39, v5;
	v42 =	vshll.u32 v15, $0x10;
	v14 =	vadd.f32 v14, v34  }
0x4f3: {  	v22 =	vmul.f32 v42, v8  }
0x4f4: {  	v44 =	vshll.u32 v35, $0x10;
	v45 =	vshll.u32 v37, $0x10;
	v14 =	vadd.f32 v41, v14  }
0x4f5: {  	v18 =	vmul.f32 v44, v6;
	v21 =	vadd.f32 v22, v38;
	v46 =	vmul.f32 v45, v10  }
0x4f6: {  	v47 =	vshll.u32 v40, $0x10;
	[tilespmem:s8+$0x20] =	vst v14  }
0x4f7: {  	v18 =	vadd.f32 v18, v21;
	v49 =	vadd.f32 v46, v43;
	v14 =	vmul.f32 v47, v9;
	v48 =	vld [tilespmem:s15+$0x20];
	_ =	sdelay $0x1  }
0x4f8: {  	v19 =	vand.u32 $0xFFFF0000, v31;
	[tilespmem:s9+$0x20] =	vst v18;
	v14 =	vadd.f32 v14, v49  }
0x4f9: {  	v50 =	vmul.f32 v19, v7;
	v51 =	vld [tilespmem:s14+$0x20]  }
0x4fa: {  	v17 =	vand.u32 $0xFFFF0000, v33;
	[tilespmem:s11+$0x20] =	vst v14  }
0x4fb: {  	v17 =	vmul.f32 v17, v5;
	v15 =	vand.u32 $0xFFFF0000, v15;
	v53 =	vld [tilespmem:s31+$0x20];
	v52 =	vadd.f32 v48, v50  }
0x4fc: {  	v15 =	vmul.f32 v15, v8  }
0x4fd: {  	v16 =	vand.u32 $0xFFFF0000, v35;
	v54 =	vand.u32 $0xFFFF0000, v37;
	v14 =	vadd.f32 v52, v17  }
0x4fe: {  	v16 =	vmul.f32 v16, v6;
	v15 =	vadd.f32 v51, v15;
	v17 =	vmul.f32 v54, v10  }
0x4ff: {  	v55 =	vand.u32 $0xFFFF0000, v40;
	[tilespmem:s15+$0x20] =	vst v14  }
0x500: {  	v15 =	vadd.f32 v15, v16;
	v57 =	vadd.f32 v53, v17;
	v14 =	vmul.f32 v55, v9;
	v56 =	vld [tilespmem:s29+$0xF330]  }
0x501: {  	v58 =	vld [tilespmem:s29+$0x15330]  }
0x502: {  	v59 =	vld [tilespmem:s8+$0x30];
	[tilespmem:s14+$0x20] =	vst v15;
	v14 =	vadd.f32 v57, v14  }
0x503: {  	v15 =	vld [tilespmem:s0+$0xF330]  }
0x504: {  	v60 =	vld [tilespmem:s0+$0x15330];
	[tilespmem:s31+$0x20] =	vst v14  }
0x505: {  	v62 =	vld [tilespmem:s30+$0xF330];
	v61 =	vshll.u32 v56, $0x10  }
0x506: {  	v63 =	vld [tilespmem:s9+$0x30];
	v14 =	vmul.f32 v61, v7  }
0x507: {  	v29 =	vld [tilespmem:s30+$0x15330];
	v28 =	vshll.u32 v58, $0x10  }
0x508: {  	v32 =	vld [tilespmem:s11+$0x30];
	v30 =	vmul.f32 v28, v5;
	v31 =	vshll.u32 v15, $0x10;
	v14 =	vadd.f32 v14, v59  }
0x509: {  	v22 =	vmul.f32 v31, v8  }
0x50a: {  	v33 =	vshll.u32 v60, $0x10;
	v34 =	vshll.u32 v62, $0x10;
	v14 =	vadd.f32 v30, v14  }
0x50b: {  	v18 =	vmul.f32 v33, v6;
	v21 =	vadd.f32 v22, v63;
	v35 =	vmul.f32 v34, v10  }
0x50c: {  	v36 =	vshll.u32 v29, $0x10;
	[tilespmem:s8+$0x30] =	vst v14  }
0x50d: {  	v18 =	vadd.f32 v18, v21;
	v38 =	vadd.f32 v35, v32;
	v14 =	vmul.f32 v36, v9;
	v37 =	vld [tilespmem:s15+$0x30];
	_ =	sdelay $0x1  }
0x50e: {  	v19 =	vand.u32 $0xFFFF0000, v56;
	[tilespmem:s9+$0x30] =	vst v18;
	v14 =	vadd.f32 v14, v38  }
0x50f: {  	v39 =	vmul.f32 v19, v7;
	v40 =	vld [tilespmem:s14+$0x30]  }
0x510: {  	v17 =	vand.u32 $0xFFFF0000, v58;
	[tilespmem:s11+$0x30] =	vst v14  }
0x511: {  	v17 =	vmul.f32 v17, v5;
	v15 =	vand.u32 $0xFFFF0000, v15;
	v42 =	vld [tilespmem:s31+$0x30];
	v41 =	vadd.f32 v37, v39  }
0x512: {  	v15 =	vmul.f32 v15, v8  }
0x513: {  	v16 =	vand.u32 $0xFFFF0000, v60;
	v43 =	vand.u32 $0xFFFF0000, v62;
	v14 =	vadd.f32 v41, v17  }
0x514: {  	v16 =	vmul.f32 v16, v6;
	v15 =	vadd.f32 v40, v15;
	v17 =	vmul.f32 v43, v10  }
0x515: {  	v44 =	vand.u32 $0xFFFF0000, v29;
	[tilespmem:s15+$0x30] =	vst v14  }
0x516: {  	v15 =	vadd.f32 v15, v16;
	v46 =	vadd.f32 v42, v17;
	v14 =	vmul.f32 v44, v9;
	v45 =	vld [tilespmem:s29+$0xF340]  }
0x517: {  	v47 =	vld [tilespmem:s29+$0x15340]  }
0x518: {  	v48 =	vld [tilespmem:s8+$0x40];
	[tilespmem:s14+$0x30] =	vst v15;
	v14 =	vadd.f32 v46, v14  }
0x519: {  	v15 =	vld [tilespmem:s0+$0xF340]  }
0x51a: {  	v49 =	vld [tilespmem:s0+$0x15340];
	[tilespmem:s31+$0x30] =	vst v14  }
0x51b: {  	v51 =	vld [tilespmem:s30+$0xF340];
	v50 =	vshll.u32 v45, $0x10  }
0x51c: {  	v52 =	vld [tilespmem:s9+$0x40];
	v14 =	vmul.f32 v50, v7  }
0x51d: {  	v54 =	vld [tilespmem:s30+$0x15340];
	v53 =	vshll.u32 v47, $0x10  }
0x51e: {  	v57 =	vld [tilespmem:s11+$0x40];
	v55 =	vmul.f32 v53, v5;
	v56 =	vshll.u32 v15, $0x10;
	v14 =	vadd.f32 v14, v48  }
0x51f: {  	v22 =	vmul.f32 v56, v8  }
0x520: {  	v58 =	vshll.u32 v49, $0x10;
	v59 =	vshll.u32 v51, $0x10;
	v14 =	vadd.f32 v55, v14  }
0x521: {  	v18 =	vmul.f32 v58, v6;
	v21 =	vadd.f32 v22, v52;
	v60 =	vmul.f32 v59, v10  }
0x522: {  	v61 =	vshll.u32 v54, $0x10;
	[tilespmem:s8+$0x40] =	vst v14  }
0x523: {  	v18 =	vadd.f32 v18, v21;
	v63 =	vadd.f32 v60, v57;
	v14 =	vmul.f32 v61, v9;
	v62 =	vld [tilespmem:s15+$0x40];
	_ =	sdelay $0x1  }
0x524: {  	v19 =	vand.u32 $0xFFFF0000, v45;
	[tilespmem:s9+$0x40] =	vst v18;
	v14 =	vadd.f32 v14, v63  }
0x525: {  	v24 =	vmul.f32 v19, v7;
	v26 =	vld [tilespmem:s14+$0x40]  }
0x526: {  	v17 =	vand.u32 $0xFFFF0000, v47;
	[tilespmem:s11+$0x40] =	vst v14  }
0x527: {  	v17 =	vmul.f32 v17, v5;
	v15 =	vand.u32 $0xFFFF0000, v15;
	v28 =	vld [tilespmem:s31+$0x40];
	v27 =	vadd.f32 v62, v24  }
0x528: {  	v15 =	vmul.f32 v15, v8  }
0x529: {  	v16 =	vand.u32 $0xFFFF0000, v49;
	v29 =	vand.u32 $0xFFFF0000, v51;
	v14 =	vadd.f32 v27, v17  }
0x52a: {  	v16 =	vmul.f32 v16, v6;
	v15 =	vadd.f32 v26, v15;
	v17 =	vmul.f32 v29, v10  }
0x52b: {  	v30 =	vand.u32 $0xFFFF0000, v54;
	[tilespmem:s15+$0x40] =	vst v14  }
0x52c: {  	v15 =	vadd.f32 v15, v16;
	v32 =	vadd.f32 v28, v17;
	v14 =	vmul.f32 v30, v9;
	v31 =	vld [tilespmem:s29+$0xF350]  }
0x52d: {  	v33 =	vld [tilespmem:s29+$0x15350]  }
0x52e: {  	v34 =	vld [tilespmem:s8+$0x50];
	[tilespmem:s14+$0x40] =	vst v15;
	v14 =	vadd.f32 v32, v14  }
0x52f: {  	v15 =	vld [tilespmem:s0+$0xF350]  }
0x530: {  	v35 =	vld [tilespmem:s0+$0x15350];
	[tilespmem:s31+$0x40] =	vst v14  }
0x531: {  	v37 =	vld [tilespmem:s30+$0xF350];
	v36 =	vshll.u32 v31, $0x10  }
0x532: {  	v38 =	vld [tilespmem:s9+$0x50];
	v14 =	vmul.f32 v36, v7  }
0x533: {  	v40 =	vld [tilespmem:s30+$0x15350];
	v39 =	vshll.u32 v33, $0x10  }
0x534: {  	v43 =	vld [tilespmem:s11+$0x50];
	v41 =	vmul.f32 v39, v5;
	v42 =	vshll.u32 v15, $0x10;
	v14 =	vadd.f32 v14, v34  }
0x535: {  	v22 =	vmul.f32 v42, v8  }
0x536: {  	v44 =	vshll.u32 v35, $0x10;
	v45 =	vshll.u32 v37, $0x10;
	v14 =	vadd.f32 v41, v14  }
0x537: {  	v18 =	vmul.f32 v44, v6;
	v21 =	vadd.f32 v22, v38;
	v46 =	vmul.f32 v45, v10  }
0x538: {  	v47 =	vshll.u32 v40, $0x10;
	[tilespmem:s8+$0x50] =	vst v14  }
0x539: {  	v18 =	vadd.f32 v18, v21;
	v49 =	vadd.f32 v46, v43;
	v14 =	vmul.f32 v47, v9;
	v48 =	vld [tilespmem:s15+$0x50];
	_ =	sdelay $0x1  }
0x53a: {  	v19 =	vand.u32 $0xFFFF0000, v31;
	[tilespmem:s9+$0x50] =	vst v18;
	v14 =	vadd.f32 v14, v49  }
0x53b: {  	v50 =	vmul.f32 v19, v7;
	v51 =	vld [tilespmem:s14+$0x50]  }
0x53c: {  	v17 =	vand.u32 $0xFFFF0000, v33;
	[tilespmem:s11+$0x50] =	vst v14  }
0x53d: {  	v17 =	vmul.f32 v17, v5;
	v15 =	vand.u32 $0xFFFF0000, v15;
	v53 =	vld [tilespmem:s31+$0x50];
	v52 =	vadd.f32 v48, v50  }
0x53e: {  	v15 =	vmul.f32 v15, v8  }
0x53f: {  	v16 =	vand.u32 $0xFFFF0000, v35;
	v54 =	vand.u32 $0xFFFF0000, v37;
	v14 =	vadd.f32 v52, v17  }
0x540: {  	v16 =	vmul.f32 v16, v6;
	v15 =	vadd.f32 v51, v15;
	v17 =	vmul.f32 v54, v10  }
0x541: {  	v55 =	vand.u32 $0xFFFF0000, v40;
	[tilespmem:s15+$0x50] =	vst v14  }
0x542: {  	v15 =	vadd.f32 v15, v16;
	v57 =	vadd.f32 v53, v17;
	v14 =	vmul.f32 v55, v9;
	v56 =	vld [tilespmem:s29+$0xF360]  }
0x543: {  	v58 =	vld [tilespmem:s29+$0x15360]  }
0x544: {  	v59 =	vld [tilespmem:s8+$0x60];
	[tilespmem:s14+$0x50] =	vst v15;
	v14 =	vadd.f32 v57, v14  }
0x545: {  	v15 =	vld [tilespmem:s0+$0xF360]  }
0x546: {  	v60 =	vld [tilespmem:s0+$0x15360];
	[tilespmem:s31+$0x50] =	vst v14  }
0x547: {  	v62 =	vld [tilespmem:s30+$0xF360];
	v61 =	vshll.u32 v56, $0x10  }
0x548: {  	v63 =	vld [tilespmem:s9+$0x60];
	v14 =	vmul.f32 v61, v7  }
0x549: {  	v29 =	vld [tilespmem:s30+$0x15360];
	v28 =	vshll.u32 v58, $0x10  }
0x54a: {  	v32 =	vld [tilespmem:s11+$0x60];
	v30 =	vmul.f32 v28, v5;
	v31 =	vshll.u32 v15, $0x10;
	v14 =	vadd.f32 v14, v59  }
0x54b: {  	v22 =	vmul.f32 v31, v8  }
0x54c: {  	v33 =	vshll.u32 v60, $0x10;
	v34 =	vshll.u32 v62, $0x10;
	v14 =	vadd.f32 v30, v14  }
0x54d: {  	v18 =	vmul.f32 v33, v6;
	v21 =	vadd.f32 v22, v63;
	v35 =	vmul.f32 v34, v10  }
0x54e: {  	v36 =	vshll.u32 v29, $0x10;
	[tilespmem:s8+$0x60] =	vst v14  }
0x54f: {  	v18 =	vadd.f32 v18, v21;
	v38 =	vadd.f32 v35, v32;
	v14 =	vmul.f32 v36, v9;
	v37 =	vld [tilespmem:s15+$0x60];
	_ =	sdelay $0x1  }
0x550: {  	v19 =	vand.u32 $0xFFFF0000, v56;
	[tilespmem:s9+$0x60] =	vst v18;
	v14 =	vadd.f32 v14, v38  }
0x551: {  	v39 =	vmul.f32 v19, v7;
	v40 =	vld [tilespmem:s14+$0x60]  }
0x552: {  	v17 =	vand.u32 $0xFFFF0000, v58;
	[tilespmem:s11+$0x60] =	vst v14  }
0x553: {  	v17 =	vmul.f32 v17, v5;
	v15 =	vand.u32 $0xFFFF0000, v15;
	v42 =	vld [tilespmem:s31+$0x60];
	v41 =	vadd.f32 v37, v39  }
0x554: {  	v15 =	vmul.f32 v15, v8  }
0x555: {  	v16 =	vand.u32 $0xFFFF0000, v60;
	v43 =	vand.u32 $0xFFFF0000, v62;
	v14 =	vadd.f32 v41, v17  }
0x556: {  	v16 =	vmul.f32 v16, v6;
	v15 =	vadd.f32 v40, v15;
	v17 =	vmul.f32 v43, v10  }
0x557: {  	v44 =	vand.u32 $0xFFFF0000, v29;
	[tilespmem:s15+$0x60] =	vst v14  }
0x558: {  	v15 =	vadd.f32 v15, v16;
	v46 =	vadd.f32 v42, v17;
	v14 =	vmul.f32 v44, v9;
	v45 =	vld [tilespmem:s29+$0xF370]  }
0x559: {  	v47 =	vld [tilespmem:s29+$0x15370]  }
0x55a: {  	v48 =	vld [tilespmem:s8+$0x70];
	[tilespmem:s14+$0x60] =	vst v15;
	v14 =	vadd.f32 v46, v14  }
0x55b: {  	v15 =	vld [tilespmem:s0+$0xF370]  }
0x55c: {  	v49 =	vld [tilespmem:s0+$0x15370];
	[tilespmem:s31+$0x60] =	vst v14  }
0x55d: {  	v51 =	vld [tilespmem:s30+$0xF370];
	v50 =	vshll.u32 v45, $0x10  }
0x55e: {  	v52 =	vld [tilespmem:s9+$0x70];
	v14 =	vmul.f32 v50, v7  }
0x55f: {  	v54 =	vld [tilespmem:s30+$0x15370];
	v53 =	vshll.u32 v47, $0x10  }
0x560: {  	v57 =	vld [tilespmem:s11+$0x70];
	v55 =	vmul.f32 v53, v5;
	v56 =	vshll.u32 v15, $0x10;
	v14 =	vadd.f32 v14, v48  }
0x561: {  	v22 =	vmul.f32 v56, v8  }
0x562: {  	v58 =	vshll.u32 v49, $0x10;
	v59 =	vshll.u32 v51, $0x10;
	v14 =	vadd.f32 v55, v14  }
0x563: {  	v18 =	vmul.f32 v58, v6;
	v21 =	vadd.f32 v22, v52;
	v60 =	vmul.f32 v59, v10  }
0x564: {  	v61 =	vshll.u32 v54, $0x10;
	[tilespmem:s8+$0x70] =	vst v14  }
0x565: {  	v18 =	vadd.f32 v18, v21;
	v63 =	vadd.f32 v60, v57;
	v14 =	vmul.f32 v61, v9;
	v62 =	vld [tilespmem:s15+$0x70];
	_ =	sdelay $0x1  }
0x566: {  	v19 =	vand.u32 $0xFFFF0000, v45;
	[tilespmem:s9+$0x70] =	vst v18;
	v14 =	vadd.f32 v14, v63  }
0x567: {  	v24 =	vmul.f32 v19, v7;
	v26 =	vld [tilespmem:s14+$0x70]  }
0x568: {  	v17 =	vand.u32 $0xFFFF0000, v47;
	[tilespmem:s11+$0x70] =	vst v14  }
0x569: {  	v17 =	vmul.f32 v17, v5;
	v15 =	vand.u32 $0xFFFF0000, v15;
	v28 =	vld [tilespmem:s31+$0x70];
	v27 =	vadd.f32 v62, v24  }
0x56a: {  	v15 =	vmul.f32 v15, v8  }
0x56b: {  	v16 =	vand.u32 $0xFFFF0000, v49;
	v29 =	vand.u32 $0xFFFF0000, v51;
	v14 =	vadd.f32 v27, v17  }
0x56c: {  	v16 =	vmul.f32 v16, v6;
	v15 =	vadd.f32 v26, v15;
	v17 =	vmul.f32 v29, v10  }
0x56d: {  	s29 =	sor.u32 s5, s13;
	v30 =	vand.u32 $0xFFFF0000, v54;
	[tilespmem:s15+$0x70] =	vst v14  }
0x56e: {  	v15 =	vadd.f32 v15, v16;
	v32 =	vadd.f32 v28, v17;
	v14 =	vmul.f32 v30, v9;
	v31 =	vld [tilespmem:s29+$0xF300]  }
0x56f: {  	v33 =	vld [tilespmem:s29+$0x15300]  }
0x570: {  	s15 =	sor.u32 s4, s13;
	v34 =	vld [tilespmem:s8+$0x400];
	[tilespmem:s14+$0x70] =	vst v15;
	v14 =	vadd.f32 v32, v14  }
0x571: {  	v15 =	vld [tilespmem:s15+$0xF300]  }
0x572: {  	s13 =	sor.u32 s6, s13;
	v35 =	vld [tilespmem:s15+$0x15300];
	[tilespmem:s31+$0x70] =	vst v14  }
0x573: {  	v37 =	vld [tilespmem:s13+$0xF300];
	v36 =	vshll.u32 v31, $0x10  }
0x574: {  	v38 =	vld [tilespmem:s9+$0x400];
	v14 =	vmul.f32 v36, v7  }
0x575: {  	v40 =	vld [tilespmem:s13+$0x15300];
	v39 =	vshll.u32 v33, $0x10  }
0x576: {  	v43 =	vld [tilespmem:s11+$0x400];
	v41 =	vmul.f32 v39, v5;
	v42 =	vshll.u32 v15, $0x10;
	v14 =	vadd.f32 v14, v34  }
0x577: {  	v22 =	vmul.f32 v42, v8  }
0x578: {  	v44 =	vshll.u32 v35, $0x10;
	v45 =	vshll.u32 v37, $0x10;
	v14 =	vadd.f32 v41, v14  }
0x579: {  	v18 =	vmul.f32 v44, v6;
	v21 =	vadd.f32 v22, v38;
	v46 =	vmul.f32 v45, v10  }
0x57a: {  	s14 =	sadd.s32 s5, s12;
	v47 =	vshll.u32 v40, $0x10;
	[tilespmem:s8+$0x400] =	vst v14  }
0x57b: {  	v18 =	vadd.f32 v18, v21;
	v49 =	vadd.f32 v46, v43;
	v14 =	vmul.f32 v47, v9;
	v48 =	vld [tilespmem:s14+$0x0];
	_ =	sdelay $0x1  }
0x57c: {  	s0 =	sadd.s32 s4, s12;
	v19 =	vand.u32 $0xFFFF0000, v31;
	[tilespmem:s9+$0x400] =	vst v18;
	v14 =	vadd.f32 v14, v49  }
0x57d: {  	v50 =	vmul.f32 v19, v7;
	v51 =	vld [tilespmem:s0+$0x0]  }
0x57e: {  	s12 =	sadd.s32 s6, s12;
	v17 =	vand.u32 $0xFFFF0000, v33;
	[tilespmem:s11+$0x400] =	vst v14  }
0x57f: {  	v17 =	vmul.f32 v17, v5;
	v15 =	vand.u32 $0xFFFF0000, v15;
	v53 =	vld [tilespmem:s12+$0x0];
	v52 =	vadd.f32 v48, v50  }
0x580: {  	v15 =	vmul.f32 v15, v8  }
0x581: {  	v16 =	vand.u32 $0xFFFF0000, v35;
	v54 =	vand.u32 $0xFFFF0000, v37;
	v14 =	vadd.f32 v52, v17  }
0x582: {  	v16 =	vmul.f32 v16, v6;
	v15 =	vadd.f32 v51, v15;
	v17 =	vmul.f32 v54, v10  }
0x583: {  	v55 =	vand.u32 $0xFFFF0000, v40;
	[tilespmem:s14+$0x0] =	vst v14  }
0x584: {  	v15 =	vadd.f32 v15, v16;
	v57 =	vadd.f32 v53, v17;
	v14 =	vmul.f32 v55, v9;
	v56 =	vld [tilespmem:s29+$0xF310]  }
0x585: {  	v58 =	vld [tilespmem:s29+$0x15310]  }
0x586: {  	v59 =	vld [tilespmem:s8+$0x410];
	[tilespmem:s0+$0x0] =	vst v15;
	v14 =	vadd.f32 v57, v14  }
0x587: {  	v15 =	vld [tilespmem:s15+$0xF310]  }
0x588: {  	v60 =	vld [tilespmem:s15+$0x15310];
	[tilespmem:s12+$0x0] =	vst v14  }
0x589: {  	v62 =	vld [tilespmem:s13+$0xF310];
	v61 =	vshll.u32 v56, $0x10  }
0x58a: {  	v63 =	vld [tilespmem:s9+$0x410];
	v14 =	vmul.f32 v61, v7  }
0x58b: {  	v29 =	vld [tilespmem:s13+$0x15310];
	v28 =	vshll.u32 v58, $0x10  }
0x58c: {  	v32 =	vld [tilespmem:s11+$0x410];
	v30 =	vmul.f32 v28, v5;
	v31 =	vshll.u32 v15, $0x10;
	v14 =	vadd.f32 v14, v59  }
0x58d: {  	v22 =	vmul.f32 v31, v8  }
0x58e: {  	v33 =	vshll.u32 v60, $0x10;
	v34 =	vshll.u32 v62, $0x10;
	v14 =	vadd.f32 v30, v14  }
0x58f: {  	v18 =	vmul.f32 v33, v6;
	v21 =	vadd.f32 v22, v63;
	v35 =	vmul.f32 v34, v10  }
0x590: {  	v36 =	vshll.u32 v29, $0x10;
	[tilespmem:s8+$0x410] =	vst v14  }
0x591: {  	v18 =	vadd.f32 v18, v21;
	v38 =	vadd.f32 v35, v32;
	v14 =	vmul.f32 v36, v9;
	v37 =	vld [tilespmem:s14+$0x10];
	_ =	sdelay $0x1  }
0x592: {  	v19 =	vand.u32 $0xFFFF0000, v56;
	[tilespmem:s9+$0x410] =	vst v18;
	v14 =	vadd.f32 v14, v38  }
0x593: {  	v39 =	vmul.f32 v19, v7;
	v40 =	vld [tilespmem:s0+$0x10]  }
0x594: {  	v17 =	vand.u32 $0xFFFF0000, v58;
	[tilespmem:s11+$0x410] =	vst v14  }
0x595: {  	v17 =	vmul.f32 v17, v5;
	v15 =	vand.u32 $0xFFFF0000, v15;
	v42 =	vld [tilespmem:s12+$0x10];
	v41 =	vadd.f32 v37, v39  }
0x596: {  	v15 =	vmul.f32 v15, v8  }
0x597: {  	v16 =	vand.u32 $0xFFFF0000, v60;
	v43 =	vand.u32 $0xFFFF0000, v62;
	v14 =	vadd.f32 v41, v17  }
0x598: {  	v16 =	vmul.f32 v16, v6;
	v15 =	vadd.f32 v40, v15;
	v17 =	vmul.f32 v43, v10  }
0x599: {  	v44 =	vand.u32 $0xFFFF0000, v29;
	[tilespmem:s14+$0x10] =	vst v14  }
0x59a: {  	v15 =	vadd.f32 v15, v16;
	v46 =	vadd.f32 v42, v17;
	v14 =	vmul.f32 v44, v9;
	v45 =	vld [tilespmem:s29+$0xF320]  }
0x59b: {  	v47 =	vld [tilespmem:s29+$0x15320]  }
0x59c: {  	v48 =	vld [tilespmem:s8+$0x420];
	[tilespmem:s0+$0x10] =	vst v15;
	v14 =	vadd.f32 v46, v14  }
0x59d: {  	v15 =	vld [tilespmem:s15+$0xF320]  }
0x59e: {  	v49 =	vld [tilespmem:s15+$0x15320];
	[tilespmem:s12+$0x10] =	vst v14  }
0x59f: {  	v51 =	vld [tilespmem:s13+$0xF320];
	v50 =	vshll.u32 v45, $0x10  }
0x5a0: {  	v52 =	vld [tilespmem:s9+$0x420];
	v14 =	vmul.f32 v50, v7  }
0x5a1: {  	v54 =	vld [tilespmem:s13+$0x15320];
	v53 =	vshll.u32 v47, $0x10  }
0x5a2: {  	v57 =	vld [tilespmem:s11+$0x420];
	v55 =	vmul.f32 v53, v5;
	v56 =	vshll.u32 v15, $0x10;
	v14 =	vadd.f32 v14, v48  }
0x5a3: {  	v22 =	vmul.f32 v56, v8  }
0x5a4: {  	v58 =	vshll.u32 v49, $0x10;
	v59 =	vshll.u32 v51, $0x10;
	v14 =	vadd.f32 v55, v14  }
0x5a5: {  	v18 =	vmul.f32 v58, v6;
	v21 =	vadd.f32 v22, v52;
	v60 =	vmul.f32 v59, v10  }
0x5a6: {  	v61 =	vshll.u32 v54, $0x10;
	[tilespmem:s8+$0x420] =	vst v14  }
0x5a7: {  	v18 =	vadd.f32 v18, v21;
	v63 =	vadd.f32 v60, v57;
	v14 =	vmul.f32 v61, v9;
	v62 =	vld [tilespmem:s14+$0x20];
	_ =	sdelay $0x1  }
0x5a8: {  	v19 =	vand.u32 $0xFFFF0000, v45;
	[tilespmem:s9+$0x420] =	vst v18;
	v14 =	vadd.f32 v14, v63  }
0x5a9: {  	v24 =	vmul.f32 v19, v7;
	v26 =	vld [tilespmem:s0+$0x20]  }
0x5aa: {  	v17 =	vand.u32 $0xFFFF0000, v47;
	[tilespmem:s11+$0x420] =	vst v14  }
0x5ab: {  	v17 =	vmul.f32 v17, v5;
	v15 =	vand.u32 $0xFFFF0000, v15;
	v28 =	vld [tilespmem:s12+$0x20];
	v27 =	vadd.f32 v62, v24  }
0x5ac: {  	v15 =	vmul.f32 v15, v8  }
0x5ad: {  	v16 =	vand.u32 $0xFFFF0000, v49;
	v29 =	vand.u32 $0xFFFF0000, v51;
	v14 =	vadd.f32 v27, v17  }
0x5ae: {  	v16 =	vmul.f32 v16, v6;
	v15 =	vadd.f32 v26, v15;
	v17 =	vmul.f32 v29, v10  }
0x5af: {  	v30 =	vand.u32 $0xFFFF0000, v54;
	[tilespmem:s14+$0x20] =	vst v14  }
0x5b0: {  	v15 =	vadd.f32 v15, v16;
	v32 =	vadd.f32 v28, v17;
	v14 =	vmul.f32 v30, v9;
	v31 =	vld [tilespmem:s29+$0xF330]  }
0x5b1: {  	v33 =	vld [tilespmem:s29+$0x15330]  }
0x5b2: {  	v34 =	vld [tilespmem:s8+$0x430];
	[tilespmem:s0+$0x20] =	vst v15;
	v14 =	vadd.f32 v32, v14  }
0x5b3: {  	v15 =	vld [tilespmem:s15+$0xF330]  }
0x5b4: {  	v35 =	vld [tilespmem:s15+$0x15330];
	[tilespmem:s12+$0x20] =	vst v14  }
0x5b5: {  	v37 =	vld [tilespmem:s13+$0xF330];
	v36 =	vshll.u32 v31, $0x10  }
0x5b6: {  	v38 =	vld [tilespmem:s9+$0x430];
	v14 =	vmul.f32 v36, v7  }
0x5b7: {  	v40 =	vld [tilespmem:s13+$0x15330];
	v39 =	vshll.u32 v33, $0x10  }
0x5b8: {  	v43 =	vld [tilespmem:s11+$0x430];
	v41 =	vmul.f32 v39, v5;
	v42 =	vshll.u32 v15, $0x10;
	v14 =	vadd.f32 v14, v34  }
0x5b9: {  	v22 =	vmul.f32 v42, v8  }
0x5ba: {  	v44 =	vshll.u32 v35, $0x10;
	v45 =	vshll.u32 v37, $0x10;
	v14 =	vadd.f32 v41, v14  }
0x5bb: {  	v18 =	vmul.f32 v44, v6;
	v21 =	vadd.f32 v22, v38;
	v46 =	vmul.f32 v45, v10  }
0x5bc: {  	v47 =	vshll.u32 v40, $0x10;
	[tilespmem:s8+$0x430] =	vst v14  }
0x5bd: {  	v18 =	vadd.f32 v18, v21;
	v49 =	vadd.f32 v46, v43;
	v14 =	vmul.f32 v47, v9;
	v48 =	vld [tilespmem:s14+$0x30];
	_ =	sdelay $0x1  }
0x5be: {  	v19 =	vand.u32 $0xFFFF0000, v31;
	[tilespmem:s9+$0x430] =	vst v18;
	v14 =	vadd.f32 v14, v49  }
0x5bf: {  	v50 =	vmul.f32 v19, v7;
	v51 =	vld [tilespmem:s0+$0x30]  }
0x5c0: {  	v17 =	vand.u32 $0xFFFF0000, v33;
	[tilespmem:s11+$0x430] =	vst v14  }
0x5c1: {  	v17 =	vmul.f32 v17, v5;
	v15 =	vand.u32 $0xFFFF0000, v15;
	v53 =	vld [tilespmem:s12+$0x30];
	v52 =	vadd.f32 v48, v50  }
0x5c2: {  	v15 =	vmul.f32 v15, v8  }
0x5c3: {  	v16 =	vand.u32 $0xFFFF0000, v35;
	v54 =	vand.u32 $0xFFFF0000, v37;
	v14 =	vadd.f32 v52, v17  }
0x5c4: {  	v16 =	vmul.f32 v16, v6;
	v15 =	vadd.f32 v51, v15;
	v17 =	vmul.f32 v54, v10  }
0x5c5: {  	v55 =	vand.u32 $0xFFFF0000, v40;
	[tilespmem:s14+$0x30] =	vst v14  }
0x5c6: {  	v15 =	vadd.f32 v15, v16;
	v57 =	vadd.f32 v53, v17;
	v14 =	vmul.f32 v55, v9;
	v56 =	vld [tilespmem:s29+$0xF340]  }
0x5c7: {  	v58 =	vld [tilespmem:s29+$0x15340]  }
0x5c8: {  	v59 =	vld [tilespmem:s8+$0x440];
	[tilespmem:s0+$0x30] =	vst v15;
	v14 =	vadd.f32 v57, v14  }
0x5c9: {  	v15 =	vld [tilespmem:s15+$0xF340]  }
0x5ca: {  	v60 =	vld [tilespmem:s15+$0x15340];
	[tilespmem:s12+$0x30] =	vst v14  }
0x5cb: {  	v62 =	vld [tilespmem:s13+$0xF340];
	v61 =	vshll.u32 v56, $0x10  }
0x5cc: {  	v63 =	vld [tilespmem:s9+$0x440];
	v14 =	vmul.f32 v61, v7  }
0x5cd: {  	v29 =	vld [tilespmem:s13+$0x15340];
	v28 =	vshll.u32 v58, $0x10  }
0x5ce: {  	v32 =	vld [tilespmem:s11+$0x440];
	v30 =	vmul.f32 v28, v5;
	v31 =	vshll.u32 v15, $0x10;
	v14 =	vadd.f32 v14, v59  }
0x5cf: {  	v22 =	vmul.f32 v31, v8  }
0x5d0: {  	v33 =	vshll.u32 v60, $0x10;
	v34 =	vshll.u32 v62, $0x10;
	v14 =	vadd.f32 v30, v14  }
0x5d1: {  	v18 =	vmul.f32 v33, v6;
	v21 =	vadd.f32 v22, v63;
	v35 =	vmul.f32 v34, v10  }
0x5d2: {  	v36 =	vshll.u32 v29, $0x10;
	[tilespmem:s8+$0x440] =	vst v14  }
0x5d3: {  	v18 =	vadd.f32 v18, v21;
	v38 =	vadd.f32 v35, v32;
	v14 =	vmul.f32 v36, v9;
	v37 =	vld [tilespmem:s14+$0x40];
	_ =	sdelay $0x1  }
0x5d4: {  	v19 =	vand.u32 $0xFFFF0000, v56;
	[tilespmem:s9+$0x440] =	vst v18;
	v14 =	vadd.f32 v14, v38  }
0x5d5: {  	v39 =	vmul.f32 v19, v7;
	v40 =	vld [tilespmem:s0+$0x40]  }
0x5d6: {  	v17 =	vand.u32 $0xFFFF0000, v58;
	[tilespmem:s11+$0x440] =	vst v14  }
0x5d7: {  	v17 =	vmul.f32 v17, v5;
	v15 =	vand.u32 $0xFFFF0000, v15;
	v42 =	vld [tilespmem:s12+$0x40];
	v41 =	vadd.f32 v37, v39  }
0x5d8: {  	v15 =	vmul.f32 v15, v8  }
0x5d9: {  	v16 =	vand.u32 $0xFFFF0000, v60;
	v43 =	vand.u32 $0xFFFF0000, v62;
	v14 =	vadd.f32 v41, v17  }
0x5da: {  	v16 =	vmul.f32 v16, v6;
	v15 =	vadd.f32 v40, v15;
	v17 =	vmul.f32 v43, v10  }
0x5db: {  	v44 =	vand.u32 $0xFFFF0000, v29;
	[tilespmem:s14+$0x40] =	vst v14  }
0x5dc: {  	v15 =	vadd.f32 v15, v16;
	v46 =	vadd.f32 v42, v17;
	v14 =	vmul.f32 v44, v9;
	v45 =	vld [tilespmem:s29+$0xF350]  }
0x5dd: {  	v47 =	vld [tilespmem:s29+$0x15350]  }
0x5de: {  	v48 =	vld [tilespmem:s8+$0x450];
	[tilespmem:s0+$0x40] =	vst v15;
	v14 =	vadd.f32 v46, v14  }
0x5df: {  	v15 =	vld [tilespmem:s15+$0xF350]  }
0x5e0: {  	v49 =	vld [tilespmem:s15+$0x15350];
	[tilespmem:s12+$0x40] =	vst v14  }
0x5e1: {  	v51 =	vld [tilespmem:s13+$0xF350];
	v50 =	vshll.u32 v45, $0x10  }
0x5e2: {  	v52 =	vld [tilespmem:s9+$0x450];
	v14 =	vmul.f32 v50, v7  }
0x5e3: {  	v54 =	vld [tilespmem:s13+$0x15350];
	v53 =	vshll.u32 v47, $0x10  }
0x5e4: {  	v57 =	vld [tilespmem:s11+$0x450];
	v55 =	vmul.f32 v53, v5;
	v56 =	vshll.u32 v15, $0x10;
	v14 =	vadd.f32 v14, v48  }
0x5e5: {  	v12 =	vand.u32 $0xFFFF0000, v12;
	v22 =	vmul.f32 v56, v8  }
0x5e6: {  	v58 =	vshll.u32 v49, $0x10;
	v59 =	vshll.u32 v51, $0x10;
	v14 =	vadd.f32 v55, v14  }
0x5e7: {  	v18 =	vmul.f32 v58, v6;
	v21 =	vadd.f32 v22, v52;
	v60 =	vmul.f32 v59, v10  }
0x5e8: {  	v11 =	vand.u32 $0xFFFF0000, v11;
	v12 =	vmul.f32 v12, v4;
	v61 =	vshll.u32 v54, $0x10;
	[tilespmem:s8+$0x450] =	vst v14  }
0x5e9: {  	v18 =	vadd.f32 v18, v21;
	v63 =	vadd.f32 v60, v57;
	v14 =	vmul.f32 v61, v9;
	v62 =	vld [tilespmem:s14+$0x50]  }
0x5ea: {  	v11 =	vmul.f32 v11, v3  }
0x5eb: {  	v12 =	vadd.f32 v13, v12;
	v22 =	vand.u32 $0xFFFF0000, v45;
	[tilespmem:s9+$0x450] =	vst v18;
	v14 =	vadd.f32 v14, v63  }
0x5ec: {  	v24 =	vmul.f32 v22, v7;
	v26 =	vld [tilespmem:s0+$0x50]  }
0x5ed: {  	v11 =	vadd.f32 v12, v11;
	v17 =	vand.u32 $0xFFFF0000, v47;
	[tilespmem:s11+$0x450] =	vst v14  }
0x5ee: {  	v28 =	vmul.f32 v17, v5;
	v29 =	vand.u32 $0xFFFF0000, v15;
	v30 =	vld [tilespmem:s12+$0x50];
	v27 =	vadd.f32 v62, v24  }
0x5ef: {  	[tilespmem:s28+$0x50] =	vst v11;
	v14 =	vmul.f32 v29, v8  }
0x5f0: {  	v31 =	vld [tilespmem:s7+$0xF360];
	v32 =	vand.u32 $0xFFFF0000, v49;
	v33 =	vand.u32 $0xFFFF0000, v51;
	v11 =	vadd.f32 v27, v28  }
0x5f1: {  	v34 =	vld [tilespmem:s7+$0x15360];
	v12 =	vmul.f32 v32, v6;
	v35 =	vmul.f32 v33, v10;
	v13 =	vadd.f32 v26, v14  }
0x5f2: {  	v36 =	vld [tilespmem:s23+$0x460];
	v37 =	vand.u32 $0xFFFF0000, v54;
	[tilespmem:s14+$0x50] =	vst v11  }
0x5f3: {  	v12 =	vadd.f32 v13, v12;
	v39 =	vadd.f32 v30, v35;
	v11 =	vmul.f32 v37, v9;
	v38 =	vld [tilespmem:s29+$0xF360]  }
0x5f4: {  	v41 =	vld [tilespmem:s29+$0x15360]  }
0x5f5: {  	v40 =	vshll.u32 v31, $0x10;
	v42 =	vld [tilespmem:s8+$0x460];
	[tilespmem:s0+$0x50] =	vst v12;
	v11 =	vadd.f32 v39, v11  }
0x5f6: {  	v14 =	vmul.f32 v40, v4;
	v44 =	vld [tilespmem:s15+$0xF360]  }
0x5f7: {  	v43 =	vshll.u32 v34, $0x10;
	v45 =	vld [tilespmem:s15+$0x15360];
	[tilespmem:s12+$0x50] =	vst v11  }
0x5f8: {  	v14 =	vadd.f32 v14, v36;
	v12 =	vmul.f32 v43, v3;
	v47 =	vld [tilespmem:s13+$0xF360];
	v46 =	vshll.u32 v38, $0x10  }
0x5f9: {  	v48 =	vld [tilespmem:s9+$0x460];
	v11 =	vmul.f32 v46, v7  }
0x5fa: {  	v12 =	vadd.f32 v12, v14;
	v50 =	vld [tilespmem:s13+$0x15360];
	v49 =	vshll.u32 v41, $0x10  }
0x5fb: {  	v53 =	vld [tilespmem:s11+$0x460];
	v51 =	vmul.f32 v49, v5;
	v52 =	vshll.u32 v44, $0x10;
	v11 =	vadd.f32 v11, v42  }
0x5fc: {  	v17 =	vand.u32 $0xFFFF0000, v31;
	[tilespmem:s23+$0x460] =	vst v12;
	v20 =	vmul.f32 v52, v8  }
0x5fd: {  	v54 =	vld [tilespmem:s28+$0x60];
	v55 =	vshll.u32 v45, $0x10;
	v56 =	vshll.u32 v47, $0x10;
	v11 =	vadd.f32 v51, v11  }
0x5fe: {  	v12 =	vmul.f32 v55, v6;
	v14 =	vadd.f32 v20, v48;
	v57 =	vmul.f32 v56, v10  }
0x5ff: {  	v17 =	vmul.f32 v17, v4;
	v18 =	vand.u32 $0xFFFF0000, v34;
	v58 =	vshll.u32 v50, $0x10;
	[tilespmem:s8+$0x460] =	vst v11  }
0x600: {  	v12 =	vadd.f32 v12, v14;
	v60 =	vadd.f32 v57, v53;
	v11 =	vmul.f32 v58, v9;
	v59 =	vld [tilespmem:s14+$0x60]  }
0x601: {  	v18 =	vmul.f32 v18, v3  }
0x602: {  	v19 =	vand.u32 $0xFFFF0000, v38;
	v17 =	vadd.f32 v54, v17;
	[tilespmem:s9+$0x460] =	vst v12;
	v11 =	vadd.f32 v11, v60  }
0x603: {  	v62 =	vmul.f32 v19, v7;
	v63 =	vld [tilespmem:s0+$0x60]  }
0x604: {  	v15 =	vand.u32 $0xFFFF0000, v41;
	v61 =	vadd.f32 v17, v18;
	[tilespmem:s11+$0x460] =	vst v11  }
0x605: {  	v24 =	vmul.f32 v15, v5;
	v13 =	vand.u32 $0xFFFF0000, v44;
	v25 =	vld [tilespmem:s12+$0x60];
	v22 =	vadd.f32 v59, v62  }
0x606: {  	v13 =	vmul.f32 v13, v8;
	[tilespmem:s28+$0x60] =	vst v61  }
0x607: {  	v27 =	vand.u32 $0xFFFF0000, v45;
	v28 =	vand.u32 $0xFFFF0000, v47;
	v26 =	vld [tilespmem:s7+$0xF370];
	v11 =	vadd.f32 v22, v24  }
0x608: {  	v16 =	vmul.f32 v28, v10;
	v12 =	vmul.f32 v27, v6;
	v29 =	vld [tilespmem:s7+$0x15370];
	v13 =	vadd.f32 v63, v13  }
0x609: {  	v31 =	vand.u32 $0xFFFF0000, v50;
	v30 =	vld [tilespmem:s23+$0x470];
	[tilespmem:s14+$0x60] =	vst v11  }
0x60a: {  	v12 =	vadd.f32 v13, v12;
	v33 =	vadd.f32 v25, v16;
	v11 =	vmul.f32 v31, v9;
	v32 =	vld [tilespmem:s29+$0xF370]  }
0x60b: {  	v34 =	vld [tilespmem:s29+$0x15370]  }
0x60c: {  	v35 =	vshll.u32 v26, $0x10;
	v36 =	vld [tilespmem:s8+$0x470];
	[tilespmem:s0+$0x60] =	vst v12;
	v11 =	vadd.f32 v33, v11  }
0x60d: {  	v16 =	vmul.f32 v35, v4;
	v38 =	vld [tilespmem:s15+$0xF370]  }
0x60e: {  	v37 =	vshll.u32 v29, $0x10;
	v39 =	vld [tilespmem:s15+$0x15370];
	[tilespmem:s12+$0x60] =	vst v11  }
0x60f: {  	v16 =	vadd.f32 v16, v30;
	v12 =	vmul.f32 v37, v3;
	v41 =	vld [tilespmem:s13+$0xF370];
	v40 =	vshll.u32 v32, $0x10  }
0x610: {  	v42 =	vld [tilespmem:s9+$0x470];
	v11 =	vmul.f32 v40, v7  }
0x611: {  	v12 =	vadd.f32 v12, v16;
	v43 =	vld [tilespmem:s13+$0x15370];
	v44 =	vshll.u32 v34, $0x10  }
0x612: {  	v47 =	vld [tilespmem:s11+$0x470];
	v45 =	vmul.f32 v44, v5;
	v46 =	vshll.u32 v38, $0x10;
	v11 =	vadd.f32 v11, v36  }
0x613: {  	v15 =	vand.u32 $0xFFFF0000, v26;
	[tilespmem:s23+$0x470] =	vst v12;
	v20 =	vmul.f32 v46, v8  }
0x614: {  	v48 =	vld [tilespmem:s28+$0x70];
	v49 =	vshll.u32 v39, $0x10;
	v50 =	vshll.u32 v41, $0x10;
	v11 =	vadd.f32 v45, v11  }
0x615: {  	v12 =	vmul.f32 v49, v6;
	v16 =	vadd.f32 v20, v42;
	v51 =	vmul.f32 v50, v10  }
0x616: {  	v18 =	vand.u32 $0xFFFF0000, v29;
	v15 =	vmul.f32 v15, v4;
	v52 =	vshll.u32 v43, $0x10;
	[tilespmem:s8+$0x470] =	vst v11  }
0x617: {  	v12 =	vadd.f32 v12, v16;
	v54 =	vadd.f32 v51, v47;
	v11 =	vmul.f32 v52, v9;
	v53 =	vld [tilespmem:s14+$0x70]  }
0x618: {  	v18 =	vmul.f32 v18, v3  }
0x619: {  	v19 =	vand.u32 $0xFFFF0000, v32;
	v15 =	vadd.f32 v48, v15;
	[tilespmem:s9+$0x470] =	vst v12;
	v11 =	vadd.f32 v11, v54  }
0x61a: {  	v56 =	vmul.f32 v19, v7;
	v57 =	vld [tilespmem:s0+$0x70]  }
0x61b: {  	v14 =	vand.u32 $0xFFFF0000, v34;
	v55 =	vadd.f32 v15, v18;
	[tilespmem:s11+$0x470] =	vst v11  }
0x61c: {  	s13 =	sadd.s32 $0x800, s26;
	v59 =	vmul.f32 v14, v5;
	v13 =	vand.u32 $0xFFFF0000, v38;
	v60 =	vld [tilespmem:s12+$0x70];
	v58 =	vadd.f32 v53, v56  }
0x61d: {  	s23 =	sor.u32 s24, s13;
	v13 =	vmul.f32 v13, v8;
	[tilespmem:s28+$0x70] =	vst v55  }
0x61e: {  	s31 =	sadd.s32 $0x6B00, s25;
	v62 =	vand.u32 $0xFFFF0000, v39;
	v17 =	vand.u32 $0xFFFF0000, v41;
	v61 =	vld [tilespmem:s23+$0xF300];
	v11 =	vadd.f32 v58, v59  }
0x61f: {  	v28 =	vmul.f32 v17, v10;
	s8 =	sadd.s32 s24, s31;
	v12 =	vmul.f32 v62, v6;
	v63 =	vld [tilespmem:s23+$0x15300];
	v13 =	vadd.f32 v57, v13  }
0x620: {  	v30 =	vand.u32 $0xFFFF0000, v43;
	s9 =	sor.u32 s5, s13;
	v29 =	vld [tilespmem:s8+$0x0];
	[tilespmem:s14+$0x70] =	vst v11  }
0x621: {  	v12 =	vadd.f32 v13, v12;
	v32 =	vadd.f32 v60, v28;
	v11 =	vmul.f32 v30, v9;
	v31 =	vld [tilespmem:s9+$0xF300]  }
0x622: {  	s11 =	sadd.s32 s5, s31;
	v34 =	vld [tilespmem:s9+$0x15300]  }
0x623: {  	v33 =	vshll.u32 v61, $0x10;
	s14 =	sor.u32 s4, s13;
	v35 =	vld [tilespmem:s11+$0x0];
	[tilespmem:s0+$0x70] =	vst v12;
	v11 =	vadd.f32 v32, v11  }
0x624: {  	v14 =	vmul.f32 v33, v4;
	v37 =	vld [tilespmem:s14+$0xF300]  }
0x625: {  	s26 =	sor.u32 s6, s13;
	v36 =	vshll.u32 v63, $0x10;
	v38 =	vld [tilespmem:s14+$0x15300];
	[tilespmem:s12+$0x70] =	vst v11  }
0x626: {  	s15 =	sadd.s32 s4, s31;
	v14 =	vadd.f32 v14, v29;
	v12 =	vmul.f32 v36, v3;
	v40 =	vld [tilespmem:s26+$0xF300];
	v39 =	vshll.u32 v31, $0x10  }
0x627: {  	v41 =	vld [tilespmem:s15+$0x0];
	v11 =	vmul.f32 v39, v7  }
0x628: {  	s30 =	sadd.s32 s6, s31;
	v12 =	vadd.f32 v12, v14;
	v43 =	vld [tilespmem:s26+$0x15300];
	v42 =	vshll.u32 v34, $0x10  }
0x629: {  	s29 =	sadd.s32 $0x7700, s25;
	v46 =	vld [tilespmem:s30+$0x0];
	v44 =	vmul.f32 v42, v5;
	v45 =	vshll.u32 v37, $0x10;
	v11 =	vadd.f32 v11, v35  }
0x62a: {  	s31 =	sadd.s32 s24, s29;
	v15 =	vand.u32 $0xFFFF0000, v61;
	[tilespmem:s8+$0x0] =	vst v12;
	v20 =	vmul.f32 v45, v8  }
0x62b: {  	v47 =	vld [tilespmem:s31+$0x0];
	v48 =	vshll.u32 v38, $0x10;
	v49 =	vshll.u32 v40, $0x10;
	v11 =	vadd.f32 v44, v11  }
0x62c: {  	v12 =	vmul.f32 v48, v6;
	v14 =	vadd.f32 v20, v41;
	v50 =	vmul.f32 v49, v10  }
0x62d: {  	s5 =	sadd.s32 s5, s29;
	v18 =	vand.u32 $0xFFFF0000, v63;
	v15 =	vmul.f32 v15, v4;
	v51 =	vshll.u32 v43, $0x10;
	[tilespmem:s11+$0x0] =	vst v11  }
0x62e: {  	v12 =	vadd.f32 v12, v14;
	v53 =	vadd.f32 v50, v46;
	v11 =	vmul.f32 v51, v9;
	v52 =	vld [tilespmem:s5+$0x0]  }
0x62f: {  	v18 =	vmul.f32 v18, v3  }
0x630: {  	s4 =	sadd.s32 s4, s29;
	v19 =	vand.u32 $0xFFFF0000, v31;
	v15 =	vadd.f32 v47, v15;
	[tilespmem:s15+$0x0] =	vst v12;
	v11 =	vadd.f32 v11, v53  }
0x631: {  	v55 =	vmul.f32 v19, v7;
	v56 =	vld [tilespmem:s4+$0x0]  }
0x632: {  	s6 =	sadd.s32 s6, s29;
	v16 =	vand.u32 $0xFFFF0000, v34;
	v54 =	vadd.f32 v15, v18;
	[tilespmem:s30+$0x0] =	vst v11  }
0x633: {  	v58 =	vmul.f32 v16, v5;
	v13 =	vand.u32 $0xFFFF0000, v37;
	v59 =	vld [tilespmem:s6+$0x0];
	v57 =	vadd.f32 v52, v55  }
0x634: {  	v13 =	vmul.f32 v13, v8;
	[tilespmem:s31+$0x0] =	vst v54  }
0x635: {  	v61 =	vand.u32 $0xFFFF0000, v38;
	v62 =	vand.u32 $0xFFFF0000, v40;
	v60 =	vld [tilespmem:s23+$0xF310];
	v11 =	vadd.f32 v57, v58  }
0x636: {  	v28 =	vmul.f32 v62, v10;
	v12 =	vmul.f32 v61, v6;
	v63 =	vld [tilespmem:s23+$0x15310];
	v13 =	vadd.f32 v56, v13  }
0x637: {  	v30 =	vand.u32 $0xFFFF0000, v43;
	v29 =	vld [tilespmem:s8+$0x10];
	[tilespmem:s5+$0x0] =	vst v11  }
0x638: {  	v12 =	vadd.f32 v13, v12;
	v32 =	vadd.f32 v59, v28;
	v11 =	vmul.f32 v30, v9;
	v31 =	vld [tilespmem:s9+$0xF310]  }
0x639: {  	v34 =	vld [tilespmem:s9+$0x15310]  }
0x63a: {  	v33 =	vshll.u32 v60, $0x10;
	v35 =	vld [tilespmem:s11+$0x10];
	[tilespmem:s4+$0x0] =	vst v12;
	v11 =	vadd.f32 v32, v11  }
0x63b: {  	v14 =	vmul.f32 v33, v4;
	v37 =	vld [tilespmem:s14+$0xF310]  }
0x63c: {  	v36 =	vshll.u32 v63, $0x10;
	v38 =	vld [tilespmem:s14+$0x15310];
	[tilespmem:s6+$0x0] =	vst v11  }
0x63d: {  	v14 =	vadd.f32 v14, v29;
	v12 =	vmul.f32 v36, v3;
	v40 =	vld [tilespmem:s26+$0xF310];
	v39 =	vshll.u32 v31, $0x10  }
0x63e: {  	v41 =	vld [tilespmem:s15+$0x10];
	v11 =	vmul.f32 v39, v7  }
0x63f: {  	v12 =	vadd.f32 v12, v14;
	v43 =	vld [tilespmem:s26+$0x15310];
	v42 =	vshll.u32 v34, $0x10  }
0x640: {  	v46 =	vld [tilespmem:s30+$0x10];
	v44 =	vmul.f32 v42, v5;
	v45 =	vshll.u32 v37, $0x10;
	v11 =	vadd.f32 v11, v35  }
0x641: {  	v16 =	vand.u32 $0xFFFF0000, v60;
	[tilespmem:s8+$0x10] =	vst v12;
	v20 =	vmul.f32 v45, v8  }
0x642: {  	v47 =	vld [tilespmem:s31+$0x10];
	v48 =	vshll.u32 v38, $0x10;
	v49 =	vshll.u32 v40, $0x10;
	v11 =	vadd.f32 v44, v11  }
0x643: {  	v12 =	vmul.f32 v48, v6;
	v14 =	vadd.f32 v20, v41;
	v50 =	vmul.f32 v49, v10  }
0x644: {  	v18 =	vand.u32 $0xFFFF0000, v63;
	v16 =	vmul.f32 v16, v4;
	v51 =	vshll.u32 v43, $0x10;
	[tilespmem:s11+$0x10] =	vst v11  }
0x645: {  	v12 =	vadd.f32 v12, v14;
	v53 =	vadd.f32 v50, v46;
	v11 =	vmul.f32 v51, v9;
	v52 =	vld [tilespmem:s5+$0x10]  }
0x646: {  	v18 =	vmul.f32 v18, v3  }
0x647: {  	v19 =	vand.u32 $0xFFFF0000, v31;
	v16 =	vadd.f32 v47, v16;
	[tilespmem:s15+$0x10] =	vst v12;
	v11 =	vadd.f32 v11, v53  }
0x648: {  	v55 =	vmul.f32 v19, v7;
	v56 =	vld [tilespmem:s4+$0x10]  }
0x649: {  	v15 =	vand.u32 $0xFFFF0000, v34;
	v54 =	vadd.f32 v16, v18;
	[tilespmem:s30+$0x10] =	vst v11  }
0x64a: {  	v58 =	vmul.f32 v15, v5;
	v13 =	vand.u32 $0xFFFF0000, v37;
	v59 =	vld [tilespmem:s6+$0x10];
	v57 =	vadd.f32 v52, v55  }
0x64b: {  	v13 =	vmul.f32 v13, v8;
	[tilespmem:s31+$0x10] =	vst v54  }
0x64c: {  	v61 =	vand.u32 $0xFFFF0000, v38;
	v62 =	vand.u32 $0xFFFF0000, v40;
	v60 =	vld [tilespmem:s23+$0xF320];
	v11 =	vadd.f32 v57, v58  }
0x64d: {  	v28 =	vmul.f32 v62, v10;
	v12 =	vmul.f32 v61, v6;
	v63 =	vld [tilespmem:s23+$0x15320];
	v13 =	vadd.f32 v56, v13  }
0x64e: {  	v30 =	vand.u32 $0xFFFF0000, v43;
	v29 =	vld [tilespmem:s8+$0x20];
	[tilespmem:s5+$0x10] =	vst v11  }
0x64f: {  	v12 =	vadd.f32 v13, v12;
	v32 =	vadd.f32 v59, v28;
	v11 =	vmul.f32 v30, v9;
	v31 =	vld [tilespmem:s9+$0xF320]  }
0x650: {  	v34 =	vld [tilespmem:s9+$0x15320]  }
0x651: {  	v33 =	vshll.u32 v60, $0x10;
	v35 =	vld [tilespmem:s11+$0x20];
	[tilespmem:s4+$0x10] =	vst v12;
	v11 =	vadd.f32 v32, v11  }
0x652: {  	v14 =	vmul.f32 v33, v4;
	v37 =	vld [tilespmem:s14+$0xF320]  }
0x653: {  	v36 =	vshll.u32 v63, $0x10;
	v38 =	vld [tilespmem:s14+$0x15320];
	[tilespmem:s6+$0x10] =	vst v11  }
0x654: {  	v14 =	vadd.f32 v14, v29;
	v12 =	vmul.f32 v36, v3;
	v40 =	vld [tilespmem:s26+$0xF320];
	v39 =	vshll.u32 v31, $0x10  }
0x655: {  	v41 =	vld [tilespmem:s15+$0x20];
	v11 =	vmul.f32 v39, v7  }
0x656: {  	v12 =	vadd.f32 v12, v14;
	v43 =	vld [tilespmem:s26+$0x15320];
	v42 =	vshll.u32 v34, $0x10  }
0x657: {  	v46 =	vld [tilespmem:s30+$0x20];
	v44 =	vmul.f32 v42, v5;
	v45 =	vshll.u32 v37, $0x10;
	v11 =	vadd.f32 v11, v35  }
0x658: {  	v15 =	vand.u32 $0xFFFF0000, v60;
	[tilespmem:s8+$0x20] =	vst v12;
	v20 =	vmul.f32 v45, v8  }
0x659: {  	v47 =	vld [tilespmem:s31+$0x20];
	v48 =	vshll.u32 v38, $0x10;
	v49 =	vshll.u32 v40, $0x10;
	v11 =	vadd.f32 v44, v11  }
0x65a: {  	v12 =	vmul.f32 v48, v6;
	v14 =	vadd.f32 v20, v41;
	v50 =	vmul.f32 v49, v10  }
0x65b: {  	v18 =	vand.u32 $0xFFFF0000, v63;
	v15 =	vmul.f32 v15, v4;
	v51 =	vshll.u32 v43, $0x10;
	[tilespmem:s11+$0x20] =	vst v11  }
0x65c: {  	v12 =	vadd.f32 v12, v14;
	v53 =	vadd.f32 v50, v46;
	v11 =	vmul.f32 v51, v9;
	v52 =	vld [tilespmem:s5+$0x20]  }
0x65d: {  	v18 =	vmul.f32 v18, v3  }
0x65e: {  	v19 =	vand.u32 $0xFFFF0000, v31;
	v15 =	vadd.f32 v47, v15;
	[tilespmem:s15+$0x20] =	vst v12;
	v11 =	vadd.f32 v11, v53  }
0x65f: {  	v55 =	vmul.f32 v19, v7;
	v56 =	vld [tilespmem:s4+$0x20]  }
0x660: {  	v16 =	vand.u32 $0xFFFF0000, v34;
	v54 =	vadd.f32 v15, v18;
	[tilespmem:s30+$0x20] =	vst v11  }
0x661: {  	v58 =	vmul.f32 v16, v5;
	v13 =	vand.u32 $0xFFFF0000, v37;
	v59 =	vld [tilespmem:s6+$0x20];
	v57 =	vadd.f32 v52, v55  }
0x662: {  	v13 =	vmul.f32 v13, v8;
	[tilespmem:s31+$0x20] =	vst v54  }
0x663: {  	v61 =	vand.u32 $0xFFFF0000, v38;
	v62 =	vand.u32 $0xFFFF0000, v40;
	v60 =	vld [tilespmem:s23+$0xF330];
	v11 =	vadd.f32 v57, v58  }
0x664: {  	v28 =	vmul.f32 v62, v10;
	v12 =	vmul.f32 v61, v6;
	v63 =	vld [tilespmem:s23+$0x15330];
	v13 =	vadd.f32 v56, v13  }
0x665: {  	v30 =	vand.u32 $0xFFFF0000, v43;
	v29 =	vld [tilespmem:s8+$0x30];
	[tilespmem:s5+$0x20] =	vst v11  }
0x666: {  	v12 =	vadd.f32 v13, v12;
	v32 =	vadd.f32 v59, v28;
	v11 =	vmul.f32 v30, v9;
	v31 =	vld [tilespmem:s9+$0xF330]  }
0x667: {  	v34 =	vld [tilespmem:s9+$0x15330]  }
0x668: {  	v33 =	vshll.u32 v60, $0x10;
	v35 =	vld [tilespmem:s11+$0x30];
	[tilespmem:s4+$0x20] =	vst v12;
	v11 =	vadd.f32 v32, v11  }
0x669: {  	v14 =	vmul.f32 v33, v4;
	v37 =	vld [tilespmem:s14+$0xF330]  }
0x66a: {  	v36 =	vshll.u32 v63, $0x10;
	v38 =	vld [tilespmem:s14+$0x15330];
	[tilespmem:s6+$0x20] =	vst v11  }
0x66b: {  	v14 =	vadd.f32 v14, v29;
	v12 =	vmul.f32 v36, v3;
	v40 =	vld [tilespmem:s26+$0xF330];
	v39 =	vshll.u32 v31, $0x10  }
0x66c: {  	v41 =	vld [tilespmem:s15+$0x30];
	v11 =	vmul.f32 v39, v7  }
0x66d: {  	v12 =	vadd.f32 v12, v14;
	v43 =	vld [tilespmem:s26+$0x15330];
	v42 =	vshll.u32 v34, $0x10  }
0x66e: {  	v46 =	vld [tilespmem:s30+$0x30];
	v44 =	vmul.f32 v42, v5;
	v45 =	vshll.u32 v37, $0x10;
	v11 =	vadd.f32 v11, v35  }
0x66f: {  	v16 =	vand.u32 $0xFFFF0000, v60;
	[tilespmem:s8+$0x30] =	vst v12;
	v20 =	vmul.f32 v45, v8  }
0x670: {  	v47 =	vld [tilespmem:s31+$0x30];
	v48 =	vshll.u32 v38, $0x10;
	v49 =	vshll.u32 v40, $0x10;
	v11 =	vadd.f32 v44, v11  }
0x671: {  	v12 =	vmul.f32 v48, v6;
	v14 =	vadd.f32 v20, v41;
	v50 =	vmul.f32 v49, v10  }
0x672: {  	v18 =	vand.u32 $0xFFFF0000, v63;
	v16 =	vmul.f32 v16, v4;
	v51 =	vshll.u32 v43, $0x10;
	[tilespmem:s11+$0x30] =	vst v11  }
0x673: {  	v12 =	vadd.f32 v12, v14;
	v53 =	vadd.f32 v50, v46;
	v11 =	vmul.f32 v51, v9;
	v52 =	vld [tilespmem:s5+$0x30]  }
0x674: {  	v18 =	vmul.f32 v18, v3  }
0x675: {  	v19 =	vand.u32 $0xFFFF0000, v31;
	v16 =	vadd.f32 v47, v16;
	[tilespmem:s15+$0x30] =	vst v12;
	v11 =	vadd.f32 v11, v53  }
0x676: {  	v55 =	vmul.f32 v19, v7;
	v56 =	vld [tilespmem:s4+$0x30]  }
0x677: {  	v15 =	vand.u32 $0xFFFF0000, v34;
	v54 =	vadd.f32 v16, v18;
	[tilespmem:s30+$0x30] =	vst v11  }
0x678: {  	v58 =	vmul.f32 v15, v5;
	v13 =	vand.u32 $0xFFFF0000, v37;
	v59 =	vld [tilespmem:s6+$0x30];
	v57 =	vadd.f32 v52, v55  }
0x679: {  	v13 =	vmul.f32 v13, v8;
	[tilespmem:s31+$0x30] =	vst v54  }
0x67a: {  	v61 =	vand.u32 $0xFFFF0000, v38;
	v62 =	vand.u32 $0xFFFF0000, v40;
	v60 =	vld [tilespmem:s23+$0xF340];
	v11 =	vadd.f32 v57, v58  }
0x67b: {  	v28 =	vmul.f32 v62, v10;
	v12 =	vmul.f32 v61, v6;
	v63 =	vld [tilespmem:s23+$0x15340];
	v13 =	vadd.f32 v56, v13  }
0x67c: {  	v30 =	vand.u32 $0xFFFF0000, v43;
	v29 =	vld [tilespmem:s8+$0x40];
	[tilespmem:s5+$0x30] =	vst v11  }
0x67d: {  	v12 =	vadd.f32 v13, v12;
	v32 =	vadd.f32 v59, v28;
	v11 =	vmul.f32 v30, v9;
	v31 =	vld [tilespmem:s9+$0xF340]  }
0x67e: {  	v34 =	vld [tilespmem:s9+$0x15340]  }
0x67f: {  	v33 =	vshll.u32 v60, $0x10;
	v35 =	vld [tilespmem:s11+$0x40];
	[tilespmem:s4+$0x30] =	vst v12;
	v11 =	vadd.f32 v32, v11  }
0x680: {  	v14 =	vmul.f32 v33, v4;
	v37 =	vld [tilespmem:s14+$0xF340]  }
0x681: {  	v36 =	vshll.u32 v63, $0x10;
	v38 =	vld [tilespmem:s14+$0x15340];
	[tilespmem:s6+$0x30] =	vst v11  }
0x682: {  	v14 =	vadd.f32 v14, v29;
	v12 =	vmul.f32 v36, v3;
	v40 =	vld [tilespmem:s26+$0xF340];
	v39 =	vshll.u32 v31, $0x10  }
0x683: {  	v41 =	vld [tilespmem:s15+$0x40];
	v11 =	vmul.f32 v39, v7  }
0x684: {  	v12 =	vadd.f32 v12, v14;
	v43 =	vld [tilespmem:s26+$0x15340];
	v42 =	vshll.u32 v34, $0x10  }
0x685: {  	v46 =	vld [tilespmem:s30+$0x40];
	v44 =	vmul.f32 v42, v5;
	v45 =	vshll.u32 v37, $0x10;
	v11 =	vadd.f32 v11, v35  }
0x686: {  	v15 =	vand.u32 $0xFFFF0000, v60;
	[tilespmem:s8+$0x40] =	vst v12;
	v20 =	vmul.f32 v45, v8  }
0x687: {  	v47 =	vld [tilespmem:s31+$0x40];
	v48 =	vshll.u32 v38, $0x10;
	v49 =	vshll.u32 v40, $0x10;
	v11 =	vadd.f32 v44, v11  }
0x688: {  	v12 =	vmul.f32 v48, v6;
	v14 =	vadd.f32 v20, v41;
	v50 =	vmul.f32 v49, v10  }
0x689: {  	v18 =	vand.u32 $0xFFFF0000, v63;
	v15 =	vmul.f32 v15, v4;
	v51 =	vshll.u32 v43, $0x10;
	[tilespmem:s11+$0x40] =	vst v11  }
0x68a: {  	v12 =	vadd.f32 v12, v14;
	v53 =	vadd.f32 v50, v46;
	v11 =	vmul.f32 v51, v9;
	v52 =	vld [tilespmem:s5+$0x40]  }
0x68b: {  	v18 =	vmul.f32 v18, v3  }
0x68c: {  	v19 =	vand.u32 $0xFFFF0000, v31;
	v15 =	vadd.f32 v47, v15;
	[tilespmem:s15+$0x40] =	vst v12;
	v11 =	vadd.f32 v11, v53  }
0x68d: {  	v55 =	vmul.f32 v19, v7;
	v56 =	vld [tilespmem:s4+$0x40]  }
0x68e: {  	v16 =	vand.u32 $0xFFFF0000, v34;
	v54 =	vadd.f32 v15, v18;
	[tilespmem:s30+$0x40] =	vst v11  }
0x68f: {  	v58 =	vmul.f32 v16, v5;
	v13 =	vand.u32 $0xFFFF0000, v37;
	v59 =	vld [tilespmem:s6+$0x40];
	v57 =	vadd.f32 v52, v55  }
0x690: {  	v13 =	vmul.f32 v13, v8;
	[tilespmem:s31+$0x40] =	vst v54  }
0x691: {  	v61 =	vand.u32 $0xFFFF0000, v38;
	v62 =	vand.u32 $0xFFFF0000, v40;
	v60 =	vld [tilespmem:s23+$0xF350];
	v11 =	vadd.f32 v57, v58  }
0x692: {  	v28 =	vmul.f32 v62, v10;
	v12 =	vmul.f32 v61, v6;
	v63 =	vld [tilespmem:s23+$0x15350];
	v13 =	vadd.f32 v56, v13  }
0x693: {  	v30 =	vand.u32 $0xFFFF0000, v43;
	v29 =	vld [tilespmem:s8+$0x50];
	[tilespmem:s5+$0x40] =	vst v11  }
0x694: {  	v12 =	vadd.f32 v13, v12;
	v32 =	vadd.f32 v59, v28;
	v11 =	vmul.f32 v30, v9;
	v31 =	vld [tilespmem:s9+$0xF350]  }
0x695: {  	v34 =	vld [tilespmem:s9+$0x15350]  }
0x696: {  	v33 =	vshll.u32 v60, $0x10;
	v35 =	vld [tilespmem:s11+$0x50];
	[tilespmem:s4+$0x40] =	vst v12;
	v11 =	vadd.f32 v32, v11  }
0x697: {  	v14 =	vmul.f32 v33, v4;
	v37 =	vld [tilespmem:s14+$0xF350]  }
0x698: {  	v36 =	vshll.u32 v63, $0x10;
	v38 =	vld [tilespmem:s14+$0x15350];
	[tilespmem:s6+$0x40] =	vst v11  }
0x699: {  	v14 =	vadd.f32 v14, v29;
	v12 =	vmul.f32 v36, v3;
	v40 =	vld [tilespmem:s26+$0xF350];
	v39 =	vshll.u32 v31, $0x10  }
0x69a: {  	v41 =	vld [tilespmem:s15+$0x50];
	v11 =	vmul.f32 v39, v7  }
0x69b: {  	v12 =	vadd.f32 v12, v14;
	v43 =	vld [tilespmem:s26+$0x15350];
	v42 =	vshll.u32 v34, $0x10  }
0x69c: {  	v46 =	vld [tilespmem:s30+$0x50];
	v44 =	vmul.f32 v42, v5;
	v45 =	vshll.u32 v37, $0x10;
	v11 =	vadd.f32 v11, v35  }
0x69d: {  	v16 =	vand.u32 $0xFFFF0000, v60;
	[tilespmem:s8+$0x50] =	vst v12;
	v20 =	vmul.f32 v45, v8  }
0x69e: {  	v47 =	vld [tilespmem:s31+$0x50];
	v48 =	vshll.u32 v38, $0x10;
	v49 =	vshll.u32 v40, $0x10;
	v11 =	vadd.f32 v44, v11  }
0x69f: {  	v12 =	vmul.f32 v48, v6;
	v14 =	vadd.f32 v20, v41;
	v50 =	vmul.f32 v49, v10  }
0x6a0: {  	v18 =	vand.u32 $0xFFFF0000, v63;
	v16 =	vmul.f32 v16, v4;
	v51 =	vshll.u32 v43, $0x10;
	[tilespmem:s11+$0x50] =	vst v11  }
0x6a1: {  	v12 =	vadd.f32 v12, v14;
	v53 =	vadd.f32 v50, v46;
	v11 =	vmul.f32 v51, v9;
	v52 =	vld [tilespmem:s5+$0x50]  }
0x6a2: {  	v18 =	vmul.f32 v18, v3  }
0x6a3: {  	v19 =	vand.u32 $0xFFFF0000, v31;
	v16 =	vadd.f32 v47, v16;
	[tilespmem:s15+$0x50] =	vst v12;
	v11 =	vadd.f32 v11, v53  }
0x6a4: {  	v55 =	vmul.f32 v19, v7;
	v56 =	vld [tilespmem:s4+$0x50]  }
0x6a5: {  	v15 =	vand.u32 $0xFFFF0000, v34;
	v54 =	vadd.f32 v16, v18;
	[tilespmem:s30+$0x50] =	vst v11  }
0x6a6: {  	v58 =	vmul.f32 v15, v5;
	v13 =	vand.u32 $0xFFFF0000, v37;
	v59 =	vld [tilespmem:s6+$0x50];
	v57 =	vadd.f32 v52, v55  }
0x6a7: {  	v13 =	vmul.f32 v13, v8;
	[tilespmem:s31+$0x50] =	vst v54  }
0x6a8: {  	v61 =	vand.u32 $0xFFFF0000, v38;
	v62 =	vand.u32 $0xFFFF0000, v40;
	v60 =	vld [tilespmem:s23+$0xF360];
	v11 =	vadd.f32 v57, v58  }
0x6a9: {  	v26 =	vmul.f32 v62, v10;
	v12 =	vmul.f32 v61, v6;
	v63 =	vld [tilespmem:s23+$0x15360];
	v13 =	vadd.f32 v56, v13  }
0x6aa: {  	v28 =	vand.u32 $0xFFFF0000, v43;
	v27 =	vld [tilespmem:s8+$0x60];
	[tilespmem:s5+$0x50] =	vst v11  }
0x6ab: {  	v12 =	vadd.f32 v13, v12;
	v30 =	vadd.f32 v59, v26;
	v11 =	vmul.f32 v28, v9;
	v29 =	vld [tilespmem:s9+$0xF360]  }
0x6ac: {  	v32 =	vld [tilespmem:s9+$0x15360]  }
0x6ad: {  	v31 =	vshll.u32 v60, $0x10;
	v33 =	vld [tilespmem:s11+$0x60];
	[tilespmem:s4+$0x50] =	vst v12;
	v11 =	vadd.f32 v30, v11  }
0x6ae: {  	v14 =	vmul.f32 v31, v4;
	v35 =	vld [tilespmem:s14+$0xF360]  }
0x6af: {  	v34 =	vshll.u32 v63, $0x10;
	v36 =	vld [tilespmem:s14+$0x15360];
	[tilespmem:s6+$0x50] =	vst v11  }
0x6b0: {  	v14 =	vadd.f32 v14, v27;
	v12 =	vmul.f32 v34, v3;
	v38 =	vld [tilespmem:s26+$0xF360];
	v37 =	vshll.u32 v29, $0x10  }
0x6b1: {  	v39 =	vld [tilespmem:s15+$0x60];
	v11 =	vmul.f32 v37, v7  }
0x6b2: {  	v12 =	vadd.f32 v12, v14;
	v41 =	vld [tilespmem:s26+$0x15360];
	v40 =	vshll.u32 v32, $0x10  }
0x6b3: {  	v44 =	vld [tilespmem:s30+$0x60];
	v42 =	vmul.f32 v40, v5;
	v43 =	vshll.u32 v35, $0x10;
	v11 =	vadd.f32 v11, v33  }
0x6b4: {  	v15 =	vand.u32 $0xFFFF0000, v60;
	[tilespmem:s8+$0x60] =	vst v12;
	v20 =	vmul.f32 v43, v8  }
0x6b5: {  	v45 =	vld [tilespmem:s31+$0x60];
	v46 =	vshll.u32 v36, $0x10;
	v47 =	vshll.u32 v38, $0x10;
	v11 =	vadd.f32 v42, v11  }
0x6b6: {  	v12 =	vmul.f32 v46, v6;
	v14 =	vadd.f32 v20, v39;
	v48 =	vmul.f32 v47, v10  }
0x6b7: {  	v18 =	vand.u32 $0xFFFF0000, v63;
	v15 =	vmul.f32 v15, v4;
	v49 =	vshll.u32 v41, $0x10;
	[tilespmem:s11+$0x60] =	vst v11  }
0x6b8: {  	v12 =	vadd.f32 v12, v14;
	v51 =	vadd.f32 v48, v44;
	v11 =	vmul.f32 v49, v9;
	v50 =	vld [tilespmem:s5+$0x60]  }
0x6b9: {  	v18 =	vmul.f32 v18, v3  }
0x6ba: {  	v19 =	vand.u32 $0xFFFF0000, v29;
	v15 =	vadd.f32 v45, v15;
	[tilespmem:s15+$0x60] =	vst v12;
	v11 =	vadd.f32 v11, v51  }
0x6bb: {  	v52 =	vmul.f32 v19, v7;
	v53 =	vld [tilespmem:s4+$0x60]  }
0x6bc: {  	v16 =	vand.u32 $0xFFFF0000, v32;
	v15 =	vadd.f32 v15, v18;
	[tilespmem:s30+$0x60] =	vst v11  }
0x6bd: {  	v55 =	vmul.f32 v16, v5;
	v13 =	vand.u32 $0xFFFF0000, v35;
	v56 =	vld [tilespmem:s6+$0x60];
	v54 =	vadd.f32 v50, v52  }
0x6be: {  	v13 =	vmul.f32 v13, v8;
	[tilespmem:s31+$0x60] =	vst v15  }
0x6bf: {  	v57 =	vand.u32 $0xFFFF0000, v36;
	v58 =	vand.u32 $0xFFFF0000, v38;
	v15 =	vld [tilespmem:s23+$0xF370];
	v11 =	vadd.f32 v54, v55  }
0x6c0: {  	v60 =	vmul.f32 v58, v10;
	v12 =	vmul.f32 v57, v6;
	v59 =	vld [tilespmem:s23+$0x15370];
	v13 =	vadd.f32 v53, v13  }
0x6c1: {  	v62 =	vand.u32 $0xFFFF0000, v41;
	v61 =	vld [tilespmem:s8+$0x70];
	[tilespmem:s5+$0x60] =	vst v11  }
0x6c2: {  	v12 =	vadd.f32 v13, v12;
	v28 =	vadd.f32 v56, v60;
	v11 =	vmul.f32 v62, v9;
	v63 =	vld [tilespmem:s9+$0xF370]  }
0x6c3: {  	v29 =	vld [tilespmem:s9+$0x15370]  }
0x6c4: {  	v30 =	vld [tilespmem:s11+$0x70];
	[tilespmem:s4+$0x60] =	vst v12;
	v11 =	vadd.f32 v28, v11  }
0x6c5: {  	v32 =	vld [tilespmem:s14+$0xF370]  }
0x6c6: {  	v31 =	vshll.u32 v15, $0x10;
	v33 =	vld [tilespmem:s14+$0x15370];
	[tilespmem:s6+$0x60] =	vst v11  }
0x6c7: {  	v12 =	vmul.f32 v31, v4;
	v35 =	vld [tilespmem:s26+$0xF370]  }
0x6c8: {  	v34 =	vshll.u32 v59, $0x10;
	v38 =	vld [tilespmem:s26+$0x15370]  }
0x6c9: {  	v37 =	vld [tilespmem:s15+$0x70];
	v12 =	vadd.f32 v12, v61;
	v11 =	vmul.f32 v34, v3;
	v36 =	vshll.u32 v63, $0x10  }
0x6ca: {  	v40 =	vld [tilespmem:s30+$0x70];
	v39 =	vshll.u32 v29, $0x10;
	v17 =	vmul.f32 v36, v7  }
0x6cb: {  	v11 =	vadd.f32 v11, v12;
	v12 =	vmul.f32 v39, v5;
	v41 =	vshll.u32 v32, $0x10  }
0x6cc: {  	v16 =	vadd.f32 v17, v30;
	v17 =	vmul.f32 v41, v8;
	v42 =	vshll.u32 v35, $0x10  }
0x6cd: {  	v44 =	vshll.u32 v33, $0x10;
	v47 =	vshll.u32 v38, $0x10;
	v45 =	vmul.f32 v42, v10  }
0x6ce: {  	v43 =	vadd.f32 v12, v16;
	v17 =	vadd.f32 v17, v37;
	v12 =	vmul.f32 v44, v6  }
0x6cf: {  	[tilespmem:s8+$0x70] =	vst v11;
	v49 =	vmul.f32 v47, v9;
	v48 =	vadd.f32 v45, v40  }
0x6d0: {  	v46 =	vld [tilespmem:s31+$0x70];
	[tilespmem:s11+$0x70] =	vst v43;
	v12 =	vadd.f32 v12, v17  }
0x6d1: {  	v50 =	vld [tilespmem:s5+$0x70];
	v11 =	vadd.f32 v49, v48  }
0x6d2: {  	v15 =	vand.u32 $0xFFFF0000, v15;
	[tilespmem:s15+$0x70] =	vst v12  }
0x6d3: {  	v51 =	vand.u32 $0xFFFF0000, v59;
	v4 =	vmul.f32 v15, v4;
	v52 =	vand.u32 $0xFFFF0000, v63;
	v53 =	vld [tilespmem:s4+$0x70];
	[tilespmem:s30+$0x70] =	vst v11  }
0x6d4: {  	v3 =	vmul.f32 v51, v3;
	v56 =	vand.u32 $0xFFFF0000, v29;
	v7 =	vmul.f32 v52, v7;
	v11 =	vld [tilespmem:s6+$0x70]  }
0x6d5: {  	v5 =	vmul.f32 v56, v5;
	v55 =	vand.u32 $0xFFFF0000, v32;
	v57 =	vand.u32 $0xFFFF0000, v35  }
0x6d6: {  	v4 =	vadd.f32 v46, v4;
	v54 =	vadd.f32 v50, v7;
	v7 =	vmul.f32 v55, v8  }
0x6d7: {  	v59 =	vand.u32 $0xFFFF0000, v33;
	v60 =	vand.u32 $0xFFFF0000, v38;
	v58 =	vmul.f32 v57, v10  }
0x6d8: {  	p0 =	slt.u32 s22, $0x1C;
	v6 =	vmul.f32 v59, v6;
	v3 =	vadd.f32 v4, v3;
	v7 =	vadd.f32 v53, v7  }
.Ltmp1:
0x6d9: {  	v62 =	vmul.f32 v60, v9;
	v4 =	vadd.f32 v54, v5;
	v61 =	vadd.f32 v11, v58;
	(pc) =	sbr.rel @p0 .LBB2_4-.Ltmp1, $4  }
0x6da: {  	[tilespmem:s31+$0x70] =	vst v3;
	v3 =	vadd.f32 v7, v6  }
0x6db: {  	[tilespmem:s5+$0x70] =	vst v4;
	v63 =	vadd.f32 v61, v62  }
0x6dc: {  	[tilespmem:s4+$0x70] =	vst v3  }
0x6dd: {  	s21 =	sadd.s32 $0x200, s21;
	s0 =	smov.u32 s22;
	[tilespmem:s6+$0x70] =	vst v63  }
0x6de: {  	s0 =	rddreg [dreg:$0xc];
	s5 =	simm.s32 $0x6300  }
0x6df: {  	[hbm4b:s0+s2] =	stream.linear.scatter [tilespmem:s5], [sflag:$0x7], $0x6000, $0x38;
	[tilespmem:$0x18300] =	vst v63  }
0x6e0: {  	_ =	swait.ge [sflag:s16], $0x6000  }
0x6e1: {  	s18 =	sadd.s32 $0x1, s18;
	s31 =	rddreg [dreg:$0xd]  }
0x6e2: {  	p0 =	sne.s32 s18, s31  }
.Ltmp2:
0x6e3: {  	_ = 	snop;
	(pc) =	sbr.rel @p0 .LBB2_1-.Ltmp2, $3  }
0x6e4: {  	_ =	sdelay $0x1  }
0x6e5: {  	[sflag:s16] =	ssyncset.done $0x0  }
0x6e6: {  	[sflag:s16] =	ssyncadd.s32 $0xFFFFA000  }
0x6e7: {  	_ =	sfence.sel $0x180000  }
0x6e8: {  	[bflag:$0x0] =	sbarrier.arrive $0xFFFF  }
0x6e9: {  	_ =	strace $0x9000004A  }
0x6ea: {  	s0 =	stileid.u32;
	[bflag:$0x2] =	sbarrier.arrive $0xFFFF  }
0x6eb: {  	p0 =	sne.s32 s0, $0x0;
	s0 =	rddreg [dreg:$0x2]  }
0x6ec: {  	s0 =	sadd.s32 @!p0 $0x100000, s0  }
0x6ed: {  	[sflag:s0] =	ssyncadd.tile.s32 @!p0 $0x1;
	_ =	shalt  }
.Lfunc_end2:
_tile_overlayer_lowered:
.L_overlay_start_2:
0x6ee: {  	(tag) =	ssettag $0x2  }
0x6ef: {  	s0 =	rddreg [dreg:$0x0];
	s2 =	stileid.u32  }
0x6f0: {  	s1 =	rddreg [dreg:$0x1];
	p0 =	sne.s32 s2, $0x0  }
0x6f1: {  	s3 =	rddreg [dreg:$0x2];
	[bflag:$0x3] =	sbarrier.arrive $0xFFFF;
	s2 =	simm.s32 @!p0 $0x1C07  }
0x6f2: {  	[timem:s3], [sflag:s2] =	dma.local @!p0 [hbm:s0], s1  }
0x6f3: {  	s0 =	simm.s32 @!p0 $0x7  }
0x6f4: {  	_ =	swait.ge @!p0 [sflag:s0], s1  }
0x6f5: {  	s1 =	ssub.s32 @!p0 $0x0, s1;
	[sflag:s0] =	ssyncset.done @!p0 $0x0  }
0x6f6: {  	[sflag:s0] =	ssyncadd.s32 @!p0 s1  }
0x6f7: {  	[bflag:$0x3] =	sbarrier.arrive $0xFFFF  }
0x6f8: {  	_ =	shalt  }

</sc_bundles>
